<compile_context>
chip_gen: v7x
topology: tpu7x:2x2x1
jax: 0.10.2.dev20260603
libtpu: 0.0.44.dev20260713+nightly
codegen_flags: <defaults>
</compile_context>

<pallas_src>
import functools

import jax
import jax.numpy as jnp
from jax import lax
from jax.experimental import pallas as pl
from jax.experimental.pallas import tpu as pltpu
from jax.experimental.pallas import tpu_sc as plsc

L = 16
PITCH = 64


def _sc_body(n_chunks, cb, w, n, d, walk_hbm, neg_hbm, emb_hbm, es_hbm,
             pos_hbm, idxw_v, idxn_v, idx_v, rows_v, es_all_v, pos_v,
             sem0, sem1):
  nc = 2
  wid = lax.axis_index("s") * nc + lax.axis_index("c")
  k = w + n
  wchunk = cb * w
  rows_per_chunk = cb * k
  base_elem = wid * (n_chunks * cb)

  sems = (sem0, sem1)
  slices = [(o, min(128, rows_per_chunk - o))
            for o in range(0, rows_per_chunk, 128)]
  iota = lax.iota(jnp.int32, L)

  pos_v[...] = jnp.zeros((L,), jnp.float32)

  def stage_and_fire(c, p):
    e0 = base_elem + c * cb
    pltpu.sync_copy(walk_hbm.at[pl.ds(e0, cb)], idxw_v)
    pltpu.sync_copy(neg_hbm.at[pl.ds(e0, cb)], idxn_v)
    for j in range(w):
      cj = jnp.zeros((L,), jnp.int32) + j
      idx_v[p, pl.ds(j * L, L)] = plsc.load_gather(idxw_v, [iota, cj])
    for j in range(n):
      cj = jnp.zeros((L,), jnp.int32) + j
      idx_v[p, pl.ds(wchunk + j * L, L)] = plsc.load_gather(idxn_v, [iota, cj])
    for off, sz in slices:
      pltpu.async_copy(emb_hbm.at[idx_v.at[p, pl.ds(off, sz)]],
                       rows_v.at[p, pl.ds(off, sz)], sems[p])

  def wait_rows(p):
    for off, sz in slices:
      pltpu.make_async_copy(emb_hbm.at[idx_v.at[p, pl.ds(off, sz)]],
                            rows_v.at[p, pl.ds(off, sz)], sems[p]).wait()

  def dot_accs(rows, base, count):
    zero = jnp.zeros((L,), jnp.float32)

    @plsc.parallel_loop(0, d, unroll=1, carry=(zero,) * count)
    def accs(dd, accs):
      cold = (iota + dd) & (d - 1)
      sd = plsc.load_gather(rows, [iota, cold])
      return tuple(
          accs[j] + sd * plsc.load_gather(rows, [base + j * L + iota, cold])
          for j in range(count))
    return accs

  def compute(c, p):
    rows = rows_v.at[p]
    h = (w - 1) // 2
    accs_w = (dot_accs(rows, L, h)
              + dot_accs(rows, L + h * L, w - 1 - h))
    accs_n = (dot_accs(rows, wchunk, n // 2)
              + dot_accs(rows, wchunk + (n // 2) * L, n - n // 2))
    pos = accs_w[0]
    for j in range(1, w - 1):
      pos = pos + accs_w[j]
    es = jnp.exp(accs_w[0])
    for j in range(1, w - 1):
      es = es + jnp.exp(accs_w[j])
    for j in range(n):
      es = es + jnp.exp(accs_n[j])
    pos_v[...] = pos_v[...] + pos
    es_all_v[c, :] = es

  stage_and_fire(0, 0)

  @pl.loop(0, n_chunks, step=2)
  def _chunk(c):
    stage_and_fire(c + 1, 1)
    wait_rows(0)
    compute(c, 0)

    @pl.when(c + 2 < n_chunks)
    def _():
      stage_and_fire(c + 2, 0)

    wait_rows(1)
    compute(c + 1, 1)

  pltpu.sync_copy(es_all_v, es_hbm.at[pl.ds(wid * n_chunks, n_chunks)])
  pltpu.sync_copy(pos_v, pos_hbm.at[wid])


def _tc_body(mult, es_ref, pos_ref, out_ref):
  total = mult * jnp.sum(jnp.log(es_ref[...])) - jnp.sum(pos_ref[...])
  out_ref[...] = jnp.full((1, 1), 0.0, jnp.float32) + total


def kernel(walk, neg_walk, emb):
  b, w = walk.shape
  n = neg_walk.shape[1]
  d = emb.shape[1]
  k = w + n
  mesh = plsc.VectorSubcoreMesh(core_axis_name="c", subcore_axis_name="s")
  nw = mesh.num_cores * mesh.num_subcores
  cb = L
  n_chunks = b // (nw * cb)
  rows_per_chunk = cb * k

  sc = pl.kernel(
      functools.partial(_sc_body, n_chunks, cb, w, n, d),
      out_type=[
          jax.ShapeDtypeStruct((nw * n_chunks, L), jnp.float32),
          jax.ShapeDtypeStruct((nw, L), jnp.float32),
      ],
      mesh=mesh,
      compiler_params=pltpu.CompilerParams(needs_layout_passes=False,
                                           use_tc_tiling_on_sc=False,
                                           disable_bounds_checks=True),
      scratch_types=[
          pltpu.VMEM((cb, w), jnp.int32),
          pltpu.VMEM((cb, n), jnp.int32),
          pltpu.VMEM((2, rows_per_chunk), jnp.int32),
          pltpu.VMEM((2, rows_per_chunk, PITCH), jnp.float32),
          pltpu.VMEM((n_chunks, L), jnp.float32),
          pltpu.VMEM((L,), jnp.float32),
          pltpu.SemaphoreType.DMA,
          pltpu.SemaphoreType.DMA,
      ],
  )
  es, pos = sc(walk, neg_walk, emb)

  out = pl.pallas_call(
      functools.partial(_tc_body, float(w)),
      out_shape=jax.ShapeDtypeStruct((1, 1), jnp.float32),
  )(es.reshape(128, b // 128), pos.reshape(nw * L // 128, 128))
  return out[0, 0]

# --- scband reference (transcript-rebuilt; emitter-appended) ---
"""Pipeline reference for scband-node2-vec-33019708572042 (READ-ONLY COPY).

The authoritative reference and input builder live on the scoring server;
editing this copy changes nothing except your own understanding.
"""

import jax, jax.numpy as jnp
import numpy as np

NODES = 1000000
EMBED_DIM = 64
BATCH = 16384
WALK_LEN = 20
NEG_LEN = 20


def setup_inputs(seed: int = 0) -> dict:
    key = jax.random.key(seed)
    k1, k2, k3 = jax.random.split(key, 3)
    walk = jax.random.randint(k1, (BATCH, WALK_LEN), 0, NODES, dtype=jnp.int64 if jax.config.jax_enable_x64 else jnp.int32).astype(jnp.int32)
    neg_walk = jax.random.randint(k2, (BATCH, NEG_LEN), 0, NODES, dtype=jnp.int32)
    # xavier_normal for embedding weight [NODES, EMBED_DIM]: std = sqrt(2/(fan_in+fan_out))
    std = float(np.sqrt(2.0 / (NODES + EMBED_DIM)))
    emb = jax.random.normal(k3, (NODES, EMBED_DIM), dtype=jnp.float32) * std
    return {"walk": walk, "neg_walk": neg_walk, "emb": emb}


def reference(walk, neg_walk, emb):
    start_embed = jnp.take(emb, walk[:, 0], axis=0)              # [B, D]
    walk_embed = jnp.take(emb, walk[:, 1:], axis=0)              # [B, L-1, D]
    neg_walk_embed = jnp.take(emb, neg_walk, axis=0)             # [B, N, D]
    combined_embed = jnp.concatenate((walk_embed, neg_walk_embed), axis=1)  # [B, L-1+N, D]
    pos_score = jnp.sum(start_embed[:, None, :] * walk_embed, axis=2)          # [B, L-1]
    combined_score = jnp.sum(start_embed[:, None, :] * combined_embed, axis=2) # [B, L-1+N]
    dividend = -jnp.sum(pos_score, axis=1)
    quotient = walk.shape[1] * jnp.log(jnp.sum(jnp.exp(combined_score), axis=1))
    loss = dividend + quotient
    total_loss = jnp.sum(loss)
    return total_loss

if __name__ == "__main__":
    import jax
    _d = setup_inputs()
    print(jax.jit(kernel)(*tuple(_d.values())))

</pallas_src>

<mosaic_0001>
#map = affine_map<(d0, d1) -> (0, 0)>
module attributes {stable_mosaic.version = 14 : i64} {
  func.func @_sc_body(%arg0: i32, %arg1: i32, %arg2: memref<16384x20xi32, #tpu.memory_space<hbm>>, %arg3: memref<16384x20xi32, #tpu.memory_space<hbm>>, %arg4: memref<1000000x64xf32, #tpu.memory_space<hbm>>, %arg5: memref<1024x16xf32, #tpu.memory_space<hbm>>, %arg6: memref<32x16xf32, #tpu.memory_space<hbm>>, %arg7: memref<16x20xi32, #tpu.memory_space<vmem>>, %arg8: memref<16x20xi32, #tpu.memory_space<vmem>>, %arg9: memref<2x640xi32, #tpu.memory_space<vmem>>, %arg10: memref<2x640x64xf32, #tpu.memory_space<vmem>>, %arg11: memref<32x16xf32, #tpu.memory_space<vmem>>, %arg12: memref<16xf32, #tpu.memory_space<vmem>>, %arg13: memref<!tpu.dma_semaphore, #tpu.memory_space<semaphore_mem>>, %arg14: memref<!tpu.dma_semaphore, #tpu.memory_space<semaphore_mem>>) attributes {dimension_semantics = [#tpu.dimension_semantics<core_parallel>, #tpu.dimension_semantics<subcore_parallel>], iteration_bounds = array<i64: 2, 16>, scalar_prefetch = 0 : i64, scratch_operands = 8 : i64, tpu.core_type = #tpu.core_type<sc_vector_subcore>, window_params = [{transform_indices = #map}, {transform_indices = #map}, {transform_indices = #map}, {transform_indices = #map}, {transform_indices = #map}]} {
    %mul3A = arith.constant 2 : i32
    %mul3A_0 = arith.muli %arg1, %mul3A : i32
    %add3A = arith.addi %mul3A_0, %arg0 : i32
    %mul3A_1 = arith.constant 512 : i32
    %mul3A_2 = arith.muli %add3A, %mul3A_1 : i32
    %iota3A = tpu.iota {dimensions = array<i32: 0>} : vector<16xi32>
    %broadcast_in_dim3A = arith.constant 0.000000e+00 : f32
    %broadcast_in_dim3A_3 = vector.broadcast %broadcast_in_dim3A : f32 to vector<16xf32>
    %swap3A = arith.constant 0 : index
    %swap3A_4 = tpu.vector_load %arg12[%swap3A] {strides = array<i32>} : memref<16xf32, #tpu.memory_space<vmem>>, vector<16xf32>,
    tpu.vector_store %arg12[%swap3A], %broadcast_in_dim3A_3 {strides = array<i32>} : memref<16xf32, #tpu.memory_space<vmem>>, vector<16xf32>,
    %add3A_5 = arith.constant 0 : i32
    %add3A_6 = arith.addi %mul3A_2, %add3A_5 : i32
    "tpu.region"() ({
      %run_scoped3A = tpu.sem_alloc : memref<!tpu.dma_semaphore, #tpu.memory_space<semaphore_mem>>
      %dma_start3A_471 = arith.constant 0 : i32
      %dma_start3A_472 = tpu.memref_slice %arg2[%add3A_6, %dma_start3A_471] : memref<16384x20xi32, #tpu.memory_space<hbm>> -> memref<16x20xi32, #tpu.memory_space<hbm>>
      %dma_start3A_473 = arith.constant 0 : i32
      %dma_start3A_474 = tpu.memref_slice %arg2[%add3A_6, %dma_start3A_473] : memref<16384x20xi32, #tpu.memory_space<hbm>> -> memref<16x20xi32, #tpu.memory_space<hbm>>
      tpu.enqueue_dma source(%dma_start3A_474 : memref<16x20xi32, #tpu.memory_space<hbm>>) target(%arg7 : memref<16x20xi32, #tpu.memory_space<vmem>>) target_semaphore(%run_scoped3A : memref<!tpu.dma_semaphore, #tpu.memory_space<semaphore_mem>>)
      %dma_wait3A = arith.constant 0 : i32
      %dma_wait3A_475 = tpu.memref_slice %arg2[%add3A_6, %dma_wait3A] : memref<16384x20xi32, #tpu.memory_space<hbm>> -> memref<16x20xi32, #tpu.memory_space<hbm>>
      %dma_wait3A_476 = arith.constant 0 : i32
      %dma_wait3A_477 = tpu.memref_slice %arg2[%add3A_6, %dma_wait3A_476] : memref<16384x20xi32, #tpu.memory_space<hbm>> -> memref<16x20xi32, #tpu.memory_space<hbm>>
      tpu.wait_dma2 semaphore(%run_scoped3A : memref<!tpu.dma_semaphore, #tpu.memory_space<semaphore_mem>>) src(%dma_wait3A_477 : memref<16x20xi32, #tpu.memory_space<hbm>>) dst(%arg7 : memref<16x20xi32, #tpu.memory_space<vmem>>)
      tpu.yield
    }) : () -> ()
    "tpu.region"() ({
      %run_scoped3A = tpu.sem_alloc : memref<!tpu.dma_semaphore, #tpu.memory_space<semaphore_mem>>
      %dma_start3A_471 = arith.constant 0 : i32
      %dma_start3A_472 = tpu.memref_slice %arg3[%add3A_6, %dma_start3A_471] : memref<16384x20xi32, #tpu.memory_space<hbm>> -> memref<16x20xi32, #tpu.memory_space<hbm>>
      %dma_start3A_473 = arith.constant 0 : i32
      %dma_start3A_474 = tpu.memref_slice %arg3[%add3A_6, %dma_start3A_473] : memref<16384x20xi32, #tpu.memory_space<hbm>> -> memref<16x20xi32, #tpu.memory_space<hbm>>
      tpu.enqueue_dma source(%dma_start3A_474 : memref<16x20xi32, #tpu.memory_space<hbm>>) target(%arg8 : memref<16x20xi32, #tpu.memory_space<vmem>>) target_semaphore(%run_scoped3A : memref<!tpu.dma_semaphore, #tpu.memory_space<semaphore_mem>>)
      %dma_wait3A = arith.constant 0 : i32
      %dma_wait3A_475 = tpu.memref_slice %arg3[%add3A_6, %dma_wait3A] : memref<16384x20xi32, #tpu.memory_space<hbm>> -> memref<16x20xi32, #tpu.memory_space<hbm>>
      %dma_wait3A_476 = arith.constant 0 : i32
      %dma_wait3A_477 = tpu.memref_slice %arg3[%add3A_6, %dma_wait3A_476] : memref<16384x20xi32, #tpu.memory_space<hbm>> -> memref<16x20xi32, #tpu.memory_space<hbm>>
      tpu.wait_dma2 semaphore(%run_scoped3A : memref<!tpu.dma_semaphore, #tpu.memory_space<semaphore_mem>>) src(%dma_wait3A_477 : memref<16x20xi32, #tpu.memory_space<hbm>>) dst(%arg8 : memref<16x20xi32, #tpu.memory_space<vmem>>)
      tpu.yield
    }) : () -> ()
    %broadcast_in_dim3A_7 = arith.constant 0 : i32
    %broadcast_in_dim3A_8 = vector.broadcast %broadcast_in_dim3A_7 : i32 to vector<16xi32>
    %add3A_9 = arith.constant 0 : i32
    %add3A_10 = vector.broadcast %add3A_9 : i32 to vector<16xi32>
    %add3A_11 = arith.addi %broadcast_in_dim3A_8, %add3A_10 : vector<16xi32>
    %gather3A = tpu.vector_load_idx %arg7[%iota3A, %add3A_11] : memref<16x20xi32, #tpu.memory_space<vmem>>[vector<16xi32>, vector<16xi32>], vector<16xi32>,
    %swap3A_12 = arith.constant 0 : i32
    %swap3A_13 = arith.index_cast %swap3A_12 : i32 to index
    %swap3A_14 = arith.constant 0 : index
    %swap3A_15 = tpu.vector_load %arg9[%swap3A_13, %swap3A_14] {strides = array<i32>} : memref<2x640xi32, #tpu.memory_space<vmem>>, vector<16xi32>,
    tpu.vector_store %arg9[%swap3A_13, %swap3A_14], %gather3A {strides = array<i32>} : memref<2x640xi32, #tpu.memory_space<vmem>>, vector<16xi32>,
    %broadcast_in_dim3A_16 = arith.constant 0 : i32
    %broadcast_in_dim3A_17 = vector.broadcast %broadcast_in_dim3A_16 : i32 to vector<16xi32>
    %add3A_18 = arith.constant 1 : i32
    %add3A_19 = vector.broadcast %add3A_18 : i32 to vector<16xi32>
    %add3A_20 = arith.addi %broadcast_in_dim3A_17, %add3A_19 : vector<16xi32>
    %gather3A_21 = tpu.vector_load_idx %arg7[%iota3A, %add3A_20] : memref<16x20xi32, #tpu.memory_space<vmem>>[vector<16xi32>, vector<16xi32>], vector<16xi32>,
    %swap3A_22 = arith.constant 0 : i32
    %swap3A_23 = arith.index_cast %swap3A_22 : i32 to index
    %swap3A_24 = arith.constant 16 : index
    %swap3A_25 = tpu.vector_load %arg9[%swap3A_23, %swap3A_24] {strides = array<i32>} : memref<2x640xi32, #tpu.memory_space<vmem>>, vector<16xi32>,
    tpu.vector_store %arg9[%swap3A_23, %swap3A_24], %gather3A_21 {strides = array<i32>} : memref<2x640xi32, #tpu.memory_space<vmem>>, vector<16xi32>,
    %broadcast_in_dim3A_26 = arith.constant 0 : i32
    %broadcast_in_dim3A_27 = vector.broadcast %broadcast_in_dim3A_26 : i32 to vector<16xi32>
    %add3A_28 = arith.constant 2 : i32
    %add3A_29 = vector.broadcast %add3A_28 : i32 to vector<16xi32>
    %add3A_30 = arith.addi %broadcast_in_dim3A_27, %add3A_29 : vector<16xi32>
    %gather3A_31 = tpu.vector_load_idx %arg7[%iota3A, %add3A_30] : memref<16x20xi32, #tpu.memory_space<vmem>>[vector<16xi32>, vector<16xi32>], vector<16xi32>,
    %swap3A_32 = arith.constant 0 : i32
    %swap3A_33 = arith.index_cast %swap3A_32 : i32 to index
    %swap3A_34 = arith.constant 32 : index
    %swap3A_35 = tpu.vector_load %arg9[%swap3A_33, %swap3A_34] {strides = array<i32>} : memref<2x640xi32, #tpu.memory_space<vmem>>, vector<16xi32>,
    tpu.vector_store %arg9[%swap3A_33, %swap3A_34], %gather3A_31 {strides = array<i32>} : memref<2x640xi32, #tpu.memory_space<vmem>>, vector<16xi32>,
    %broadcast_in_dim3A_36 = arith.constant 0 : i32
    %broadcast_in_dim3A_37 = vector.broadcast %broadcast_in_dim3A_36 : i32 to vector<16xi32>
    %add3A_38 = arith.constant 3 : i32
    %add3A_39 = vector.broadcast %add3A_38 : i32 to vector<16xi32>
    %add3A_40 = arith.addi %broadcast_in_dim3A_37, %add3A_39 : vector<16xi32>
    %gather3A_41 = tpu.vector_load_idx %arg7[%iota3A, %add3A_40] : memref<16x20xi32, #tpu.memory_space<vmem>>[vector<16xi32>, vector<16xi32>], vector<16xi32>,
    %swap3A_42 = arith.constant 0 : i32
    %swap3A_43 = arith.index_cast %swap3A_42 : i32 to index
    %swap3A_44 = arith.constant 48 : index
    %swap3A_45 = tpu.vector_load %arg9[%swap3A_43, %swap3A_44] {strides = array<i32>} : memref<2x640xi32, #tpu.memory_space<vmem>>, vector<16xi32>,
    tpu.vector_store %arg9[%swap3A_43, %swap3A_44], %gather3A_41 {strides = array<i32>} : memref<2x640xi32, #tpu.memory_space<vmem>>, vector<16xi32>,
    %broadcast_in_dim3A_46 = arith.constant 0 : i32
    %broadcast_in_dim3A_47 = vector.broadcast %broadcast_in_dim3A_46 : i32 to vector<16xi32>
    %add3A_48 = arith.constant 4 : i32
    %add3A_49 = vector.broadcast %add3A_48 : i32 to vector<16xi32>
    %add3A_50 = arith.addi %broadcast_in_dim3A_47, %add3A_49 : vector<16xi32>
    %gather3A_51 = tpu.vector_load_idx %arg7[%iota3A, %add3A_50] : memref<16x20xi32, #tpu.memory_space<vmem>>[vector<16xi32>, vector<16xi32>], vector<16xi32>,
    %swap3A_52 = arith.constant 0 : i32
    %swap3A_53 = arith.index_cast %swap3A_52 : i32 to index
    %swap3A_54 = arith.constant 64 : index
    %swap3A_55 = tpu.vector_load %arg9[%swap3A_53, %swap3A_54] {strides = array<i32>} : memref<2x640xi32, #tpu.memory_space<vmem>>, vector<16xi32>,
    tpu.vector_store %arg9[%swap3A_53, %swap3A_54], %gather3A_51 {strides = array<i32>} : memref<2x640xi32, #tpu.memory_space<vmem>>, vector<16xi32>,
    %broadcast_in_dim3A_56 = arith.constant 0 : i32
    %broadcast_in_dim3A_57 = vector.broadcast %broadcast_in_dim3A_56 : i32 to vector<16xi32>
    %add3A_58 = arith.constant 5 : i32
    %add3A_59 = vector.broadcast %add3A_58 : i32 to vector<16xi32>
    %add3A_60 = arith.addi %broadcast_in_dim3A_57, %add3A_59 : vector<16xi32>
    %gather3A_61 = tpu.vector_load_idx %arg7[%iota3A, %add3A_60] : memref<16x20xi32, #tpu.memory_space<vmem>>[vector<16xi32>, vector<16xi32>], vector<16xi32>,
    %swap3A_62 = arith.constant 0 : i32
    %swap3A_63 = arith.index_cast %swap3A_62 : i32 to index
    %swap3A_64 = arith.constant 80 : index
    %swap3A_65 = tpu.vector_load %arg9[%swap3A_63, %swap3A_64] {strides = array<i32>} : memref<2x640xi32, #tpu.memory_space<vmem>>, vector<16xi32>,
    tpu.vector_store %arg9[%swap3A_63, %swap3A_64], %gather3A_61 {strides = array<i32>} : memref<2x640xi32, #tpu.memory_space<vmem>>, vector<16xi32>,
    %broadcast_in_dim3A_66 = arith.constant 0 : i32
    %broadcast_in_dim3A_67 = vector.broadcast %broadcast_in_dim3A_66 : i32 to vector<16xi32>
    %add3A_68 = arith.constant 6 : i32
    %add3A_69 = vector.broadcast %add3A_68 : i32 to vector<16xi32>
    %add3A_70 = arith.addi %broadcast_in_dim3A_67, %add3A_69 : vector<16xi32>
    %gather3A_71 = tpu.vector_load_idx %arg7[%iota3A, %add3A_70] : memref<16x20xi32, #tpu.memory_space<vmem>>[vector<16xi32>, vector<16xi32>], vector<16xi32>,
    %swap3A_72 = arith.constant 0 : i32
    %swap3A_73 = arith.index_cast %swap3A_72 : i32 to index
    %swap3A_74 = arith.constant 96 : index
    %swap3A_75 = tpu.vector_load %arg9[%swap3A_73, %swap3A_74] {strides = array<i32>} : memref<2x640xi32, #tpu.memory_space<vmem>>, vector<16xi32>,
    tpu.vector_store %arg9[%swap3A_73, %swap3A_74], %gather3A_71 {strides = array<i32>} : memref<2x640xi32, #tpu.memory_space<vmem>>, vector<16xi32>,
    %broadcast_in_dim3A_76 = arith.constant 0 : i32
    %broadcast_in_dim3A_77 = vector.broadcast %broadcast_in_dim3A_76 : i32 to vector<16xi32>
    %add3A_78 = arith.constant 7 : i32
    %add3A_79 = vector.broadcast %add3A_78 : i32 to vector<16xi32>
    %add3A_80 = arith.addi %broadcast_in_dim3A_77, %add3A_79 : vector<16xi32>
    %gather3A_81 = tpu.vector_load_idx %arg7[%iota3A, %add3A_80] : memref<16x20xi32, #tpu.memory_space<vmem>>[vector<16xi32>, vector<16xi32>], vector<16xi32>,
    %swap3A_82 = arith.constant 0 : i32
    %swap3A_83 = arith.index_cast %swap3A_82 : i32 to index
    %swap3A_84 = arith.constant 112 : index
    %swap3A_85 = tpu.vector_load %arg9[%swap3A_83, %swap3A_84] {strides = array<i32>} : memref<2x640xi32, #tpu.memory_space<vmem>>, vector<16xi32>,
    tpu.vector_store %arg9[%swap3A_83, %swap3A_84], %gather3A_81 {strides = array<i32>} : memref<2x640xi32, #tpu.memory_space<vmem>>, vector<16xi32>,
    %broadcast_in_dim3A_86 = arith.constant 0 : i32
    %broadcast_in_dim3A_87 = vector.broadcast %broadcast_in_dim3A_86 : i32 to vector<16xi32>
    %add3A_88 = arith.constant 8 : i32
    %add3A_89 = vector.broadcast %add3A_88 : i32 to vector<16xi32>
    %add3A_90 = arith.addi %broadcast_in_dim3A_87, %add3A_89 : vector<16xi32>
    %gather3A_91 = tpu.vector_load_idx %arg7[%iota3A, %add3A_90] : memref<16x20xi32, #tpu.memory_space<vmem>>[vector<16xi32>, vector<16xi32>], vector<16xi32>,
    %swap3A_92 = arith.constant 0 : i32
    %swap3A_93 = arith.index_cast %swap3A_92 : i32 to index
    %swap3A_94 = arith.constant 128 : index
    %swap3A_95 = tpu.vector_load %arg9[%swap3A_93, %swap3A_94] {strides = array<i32>} : memref<2x640xi32, #tpu.memory_space<vmem>>, vector<16xi32>,
    tpu.vector_store %arg9[%swap3A_93, %swap3A_94], %gather3A_91 {strides = array<i32>} : memref<2x640xi32, #tpu.memory_space<vmem>>, vector<16xi32>,
    %broadcast_in_dim3A_96 = arith.constant 0 : i32
    %broadcast_in_dim3A_97 = vector.broadcast %broadcast_in_dim3A_96 : i32 to vector<16xi32>
    %add3A_98 = arith.constant 9 : i32
    %add3A_99 = vector.broadcast %add3A_98 : i32 to vector<16xi32>
    %add3A_100 = arith.addi %broadcast_in_dim3A_97, %add3A_99 : vector<16xi32>
    %gather3A_101 = tpu.vector_load_idx %arg7[%iota3A, %add3A_100] : memref<16x20xi32, #tpu.memory_space<vmem>>[vector<16xi32>, vector<16xi32>], vector<16xi32>,
    %swap3A_102 = arith.constant 0 : i32
    %swap3A_103 = arith.index_cast %swap3A_102 : i32 to index
    %swap3A_104 = arith.constant 144 : index
    %swap3A_105 = tpu.vector_load %arg9[%swap3A_103, %swap3A_104] {strides = array<i32>} : memref<2x640xi32, #tpu.memory_space<vmem>>, vector<16xi32>,
    tpu.vector_store %arg9[%swap3A_103, %swap3A_104], %gather3A_101 {strides = array<i32>} : memref<2x640xi32, #tpu.memory_space<vmem>>, vector<16xi32>,
    %broadcast_in_dim3A_106 = arith.constant 0 : i32
    %broadcast_in_dim3A_107 = vector.broadcast %broadcast_in_dim3A_106 : i32 to vector<16xi32>
    %add3A_108 = arith.constant 10 : i32
    %add3A_109 = vector.broadcast %add3A_108 : i32 to vector<16xi32>
    %add3A_110 = arith.addi %broadcast_in_dim3A_107, %add3A_109 : vector<16xi32>
    %gather3A_111 = tpu.vector_load_idx %arg7[%iota3A, %add3A_110] : memref<16x20xi32, #tpu.memory_space<vmem>>[vector<16xi32>, vector<16xi32>], vector<16xi32>,
    %swap3A_112 = arith.constant 0 : i32
    %swap3A_113 = arith.index_cast %swap3A_112 : i32 to index
    %swap3A_114 = arith.constant 160 : index
    %swap3A_115 = tpu.vector_load %arg9[%swap3A_113, %swap3A_114] {strides = array<i32>} : memref<2x640xi32, #tpu.memory_space<vmem>>, vector<16xi32>,
    tpu.vector_store %arg9[%swap3A_113, %swap3A_114], %gather3A_111 {strides = array<i32>} : memref<2x640xi32, #tpu.memory_space<vmem>>, vector<16xi32>,
    %broadcast_in_dim3A_116 = arith.constant 0 : i32
    %broadcast_in_dim3A_117 = vector.broadcast %broadcast_in_dim3A_116 : i32 to vector<16xi32>
    %add3A_118 = arith.constant 11 : i32
    %add3A_119 = vector.broadcast %add3A_118 : i32 to vector<16xi32>
    %add3A_120 = arith.addi %broadcast_in_dim3A_117, %add3A_119 : vector<16xi32>
    %gather3A_121 = tpu.vector_load_idx %arg7[%iota3A, %add3A_120] : memref<16x20xi32, #tpu.memory_space<vmem>>[vector<16xi32>, vector<16xi32>], vector<16xi32>,
    %swap3A_122 = arith.constant 0 : i32
    %swap3A_123 = arith.index_cast %swap3A_122 : i32 to index
    %swap3A_124 = arith.constant 176 : index
    %swap3A_125 = tpu.vector_load %arg9[%swap3A_123, %swap3A_124] {strides = array<i32>} : memref<2x640xi32, #tpu.memory_space<vmem>>, vector<16xi32>,
    tpu.vector_store %arg9[%swap3A_123, %swap3A_124], %gather3A_121 {strides = array<i32>} : memref<2x640xi32, #tpu.memory_space<vmem>>, vector<16xi32>,
    %broadcast_in_dim3A_126 = arith.constant 0 : i32
    %broadcast_in_dim3A_127 = vector.broadcast %broadcast_in_dim3A_126 : i32 to vector<16xi32>
    %add3A_128 = arith.constant 12 : i32
    %add3A_129 = vector.broadcast %add3A_128 : i32 to vector<16xi32>
    %add3A_130 = arith.addi %broadcast_in_dim3A_127, %add3A_129 : vector<16xi32>
    %gather3A_131 = tpu.vector_load_idx %arg7[%iota3A, %add3A_130] : memref<16x20xi32, #tpu.memory_space<vmem>>[vector<16xi32>, vector<16xi32>], vector<16xi32>,
    %swap3A_132 = arith.constant 0 : i32
    %swap3A_133 = arith.index_cast %swap3A_132 : i32 to index
    %swap3A_134 = arith.constant 192 : index
    %swap3A_135 = tpu.vector_load %arg9[%swap3A_133, %swap3A_134] {strides = array<i32>} : memref<2x640xi32, #tpu.memory_space<vmem>>, vector<16xi32>,
    tpu.vector_store %arg9[%swap3A_133, %swap3A_134], %gather3A_131 {strides = array<i32>} : memref<2x640xi32, #tpu.memory_space<vmem>>, vector<16xi32>,
    %broadcast_in_dim3A_136 = arith.constant 0 : i32
    %broadcast_in_dim3A_137 = vector.broadcast %broadcast_in_dim3A_136 : i32 to vector<16xi32>
    %add3A_138 = arith.constant 13 : i32
    %add3A_139 = vector.broadcast %add3A_138 : i32 to vector<16xi32>
    %add3A_140 = arith.addi %broadcast_in_dim3A_137, %add3A_139 : vector<16xi32>
    %gather3A_141 = tpu.vector_load_idx %arg7[%iota3A, %add3A_140] : memref<16x20xi32, #tpu.memory_space<vmem>>[vector<16xi32>, vector<16xi32>], vector<16xi32>,
    %swap3A_142 = arith.constant 0 : i32
    %swap3A_143 = arith.index_cast %swap3A_142 : i32 to index
    %swap3A_144 = arith.constant 208 : index
    %swap3A_145 = tpu.vector_load %arg9[%swap3A_143, %swap3A_144] {strides = array<i32>} : memref<2x640xi32, #tpu.memory_space<vmem>>, vector<16xi32>,
    tpu.vector_store %arg9[%swap3A_143, %swap3A_144], %gather3A_141 {strides = array<i32>} : memref<2x640xi32, #tpu.memory_space<vmem>>, vector<16xi32>,
    %broadcast_in_dim3A_146 = arith.constant 0 : i32
    %broadcast_in_dim3A_147 = vector.broadcast %broadcast_in_dim3A_146 : i32 to vector<16xi32>
    %add3A_148 = arith.constant 14 : i32
    %add3A_149 = vector.broadcast %add3A_148 : i32 to vector<16xi32>
    %add3A_150 = arith.addi %broadcast_in_dim3A_147, %add3A_149 : vector<16xi32>
    %gather3A_151 = tpu.vector_load_idx %arg7[%iota3A, %add3A_150] : memref<16x20xi32, #tpu.memory_space<vmem>>[vector<16xi32>, vector<16xi32>], vector<16xi32>,
    %swap3A_152 = arith.constant 0 : i32
    %swap3A_153 = arith.index_cast %swap3A_152 : i32 to index
    %swap3A_154 = arith.constant 224 : index
    %swap3A_155 = tpu.vector_load %arg9[%swap3A_153, %swap3A_154] {strides = array<i32>} : memref<2x640xi32, #tpu.memory_space<vmem>>, vector<16xi32>,
    tpu.vector_store %arg9[%swap3A_153, %swap3A_154], %gather3A_151 {strides = array<i32>} : memref<2x640xi32, #tpu.memory_space<vmem>>, vector<16xi32>,
    %broadcast_in_dim3A_156 = arith.constant 0 : i32
    %broadcast_in_dim3A_157 = vector.broadcast %broadcast_in_dim3A_156 : i32 to vector<16xi32>
    %add3A_158 = arith.constant 15 : i32
    %add3A_159 = vector.broadcast %add3A_158 : i32 to vector<16xi32>
    %add3A_160 = arith.addi %broadcast_in_dim3A_157, %add3A_159 : vector<16xi32>
    %gather3A_161 = tpu.vector_load_idx %arg7[%iota3A, %add3A_160] : memref<16x20xi32, #tpu.memory_space<vmem>>[vector<16xi32>, vector<16xi32>], vector<16xi32>,
    %swap3A_162 = arith.constant 0 : i32
    %swap3A_163 = arith.index_cast %swap3A_162 : i32 to index
    %swap3A_164 = arith.constant 240 : index
    %swap3A_165 = tpu.vector_load %arg9[%swap3A_163, %swap3A_164] {strides = array<i32>} : memref<2x640xi32, #tpu.memory_space<vmem>>, vector<16xi32>,
    tpu.vector_store %arg9[%swap3A_163, %swap3A_164], %gather3A_161 {strides = array<i32>} : memref<2x640xi32, #tpu.memory_space<vmem>>, vector<16xi32>,
    %broadcast_in_dim3A_166 = arith.constant 0 : i32
    %broadcast_in_dim3A_167 = vector.broadcast %broadcast_in_dim3A_166 : i32 to vector<16xi32>
    %add3A_168 = arith.constant 16 : i32
    %add3A_169 = vector.broadcast %add3A_168 : i32 to vector<16xi32>
    %add3A_170 = arith.addi %broadcast_in_dim3A_167, %add3A_169 : vector<16xi32>
    %gather3A_171 = tpu.vector_load_idx %arg7[%iota3A, %add3A_170] : memref<16x20xi32, #tpu.memory_space<vmem>>[vector<16xi32>, vector<16xi32>], vector<16xi32>,
    %swap3A_172 = arith.constant 0 : i32
    %swap3A_173 = arith.index_cast %swap3A_172 : i32 to index
    %swap3A_174 = arith.constant 256 : index
    %swap3A_175 = tpu.vector_load %arg9[%swap3A_173, %swap3A_174] {strides = array<i32>} : memref<2x640xi32, #tpu.memory_space<vmem>>, vector<16xi32>,
    tpu.vector_store %arg9[%swap3A_173, %swap3A_174], %gather3A_171 {strides = array<i32>} : memref<2x640xi32, #tpu.memory_space<vmem>>, vector<16xi32>,
    %broadcast_in_dim3A_176 = arith.constant 0 : i32
    %broadcast_in_dim3A_177 = vector.broadcast %broadcast_in_dim3A_176 : i32 to vector<16xi32>
    %add3A_178 = arith.constant 17 : i32
    %add3A_179 = vector.broadcast %add3A_178 : i32 to vector<16xi32>
    %add3A_180 = arith.addi %broadcast_in_dim3A_177, %add3A_179 : vector<16xi32>
    %gather3A_181 = tpu.vector_load_idx %arg7[%iota3A, %add3A_180] : memref<16x20xi32, #tpu.memory_space<vmem>>[vector<16xi32>, vector<16xi32>], vector<16xi32>,
    %swap3A_182 = arith.constant 0 : i32
    %swap3A_183 = arith.index_cast %swap3A_182 : i32 to index
    %swap3A_184 = arith.constant 272 : index
    %swap3A_185 = tpu.vector_load %arg9[%swap3A_183, %swap3A_184] {strides = array<i32>} : memref<2x640xi32, #tpu.memory_space<vmem>>, vector<16xi32>,
    tpu.vector_store %arg9[%swap3A_183, %swap3A_184], %gather3A_181 {strides = array<i32>} : memref<2x640xi32, #tpu.memory_space<vmem>>, vector<16xi32>,
    %broadcast_in_dim3A_186 = arith.constant 0 : i32
    %broadcast_in_dim3A_187 = vector.broadcast %broadcast_in_dim3A_186 : i32 to vector<16xi32>
    %add3A_188 = arith.constant 18 : i32
    %add3A_189 = vector.broadcast %add3A_188 : i32 to vector<16xi32>
    %add3A_190 = arith.addi %broadcast_in_dim3A_187, %add3A_189 : vector<16xi32>
    %gather3A_191 = tpu.vector_load_idx %arg7[%iota3A, %add3A_190] : memref<16x20xi32, #tpu.memory_space<vmem>>[vector<16xi32>, vector<16xi32>], vector<16xi32>,
    %swap3A_192 = arith.constant 0 : i32
    %swap3A_193 = arith.index_cast %swap3A_192 : i32 to index
    %swap3A_194 = arith.constant 288 : index
    %swap3A_195 = tpu.vector_load %arg9[%swap3A_193, %swap3A_194] {strides = array<i32>} : memref<2x640xi32, #tpu.memory_space<vmem>>, vector<16xi32>,
    tpu.vector_store %arg9[%swap3A_193, %swap3A_194], %gather3A_191 {strides = array<i32>} : memref<2x640xi32, #tpu.memory_space<vmem>>, vector<16xi32>,
    %broadcast_in_dim3A_196 = arith.constant 0 : i32
    %broadcast_in_dim3A_197 = vector.broadcast %broadcast_in_dim3A_196 : i32 to vector<16xi32>
    %add3A_198 = arith.constant 19 : i32
    %add3A_199 = vector.broadcast %add3A_198 : i32 to vector<16xi32>
    %add3A_200 = arith.addi %broadcast_in_dim3A_197, %add3A_199 : vector<16xi32>
    %gather3A_201 = tpu.vector_load_idx %arg7[%iota3A, %add3A_200] : memref<16x20xi32, #tpu.memory_space<vmem>>[vector<16xi32>, vector<16xi32>], vector<16xi32>,
    %swap3A_202 = arith.constant 0 : i32
    %swap3A_203 = arith.index_cast %swap3A_202 : i32 to index
    %swap3A_204 = arith.constant 304 : index
    %swap3A_205 = tpu.vector_load %arg9[%swap3A_203, %swap3A_204] {strides = array<i32>} : memref<2x640xi32, #tpu.memory_space<vmem>>, vector<16xi32>,
    tpu.vector_store %arg9[%swap3A_203, %swap3A_204], %gather3A_201 {strides = array<i32>} : memref<2x640xi32, #tpu.memory_space<vmem>>, vector<16xi32>,
    %broadcast_in_dim3A_206 = arith.constant 0 : i32
    %broadcast_in_dim3A_207 = vector.broadcast %broadcast_in_dim3A_206 : i32 to vector<16xi32>
    %add3A_208 = arith.constant 0 : i32
    %add3A_209 = vector.broadcast %add3A_208 : i32 to vector<16xi32>
    %add3A_210 = arith.addi %broadcast_in_dim3A_207, %add3A_209 : vector<16xi32>
    %gather3A_211 = tpu.vector_load_idx %arg8[%iota3A, %add3A_210] : memref<16x20xi32, #tpu.memory_space<vmem>>[vector<16xi32>, vector<16xi32>], vector<16xi32>,
    %swap3A_212 = arith.constant 0 : i32
    %swap3A_213 = arith.index_cast %swap3A_212 : i32 to index
    %swap3A_214 = arith.constant 320 : index
    %swap3A_215 = tpu.vector_load %arg9[%swap3A_213, %swap3A_214] {strides = array<i32>} : memref<2x640xi32, #tpu.memory_space<vmem>>, vector<16xi32>,
    tpu.vector_store %arg9[%swap3A_213, %swap3A_214], %gather3A_211 {strides = array<i32>} : memref<2x640xi32, #tpu.memory_space<vmem>>, vector<16xi32>,
    %broadcast_in_dim3A_216 = arith.constant 0 : i32
    %broadcast_in_dim3A_217 = vector.broadcast %broadcast_in_dim3A_216 : i32 to vector<16xi32>
    %add3A_218 = arith.constant 1 : i32
    %add3A_219 = vector.broadcast %add3A_218 : i32 to vector<16xi32>
    %add3A_220 = arith.addi %broadcast_in_dim3A_217, %add3A_219 : vector<16xi32>
    %gather3A_221 = tpu.vector_load_idx %arg8[%iota3A, %add3A_220] : memref<16x20xi32, #tpu.memory_space<vmem>>[vector<16xi32>, vector<16xi32>], vector<16xi32>,
    %swap3A_222 = arith.constant 0 : i32
    %swap3A_223 = arith.index_cast %swap3A_222 : i32 to index
    %swap3A_224 = arith.constant 336 : index
    %swap3A_225 = tpu.vector_load %arg9[%swap3A_223, %swap3A_224] {strides = array<i32>} : memref<2x640xi32, #tpu.memory_space<vmem>>, vector<16xi32>,
    tpu.vector_store %arg9[%swap3A_223, %swap3A_224], %gather3A_221 {strides = array<i32>} : memref<2x640xi32, #tpu.memory_space<vmem>>, vector<16xi32>,
    %broadcast_in_dim3A_226 = arith.constant 0 : i32
    %broadcast_in_dim3A_227 = vector.broadcast %broadcast_in_dim3A_226 : i32 to vector<16xi32>
    %add3A_228 = arith.constant 2 : i32
    %add3A_229 = vector.broadcast %add3A_228 : i32 to vector<16xi32>
    %add3A_230 = arith.addi %broadcast_in_dim3A_227, %add3A_229 : vector<16xi32>
    %gather3A_231 = tpu.vector_load_idx %arg8[%iota3A, %add3A_230] : memref<16x20xi32, #tpu.memory_space<vmem>>[vector<16xi32>, vector<16xi32>], vector<16xi32>,
    %swap3A_232 = arith.constant 0 : i32
    %swap3A_233 = arith.index_cast %swap3A_232 : i32 to index
    %swap3A_234 = arith.constant 352 : index
    %swap3A_235 = tpu.vector_load %arg9[%swap3A_233, %swap3A_234] {strides = array<i32>} : memref<2x640xi32, #tpu.memory_space<vmem>>, vector<16xi32>,
    tpu.vector_store %arg9[%swap3A_233, %swap3A_234], %gather3A_231 {strides = array<i32>} : memref<2x640xi32, #tpu.memory_space<vmem>>, vector<16xi32>,
    %broadcast_in_dim3A_236 = arith.constant 0 : i32
    %broadcast_in_dim3A_237 = vector.broadcast %broadcast_in_dim3A_236 : i32 to vector<16xi32>
    %add3A_238 = arith.constant 3 : i32
    %add3A_239 = vector.broadcast %add3A_238 : i32 to vector<16xi32>
    %add3A_240 = arith.addi %broadcast_in_dim3A_237, %add3A_239 : vector<16xi32>
    %gather3A_241 = tpu.vector_load_idx %arg8[%iota3A, %add3A_240] : memref<16x20xi32, #tpu.memory_space<vmem>>[vector<16xi32>, vector<16xi32>], vector<16xi32>,
    %swap3A_242 = arith.constant 0 : i32
    %swap3A_243 = arith.index_cast %swap3A_242 : i32 to index
    %swap3A_244 = arith.constant 368 : index
    %swap3A_245 = tpu.vector_load %arg9[%swap3A_243, %swap3A_244] {strides = array<i32>} : memref<2x640xi32, #tpu.memory_space<vmem>>, vector<16xi32>,
    tpu.vector_store %arg9[%swap3A_243, %swap3A_244], %gather3A_241 {strides = array<i32>} : memref<2x640xi32, #tpu.memory_space<vmem>>, vector<16xi32>,
    %broadcast_in_dim3A_246 = arith.constant 0 : i32
    %broadcast_in_dim3A_247 = vector.broadcast %broadcast_in_dim3A_246 : i32 to vector<16xi32>
    %add3A_248 = arith.constant 4 : i32
    %add3A_249 = vector.broadcast %add3A_248 : i32 to vector<16xi32>
    %add3A_250 = arith.addi %broadcast_in_dim3A_247, %add3A_249 : vector<16xi32>
    %gather3A_251 = tpu.vector_load_idx %arg8[%iota3A, %add3A_250] : memref<16x20xi32, #tpu.memory_space<vmem>>[vector<16xi32>, vector<16xi32>], vector<16xi32>,
    %swap3A_252 = arith.constant 0 : i32
    %swap3A_253 = arith.index_cast %swap3A_252 : i32 to index
    %swap3A_254 = arith.constant 384 : index
    %swap3A_255 = tpu.vector_load %arg9[%swap3A_253, %swap3A_254] {strides = array<i32>} : memref<2x640xi32, #tpu.memory_space<vmem>>, vector<16xi32>,
    tpu.vector_store %arg9[%swap3A_253, %swap3A_254], %gather3A_251 {strides = array<i32>} : memref<2x640xi32, #tpu.memory_space<vmem>>, vector<16xi32>,
    %broadcast_in_dim3A_256 = arith.constant 0 : i32
    %broadcast_in_dim3A_257 = vector.broadcast %broadcast_in_dim3A_256 : i32 to vector<16xi32>
    %add3A_258 = arith.constant 5 : i32
    %add3A_259 = vector.broadcast %add3A_258 : i32 to vector<16xi32>
    %add3A_260 = arith.addi %broadcast_in_dim3A_257, %add3A_259 : vector<16xi32>
    %gather3A_261 = tpu.vector_load_idx %arg8[%iota3A, %add3A_260] : memref<16x20xi32, #tpu.memory_space<vmem>>[vector<16xi32>, vector<16xi32>], vector<16xi32>,
    %swap3A_262 = arith.constant 0 : i32
    %swap3A_263 = arith.index_cast %swap3A_262 : i32 to index
    %swap3A_264 = arith.constant 400 : index
    %swap3A_265 = tpu.vector_load %arg9[%swap3A_263, %swap3A_264] {strides = array<i32>} : memref<2x640xi32, #tpu.memory_space<vmem>>, vector<16xi32>,
    tpu.vector_store %arg9[%swap3A_263, %swap3A_264], %gather3A_261 {strides = array<i32>} : memref<2x640xi32, #tpu.memory_space<vmem>>, vector<16xi32>,
    %broadcast_in_dim3A_266 = arith.constant 0 : i32
    %broadcast_in_dim3A_267 = vector.broadcast %broadcast_in_dim3A_266 : i32 to vector<16xi32>
    %add3A_268 = arith.constant 6 : i32
    %add3A_269 = vector.broadcast %add3A_268 : i32 to vector<16xi32>
    %add3A_270 = arith.addi %broadcast_in_dim3A_267, %add3A_269 : vector<16xi32>
    %gather3A_271 = tpu.vector_load_idx %arg8[%iota3A, %add3A_270] : memref<16x20xi32, #tpu.memory_space<vmem>>[vector<16xi32>, vector<16xi32>], vector<16xi32>,
    %swap3A_272 = arith.constant 0 : i32
    %swap3A_273 = arith.index_cast %swap3A_272 : i32 to index
    %swap3A_274 = arith.constant 416 : index
    %swap3A_275 = tpu.vector_load %arg9[%swap3A_273, %swap3A_274] {strides = array<i32>} : memref<2x640xi32, #tpu.memory_space<vmem>>, vector<16xi32>,
    tpu.vector_store %arg9[%swap3A_273, %swap3A_274], %gather3A_271 {strides = array<i32>} : memref<2x640xi32, #tpu.memory_space<vmem>>, vector<16xi32>,
    %broadcast_in_dim3A_276 = arith.constant 0 : i32
    %broadcast_in_dim3A_277 = vector.broadcast %broadcast_in_dim3A_276 : i32 to vector<16xi32>
    %add3A_278 = arith.constant 7 : i32
    %add3A_279 = vector.broadcast %add3A_278 : i32 to vector<16xi32>
    %add3A_280 = arith.addi %broadcast_in_dim3A_277, %add3A_279 : vector<16xi32>
    %gather3A_281 = tpu.vector_load_idx %arg8[%iota3A, %add3A_280] : memref<16x20xi32, #tpu.memory_space<vmem>>[vector<16xi32>, vector<16xi32>], vector<16xi32>,
    %swap3A_282 = arith.constant 0 : i32
    %swap3A_283 = arith.index_cast %swap3A_282 : i32 to index
    %swap3A_284 = arith.constant 432 : index
    %swap3A_285 = tpu.vector_load %arg9[%swap3A_283, %swap3A_284] {strides = array<i32>} : memref<2x640xi32, #tpu.memory_space<vmem>>, vector<16xi32>,
    tpu.vector_store %arg9[%swap3A_283, %swap3A_284], %gather3A_281 {strides = array<i32>} : memref<2x640xi32, #tpu.memory_space<vmem>>, vector<16xi32>,
    %broadcast_in_dim3A_286 = arith.constant 0 : i32
    %broadcast_in_dim3A_287 = vector.broadcast %broadcast_in_dim3A_286 : i32 to vector<16xi32>
    %add3A_288 = arith.constant 8 : i32
    %add3A_289 = vector.broadcast %add3A_288 : i32 to vector<16xi32>
    %add3A_290 = arith.addi %broadcast_in_dim3A_287, %add3A_289 : vector<16xi32>
    %gather3A_291 = tpu.vector_load_idx %arg8[%iota3A, %add3A_290] : memref<16x20xi32, #tpu.memory_space<vmem>>[vector<16xi32>, vector<16xi32>], vector<16xi32>,
    %swap3A_292 = arith.constant 0 : i32
    %swap3A_293 = arith.index_cast %swap3A_292 : i32 to index
    %swap3A_294 = arith.constant 448 : index
    %swap3A_295 = tpu.vector_load %arg9[%swap3A_293, %swap3A_294] {strides = array<i32>} : memref<2x640xi32, #tpu.memory_space<vmem>>, vector<16xi32>,
    tpu.vector_store %arg9[%swap3A_293, %swap3A_294], %gather3A_291 {strides = array<i32>} : memref<2x640xi32, #tpu.memory_space<vmem>>, vector<16xi32>,
    %broadcast_in_dim3A_296 = arith.constant 0 : i32
    %broadcast_in_dim3A_297 = vector.broadcast %broadcast_in_dim3A_296 : i32 to vector<16xi32>
    %add3A_298 = arith.constant 9 : i32
    %add3A_299 = vector.broadcast %add3A_298 : i32 to vector<16xi32>
    %add3A_300 = arith.addi %broadcast_in_dim3A_297, %add3A_299 : vector<16xi32>
    %gather3A_301 = tpu.vector_load_idx %arg8[%iota3A, %add3A_300] : memref<16x20xi32, #tpu.memory_space<vmem>>[vector<16xi32>, vector<16xi32>], vector<16xi32>,
    %swap3A_302 = arith.constant 0 : i32
    %swap3A_303 = arith.index_cast %swap3A_302 : i32 to index
    %swap3A_304 = arith.constant 464 : index
    %swap3A_305 = tpu.vector_load %arg9[%swap3A_303, %swap3A_304] {strides = array<i32>} : memref<2x640xi32, #tpu.memory_space<vmem>>, vector<16xi32>,
    tpu.vector_store %arg9[%swap3A_303, %swap3A_304], %gather3A_301 {strides = array<i32>} : memref<2x640xi32, #tpu.memory_space<vmem>>, vector<16xi32>,
    %broadcast_in_dim3A_306 = arith.constant 0 : i32
    %broadcast_in_dim3A_307 = vector.broadcast %broadcast_in_dim3A_306 : i32 to vector<16xi32>
    %add3A_308 = arith.constant 10 : i32
    %add3A_309 = vector.broadcast %add3A_308 : i32 to vector<16xi32>
    %add3A_310 = arith.addi %broadcast_in_dim3A_307, %add3A_309 : vector<16xi32>
    %gather3A_311 = tpu.vector_load_idx %arg8[%iota3A, %add3A_310] : memref<16x20xi32, #tpu.memory_space<vmem>>[vector<16xi32>, vector<16xi32>], vector<16xi32>,
    %swap3A_312 = arith.constant 0 : i32
    %swap3A_313 = arith.index_cast %swap3A_312 : i32 to index
    %swap3A_314 = arith.constant 480 : index
    %swap3A_315 = tpu.vector_load %arg9[%swap3A_313, %swap3A_314] {strides = array<i32>} : memref<2x640xi32, #tpu.memory_space<vmem>>, vector<16xi32>,
    tpu.vector_store %arg9[%swap3A_313, %swap3A_314], %gather3A_311 {strides = array<i32>} : memref<2x640xi32, #tpu.memory_space<vmem>>, vector<16xi32>,
    %broadcast_in_dim3A_316 = arith.constant 0 : i32
    %broadcast_in_dim3A_317 = vector.broadcast %broadcast_in_dim3A_316 : i32 to vector<16xi32>
    %add3A_318 = arith.constant 11 : i32
    %add3A_319 = vector.broadcast %add3A_318 : i32 to vector<16xi32>
    %add3A_320 = arith.addi %broadcast_in_dim3A_317, %add3A_319 : vector<16xi32>
    %gather3A_321 = tpu.vector_load_idx %arg8[%iota3A, %add3A_320] : memref<16x20xi32, #tpu.memory_space<vmem>>[vector<16xi32>, vector<16xi32>], vector<16xi32>,
    %swap3A_322 = arith.constant 0 : i32
    %swap3A_323 = arith.index_cast %swap3A_322 : i32 to index
    %swap3A_324 = arith.constant 496 : index
    %swap3A_325 = tpu.vector_load %arg9[%swap3A_323, %swap3A_324] {strides = array<i32>} : memref<2x640xi32, #tpu.memory_space<vmem>>, vector<16xi32>,
    tpu.vector_store %arg9[%swap3A_323, %swap3A_324], %gather3A_321 {strides = array<i32>} : memref<2x640xi32, #tpu.memory_space<vmem>>, vector<16xi32>,
    %broadcast_in_dim3A_326 = arith.constant 0 : i32
    %broadcast_in_dim3A_327 = vector.broadcast %broadcast_in_dim3A_326 : i32 to vector<16xi32>
    %add3A_328 = arith.constant 12 : i32
    %add3A_329 = vector.broadcast %add3A_328 : i32 to vector<16xi32>
    %add3A_330 = arith.addi %broadcast_in_dim3A_327, %add3A_329 : vector<16xi32>
    %gather3A_331 = tpu.vector_load_idx %arg8[%iota3A, %add3A_330] : memref<16x20xi32, #tpu.memory_space<vmem>>[vector<16xi32>, vector<16xi32>], vector<16xi32>,
    %swap3A_332 = arith.constant 0 : i32
    %swap3A_333 = arith.index_cast %swap3A_332 : i32 to index
    %swap3A_334 = arith.constant 512 : index
    %swap3A_335 = tpu.vector_load %arg9[%swap3A_333, %swap3A_334] {strides = array<i32>} : memref<2x640xi32, #tpu.memory_space<vmem>>, vector<16xi32>,
    tpu.vector_store %arg9[%swap3A_333, %swap3A_334], %gather3A_331 {strides = array<i32>} : memref<2x640xi32, #tpu.memory_space<vmem>>, vector<16xi32>,
    %broadcast_in_dim3A_336 = arith.constant 0 : i32
    %broadcast_in_dim3A_337 = vector.broadcast %broadcast_in_dim3A_336 : i32 to vector<16xi32>
    %add3A_338 = arith.constant 13 : i32
    %add3A_339 = vector.broadcast %add3A_338 : i32 to vector<16xi32>
    %add3A_340 = arith.addi %broadcast_in_dim3A_337, %add3A_339 : vector<16xi32>
    %gather3A_341 = tpu.vector_load_idx %arg8[%iota3A, %add3A_340] : memref<16x20xi32, #tpu.memory_space<vmem>>[vector<16xi32>, vector<16xi32>], vector<16xi32>,
    %swap3A_342 = arith.constant 0 : i32
    %swap3A_343 = arith.index_cast %swap3A_342 : i32 to index
    %swap3A_344 = arith.constant 528 : index
    %swap3A_345 = tpu.vector_load %arg9[%swap3A_343, %swap3A_344] {strides = array<i32>} : memref<2x640xi32, #tpu.memory_space<vmem>>, vector<16xi32>,
    tpu.vector_store %arg9[%swap3A_343, %swap3A_344], %gather3A_341 {strides = array<i32>} : memref<2x640xi32, #tpu.memory_space<vmem>>, vector<16xi32>,
    %broadcast_in_dim3A_346 = arith.constant 0 : i32
    %broadcast_in_dim3A_347 = vector.broadcast %broadcast_in_dim3A_346 : i32 to vector<16xi32>
    %add3A_348 = arith.constant 14 : i32
    %add3A_349 = vector.broadcast %add3A_348 : i32 to vector<16xi32>
    %add3A_350 = arith.addi %broadcast_in_dim3A_347, %add3A_349 : vector<16xi32>
    %gather3A_351 = tpu.vector_load_idx %arg8[%iota3A, %add3A_350] : memref<16x20xi32, #tpu.memory_space<vmem>>[vector<16xi32>, vector<16xi32>], vector<16xi32>,
    %swap3A_352 = arith.constant 0 : i32
    %swap3A_353 = arith.index_cast %swap3A_352 : i32 to index
    %swap3A_354 = arith.constant 544 : index
    %swap3A_355 = tpu.vector_load %arg9[%swap3A_353, %swap3A_354] {strides = array<i32>} : memref<2x640xi32, #tpu.memory_space<vmem>>, vector<16xi32>,
    tpu.vector_store %arg9[%swap3A_353, %swap3A_354], %gather3A_351 {strides = array<i32>} : memref<2x640xi32, #tpu.memory_space<vmem>>, vector<16xi32>,
    %broadcast_in_dim3A_356 = arith.constant 0 : i32
    %broadcast_in_dim3A_357 = vector.broadcast %broadcast_in_dim3A_356 : i32 to vector<16xi32>
    %add3A_358 = arith.constant 15 : i32
    %add3A_359 = vector.broadcast %add3A_358 : i32 to vector<16xi32>
    %add3A_360 = arith.addi %broadcast_in_dim3A_357, %add3A_359 : vector<16xi32>
    %gather3A_361 = tpu.vector_load_idx %arg8[%iota3A, %add3A_360] : memref<16x20xi32, #tpu.memory_space<vmem>>[vector<16xi32>, vector<16xi32>], vector<16xi32>,
    %swap3A_362 = arith.constant 0 : i32
    %swap3A_363 = arith.index_cast %swap3A_362 : i32 to index
    %swap3A_364 = arith.constant 560 : index
    %swap3A_365 = tpu.vector_load %arg9[%swap3A_363, %swap3A_364] {strides = array<i32>} : memref<2x640xi32, #tpu.memory_space<vmem>>, vector<16xi32>,
    tpu.vector_store %arg9[%swap3A_363, %swap3A_364], %gather3A_361 {strides = array<i32>} : memref<2x640xi32, #tpu.memory_space<vmem>>, vector<16xi32>,
    %broadcast_in_dim3A_366 = arith.constant 0 : i32
    %broadcast_in_dim3A_367 = vector.broadcast %broadcast_in_dim3A_366 : i32 to vector<16xi32>
    %add3A_368 = arith.constant 16 : i32
    %add3A_369 = vector.broadcast %add3A_368 : i32 to vector<16xi32>
    %add3A_370 = arith.addi %broadcast_in_dim3A_367, %add3A_369 : vector<16xi32>
    %gather3A_371 = tpu.vector_load_idx %arg8[%iota3A, %add3A_370] : memref<16x20xi32, #tpu.memory_space<vmem>>[vector<16xi32>, vector<16xi32>], vector<16xi32>,
    %swap3A_372 = arith.constant 0 : i32
    %swap3A_373 = arith.index_cast %swap3A_372 : i32 to index
    %swap3A_374 = arith.constant 576 : index
    %swap3A_375 = tpu.vector_load %arg9[%swap3A_373, %swap3A_374] {strides = array<i32>} : memref<2x640xi32, #tpu.memory_space<vmem>>, vector<16xi32>,
    tpu.vector_store %arg9[%swap3A_373, %swap3A_374], %gather3A_371 {strides = array<i32>} : memref<2x640xi32, #tpu.memory_space<vmem>>, vector<16xi32>,
    %broadcast_in_dim3A_376 = arith.constant 0 : i32
    %broadcast_in_dim3A_377 = vector.broadcast %broadcast_in_dim3A_376 : i32 to vector<16xi32>
    %add3A_378 = arith.constant 17 : i32
    %add3A_379 = vector.broadcast %add3A_378 : i32 to vector<16xi32>
    %add3A_380 = arith.addi %broadcast_in_dim3A_377, %add3A_379 : vector<16xi32>
    %gather3A_381 = tpu.vector_load_idx %arg8[%iota3A, %add3A_380] : memref<16x20xi32, #tpu.memory_space<vmem>>[vector<16xi32>, vector<16xi32>], vector<16xi32>,
    %swap3A_382 = arith.constant 0 : i32
    %swap3A_383 = arith.index_cast %swap3A_382 : i32 to index
    %swap3A_384 = arith.constant 592 : index
    %swap3A_385 = tpu.vector_load %arg9[%swap3A_383, %swap3A_384] {strides = array<i32>} : memref<2x640xi32, #tpu.memory_space<vmem>>, vector<16xi32>,
    tpu.vector_store %arg9[%swap3A_383, %swap3A_384], %gather3A_381 {strides = array<i32>} : memref<2x640xi32, #tpu.memory_space<vmem>>, vector<16xi32>,
    %broadcast_in_dim3A_386 = arith.constant 0 : i32
    %broadcast_in_dim3A_387 = vector.broadcast %broadcast_in_dim3A_386 : i32 to vector<16xi32>
    %add3A_388 = arith.constant 18 : i32
    %add3A_389 = vector.broadcast %add3A_388 : i32 to vector<16xi32>
    %add3A_390 = arith.addi %broadcast_in_dim3A_387, %add3A_389 : vector<16xi32>
    %gather3A_391 = tpu.vector_load_idx %arg8[%iota3A, %add3A_390] : memref<16x20xi32, #tpu.memory_space<vmem>>[vector<16xi32>, vector<16xi32>], vector<16xi32>,
    %swap3A_392 = arith.constant 0 : i32
    %swap3A_393 = arith.index_cast %swap3A_392 : i32 to index
    %swap3A_394 = arith.constant 608 : index
    %swap3A_395 = tpu.vector_load %arg9[%swap3A_393, %swap3A_394] {strides = array<i32>} : memref<2x640xi32, #tpu.memory_space<vmem>>, vector<16xi32>,
    tpu.vector_store %arg9[%swap3A_393, %swap3A_394], %gather3A_391 {strides = array<i32>} : memref<2x640xi32, #tpu.memory_space<vmem>>, vector<16xi32>,
    %broadcast_in_dim3A_396 = arith.constant 0 : i32
    %broadcast_in_dim3A_397 = vector.broadcast %broadcast_in_dim3A_396 : i32 to vector<16xi32>
    %add3A_398 = arith.constant 19 : i32
    %add3A_399 = vector.broadcast %add3A_398 : i32 to vector<16xi32>
    %add3A_400 = arith.addi %broadcast_in_dim3A_397, %add3A_399 : vector<16xi32>
    %gather3A_401 = tpu.vector_load_idx %arg8[%iota3A, %add3A_400] : memref<16x20xi32, #tpu.memory_space<vmem>>[vector<16xi32>, vector<16xi32>], vector<16xi32>,
    %swap3A_402 = arith.constant 0 : i32
    %swap3A_403 = arith.index_cast %swap3A_402 : i32 to index
    %swap3A_404 = arith.constant 624 : index
    %swap3A_405 = tpu.vector_load %arg9[%swap3A_403, %swap3A_404] {strides = array<i32>} : memref<2x640xi32, #tpu.memory_space<vmem>>, vector<16xi32>,
    tpu.vector_store %arg9[%swap3A_403, %swap3A_404], %gather3A_401 {strides = array<i32>} : memref<2x640xi32, #tpu.memory_space<vmem>>, vector<16xi32>,
    %dma_start3A = arith.constant 0 : i32
    %dma_start3A_406 = arith.constant 0 : i32
    %dma_start3A_407 = arith.constant 0 : i32
    %dma_start3A_408 = arith.constant 0 : i32
    %dma_start3A_409 = tpu.memref_slice %arg10[%dma_start3A_406, %dma_start3A_407, %dma_start3A_408] : memref<2x640x64xf32, #tpu.memory_space<vmem>> -> memref<1x128x64xf32, #tpu.memory_space<vmem>>
    %dma_start3A_410 = tpu.memref_squeeze %dma_start3A_409 : memref<1x128x64xf32, #tpu.memory_space<vmem>> -> memref<128x64xf32, #tpu.memory_space<vmem>>
    %dma_start3A_411 = arith.constant 0 : i32
    %dma_start3A_412 = tpu.memref_slice %arg9[%dma_start3A, %dma_start3A_411] : memref<2x640xi32, #tpu.memory_space<vmem>> -> memref<1x128xi32, #tpu.memory_space<vmem>>
    %dma_start3A_413 = tpu.memref_squeeze %dma_start3A_412 : memref<1x128xi32, #tpu.memory_space<vmem>> -> memref<128xi32, #tpu.memory_space<vmem>>
    %dma_start3A_414 = arith.constant 0 : i32
    %dma_start3A_415 = arith.constant 0 : i32
    %dma_start3A_416 = tpu.memref_slice %arg4[%dma_start3A_414, %dma_start3A_415] : memref<1000000x64xf32, #tpu.memory_space<hbm>> -> memref<1000000x64xf32, #tpu.memory_space<hbm>>
    tpu.enqueue_indirect_dma source(%dma_start3A_416 : memref<1000000x64xf32, #tpu.memory_space<hbm>>) target(%dma_start3A_410 : memref<128x64xf32, #tpu.memory_space<vmem>>) offsets(%dma_start3A_413 : memref<128xi32, #tpu.memory_space<vmem>>) semaphore(%arg13 : memref<!tpu.dma_semaphore, #tpu.memory_space<semaphore_mem>>)
    %dma_start3A_417 = arith.constant 0 : i32
    %dma_start3A_418 = arith.constant 0 : i32
    %dma_start3A_419 = arith.constant 128 : i32
    %dma_start3A_420 = arith.constant 0 : i32
    %dma_start3A_421 = tpu.memref_slice %arg10[%dma_start3A_418, %dma_start3A_419, %dma_start3A_420] : memref<2x640x64xf32, #tpu.memory_space<vmem>> -> memref<1x128x64xf32, #tpu.memory_space<vmem>>
    %dma_start3A_422 = tpu.memref_squeeze %dma_start3A_421 : memref<1x128x64xf32, #tpu.memory_space<vmem>> -> memref<128x64xf32, #tpu.memory_space<vmem>>
    %dma_start3A_423 = arith.constant 128 : i32
    %dma_start3A_424 = tpu.memref_slice %arg9[%dma_start3A_417, %dma_start3A_423] : memref<2x640xi32, #tpu.memory_space<vmem>> -> memref<1x128xi32, #tpu.memory_space<vmem>>
    %dma_start3A_425 = tpu.memref_squeeze %dma_start3A_424 : memref<1x128xi32, #tpu.memory_space<vmem>> -> memref<128xi32, #tpu.memory_space<vmem>>
    %dma_start3A_426 = arith.constant 0 : i32
    %dma_start3A_427 = arith.constant 0 : i32
    %dma_start3A_428 = tpu.memref_slice %arg4[%dma_start3A_426, %dma_start3A_427] : memref<1000000x64xf32, #tpu.memory_space<hbm>> -> memref<1000000x64xf32, #tpu.memory_space<hbm>>
    tpu.enqueue_indirect_dma source(%dma_start3A_428 : memref<1000000x64xf32, #tpu.memory_space<hbm>>) target(%dma_start3A_422 : memref<128x64xf32, #tpu.memory_space<vmem>>) offsets(%dma_start3A_425 : memref<128xi32, #tpu.memory_space<vmem>>) semaphore(%arg13 : memref<!tpu.dma_semaphore, #tpu.memory_space<semaphore_mem>>)
    %dma_start3A_429 = arith.constant 0 : i32
    %dma_start3A_430 = arith.constant 0 : i32
    %dma_start3A_431 = arith.constant 256 : i32
    %dma_start3A_432 = arith.constant 0 : i32
    %dma_start3A_433 = tpu.memref_slice %arg10[%dma_start3A_430, %dma_start3A_431, %dma_start3A_432] : memref<2x640x64xf32, #tpu.memory_space<vmem>> -> memref<1x128x64xf32, #tpu.memory_space<vmem>>
    %dma_start3A_434 = tpu.memref_squeeze %dma_start3A_433 : memref<1x128x64xf32, #tpu.memory_space<vmem>> -> memref<128x64xf32, #tpu.memory_space<vmem>>
    %dma_start3A_435 = arith.constant 256 : i32
    %dma_start3A_436 = tpu.memref_slice %arg9[%dma_start3A_429, %dma_start3A_435] : memref<2x640xi32, #tpu.memory_space<vmem>> -> memref<1x128xi32, #tpu.memory_space<vmem>>
    %dma_start3A_437 = tpu.memref_squeeze %dma_start3A_436 : memref<1x128xi32, #tpu.memory_space<vmem>> -> memref<128xi32, #tpu.memory_space<vmem>>
    %dma_start3A_438 = arith.constant 0 : i32
    %dma_start3A_439 = arith.constant 0 : i32
    %dma_start3A_440 = tpu.memref_slice %arg4[%dma_start3A_438, %dma_start3A_439] : memref<1000000x64xf32, #tpu.memory_space<hbm>> -> memref<1000000x64xf32, #tpu.memory_space<hbm>>
    tpu.enqueue_indirect_dma source(%dma_start3A_440 : memref<1000000x64xf32, #tpu.memory_space<hbm>>) target(%dma_start3A_434 : memref<128x64xf32, #tpu.memory_space<vmem>>) offsets(%dma_start3A_437 : memref<128xi32, #tpu.memory_space<vmem>>) semaphore(%arg13 : memref<!tpu.dma_semaphore, #tpu.memory_space<semaphore_mem>>)
    %dma_start3A_441 = arith.constant 0 : i32
    %dma_start3A_442 = arith.constant 0 : i32
    %dma_start3A_443 = arith.constant 384 : i32
    %dma_start3A_444 = arith.constant 0 : i32
    %dma_start3A_445 = tpu.memref_slice %arg10[%dma_start3A_442, %dma_start3A_443, %dma_start3A_444] : memref<2x640x64xf32, #tpu.memory_space<vmem>> -> memref<1x128x64xf32, #tpu.memory_space<vmem>>
    %dma_start3A_446 = tpu.memref_squeeze %dma_start3A_445 : memref<1x128x64xf32, #tpu.memory_space<vmem>> -> memref<128x64xf32, #tpu.memory_space<vmem>>
    %dma_start3A_447 = arith.constant 384 : i32
    %dma_start3A_448 = tpu.memref_slice %arg9[%dma_start3A_441, %dma_start3A_447] : memref<2x640xi32, #tpu.memory_space<vmem>> -> memref<1x128xi32, #tpu.memory_space<vmem>>
    %dma_start3A_449 = tpu.memref_squeeze %dma_start3A_448 : memref<1x128xi32, #tpu.memory_space<vmem>> -> memref<128xi32, #tpu.memory_space<vmem>>
    %dma_start3A_450 = arith.constant 0 : i32
    %dma_start3A_451 = arith.constant 0 : i32
    %dma_start3A_452 = tpu.memref_slice %arg4[%dma_start3A_450, %dma_start3A_451] : memref<1000000x64xf32, #tpu.memory_space<hbm>> -> memref<1000000x64xf32, #tpu.memory_space<hbm>>
    tpu.enqueue_indirect_dma source(%dma_start3A_452 : memref<1000000x64xf32, #tpu.memory_space<hbm>>) target(%dma_start3A_446 : memref<128x64xf32, #tpu.memory_space<vmem>>) offsets(%dma_start3A_449 : memref<128xi32, #tpu.memory_space<vmem>>) semaphore(%arg13 : memref<!tpu.dma_semaphore, #tpu.memory_space<semaphore_mem>>)
    %dma_start3A_453 = arith.constant 0 : i32
    %dma_start3A_454 = arith.constant 0 : i32
    %dma_start3A_455 = arith.constant 512 : i32
    %dma_start3A_456 = arith.constant 0 : i32
    %dma_start3A_457 = tpu.memref_slice %arg10[%dma_start3A_454, %dma_start3A_455, %dma_start3A_456] : memref<2x640x64xf32, #tpu.memory_space<vmem>> -> memref<1x128x64xf32, #tpu.memory_space<vmem>>
    %dma_start3A_458 = tpu.memref_squeeze %dma_start3A_457 : memref<1x128x64xf32, #tpu.memory_space<vmem>> -> memref<128x64xf32, #tpu.memory_space<vmem>>
    %dma_start3A_459 = arith.constant 512 : i32
    %dma_start3A_460 = tpu.memref_slice %arg9[%dma_start3A_453, %dma_start3A_459] : memref<2x640xi32, #tpu.memory_space<vmem>> -> memref<1x128xi32, #tpu.memory_space<vmem>>
    %dma_start3A_461 = tpu.memref_squeeze %dma_start3A_460 : memref<1x128xi32, #tpu.memory_space<vmem>> -> memref<128xi32, #tpu.memory_space<vmem>>
    %dma_start3A_462 = arith.constant 0 : i32
    %dma_start3A_463 = arith.constant 0 : i32
    %dma_start3A_464 = tpu.memref_slice %arg4[%dma_start3A_462, %dma_start3A_463] : memref<1000000x64xf32, #tpu.memory_space<hbm>> -> memref<1000000x64xf32, #tpu.memory_space<hbm>>
    tpu.enqueue_indirect_dma source(%dma_start3A_464 : memref<1000000x64xf32, #tpu.memory_space<hbm>>) target(%dma_start3A_458 : memref<128x64xf32, #tpu.memory_space<vmem>>) offsets(%dma_start3A_461 : memref<128xi32, #tpu.memory_space<vmem>>) semaphore(%arg13 : memref<!tpu.dma_semaphore, #tpu.memory_space<semaphore_mem>>)
    %scan3A = arith.constant 0 : i32
    %scan3A_465 = arith.constant 16 : i32
    %scan3A_466 = arith.addi %scan3A, %scan3A_465 : i32
    %scan3A_467 = arith.constant 1 : i32
    scf.for %scan3A_471 = %scan3A to %scan3A_466 step %scan3A_467  : i32 {
      %mul3A_472 = arith.constant 2 : i32
      %mul3A_473 = arith.muli %scan3A_471, %mul3A_472 : i32
      %add3A_474 = arith.constant 0 : i32
      %add3A_475 = arith.addi %add3A_474, %mul3A_473 : i32
      %add3A_476 = arith.constant 1 : i32
      %add3A_477 = arith.addi %add3A_475, %add3A_476 : i32
      %mul3A_478 = arith.constant 16 : i32
      %mul3A_479 = arith.muli %add3A_477, %mul3A_478 : i32
      %add3A_480 = arith.addi %mul3A_2, %mul3A_479 : i32
      "tpu.region"() ({
        %run_scoped3A = tpu.sem_alloc : memref<!tpu.dma_semaphore, #tpu.memory_space<semaphore_mem>>
        %dma_start3A_1325 = arith.constant 0 : i32
        %dma_start3A_1326 = tpu.memref_slice %arg2[%add3A_480, %dma_start3A_1325] : memref<16384x20xi32, #tpu.memory_space<hbm>> -> memref<16x20xi32, #tpu.memory_space<hbm>>
        %dma_start3A_1327 = arith.constant 0 : i32
        %dma_start3A_1328 = tpu.memref_slice %arg2[%add3A_480, %dma_start3A_1327] : memref<16384x20xi32, #tpu.memory_space<hbm>> -> memref<16x20xi32, #tpu.memory_space<hbm>>
        tpu.enqueue_dma source(%dma_start3A_1328 : memref<16x20xi32, #tpu.memory_space<hbm>>) target(%arg7 : memref<16x20xi32, #tpu.memory_space<vmem>>) target_semaphore(%run_scoped3A : memref<!tpu.dma_semaphore, #tpu.memory_space<semaphore_mem>>)
        %dma_wait3A_1329 = arith.constant 0 : i32
        %dma_wait3A_1330 = tpu.memref_slice %arg2[%add3A_480, %dma_wait3A_1329] : memref<16384x20xi32, #tpu.memory_space<hbm>> -> memref<16x20xi32, #tpu.memory_space<hbm>>
        %dma_wait3A_1331 = arith.constant 0 : i32
        %dma_wait3A_1332 = tpu.memref_slice %arg2[%add3A_480, %dma_wait3A_1331] : memref<16384x20xi32, #tpu.memory_space<hbm>> -> memref<16x20xi32, #tpu.memory_space<hbm>>
        tpu.wait_dma2 semaphore(%run_scoped3A : memref<!tpu.dma_semaphore, #tpu.memory_space<semaphore_mem>>) src(%dma_wait3A_1332 : memref<16x20xi32, #tpu.memory_space<hbm>>) dst(%arg7 : memref<16x20xi32, #tpu.memory_space<vmem>>)
        tpu.yield
      }) : () -> ()
      "tpu.region"() ({
        %run_scoped3A = tpu.sem_alloc : memref<!tpu.dma_semaphore, #tpu.memory_space<semaphore_mem>>
        %dma_start3A_1325 = arith.constant 0 : i32
        %dma_start3A_1326 = tpu.memref_slice %arg3[%add3A_480, %dma_start3A_1325] : memref<16384x20xi32, #tpu.memory_space<hbm>> -> memref<16x20xi32, #tpu.memory_space<hbm>>
        %dma_start3A_1327 = arith.constant 0 : i32
        %dma_start3A_1328 = tpu.memref_slice %arg3[%add3A_480, %dma_start3A_1327] : memref<16384x20xi32, #tpu.memory_space<hbm>> -> memref<16x20xi32, #tpu.memory_space<hbm>>
        tpu.enqueue_dma source(%dma_start3A_1328 : memref<16x20xi32, #tpu.memory_space<hbm>>) target(%arg8 : memref<16x20xi32, #tpu.memory_space<vmem>>) target_semaphore(%run_scoped3A : memref<!tpu.dma_semaphore, #tpu.memory_space<semaphore_mem>>)
        %dma_wait3A_1329 = arith.constant 0 : i32
        %dma_wait3A_1330 = tpu.memref_slice %arg3[%add3A_480, %dma_wait3A_1329] : memref<16384x20xi32, #tpu.memory_space<hbm>> -> memref<16x20xi32, #tpu.memory_space<hbm>>
        %dma_wait3A_1331 = arith.constant 0 : i32
        %dma_wait3A_1332 = tpu.memref_slice %arg3[%add3A_480, %dma_wait3A_1331] : memref<16384x20xi32, #tpu.memory_space<hbm>> -> memref<16x20xi32, #tpu.memory_space<hbm>>
        tpu.wait_dma2 semaphore(%run_scoped3A : memref<!tpu.dma_semaphore, #tpu.memory_space<semaphore_mem>>) src(%dma_wait3A_1332 : memref<16x20xi32, #tpu.memory_space<hbm>>) dst(%arg8 : memref<16x20xi32, #tpu.memory_space<vmem>>)
        tpu.yield
      }) : () -> ()
      %broadcast_in_dim3A_481 = arith.constant 0 : i32
      %broadcast_in_dim3A_482 = vector.broadcast %broadcast_in_dim3A_481 : i32 to vector<16xi32>
      %add3A_483 = arith.constant 0 : i32
      %add3A_484 = vector.broadcast %add3A_483 : i32 to vector<16xi32>
      %add3A_485 = arith.addi %broadcast_in_dim3A_482, %add3A_484 : vector<16xi32>
      %gather3A_486 = tpu.vector_load_idx %arg7[%iota3A, %add3A_485] : memref<16x20xi32, #tpu.memory_space<vmem>>[vector<16xi32>, vector<16xi32>], vector<16xi32>,
      %swap3A_487 = arith.constant 1 : i32
      %swap3A_488 = arith.index_cast %swap3A_487 : i32 to index
      %swap3A_489 = arith.constant 0 : index
      %swap3A_490 = tpu.vector_load %arg9[%swap3A_488, %swap3A_489] {strides = array<i32>} : memref<2x640xi32, #tpu.memory_space<vmem>>, vector<16xi32>,
      tpu.vector_store %arg9[%swap3A_488, %swap3A_489], %gather3A_486 {strides = array<i32>} : memref<2x640xi32, #tpu.memory_space<vmem>>, vector<16xi32>,
      %broadcast_in_dim3A_491 = arith.constant 0 : i32
      %broadcast_in_dim3A_492 = vector.broadcast %broadcast_in_dim3A_491 : i32 to vector<16xi32>
      %add3A_493 = arith.constant 1 : i32
      %add3A_494 = vector.broadcast %add3A_493 : i32 to vector<16xi32>
      %add3A_495 = arith.addi %broadcast_in_dim3A_492, %add3A_494 : vector<16xi32>
      %gather3A_496 = tpu.vector_load_idx %arg7[%iota3A, %add3A_495] : memref<16x20xi32, #tpu.memory_space<vmem>>[vector<16xi32>, vector<16xi32>], vector<16xi32>,
      %swap3A_497 = arith.constant 1 : i32
      %swap3A_498 = arith.index_cast %swap3A_497 : i32 to index
      %swap3A_499 = arith.constant 16 : index
      %swap3A_500 = tpu.vector_load %arg9[%swap3A_498, %swap3A_499] {strides = array<i32>} : memref<2x640xi32, #tpu.memory_space<vmem>>, vector<16xi32>,
      tpu.vector_store %arg9[%swap3A_498, %swap3A_499], %gather3A_496 {strides = array<i32>} : memref<2x640xi32, #tpu.memory_space<vmem>>, vector<16xi32>,
      %broadcast_in_dim3A_501 = arith.constant 0 : i32
      %broadcast_in_dim3A_502 = vector.broadcast %broadcast_in_dim3A_501 : i32 to vector<16xi32>
      %add3A_503 = arith.constant 2 : i32
      %add3A_504 = vector.broadcast %add3A_503 : i32 to vector<16xi32>
      %add3A_505 = arith.addi %broadcast_in_dim3A_502, %add3A_504 : vector<16xi32>
      %gather3A_506 = tpu.vector_load_idx %arg7[%iota3A, %add3A_505] : memref<16x20xi32, #tpu.memory_space<vmem>>[vector<16xi32>, vector<16xi32>], vector<16xi32>,
      %swap3A_507 = arith.constant 1 : i32
      %swap3A_508 = arith.index_cast %swap3A_507 : i32 to index
      %swap3A_509 = arith.constant 32 : index
      %swap3A_510 = tpu.vector_load %arg9[%swap3A_508, %swap3A_509] {strides = array<i32>} : memref<2x640xi32, #tpu.memory_space<vmem>>, vector<16xi32>,
      tpu.vector_store %arg9[%swap3A_508, %swap3A_509], %gather3A_506 {strides = array<i32>} : memref<2x640xi32, #tpu.memory_space<vmem>>, vector<16xi32>,
      %broadcast_in_dim3A_511 = arith.constant 0 : i32
      %broadcast_in_dim3A_512 = vector.broadcast %broadcast_in_dim3A_511 : i32 to vector<16xi32>
      %add3A_513 = arith.constant 3 : i32
      %add3A_514 = vector.broadcast %add3A_513 : i32 to vector<16xi32>
      %add3A_515 = arith.addi %broadcast_in_dim3A_512, %add3A_514 : vector<16xi32>
      %gather3A_516 = tpu.vector_load_idx %arg7[%iota3A, %add3A_515] : memref<16x20xi32, #tpu.memory_space<vmem>>[vector<16xi32>, vector<16xi32>], vector<16xi32>,
      %swap3A_517 = arith.constant 1 : i32
      %swap3A_518 = arith.index_cast %swap3A_517 : i32 to index
      %swap3A_519 = arith.constant 48 : index
      %swap3A_520 = tpu.vector_load %arg9[%swap3A_518, %swap3A_519] {strides = array<i32>} : memref<2x640xi32, #tpu.memory_space<vmem>>, vector<16xi32>,
      tpu.vector_store %arg9[%swap3A_518, %swap3A_519], %gather3A_516 {strides = array<i32>} : memref<2x640xi32, #tpu.memory_space<vmem>>, vector<16xi32>,
      %broadcast_in_dim3A_521 = arith.constant 0 : i32
      %broadcast_in_dim3A_522 = vector.broadcast %broadcast_in_dim3A_521 : i32 to vector<16xi32>
      %add3A_523 = arith.constant 4 : i32
      %add3A_524 = vector.broadcast %add3A_523 : i32 to vector<16xi32>
      %add3A_525 = arith.addi %broadcast_in_dim3A_522, %add3A_524 : vector<16xi32>
      %gather3A_526 = tpu.vector_load_idx %arg7[%iota3A, %add3A_525] : memref<16x20xi32, #tpu.memory_space<vmem>>[vector<16xi32>, vector<16xi32>], vector<16xi32>,
      %swap3A_527 = arith.constant 1 : i32
      %swap3A_528 = arith.index_cast %swap3A_527 : i32 to index
      %swap3A_529 = arith.constant 64 : index
      %swap3A_530 = tpu.vector_load %arg9[%swap3A_528, %swap3A_529] {strides = array<i32>} : memref<2x640xi32, #tpu.memory_space<vmem>>, vector<16xi32>,
      tpu.vector_store %arg9[%swap3A_528, %swap3A_529], %gather3A_526 {strides = array<i32>} : memref<2x640xi32, #tpu.memory_space<vmem>>, vector<16xi32>,
      %broadcast_in_dim3A_531 = arith.constant 0 : i32
      %broadcast_in_dim3A_532 = vector.broadcast %broadcast_in_dim3A_531 : i32 to vector<16xi32>
      %add3A_533 = arith.constant 5 : i32
      %add3A_534 = vector.broadcast %add3A_533 : i32 to vector<16xi32>
      %add3A_535 = arith.addi %broadcast_in_dim3A_532, %add3A_534 : vector<16xi32>
      %gather3A_536 = tpu.vector_load_idx %arg7[%iota3A, %add3A_535] : memref<16x20xi32, #tpu.memory_space<vmem>>[vector<16xi32>, vector<16xi32>], vector<16xi32>,
      %swap3A_537 = arith.constant 1 : i32
      %swap3A_538 = arith.index_cast %swap3A_537 : i32 to index
      %swap3A_539 = arith.constant 80 : index
      %swap3A_540 = tpu.vector_load %arg9[%swap3A_538, %swap3A_539] {strides = array<i32>} : memref<2x640xi32, #tpu.memory_space<vmem>>, vector<16xi32>,
      tpu.vector_store %arg9[%swap3A_538, %swap3A_539], %gather3A_536 {strides = array<i32>} : memref<2x640xi32, #tpu.memory_space<vmem>>, vector<16xi32>,
      %broadcast_in_dim3A_541 = arith.constant 0 : i32
      %broadcast_in_dim3A_542 = vector.broadcast %broadcast_in_dim3A_541 : i32 to vector<16xi32>
      %add3A_543 = arith.constant 6 : i32
      %add3A_544 = vector.broadcast %add3A_543 : i32 to vector<16xi32>
      %add3A_545 = arith.addi %broadcast_in_dim3A_542, %add3A_544 : vector<16xi32>
      %gather3A_546 = tpu.vector_load_idx %arg7[%iota3A, %add3A_545] : memref<16x20xi32, #tpu.memory_space<vmem>>[vector<16xi32>, vector<16xi32>], vector<16xi32>,
      %swap3A_547 = arith.constant 1 : i32
      %swap3A_548 = arith.index_cast %swap3A_547 : i32 to index
      %swap3A_549 = arith.constant 96 : index
      %swap3A_550 = tpu.vector_load %arg9[%swap3A_548, %swap3A_549] {strides = array<i32>} : memref<2x640xi32, #tpu.memory_space<vmem>>, vector<16xi32>,
      tpu.vector_store %arg9[%swap3A_548, %swap3A_549], %gather3A_546 {strides = array<i32>} : memref<2x640xi32, #tpu.memory_space<vmem>>, vector<16xi32>,
      %broadcast_in_dim3A_551 = arith.constant 0 : i32
      %broadcast_in_dim3A_552 = vector.broadcast %broadcast_in_dim3A_551 : i32 to vector<16xi32>
      %add3A_553 = arith.constant 7 : i32
      %add3A_554 = vector.broadcast %add3A_553 : i32 to vector<16xi32>
      %add3A_555 = arith.addi %broadcast_in_dim3A_552, %add3A_554 : vector<16xi32>
      %gather3A_556 = tpu.vector_load_idx %arg7[%iota3A, %add3A_555] : memref<16x20xi32, #tpu.memory_space<vmem>>[vector<16xi32>, vector<16xi32>], vector<16xi32>,
      %swap3A_557 = arith.constant 1 : i32
      %swap3A_558 = arith.index_cast %swap3A_557 : i32 to index
      %swap3A_559 = arith.constant 112 : index
      %swap3A_560 = tpu.vector_load %arg9[%swap3A_558, %swap3A_559] {strides = array<i32>} : memref<2x640xi32, #tpu.memory_space<vmem>>, vector<16xi32>,
      tpu.vector_store %arg9[%swap3A_558, %swap3A_559], %gather3A_556 {strides = array<i32>} : memref<2x640xi32, #tpu.memory_space<vmem>>, vector<16xi32>,
      %broadcast_in_dim3A_561 = arith.constant 0 : i32
      %broadcast_in_dim3A_562 = vector.broadcast %broadcast_in_dim3A_561 : i32 to vector<16xi32>
      %add3A_563 = arith.constant 8 : i32
      %add3A_564 = vector.broadcast %add3A_563 : i32 to vector<16xi32>
      %add3A_565 = arith.addi %broadcast_in_dim3A_562, %add3A_564 : vector<16xi32>
      %gather3A_566 = tpu.vector_load_idx %arg7[%iota3A, %add3A_565] : memref<16x20xi32, #tpu.memory_space<vmem>>[vector<16xi32>, vector<16xi32>], vector<16xi32>,
      %swap3A_567 = arith.constant 1 : i32
      %swap3A_568 = arith.index_cast %swap3A_567 : i32 to index
      %swap3A_569 = arith.constant 128 : index
      %swap3A_570 = tpu.vector_load %arg9[%swap3A_568, %swap3A_569] {strides = array<i32>} : memref<2x640xi32, #tpu.memory_space<vmem>>, vector<16xi32>,
      tpu.vector_store %arg9[%swap3A_568, %swap3A_569], %gather3A_566 {strides = array<i32>} : memref<2x640xi32, #tpu.memory_space<vmem>>, vector<16xi32>,
      %broadcast_in_dim3A_571 = arith.constant 0 : i32
      %broadcast_in_dim3A_572 = vector.broadcast %broadcast_in_dim3A_571 : i32 to vector<16xi32>
      %add3A_573 = arith.constant 9 : i32
      %add3A_574 = vector.broadcast %add3A_573 : i32 to vector<16xi32>
      %add3A_575 = arith.addi %broadcast_in_dim3A_572, %add3A_574 : vector<16xi32>
      %gather3A_576 = tpu.vector_load_idx %arg7[%iota3A, %add3A_575] : memref<16x20xi32, #tpu.memory_space<vmem>>[vector<16xi32>, vector<16xi32>], vector<16xi32>,
      %swap3A_577 = arith.constant 1 : i32
      %swap3A_578 = arith.index_cast %swap3A_577 : i32 to index
      %swap3A_579 = arith.constant 144 : index
      %swap3A_580 = tpu.vector_load %arg9[%swap3A_578, %swap3A_579] {strides = array<i32>} : memref<2x640xi32, #tpu.memory_space<vmem>>, vector<16xi32>,
      tpu.vector_store %arg9[%swap3A_578, %swap3A_579], %gather3A_576 {strides = array<i32>} : memref<2x640xi32, #tpu.memory_space<vmem>>, vector<16xi32>,
      %broadcast_in_dim3A_581 = arith.constant 0 : i32
      %broadcast_in_dim3A_582 = vector.broadcast %broadcast_in_dim3A_581 : i32 to vector<16xi32>
      %add3A_583 = arith.constant 10 : i32
      %add3A_584 = vector.broadcast %add3A_583 : i32 to vector<16xi32>
      %add3A_585 = arith.addi %broadcast_in_dim3A_582, %add3A_584 : vector<16xi32>
      %gather3A_586 = tpu.vector_load_idx %arg7[%iota3A, %add3A_585] : memref<16x20xi32, #tpu.memory_space<vmem>>[vector<16xi32>, vector<16xi32>], vector<16xi32>,
      %swap3A_587 = arith.constant 1 : i32
      %swap3A_588 = arith.index_cast %swap3A_587 : i32 to index
      %swap3A_589 = arith.constant 160 : index
      %swap3A_590 = tpu.vector_load %arg9[%swap3A_588, %swap3A_589] {strides = array<i32>} : memref<2x640xi32, #tpu.memory_space<vmem>>, vector<16xi32>,
      tpu.vector_store %arg9[%swap3A_588, %swap3A_589], %gather3A_586 {strides = array<i32>} : memref<2x640xi32, #tpu.memory_space<vmem>>, vector<16xi32>,
      %broadcast_in_dim3A_591 = arith.constant 0 : i32
      %broadcast_in_dim3A_592 = vector.broadcast %broadcast_in_dim3A_591 : i32 to vector<16xi32>
      %add3A_593 = arith.constant 11 : i32
      %add3A_594 = vector.broadcast %add3A_593 : i32 to vector<16xi32>
      %add3A_595 = arith.addi %broadcast_in_dim3A_592, %add3A_594 : vector<16xi32>
      %gather3A_596 = tpu.vector_load_idx %arg7[%iota3A, %add3A_595] : memref<16x20xi32, #tpu.memory_space<vmem>>[vector<16xi32>, vector<16xi32>], vector<16xi32>,
      %swap3A_597 = arith.constant 1 : i32
      %swap3A_598 = arith.index_cast %swap3A_597 : i32 to index
      %swap3A_599 = arith.constant 176 : index
      %swap3A_600 = tpu.vector_load %arg9[%swap3A_598, %swap3A_599] {strides = array<i32>} : memref<2x640xi32, #tpu.memory_space<vmem>>, vector<16xi32>,
      tpu.vector_store %arg9[%swap3A_598, %swap3A_599], %gather3A_596 {strides = array<i32>} : memref<2x640xi32, #tpu.memory_space<vmem>>, vector<16xi32>,
      %broadcast_in_dim3A_601 = arith.constant 0 : i32
      %broadcast_in_dim3A_602 = vector.broadcast %broadcast_in_dim3A_601 : i32 to vector<16xi32>
      %add3A_603 = arith.constant 12 : i32
      %add3A_604 = vector.broadcast %add3A_603 : i32 to vector<16xi32>
      %add3A_605 = arith.addi %broadcast_in_dim3A_602, %add3A_604 : vector<16xi32>
      %gather3A_606 = tpu.vector_load_idx %arg7[%iota3A, %add3A_605] : memref<16x20xi32, #tpu.memory_space<vmem>>[vector<16xi32>, vector<16xi32>], vector<16xi32>,
      %swap3A_607 = arith.constant 1 : i32
      %swap3A_608 = arith.index_cast %swap3A_607 : i32 to index
      %swap3A_609 = arith.constant 192 : index
      %swap3A_610 = tpu.vector_load %arg9[%swap3A_608, %swap3A_609] {strides = array<i32>} : memref<2x640xi32, #tpu.memory_space<vmem>>, vector<16xi32>,
      tpu.vector_store %arg9[%swap3A_608, %swap3A_609], %gather3A_606 {strides = array<i32>} : memref<2x640xi32, #tpu.memory_space<vmem>>, vector<16xi32>,
      %broadcast_in_dim3A_611 = arith.constant 0 : i32
      %broadcast_in_dim3A_612 = vector.broadcast %broadcast_in_dim3A_611 : i32 to vector<16xi32>
      %add3A_613 = arith.constant 13 : i32
      %add3A_614 = vector.broadcast %add3A_613 : i32 to vector<16xi32>
      %add3A_615 = arith.addi %broadcast_in_dim3A_612, %add3A_614 : vector<16xi32>
      %gather3A_616 = tpu.vector_load_idx %arg7[%iota3A, %add3A_615] : memref<16x20xi32, #tpu.memory_space<vmem>>[vector<16xi32>, vector<16xi32>], vector<16xi32>,
      %swap3A_617 = arith.constant 1 : i32
      %swap3A_618 = arith.index_cast %swap3A_617 : i32 to index
      %swap3A_619 = arith.constant 208 : index
      %swap3A_620 = tpu.vector_load %arg9[%swap3A_618, %swap3A_619] {strides = array<i32>} : memref<2x640xi32, #tpu.memory_space<vmem>>, vector<16xi32>,
      tpu.vector_store %arg9[%swap3A_618, %swap3A_619], %gather3A_616 {strides = array<i32>} : memref<2x640xi32, #tpu.memory_space<vmem>>, vector<16xi32>,
      %broadcast_in_dim3A_621 = arith.constant 0 : i32
      %broadcast_in_dim3A_622 = vector.broadcast %broadcast_in_dim3A_621 : i32 to vector<16xi32>
      %add3A_623 = arith.constant 14 : i32
      %add3A_624 = vector.broadcast %add3A_623 : i32 to vector<16xi32>
      %add3A_625 = arith.addi %broadcast_in_dim3A_622, %add3A_624 : vector<16xi32>
      %gather3A_626 = tpu.vector_load_idx %arg7[%iota3A, %add3A_625] : memref<16x20xi32, #tpu.memory_space<vmem>>[vector<16xi32>, vector<16xi32>], vector<16xi32>,
      %swap3A_627 = arith.constant 1 : i32
      %swap3A_628 = arith.index_cast %swap3A_627 : i32 to index
      %swap3A_629 = arith.constant 224 : index
      %swap3A_630 = tpu.vector_load %arg9[%swap3A_628, %swap3A_629] {strides = array<i32>} : memref<2x640xi32, #tpu.memory_space<vmem>>, vector<16xi32>,
      tpu.vector_store %arg9[%swap3A_628, %swap3A_629], %gather3A_626 {strides = array<i32>} : memref<2x640xi32, #tpu.memory_space<vmem>>, vector<16xi32>,
      %broadcast_in_dim3A_631 = arith.constant 0 : i32
      %broadcast_in_dim3A_632 = vector.broadcast %broadcast_in_dim3A_631 : i32 to vector<16xi32>
      %add3A_633 = arith.constant 15 : i32
      %add3A_634 = vector.broadcast %add3A_633 : i32 to vector<16xi32>
      %add3A_635 = arith.addi %broadcast_in_dim3A_632, %add3A_634 : vector<16xi32>
      %gather3A_636 = tpu.vector_load_idx %arg7[%iota3A, %add3A_635] : memref<16x20xi32, #tpu.memory_space<vmem>>[vector<16xi32>, vector<16xi32>], vector<16xi32>,
      %swap3A_637 = arith.constant 1 : i32
      %swap3A_638 = arith.index_cast %swap3A_637 : i32 to index
      %swap3A_639 = arith.constant 240 : index
      %swap3A_640 = tpu.vector_load %arg9[%swap3A_638, %swap3A_639] {strides = array<i32>} : memref<2x640xi32, #tpu.memory_space<vmem>>, vector<16xi32>,
      tpu.vector_store %arg9[%swap3A_638, %swap3A_639], %gather3A_636 {strides = array<i32>} : memref<2x640xi32, #tpu.memory_space<vmem>>, vector<16xi32>,
      %broadcast_in_dim3A_641 = arith.constant 0 : i32
      %broadcast_in_dim3A_642 = vector.broadcast %broadcast_in_dim3A_641 : i32 to vector<16xi32>
      %add3A_643 = arith.constant 16 : i32
      %add3A_644 = vector.broadcast %add3A_643 : i32 to vector<16xi32>
      %add3A_645 = arith.addi %broadcast_in_dim3A_642, %add3A_644 : vector<16xi32>
      %gather3A_646 = tpu.vector_load_idx %arg7[%iota3A, %add3A_645] : memref<16x20xi32, #tpu.memory_space<vmem>>[vector<16xi32>, vector<16xi32>], vector<16xi32>,
      %swap3A_647 = arith.constant 1 : i32
      %swap3A_648 = arith.index_cast %swap3A_647 : i32 to index
      %swap3A_649 = arith.constant 256 : index
      %swap3A_650 = tpu.vector_load %arg9[%swap3A_648, %swap3A_649] {strides = array<i32>} : memref<2x640xi32, #tpu.memory_space<vmem>>, vector<16xi32>,
      tpu.vector_store %arg9[%swap3A_648, %swap3A_649], %gather3A_646 {strides = array<i32>} : memref<2x640xi32, #tpu.memory_space<vmem>>, vector<16xi32>,
      %broadcast_in_dim3A_651 = arith.constant 0 : i32
      %broadcast_in_dim3A_652 = vector.broadcast %broadcast_in_dim3A_651 : i32 to vector<16xi32>
      %add3A_653 = arith.constant 17 : i32
      %add3A_654 = vector.broadcast %add3A_653 : i32 to vector<16xi32>
      %add3A_655 = arith.addi %broadcast_in_dim3A_652, %add3A_654 : vector<16xi32>
      %gather3A_656 = tpu.vector_load_idx %arg7[%iota3A, %add3A_655] : memref<16x20xi32, #tpu.memory_space<vmem>>[vector<16xi32>, vector<16xi32>], vector<16xi32>,
      %swap3A_657 = arith.constant 1 : i32
      %swap3A_658 = arith.index_cast %swap3A_657 : i32 to index
      %swap3A_659 = arith.constant 272 : index
      %swap3A_660 = tpu.vector_load %arg9[%swap3A_658, %swap3A_659] {strides = array<i32>} : memref<2x640xi32, #tpu.memory_space<vmem>>, vector<16xi32>,
      tpu.vector_store %arg9[%swap3A_658, %swap3A_659], %gather3A_656 {strides = array<i32>} : memref<2x640xi32, #tpu.memory_space<vmem>>, vector<16xi32>,
      %broadcast_in_dim3A_661 = arith.constant 0 : i32
      %broadcast_in_dim3A_662 = vector.broadcast %broadcast_in_dim3A_661 : i32 to vector<16xi32>
      %add3A_663 = arith.constant 18 : i32
      %add3A_664 = vector.broadcast %add3A_663 : i32 to vector<16xi32>
      %add3A_665 = arith.addi %broadcast_in_dim3A_662, %add3A_664 : vector<16xi32>
      %gather3A_666 = tpu.vector_load_idx %arg7[%iota3A, %add3A_665] : memref<16x20xi32, #tpu.memory_space<vmem>>[vector<16xi32>, vector<16xi32>], vector<16xi32>,
      %swap3A_667 = arith.constant 1 : i32
      %swap3A_668 = arith.index_cast %swap3A_667 : i32 to index
      %swap3A_669 = arith.constant 288 : index
      %swap3A_670 = tpu.vector_load %arg9[%swap3A_668, %swap3A_669] {strides = array<i32>} : memref<2x640xi32, #tpu.memory_space<vmem>>, vector<16xi32>,
      tpu.vector_store %arg9[%swap3A_668, %swap3A_669], %gather3A_666 {strides = array<i32>} : memref<2x640xi32, #tpu.memory_space<vmem>>, vector<16xi32>,
      %broadcast_in_dim3A_671 = arith.constant 0 : i32
      %broadcast_in_dim3A_672 = vector.broadcast %broadcast_in_dim3A_671 : i32 to vector<16xi32>
      %add3A_673 = arith.constant 19 : i32
      %add3A_674 = vector.broadcast %add3A_673 : i32 to vector<16xi32>
      %add3A_675 = arith.addi %broadcast_in_dim3A_672, %add3A_674 : vector<16xi32>
      %gather3A_676 = tpu.vector_load_idx %arg7[%iota3A, %add3A_675] : memref<16x20xi32, #tpu.memory_space<vmem>>[vector<16xi32>, vector<16xi32>], vector<16xi32>,
      %swap3A_677 = arith.constant 1 : i32
      %swap3A_678 = arith.index_cast %swap3A_677 : i32 to index
      %swap3A_679 = arith.constant 304 : index
      %swap3A_680 = tpu.vector_load %arg9[%swap3A_678, %swap3A_679] {strides = array<i32>} : memref<2x640xi32, #tpu.memory_space<vmem>>, vector<16xi32>,
      tpu.vector_store %arg9[%swap3A_678, %swap3A_679], %gather3A_676 {strides = array<i32>} : memref<2x640xi32, #tpu.memory_space<vmem>>, vector<16xi32>,
      %broadcast_in_dim3A_681 = arith.constant 0 : i32
      %broadcast_in_dim3A_682 = vector.broadcast %broadcast_in_dim3A_681 : i32 to vector<16xi32>
      %add3A_683 = arith.constant 0 : i32
      %add3A_684 = vector.broadcast %add3A_683 : i32 to vector<16xi32>
      %add3A_685 = arith.addi %broadcast_in_dim3A_682, %add3A_684 : vector<16xi32>
      %gather3A_686 = tpu.vector_load_idx %arg8[%iota3A, %add3A_685] : memref<16x20xi32, #tpu.memory_space<vmem>>[vector<16xi32>, vector<16xi32>], vector<16xi32>,
      %swap3A_687 = arith.constant 1 : i32
      %swap3A_688 = arith.index_cast %swap3A_687 : i32 to index
      %swap3A_689 = arith.constant 320 : index
      %swap3A_690 = tpu.vector_load %arg9[%swap3A_688, %swap3A_689] {strides = array<i32>} : memref<2x640xi32, #tpu.memory_space<vmem>>, vector<16xi32>,
      tpu.vector_store %arg9[%swap3A_688, %swap3A_689], %gather3A_686 {strides = array<i32>} : memref<2x640xi32, #tpu.memory_space<vmem>>, vector<16xi32>,
      %broadcast_in_dim3A_691 = arith.constant 0 : i32
      %broadcast_in_dim3A_692 = vector.broadcast %broadcast_in_dim3A_691 : i32 to vector<16xi32>
      %add3A_693 = arith.constant 1 : i32
      %add3A_694 = vector.broadcast %add3A_693 : i32 to vector<16xi32>
      %add3A_695 = arith.addi %broadcast_in_dim3A_692, %add3A_694 : vector<16xi32>
      %gather3A_696 = tpu.vector_load_idx %arg8[%iota3A, %add3A_695] : memref<16x20xi32, #tpu.memory_space<vmem>>[vector<16xi32>, vector<16xi32>], vector<16xi32>,
      %swap3A_697 = arith.constant 1 : i32
      %swap3A_698 = arith.index_cast %swap3A_697 : i32 to index
      %swap3A_699 = arith.constant 336 : index
      %swap3A_700 = tpu.vector_load %arg9[%swap3A_698, %swap3A_699] {strides = array<i32>} : memref<2x640xi32, #tpu.memory_space<vmem>>, vector<16xi32>,
      tpu.vector_store %arg9[%swap3A_698, %swap3A_699], %gather3A_696 {strides = array<i32>} : memref<2x640xi32, #tpu.memory_space<vmem>>, vector<16xi32>,
      %broadcast_in_dim3A_701 = arith.constant 0 : i32
      %broadcast_in_dim3A_702 = vector.broadcast %broadcast_in_dim3A_701 : i32 to vector<16xi32>
      %add3A_703 = arith.constant 2 : i32
      %add3A_704 = vector.broadcast %add3A_703 : i32 to vector<16xi32>
      %add3A_705 = arith.addi %broadcast_in_dim3A_702, %add3A_704 : vector<16xi32>
      %gather3A_706 = tpu.vector_load_idx %arg8[%iota3A, %add3A_705] : memref<16x20xi32, #tpu.memory_space<vmem>>[vector<16xi32>, vector<16xi32>], vector<16xi32>,
      %swap3A_707 = arith.constant 1 : i32
      %swap3A_708 = arith.index_cast %swap3A_707 : i32 to index
      %swap3A_709 = arith.constant 352 : index
      %swap3A_710 = tpu.vector_load %arg9[%swap3A_708, %swap3A_709] {strides = array<i32>} : memref<2x640xi32, #tpu.memory_space<vmem>>, vector<16xi32>,
      tpu.vector_store %arg9[%swap3A_708, %swap3A_709], %gather3A_706 {strides = array<i32>} : memref<2x640xi32, #tpu.memory_space<vmem>>, vector<16xi32>,
      %broadcast_in_dim3A_711 = arith.constant 0 : i32
      %broadcast_in_dim3A_712 = vector.broadcast %broadcast_in_dim3A_711 : i32 to vector<16xi32>
      %add3A_713 = arith.constant 3 : i32
      %add3A_714 = vector.broadcast %add3A_713 : i32 to vector<16xi32>
      %add3A_715 = arith.addi %broadcast_in_dim3A_712, %add3A_714 : vector<16xi32>
      %gather3A_716 = tpu.vector_load_idx %arg8[%iota3A, %add3A_715] : memref<16x20xi32, #tpu.memory_space<vmem>>[vector<16xi32>, vector<16xi32>], vector<16xi32>,
      %swap3A_717 = arith.constant 1 : i32
      %swap3A_718 = arith.index_cast %swap3A_717 : i32 to index
      %swap3A_719 = arith.constant 368 : index
      %swap3A_720 = tpu.vector_load %arg9[%swap3A_718, %swap3A_719] {strides = array<i32>} : memref<2x640xi32, #tpu.memory_space<vmem>>, vector<16xi32>,
      tpu.vector_store %arg9[%swap3A_718, %swap3A_719], %gather3A_716 {strides = array<i32>} : memref<2x640xi32, #tpu.memory_space<vmem>>, vector<16xi32>,
      %broadcast_in_dim3A_721 = arith.constant 0 : i32
      %broadcast_in_dim3A_722 = vector.broadcast %broadcast_in_dim3A_721 : i32 to vector<16xi32>
      %add3A_723 = arith.constant 4 : i32
      %add3A_724 = vector.broadcast %add3A_723 : i32 to vector<16xi32>
      %add3A_725 = arith.addi %broadcast_in_dim3A_722, %add3A_724 : vector<16xi32>
      %gather3A_726 = tpu.vector_load_idx %arg8[%iota3A, %add3A_725] : memref<16x20xi32, #tpu.memory_space<vmem>>[vector<16xi32>, vector<16xi32>], vector<16xi32>,
      %swap3A_727 = arith.constant 1 : i32
      %swap3A_728 = arith.index_cast %swap3A_727 : i32 to index
      %swap3A_729 = arith.constant 384 : index
      %swap3A_730 = tpu.vector_load %arg9[%swap3A_728, %swap3A_729] {strides = array<i32>} : memref<2x640xi32, #tpu.memory_space<vmem>>, vector<16xi32>,
      tpu.vector_store %arg9[%swap3A_728, %swap3A_729], %gather3A_726 {strides = array<i32>} : memref<2x640xi32, #tpu.memory_space<vmem>>, vector<16xi32>,
      %broadcast_in_dim3A_731 = arith.constant 0 : i32
      %broadcast_in_dim3A_732 = vector.broadcast %broadcast_in_dim3A_731 : i32 to vector<16xi32>
      %add3A_733 = arith.constant 5 : i32
      %add3A_734 = vector.broadcast %add3A_733 : i32 to vector<16xi32>
      %add3A_735 = arith.addi %broadcast_in_dim3A_732, %add3A_734 : vector<16xi32>
      %gather3A_736 = tpu.vector_load_idx %arg8[%iota3A, %add3A_735] : memref<16x20xi32, #tpu.memory_space<vmem>>[vector<16xi32>, vector<16xi32>], vector<16xi32>,
      %swap3A_737 = arith.constant 1 : i32
      %swap3A_738 = arith.index_cast %swap3A_737 : i32 to index
      %swap3A_739 = arith.constant 400 : index
      %swap3A_740 = tpu.vector_load %arg9[%swap3A_738, %swap3A_739] {strides = array<i32>} : memref<2x640xi32, #tpu.memory_space<vmem>>, vector<16xi32>,
      tpu.vector_store %arg9[%swap3A_738, %swap3A_739], %gather3A_736 {strides = array<i32>} : memref<2x640xi32, #tpu.memory_space<vmem>>, vector<16xi32>,
      %broadcast_in_dim3A_741 = arith.constant 0 : i32
      %broadcast_in_dim3A_742 = vector.broadcast %broadcast_in_dim3A_741 : i32 to vector<16xi32>
      %add3A_743 = arith.constant 6 : i32
      %add3A_744 = vector.broadcast %add3A_743 : i32 to vector<16xi32>
      %add3A_745 = arith.addi %broadcast_in_dim3A_742, %add3A_744 : vector<16xi32>
      %gather3A_746 = tpu.vector_load_idx %arg8[%iota3A, %add3A_745] : memref<16x20xi32, #tpu.memory_space<vmem>>[vector<16xi32>, vector<16xi32>], vector<16xi32>,
      %swap3A_747 = arith.constant 1 : i32
      %swap3A_748 = arith.index_cast %swap3A_747 : i32 to index
      %swap3A_749 = arith.constant 416 : index
      %swap3A_750 = tpu.vector_load %arg9[%swap3A_748, %swap3A_749] {strides = array<i32>} : memref<2x640xi32, #tpu.memory_space<vmem>>, vector<16xi32>,
      tpu.vector_store %arg9[%swap3A_748, %swap3A_749], %gather3A_746 {strides = array<i32>} : memref<2x640xi32, #tpu.memory_space<vmem>>, vector<16xi32>,
      %broadcast_in_dim3A_751 = arith.constant 0 : i32
      %broadcast_in_dim3A_752 = vector.broadcast %broadcast_in_dim3A_751 : i32 to vector<16xi32>
      %add3A_753 = arith.constant 7 : i32
      %add3A_754 = vector.broadcast %add3A_753 : i32 to vector<16xi32>
      %add3A_755 = arith.addi %broadcast_in_dim3A_752, %add3A_754 : vector<16xi32>
      %gather3A_756 = tpu.vector_load_idx %arg8[%iota3A, %add3A_755] : memref<16x20xi32, #tpu.memory_space<vmem>>[vector<16xi32>, vector<16xi32>], vector<16xi32>,
      %swap3A_757 = arith.constant 1 : i32
      %swap3A_758 = arith.index_cast %swap3A_757 : i32 to index
      %swap3A_759 = arith.constant 432 : index
      %swap3A_760 = tpu.vector_load %arg9[%swap3A_758, %swap3A_759] {strides = array<i32>} : memref<2x640xi32, #tpu.memory_space<vmem>>, vector<16xi32>,
      tpu.vector_store %arg9[%swap3A_758, %swap3A_759], %gather3A_756 {strides = array<i32>} : memref<2x640xi32, #tpu.memory_space<vmem>>, vector<16xi32>,
      %broadcast_in_dim3A_761 = arith.constant 0 : i32
      %broadcast_in_dim3A_762 = vector.broadcast %broadcast_in_dim3A_761 : i32 to vector<16xi32>
      %add3A_763 = arith.constant 8 : i32
      %add3A_764 = vector.broadcast %add3A_763 : i32 to vector<16xi32>
      %add3A_765 = arith.addi %broadcast_in_dim3A_762, %add3A_764 : vector<16xi32>
      %gather3A_766 = tpu.vector_load_idx %arg8[%iota3A, %add3A_765] : memref<16x20xi32, #tpu.memory_space<vmem>>[vector<16xi32>, vector<16xi32>], vector<16xi32>,
      %swap3A_767 = arith.constant 1 : i32
      %swap3A_768 = arith.index_cast %swap3A_767 : i32 to index
      %swap3A_769 = arith.constant 448 : index
      %swap3A_770 = tpu.vector_load %arg9[%swap3A_768, %swap3A_769] {strides = array<i32>} : memref<2x640xi32, #tpu.memory_space<vmem>>, vector<16xi32>,
      tpu.vector_store %arg9[%swap3A_768, %swap3A_769], %gather3A_766 {strides = array<i32>} : memref<2x640xi32, #tpu.memory_space<vmem>>, vector<16xi32>,
      %broadcast_in_dim3A_771 = arith.constant 0 : i32
      %broadcast_in_dim3A_772 = vector.broadcast %broadcast_in_dim3A_771 : i32 to vector<16xi32>
      %add3A_773 = arith.constant 9 : i32
      %add3A_774 = vector.broadcast %add3A_773 : i32 to vector<16xi32>
      %add3A_775 = arith.addi %broadcast_in_dim3A_772, %add3A_774 : vector<16xi32>
      %gather3A_776 = tpu.vector_load_idx %arg8[%iota3A, %add3A_775] : memref<16x20xi32, #tpu.memory_space<vmem>>[vector<16xi32>, vector<16xi32>], vector<16xi32>,
      %swap3A_777 = arith.constant 1 : i32
      %swap3A_778 = arith.index_cast %swap3A_777 : i32 to index
      %swap3A_779 = arith.constant 464 : index
      %swap3A_780 = tpu.vector_load %arg9[%swap3A_778, %swap3A_779] {strides = array<i32>} : memref<2x640xi32, #tpu.memory_space<vmem>>, vector<16xi32>,
      tpu.vector_store %arg9[%swap3A_778, %swap3A_779], %gather3A_776 {strides = array<i32>} : memref<2x640xi32, #tpu.memory_space<vmem>>, vector<16xi32>,
      %broadcast_in_dim3A_781 = arith.constant 0 : i32
      %broadcast_in_dim3A_782 = vector.broadcast %broadcast_in_dim3A_781 : i32 to vector<16xi32>
      %add3A_783 = arith.constant 10 : i32
      %add3A_784 = vector.broadcast %add3A_783 : i32 to vector<16xi32>
      %add3A_785 = arith.addi %broadcast_in_dim3A_782, %add3A_784 : vector<16xi32>
      %gather3A_786 = tpu.vector_load_idx %arg8[%iota3A, %add3A_785] : memref<16x20xi32, #tpu.memory_space<vmem>>[vector<16xi32>, vector<16xi32>], vector<16xi32>,
      %swap3A_787 = arith.constant 1 : i32
      %swap3A_788 = arith.index_cast %swap3A_787 : i32 to index
      %swap3A_789 = arith.constant 480 : index
      %swap3A_790 = tpu.vector_load %arg9[%swap3A_788, %swap3A_789] {strides = array<i32>} : memref<2x640xi32, #tpu.memory_space<vmem>>, vector<16xi32>,
      tpu.vector_store %arg9[%swap3A_788, %swap3A_789], %gather3A_786 {strides = array<i32>} : memref<2x640xi32, #tpu.memory_space<vmem>>, vector<16xi32>,
      %broadcast_in_dim3A_791 = arith.constant 0 : i32
      %broadcast_in_dim3A_792 = vector.broadcast %broadcast_in_dim3A_791 : i32 to vector<16xi32>
      %add3A_793 = arith.constant 11 : i32
      %add3A_794 = vector.broadcast %add3A_793 : i32 to vector<16xi32>
      %add3A_795 = arith.addi %broadcast_in_dim3A_792, %add3A_794 : vector<16xi32>
      %gather3A_796 = tpu.vector_load_idx %arg8[%iota3A, %add3A_795] : memref<16x20xi32, #tpu.memory_space<vmem>>[vector<16xi32>, vector<16xi32>], vector<16xi32>,
      %swap3A_797 = arith.constant 1 : i32
      %swap3A_798 = arith.index_cast %swap3A_797 : i32 to index
      %swap3A_799 = arith.constant 496 : index
      %swap3A_800 = tpu.vector_load %arg9[%swap3A_798, %swap3A_799] {strides = array<i32>} : memref<2x640xi32, #tpu.memory_space<vmem>>, vector<16xi32>,
      tpu.vector_store %arg9[%swap3A_798, %swap3A_799], %gather3A_796 {strides = array<i32>} : memref<2x640xi32, #tpu.memory_space<vmem>>, vector<16xi32>,
      %broadcast_in_dim3A_801 = arith.constant 0 : i32
      %broadcast_in_dim3A_802 = vector.broadcast %broadcast_in_dim3A_801 : i32 to vector<16xi32>
      %add3A_803 = arith.constant 12 : i32
      %add3A_804 = vector.broadcast %add3A_803 : i32 to vector<16xi32>
      %add3A_805 = arith.addi %broadcast_in_dim3A_802, %add3A_804 : vector<16xi32>
      %gather3A_806 = tpu.vector_load_idx %arg8[%iota3A, %add3A_805] : memref<16x20xi32, #tpu.memory_space<vmem>>[vector<16xi32>, vector<16xi32>], vector<16xi32>,
      %swap3A_807 = arith.constant 1 : i32
      %swap3A_808 = arith.index_cast %swap3A_807 : i32 to index
      %swap3A_809 = arith.constant 512 : index
      %swap3A_810 = tpu.vector_load %arg9[%swap3A_808, %swap3A_809] {strides = array<i32>} : memref<2x640xi32, #tpu.memory_space<vmem>>, vector<16xi32>,
      tpu.vector_store %arg9[%swap3A_808, %swap3A_809], %gather3A_806 {strides = array<i32>} : memref<2x640xi32, #tpu.memory_space<vmem>>, vector<16xi32>,
      %broadcast_in_dim3A_811 = arith.constant 0 : i32
      %broadcast_in_dim3A_812 = vector.broadcast %broadcast_in_dim3A_811 : i32 to vector<16xi32>
      %add3A_813 = arith.constant 13 : i32
      %add3A_814 = vector.broadcast %add3A_813 : i32 to vector<16xi32>
      %add3A_815 = arith.addi %broadcast_in_dim3A_812, %add3A_814 : vector<16xi32>
      %gather3A_816 = tpu.vector_load_idx %arg8[%iota3A, %add3A_815] : memref<16x20xi32, #tpu.memory_space<vmem>>[vector<16xi32>, vector<16xi32>], vector<16xi32>,
      %swap3A_817 = arith.constant 1 : i32
      %swap3A_818 = arith.index_cast %swap3A_817 : i32 to index
      %swap3A_819 = arith.constant 528 : index
      %swap3A_820 = tpu.vector_load %arg9[%swap3A_818, %swap3A_819] {strides = array<i32>} : memref<2x640xi32, #tpu.memory_space<vmem>>, vector<16xi32>,
      tpu.vector_store %arg9[%swap3A_818, %swap3A_819], %gather3A_816 {strides = array<i32>} : memref<2x640xi32, #tpu.memory_space<vmem>>, vector<16xi32>,
      %broadcast_in_dim3A_821 = arith.constant 0 : i32
      %broadcast_in_dim3A_822 = vector.broadcast %broadcast_in_dim3A_821 : i32 to vector<16xi32>
      %add3A_823 = arith.constant 14 : i32
      %add3A_824 = vector.broadcast %add3A_823 : i32 to vector<16xi32>
      %add3A_825 = arith.addi %broadcast_in_dim3A_822, %add3A_824 : vector<16xi32>
      %gather3A_826 = tpu.vector_load_idx %arg8[%iota3A, %add3A_825] : memref<16x20xi32, #tpu.memory_space<vmem>>[vector<16xi32>, vector<16xi32>], vector<16xi32>,
      %swap3A_827 = arith.constant 1 : i32
      %swap3A_828 = arith.index_cast %swap3A_827 : i32 to index
      %swap3A_829 = arith.constant 544 : index
      %swap3A_830 = tpu.vector_load %arg9[%swap3A_828, %swap3A_829] {strides = array<i32>} : memref<2x640xi32, #tpu.memory_space<vmem>>, vector<16xi32>,
      tpu.vector_store %arg9[%swap3A_828, %swap3A_829], %gather3A_826 {strides = array<i32>} : memref<2x640xi32, #tpu.memory_space<vmem>>, vector<16xi32>,
      %broadcast_in_dim3A_831 = arith.constant 0 : i32
      %broadcast_in_dim3A_832 = vector.broadcast %broadcast_in_dim3A_831 : i32 to vector<16xi32>
      %add3A_833 = arith.constant 15 : i32
      %add3A_834 = vector.broadcast %add3A_833 : i32 to vector<16xi32>
      %add3A_835 = arith.addi %broadcast_in_dim3A_832, %add3A_834 : vector<16xi32>
      %gather3A_836 = tpu.vector_load_idx %arg8[%iota3A, %add3A_835] : memref<16x20xi32, #tpu.memory_space<vmem>>[vector<16xi32>, vector<16xi32>], vector<16xi32>,
      %swap3A_837 = arith.constant 1 : i32
      %swap3A_838 = arith.index_cast %swap3A_837 : i32 to index
      %swap3A_839 = arith.constant 560 : index
      %swap3A_840 = tpu.vector_load %arg9[%swap3A_838, %swap3A_839] {strides = array<i32>} : memref<2x640xi32, #tpu.memory_space<vmem>>, vector<16xi32>,
      tpu.vector_store %arg9[%swap3A_838, %swap3A_839], %gather3A_836 {strides = array<i32>} : memref<2x640xi32, #tpu.memory_space<vmem>>, vector<16xi32>,
      %broadcast_in_dim3A_841 = arith.constant 0 : i32
      %broadcast_in_dim3A_842 = vector.broadcast %broadcast_in_dim3A_841 : i32 to vector<16xi32>
      %add3A_843 = arith.constant 16 : i32
      %add3A_844 = vector.broadcast %add3A_843 : i32 to vector<16xi32>
      %add3A_845 = arith.addi %broadcast_in_dim3A_842, %add3A_844 : vector<16xi32>
      %gather3A_846 = tpu.vector_load_idx %arg8[%iota3A, %add3A_845] : memref<16x20xi32, #tpu.memory_space<vmem>>[vector<16xi32>, vector<16xi32>], vector<16xi32>,
      %swap3A_847 = arith.constant 1 : i32
      %swap3A_848 = arith.index_cast %swap3A_847 : i32 to index
      %swap3A_849 = arith.constant 576 : index
      %swap3A_850 = tpu.vector_load %arg9[%swap3A_848, %swap3A_849] {strides = array<i32>} : memref<2x640xi32, #tpu.memory_space<vmem>>, vector<16xi32>,
      tpu.vector_store %arg9[%swap3A_848, %swap3A_849], %gather3A_846 {strides = array<i32>} : memref<2x640xi32, #tpu.memory_space<vmem>>, vector<16xi32>,
      %broadcast_in_dim3A_851 = arith.constant 0 : i32
      %broadcast_in_dim3A_852 = vector.broadcast %broadcast_in_dim3A_851 : i32 to vector<16xi32>
      %add3A_853 = arith.constant 17 : i32
      %add3A_854 = vector.broadcast %add3A_853 : i32 to vector<16xi32>
      %add3A_855 = arith.addi %broadcast_in_dim3A_852, %add3A_854 : vector<16xi32>
      %gather3A_856 = tpu.vector_load_idx %arg8[%iota3A, %add3A_855] : memref<16x20xi32, #tpu.memory_space<vmem>>[vector<16xi32>, vector<16xi32>], vector<16xi32>,
      %swap3A_857 = arith.constant 1 : i32
      %swap3A_858 = arith.index_cast %swap3A_857 : i32 to index
      %swap3A_859 = arith.constant 592 : index
      %swap3A_860 = tpu.vector_load %arg9[%swap3A_858, %swap3A_859] {strides = array<i32>} : memref<2x640xi32, #tpu.memory_space<vmem>>, vector<16xi32>,
      tpu.vector_store %arg9[%swap3A_858, %swap3A_859], %gather3A_856 {strides = array<i32>} : memref<2x640xi32, #tpu.memory_space<vmem>>, vector<16xi32>,
      %broadcast_in_dim3A_861 = arith.constant 0 : i32
      %broadcast_in_dim3A_862 = vector.broadcast %broadcast_in_dim3A_861 : i32 to vector<16xi32>
      %add3A_863 = arith.constant 18 : i32
      %add3A_864 = vector.broadcast %add3A_863 : i32 to vector<16xi32>
      %add3A_865 = arith.addi %broadcast_in_dim3A_862, %add3A_864 : vector<16xi32>
      %gather3A_866 = tpu.vector_load_idx %arg8[%iota3A, %add3A_865] : memref<16x20xi32, #tpu.memory_space<vmem>>[vector<16xi32>, vector<16xi32>], vector<16xi32>,
      %swap3A_867 = arith.constant 1 : i32
      %swap3A_868 = arith.index_cast %swap3A_867 : i32 to index
      %swap3A_869 = arith.constant 608 : index
      %swap3A_870 = tpu.vector_load %arg9[%swap3A_868, %swap3A_869] {strides = array<i32>} : memref<2x640xi32, #tpu.memory_space<vmem>>, vector<16xi32>,
      tpu.vector_store %arg9[%swap3A_868, %swap3A_869], %gather3A_866 {strides = array<i32>} : memref<2x640xi32, #tpu.memory_space<vmem>>, vector<16xi32>,
      %broadcast_in_dim3A_871 = arith.constant 0 : i32
      %broadcast_in_dim3A_872 = vector.broadcast %broadcast_in_dim3A_871 : i32 to vector<16xi32>
      %add3A_873 = arith.constant 19 : i32
      %add3A_874 = vector.broadcast %add3A_873 : i32 to vector<16xi32>
      %add3A_875 = arith.addi %broadcast_in_dim3A_872, %add3A_874 : vector<16xi32>
      %gather3A_876 = tpu.vector_load_idx %arg8[%iota3A, %add3A_875] : memref<16x20xi32, #tpu.memory_space<vmem>>[vector<16xi32>, vector<16xi32>], vector<16xi32>,
      %swap3A_877 = arith.constant 1 : i32
      %swap3A_878 = arith.index_cast %swap3A_877 : i32 to index
      %swap3A_879 = arith.constant 624 : index
      %swap3A_880 = tpu.vector_load %arg9[%swap3A_878, %swap3A_879] {strides = array<i32>} : memref<2x640xi32, #tpu.memory_space<vmem>>, vector<16xi32>,
      tpu.vector_store %arg9[%swap3A_878, %swap3A_879], %gather3A_876 {strides = array<i32>} : memref<2x640xi32, #tpu.memory_space<vmem>>, vector<16xi32>,
      %dma_start3A_881 = arith.constant 1 : i32
      %dma_start3A_882 = arith.constant 1 : i32
      %dma_start3A_883 = arith.constant 0 : i32
      %dma_start3A_884 = arith.constant 0 : i32
      %dma_start3A_885 = tpu.memref_slice %arg10[%dma_start3A_882, %dma_start3A_883, %dma_start3A_884] : memref<2x640x64xf32, #tpu.memory_space<vmem>> -> memref<1x128x64xf32, #tpu.memory_space<vmem>>
      %dma_start3A_886 = tpu.memref_squeeze %dma_start3A_885 : memref<1x128x64xf32, #tpu.memory_space<vmem>> -> memref<128x64xf32, #tpu.memory_space<vmem>>
      %dma_start3A_887 = arith.constant 0 : i32
      %dma_start3A_888 = tpu.memref_slice %arg9[%dma_start3A_881, %dma_start3A_887] : memref<2x640xi32, #tpu.memory_space<vmem>> -> memref<1x128xi32, #tpu.memory_space<vmem>>
      %dma_start3A_889 = tpu.memref_squeeze %dma_start3A_888 : memref<1x128xi32, #tpu.memory_space<vmem>> -> memref<128xi32, #tpu.memory_space<vmem>>
      %dma_start3A_890 = arith.constant 0 : i32
      %dma_start3A_891 = arith.constant 0 : i32
      %dma_start3A_892 = tpu.memref_slice %arg4[%dma_start3A_890, %dma_start3A_891] : memref<1000000x64xf32, #tpu.memory_space<hbm>> -> memref<1000000x64xf32, #tpu.memory_space<hbm>>
      tpu.enqueue_indirect_dma source(%dma_start3A_892 : memref<1000000x64xf32, #tpu.memory_space<hbm>>) target(%dma_start3A_886 : memref<128x64xf32, #tpu.memory_space<vmem>>) offsets(%dma_start3A_889 : memref<128xi32, #tpu.memory_space<vmem>>) semaphore(%arg14 : memref<!tpu.dma_semaphore, #tpu.memory_space<semaphore_mem>>)
      %dma_start3A_893 = arith.constant 1 : i32
      %dma_start3A_894 = arith.constant 1 : i32
      %dma_start3A_895 = arith.constant 128 : i32
      %dma_start3A_896 = arith.constant 0 : i32
      %dma_start3A_897 = tpu.memref_slice %arg10[%dma_start3A_894, %dma_start3A_895, %dma_start3A_896] : memref<2x640x64xf32, #tpu.memory_space<vmem>> -> memref<1x128x64xf32, #tpu.memory_space<vmem>>
      %dma_start3A_898 = tpu.memref_squeeze %dma_start3A_897 : memref<1x128x64xf32, #tpu.memory_space<vmem>> -> memref<128x64xf32, #tpu.memory_space<vmem>>
      %dma_start3A_899 = arith.constant 128 : i32
      %dma_start3A_900 = tpu.memref_slice %arg9[%dma_start3A_893, %dma_start3A_899] : memref<2x640xi32, #tpu.memory_space<vmem>> -> memref<1x128xi32, #tpu.memory_space<vmem>>
      %dma_start3A_901 = tpu.memref_squeeze %dma_start3A_900 : memref<1x128xi32, #tpu.memory_space<vmem>> -> memref<128xi32, #tpu.memory_space<vmem>>
      %dma_start3A_902 = arith.constant 0 : i32
      %dma_start3A_903 = arith.constant 0 : i32
      %dma_start3A_904 = tpu.memref_slice %arg4[%dma_start3A_902, %dma_start3A_903] : memref<1000000x64xf32, #tpu.memory_space<hbm>> -> memref<1000000x64xf32, #tpu.memory_space<hbm>>
      tpu.enqueue_indirect_dma source(%dma_start3A_904 : memref<1000000x64xf32, #tpu.memory_space<hbm>>) target(%dma_start3A_898 : memref<128x64xf32, #tpu.memory_space<vmem>>) offsets(%dma_start3A_901 : memref<128xi32, #tpu.memory_space<vmem>>) semaphore(%arg14 : memref<!tpu.dma_semaphore, #tpu.memory_space<semaphore_mem>>)
      %dma_start3A_905 = arith.constant 1 : i32
      %dma_start3A_906 = arith.constant 1 : i32
      %dma_start3A_907 = arith.constant 256 : i32
      %dma_start3A_908 = arith.constant 0 : i32
      %dma_start3A_909 = tpu.memref_slice %arg10[%dma_start3A_906, %dma_start3A_907, %dma_start3A_908] : memref<2x640x64xf32, #tpu.memory_space<vmem>> -> memref<1x128x64xf32, #tpu.memory_space<vmem>>
      %dma_start3A_910 = tpu.memref_squeeze %dma_start3A_909 : memref<1x128x64xf32, #tpu.memory_space<vmem>> -> memref<128x64xf32, #tpu.memory_space<vmem>>
      %dma_start3A_911 = arith.constant 256 : i32
      %dma_start3A_912 = tpu.memref_slice %arg9[%dma_start3A_905, %dma_start3A_911] : memref<2x640xi32, #tpu.memory_space<vmem>> -> memref<1x128xi32, #tpu.memory_space<vmem>>
      %dma_start3A_913 = tpu.memref_squeeze %dma_start3A_912 : memref<1x128xi32, #tpu.memory_space<vmem>> -> memref<128xi32, #tpu.memory_space<vmem>>
      %dma_start3A_914 = arith.constant 0 : i32
      %dma_start3A_915 = arith.constant 0 : i32
      %dma_start3A_916 = tpu.memref_slice %arg4[%dma_start3A_914, %dma_start3A_915] : memref<1000000x64xf32, #tpu.memory_space<hbm>> -> memref<1000000x64xf32, #tpu.memory_space<hbm>>
      tpu.enqueue_indirect_dma source(%dma_start3A_916 : memref<1000000x64xf32, #tpu.memory_space<hbm>>) target(%dma_start3A_910 : memref<128x64xf32, #tpu.memory_space<vmem>>) offsets(%dma_start3A_913 : memref<128xi32, #tpu.memory_space<vmem>>) semaphore(%arg14 : memref<!tpu.dma_semaphore, #tpu.memory_space<semaphore_mem>>)
      %dma_start3A_917 = arith.constant 1 : i32
      %dma_start3A_918 = arith.constant 1 : i32
      %dma_start3A_919 = arith.constant 384 : i32
      %dma_start3A_920 = arith.constant 0 : i32
      %dma_start3A_921 = tpu.memref_slice %arg10[%dma_start3A_918, %dma_start3A_919, %dma_start3A_920] : memref<2x640x64xf32, #tpu.memory_space<vmem>> -> memref<1x128x64xf32, #tpu.memory_space<vmem>>
      %dma_start3A_922 = tpu.memref_squeeze %dma_start3A_921 : memref<1x128x64xf32, #tpu.memory_space<vmem>> -> memref<128x64xf32, #tpu.memory_space<vmem>>
      %dma_start3A_923 = arith.constant 384 : i32
      %dma_start3A_924 = tpu.memref_slice %arg9[%dma_start3A_917, %dma_start3A_923] : memref<2x640xi32, #tpu.memory_space<vmem>> -> memref<1x128xi32, #tpu.memory_space<vmem>>
      %dma_start3A_925 = tpu.memref_squeeze %dma_start3A_924 : memref<1x128xi32, #tpu.memory_space<vmem>> -> memref<128xi32, #tpu.memory_space<vmem>>
      %dma_start3A_926 = arith.constant 0 : i32
      %dma_start3A_927 = arith.constant 0 : i32
      %dma_start3A_928 = tpu.memref_slice %arg4[%dma_start3A_926, %dma_start3A_927] : memref<1000000x64xf32, #tpu.memory_space<hbm>> -> memref<1000000x64xf32, #tpu.memory_space<hbm>>
      tpu.enqueue_indirect_dma source(%dma_start3A_928 : memref<1000000x64xf32, #tpu.memory_space<hbm>>) target(%dma_start3A_922 : memref<128x64xf32, #tpu.memory_space<vmem>>) offsets(%dma_start3A_925 : memref<128xi32, #tpu.memory_space<vmem>>) semaphore(%arg14 : memref<!tpu.dma_semaphore, #tpu.memory_space<semaphore_mem>>)
      %dma_start3A_929 = arith.constant 1 : i32
      %dma_start3A_930 = arith.constant 1 : i32
      %dma_start3A_931 = arith.constant 512 : i32
      %dma_start3A_932 = arith.constant 0 : i32
      %dma_start3A_933 = tpu.memref_slice %arg10[%dma_start3A_930, %dma_start3A_931, %dma_start3A_932] : memref<2x640x64xf32, #tpu.memory_space<vmem>> -> memref<1x128x64xf32, #tpu.memory_space<vmem>>
      %dma_start3A_934 = tpu.memref_squeeze %dma_start3A_933 : memref<1x128x64xf32, #tpu.memory_space<vmem>> -> memref<128x64xf32, #tpu.memory_space<vmem>>
      %dma_start3A_935 = arith.constant 512 : i32
      %dma_start3A_936 = tpu.memref_slice %arg9[%dma_start3A_929, %dma_start3A_935] : memref<2x640xi32, #tpu.memory_space<vmem>> -> memref<1x128xi32, #tpu.memory_space<vmem>>
      %dma_start3A_937 = tpu.memref_squeeze %dma_start3A_936 : memref<1x128xi32, #tpu.memory_space<vmem>> -> memref<128xi32, #tpu.memory_space<vmem>>
      %dma_start3A_938 = arith.constant 0 : i32
      %dma_start3A_939 = arith.constant 0 : i32
      %dma_start3A_940 = tpu.memref_slice %arg4[%dma_start3A_938, %dma_start3A_939] : memref<1000000x64xf32, #tpu.memory_space<hbm>> -> memref<1000000x64xf32, #tpu.memory_space<hbm>>
      tpu.enqueue_indirect_dma source(%dma_start3A_940 : memref<1000000x64xf32, #tpu.memory_space<hbm>>) target(%dma_start3A_934 : memref<128x64xf32, #tpu.memory_space<vmem>>) offsets(%dma_start3A_937 : memref<128xi32, #tpu.memory_space<vmem>>) semaphore(%arg14 : memref<!tpu.dma_semaphore, #tpu.memory_space<semaphore_mem>>)
      %dma_wait3A = arith.constant 0 : i32
      %dma_wait3A_941 = arith.constant 0 : i32
      %dma_wait3A_942 = arith.constant 0 : i32
      %dma_wait3A_943 = arith.constant 0 : i32
      %dma_wait3A_944 = tpu.memref_slice %arg10[%dma_wait3A_941, %dma_wait3A_942, %dma_wait3A_943] : memref<2x640x64xf32, #tpu.memory_space<vmem>> -> memref<1x128x64xf32, #tpu.memory_space<vmem>>
      %dma_wait3A_945 = tpu.memref_squeeze %dma_wait3A_944 : memref<1x128x64xf32, #tpu.memory_space<vmem>> -> memref<128x64xf32, #tpu.memory_space<vmem>>
      %dma_wait3A_946 = arith.constant 0 : i32
      %dma_wait3A_947 = tpu.memref_slice %arg9[%dma_wait3A, %dma_wait3A_946] : memref<2x640xi32, #tpu.memory_space<vmem>> -> memref<1x128xi32, #tpu.memory_space<vmem>>
      %dma_wait3A_948 = tpu.memref_squeeze %dma_wait3A_947 : memref<1x128xi32, #tpu.memory_space<vmem>> -> memref<128xi32, #tpu.memory_space<vmem>>
      %dma_wait3A_949 = arith.constant 0 : i32
      %dma_wait3A_950 = arith.constant 0 : i32
      %dma_wait3A_951 = tpu.memref_slice %arg4[%dma_wait3A_949, %dma_wait3A_950] : memref<1000000x64xf32, #tpu.memory_space<hbm>> -> memref<1000000x64xf32, #tpu.memory_space<hbm>>
      tpu.wait_indirect_dma semaphore(%arg13 : memref<!tpu.dma_semaphore, #tpu.memory_space<semaphore_mem>>) src(%dma_wait3A_951 : memref<1000000x64xf32, #tpu.memory_space<hbm>>) dst(%dma_wait3A_945 : memref<128x64xf32, #tpu.memory_space<vmem>>)
      %dma_wait3A_952 = arith.constant 0 : i32
      %dma_wait3A_953 = arith.constant 0 : i32
      %dma_wait3A_954 = arith.constant 128 : i32
      %dma_wait3A_955 = arith.constant 0 : i32
      %dma_wait3A_956 = tpu.memref_slice %arg10[%dma_wait3A_953, %dma_wait3A_954, %dma_wait3A_955] : memref<2x640x64xf32, #tpu.memory_space<vmem>> -> memref<1x128x64xf32, #tpu.memory_space<vmem>>
      %dma_wait3A_957 = tpu.memref_squeeze %dma_wait3A_956 : memref<1x128x64xf32, #tpu.memory_space<vmem>> -> memref<128x64xf32, #tpu.memory_space<vmem>>
      %dma_wait3A_958 = arith.constant 128 : i32
      %dma_wait3A_959 = tpu.memref_slice %arg9[%dma_wait3A_952, %dma_wait3A_958] : memref<2x640xi32, #tpu.memory_space<vmem>> -> memref<1x128xi32, #tpu.memory_space<vmem>>
      %dma_wait3A_960 = tpu.memref_squeeze %dma_wait3A_959 : memref<1x128xi32, #tpu.memory_space<vmem>> -> memref<128xi32, #tpu.memory_space<vmem>>
      %dma_wait3A_961 = arith.constant 0 : i32
      %dma_wait3A_962 = arith.constant 0 : i32
      %dma_wait3A_963 = tpu.memref_slice %arg4[%dma_wait3A_961, %dma_wait3A_962] : memref<1000000x64xf32, #tpu.memory_space<hbm>> -> memref<1000000x64xf32, #tpu.memory_space<hbm>>
      tpu.wait_indirect_dma semaphore(%arg13 : memref<!tpu.dma_semaphore, #tpu.memory_space<semaphore_mem>>) src(%dma_wait3A_963 : memref<1000000x64xf32, #tpu.memory_space<hbm>>) dst(%dma_wait3A_957 : memref<128x64xf32, #tpu.memory_space<vmem>>)
      %dma_wait3A_964 = arith.constant 0 : i32
      %dma_wait3A_965 = arith.constant 0 : i32
      %dma_wait3A_966 = arith.constant 256 : i32
      %dma_wait3A_967 = arith.constant 0 : i32
      %dma_wait3A_968 = tpu.memref_slice %arg10[%dma_wait3A_965, %dma_wait3A_966, %dma_wait3A_967] : memref<2x640x64xf32, #tpu.memory_space<vmem>> -> memref<1x128x64xf32, #tpu.memory_space<vmem>>
      %dma_wait3A_969 = tpu.memref_squeeze %dma_wait3A_968 : memref<1x128x64xf32, #tpu.memory_space<vmem>> -> memref<128x64xf32, #tpu.memory_space<vmem>>
      %dma_wait3A_970 = arith.constant 256 : i32
      %dma_wait3A_971 = tpu.memref_slice %arg9[%dma_wait3A_964, %dma_wait3A_970] : memref<2x640xi32, #tpu.memory_space<vmem>> -> memref<1x128xi32, #tpu.memory_space<vmem>>
      %dma_wait3A_972 = tpu.memref_squeeze %dma_wait3A_971 : memref<1x128xi32, #tpu.memory_space<vmem>> -> memref<128xi32, #tpu.memory_space<vmem>>
      %dma_wait3A_973 = arith.constant 0 : i32
      %dma_wait3A_974 = arith.constant 0 : i32
      %dma_wait3A_975 = tpu.memref_slice %arg4[%dma_wait3A_973, %dma_wait3A_974] : memref<1000000x64xf32, #tpu.memory_space<hbm>> -> memref<1000000x64xf32, #tpu.memory_space<hbm>>
      tpu.wait_indirect_dma semaphore(%arg13 : memref<!tpu.dma_semaphore, #tpu.memory_space<semaphore_mem>>) src(%dma_wait3A_975 : memref<1000000x64xf32, #tpu.memory_space<hbm>>) dst(%dma_wait3A_969 : memref<128x64xf32, #tpu.memory_space<vmem>>)
      %dma_wait3A_976 = arith.constant 0 : i32
      %dma_wait3A_977 = arith.constant 0 : i32
      %dma_wait3A_978 = arith.constant 384 : i32
      %dma_wait3A_979 = arith.constant 0 : i32
      %dma_wait3A_980 = tpu.memref_slice %arg10[%dma_wait3A_977, %dma_wait3A_978, %dma_wait3A_979] : memref<2x640x64xf32, #tpu.memory_space<vmem>> -> memref<1x128x64xf32, #tpu.memory_space<vmem>>
      %dma_wait3A_981 = tpu.memref_squeeze %dma_wait3A_980 : memref<1x128x64xf32, #tpu.memory_space<vmem>> -> memref<128x64xf32, #tpu.memory_space<vmem>>
      %dma_wait3A_982 = arith.constant 384 : i32
      %dma_wait3A_983 = tpu.memref_slice %arg9[%dma_wait3A_976, %dma_wait3A_982] : memref<2x640xi32, #tpu.memory_space<vmem>> -> memref<1x128xi32, #tpu.memory_space<vmem>>
      %dma_wait3A_984 = tpu.memref_squeeze %dma_wait3A_983 : memref<1x128xi32, #tpu.memory_space<vmem>> -> memref<128xi32, #tpu.memory_space<vmem>>
      %dma_wait3A_985 = arith.constant 0 : i32
      %dma_wait3A_986 = arith.constant 0 : i32
      %dma_wait3A_987 = tpu.memref_slice %arg4[%dma_wait3A_985, %dma_wait3A_986] : memref<1000000x64xf32, #tpu.memory_space<hbm>> -> memref<1000000x64xf32, #tpu.memory_space<hbm>>
      tpu.wait_indirect_dma semaphore(%arg13 : memref<!tpu.dma_semaphore, #tpu.memory_space<semaphore_mem>>) src(%dma_wait3A_987 : memref<1000000x64xf32, #tpu.memory_space<hbm>>) dst(%dma_wait3A_981 : memref<128x64xf32, #tpu.memory_space<vmem>>)
      %dma_wait3A_988 = arith.constant 0 : i32
      %dma_wait3A_989 = arith.constant 0 : i32
      %dma_wait3A_990 = arith.constant 512 : i32
      %dma_wait3A_991 = arith.constant 0 : i32
      %dma_wait3A_992 = tpu.memref_slice %arg10[%dma_wait3A_989, %dma_wait3A_990, %dma_wait3A_991] : memref<2x640x64xf32, #tpu.memory_space<vmem>> -> memref<1x128x64xf32, #tpu.memory_space<vmem>>
      %dma_wait3A_993 = tpu.memref_squeeze %dma_wait3A_992 : memref<1x128x64xf32, #tpu.memory_space<vmem>> -> memref<128x64xf32, #tpu.memory_space<vmem>>
      %dma_wait3A_994 = arith.constant 512 : i32
      %dma_wait3A_995 = tpu.memref_slice %arg9[%dma_wait3A_988, %dma_wait3A_994] : memref<2x640xi32, #tpu.memory_space<vmem>> -> memref<1x128xi32, #tpu.memory_space<vmem>>
      %dma_wait3A_996 = tpu.memref_squeeze %dma_wait3A_995 : memref<1x128xi32, #tpu.memory_space<vmem>> -> memref<128xi32, #tpu.memory_space<vmem>>
      %dma_wait3A_997 = arith.constant 0 : i32
      %dma_wait3A_998 = arith.constant 0 : i32
      %dma_wait3A_999 = tpu.memref_slice %arg4[%dma_wait3A_997, %dma_wait3A_998] : memref<1000000x64xf32, #tpu.memory_space<hbm>> -> memref<1000000x64xf32, #tpu.memory_space<hbm>>
      tpu.wait_indirect_dma semaphore(%arg13 : memref<!tpu.dma_semaphore, #tpu.memory_space<semaphore_mem>>) src(%dma_wait3A_999 : memref<1000000x64xf32, #tpu.memory_space<hbm>>) dst(%dma_wait3A_993 : memref<128x64xf32, #tpu.memory_space<vmem>>)
      %broadcast_in_dim3A_1000 = arith.constant 0.000000e+00 : f32
      %broadcast_in_dim3A_1001 = vector.broadcast %broadcast_in_dim3A_1000 : f32 to vector<16xf32>
      %parallel_loop3A = arith.constant 0 : i32
      %parallel_loop3A_1002 = arith.constant 64 : i32
      %parallel_loop3A_1003 = arith.constant 1 : i32
      %parallel_loop3A_1004 = arith.constant 0 : i32
      %parallel_loop3A_1005:9 = scf.for %parallel_loop3A_1325 = %parallel_loop3A to %parallel_loop3A_1002 step %parallel_loop3A_1003 iter_args(%parallel_loop3A_1326 = %broadcast_in_dim3A_1001, %parallel_loop3A_1327 = %broadcast_in_dim3A_1001, %parallel_loop3A_1328 = %broadcast_in_dim3A_1001, %parallel_loop3A_1329 = %broadcast_in_dim3A_1001, %parallel_loop3A_1330 = %broadcast_in_dim3A_1001, %parallel_loop3A_1331 = %broadcast_in_dim3A_1001, %parallel_loop3A_1332 = %broadcast_in_dim3A_1001, %parallel_loop3A_1333 = %broadcast_in_dim3A_1001, %parallel_loop3A_1334 = %broadcast_in_dim3A_1001) -> (vector<16xf32>, vector<16xf32>, vector<16xf32>, vector<16xf32>, vector<16xf32>, vector<16xf32>, vector<16xf32>, vector<16xf32>, vector<16xf32>)  : i32 {
        %parallel_loop3A_1335 = vector.broadcast %parallel_loop3A_1325 : i32 to vector<16xi32>
        %parallel_loop3A_1336 = arith.addi %iota3A, %parallel_loop3A_1335 : vector<16xi32>
        %parallel_loop3A_1337 = arith.constant 63 : i32
        %parallel_loop3A_1338 = vector.broadcast %parallel_loop3A_1337 : i32 to vector<16xi32>
        %parallel_loop3A_1339 = arith.andi %parallel_loop3A_1336, %parallel_loop3A_1338 : vector<16xi32>
        %parallel_loop3A_1340 = arith.constant 0 : i32
        %parallel_loop3A_1341 = arith.constant 0 : i32
        %parallel_loop3A_1342 = tpu.memref_slice %arg10[%parallel_loop3A_1004, %parallel_loop3A_1340, %parallel_loop3A_1341] : memref<2x640x64xf32, #tpu.memory_space<vmem>> -> memref<1x640x64xf32, #tpu.memory_space<vmem>>
        %parallel_loop3A_1343 = tpu.memref_squeeze %parallel_loop3A_1342 : memref<1x640x64xf32, #tpu.memory_space<vmem>> -> memref<640x64xf32, #tpu.memory_space<vmem>>
        %parallel_loop3A_1344 = tpu.vector_load_idx %parallel_loop3A_1343[%iota3A, %parallel_loop3A_1339] : memref<640x64xf32, #tpu.memory_space<vmem>>[vector<16xi32>, vector<16xi32>], vector<16xf32>,
        %parallel_loop3A_1345 = arith.constant 16 : i32
        %parallel_loop3A_1346 = vector.broadcast %parallel_loop3A_1345 : i32 to vector<16xi32>
        %parallel_loop3A_1347 = arith.addi %parallel_loop3A_1346, %iota3A : vector<16xi32>
        %parallel_loop3A_1348 = arith.constant 0 : i32
        %parallel_loop3A_1349 = arith.constant 0 : i32
        %parallel_loop3A_1350 = tpu.memref_slice %arg10[%parallel_loop3A_1004, %parallel_loop3A_1348, %parallel_loop3A_1349] : memref<2x640x64xf32, #tpu.memory_space<vmem>> -> memref<1x640x64xf32, #tpu.memory_space<vmem>>
        %parallel_loop3A_1351 = tpu.memref_squeeze %parallel_loop3A_1350 : memref<1x640x64xf32, #tpu.memory_space<vmem>> -> memref<640x64xf32, #tpu.memory_space<vmem>>
        %parallel_loop3A_1352 = tpu.vector_load_idx %parallel_loop3A_1351[%parallel_loop3A_1347, %parallel_loop3A_1339] : memref<640x64xf32, #tpu.memory_space<vmem>>[vector<16xi32>, vector<16xi32>], vector<16xf32>,
        %parallel_loop3A_1353 = arith.mulf %parallel_loop3A_1344, %parallel_loop3A_1352 : vector<16xf32>
        %parallel_loop3A_1354 = arith.addf %parallel_loop3A_1326, %parallel_loop3A_1353 : vector<16xf32>
        %parallel_loop3A_1355 = arith.constant 32 : i32
        %parallel_loop3A_1356 = vector.broadcast %parallel_loop3A_1355 : i32 to vector<16xi32>
        %parallel_loop3A_1357 = arith.addi %parallel_loop3A_1356, %iota3A : vector<16xi32>
        %parallel_loop3A_1358 = arith.constant 0 : i32
        %parallel_loop3A_1359 = arith.constant 0 : i32
        %parallel_loop3A_1360 = tpu.memref_slice %arg10[%parallel_loop3A_1004, %parallel_loop3A_1358, %parallel_loop3A_1359] : memref<2x640x64xf32, #tpu.memory_space<vmem>> -> memref<1x640x64xf32, #tpu.memory_space<vmem>>
        %parallel_loop3A_1361 = tpu.memref_squeeze %parallel_loop3A_1360 : memref<1x640x64xf32, #tpu.memory_space<vmem>> -> memref<640x64xf32, #tpu.memory_space<vmem>>
        %parallel_loop3A_1362 = tpu.vector_load_idx %parallel_loop3A_1361[%parallel_loop3A_1357, %parallel_loop3A_1339] : memref<640x64xf32, #tpu.memory_space<vmem>>[vector<16xi32>, vector<16xi32>], vector<16xf32>,
        %parallel_loop3A_1363 = arith.mulf %parallel_loop3A_1344, %parallel_loop3A_1362 : vector<16xf32>
        %parallel_loop3A_1364 = arith.addf %parallel_loop3A_1327, %parallel_loop3A_1363 : vector<16xf32>
        %parallel_loop3A_1365 = arith.constant 48 : i32
        %parallel_loop3A_1366 = vector.broadcast %parallel_loop3A_1365 : i32 to vector<16xi32>
        %parallel_loop3A_1367 = arith.addi %parallel_loop3A_1366, %iota3A : vector<16xi32>
        %parallel_loop3A_1368 = arith.constant 0 : i32
        %parallel_loop3A_1369 = arith.constant 0 : i32
        %parallel_loop3A_1370 = tpu.memref_slice %arg10[%parallel_loop3A_1004, %parallel_loop3A_1368, %parallel_loop3A_1369] : memref<2x640x64xf32, #tpu.memory_space<vmem>> -> memref<1x640x64xf32, #tpu.memory_space<vmem>>
        %parallel_loop3A_1371 = tpu.memref_squeeze %parallel_loop3A_1370 : memref<1x640x64xf32, #tpu.memory_space<vmem>> -> memref<640x64xf32, #tpu.memory_space<vmem>>
        %parallel_loop3A_1372 = tpu.vector_load_idx %parallel_loop3A_1371[%parallel_loop3A_1367, %parallel_loop3A_1339] : memref<640x64xf32, #tpu.memory_space<vmem>>[vector<16xi32>, vector<16xi32>], vector<16xf32>,
        %parallel_loop3A_1373 = arith.mulf %parallel_loop3A_1344, %parallel_loop3A_1372 : vector<16xf32>
        %parallel_loop3A_1374 = arith.addf %parallel_loop3A_1328, %parallel_loop3A_1373 : vector<16xf32>
        %parallel_loop3A_1375 = arith.constant 64 : i32
        %parallel_loop3A_1376 = vector.broadcast %parallel_loop3A_1375 : i32 to vector<16xi32>
        %parallel_loop3A_1377 = arith.addi %parallel_loop3A_1376, %iota3A : vector<16xi32>
        %parallel_loop3A_1378 = arith.constant 0 : i32
        %parallel_loop3A_1379 = arith.constant 0 : i32
        %parallel_loop3A_1380 = tpu.memref_slice %arg10[%parallel_loop3A_1004, %parallel_loop3A_1378, %parallel_loop3A_1379] : memref<2x640x64xf32, #tpu.memory_space<vmem>> -> memref<1x640x64xf32, #tpu.memory_space<vmem>>
        %parallel_loop3A_1381 = tpu.memref_squeeze %parallel_loop3A_1380 : memref<1x640x64xf32, #tpu.memory_space<vmem>> -> memref<640x64xf32, #tpu.memory_space<vmem>>
        %parallel_loop3A_1382 = tpu.vector_load_idx %parallel_loop3A_1381[%parallel_loop3A_1377, %parallel_loop3A_1339] : memref<640x64xf32, #tpu.memory_space<vmem>>[vector<16xi32>, vector<16xi32>], vector<16xf32>,
        %parallel_loop3A_1383 = arith.mulf %parallel_loop3A_1344, %parallel_loop3A_1382 : vector<16xf32>
        %parallel_loop3A_1384 = arith.addf %parallel_loop3A_1329, %parallel_loop3A_1383 : vector<16xf32>
        %parallel_loop3A_1385 = arith.constant 80 : i32
        %parallel_loop3A_1386 = vector.broadcast %parallel_loop3A_1385 : i32 to vector<16xi32>
        %parallel_loop3A_1387 = arith.addi %parallel_loop3A_1386, %iota3A : vector<16xi32>
        %parallel_loop3A_1388 = arith.constant 0 : i32
        %parallel_loop3A_1389 = arith.constant 0 : i32
        %parallel_loop3A_1390 = tpu.memref_slice %arg10[%parallel_loop3A_1004, %parallel_loop3A_1388, %parallel_loop3A_1389] : memref<2x640x64xf32, #tpu.memory_space<vmem>> -> memref<1x640x64xf32, #tpu.memory_space<vmem>>
        %parallel_loop3A_1391 = tpu.memref_squeeze %parallel_loop3A_1390 : memref<1x640x64xf32, #tpu.memory_space<vmem>> -> memref<640x64xf32, #tpu.memory_space<vmem>>
        %parallel_loop3A_1392 = tpu.vector_load_idx %parallel_loop3A_1391[%parallel_loop3A_1387, %parallel_loop3A_1339] : memref<640x64xf32, #tpu.memory_space<vmem>>[vector<16xi32>, vector<16xi32>], vector<16xf32>,
        %parallel_loop3A_1393 = arith.mulf %parallel_loop3A_1344, %parallel_loop3A_1392 : vector<16xf32>
        %parallel_loop3A_1394 = arith.addf %parallel_loop3A_1330, %parallel_loop3A_1393 : vector<16xf32>
        %parallel_loop3A_1395 = arith.constant 96 : i32
        %parallel_loop3A_1396 = vector.broadcast %parallel_loop3A_1395 : i32 to vector<16xi32>
        %parallel_loop3A_1397 = arith.addi %parallel_loop3A_1396, %iota3A : vector<16xi32>
        %parallel_loop3A_1398 = arith.constant 0 : i32
        %parallel_loop3A_1399 = arith.constant 0 : i32
        %parallel_loop3A_1400 = tpu.memref_slice %arg10[%parallel_loop3A_1004, %parallel_loop3A_1398, %parallel_loop3A_1399] : memref<2x640x64xf32, #tpu.memory_space<vmem>> -> memref<1x640x64xf32, #tpu.memory_space<vmem>>
        %parallel_loop3A_1401 = tpu.memref_squeeze %parallel_loop3A_1400 : memref<1x640x64xf32, #tpu.memory_space<vmem>> -> memref<640x64xf32, #tpu.memory_space<vmem>>
        %parallel_loop3A_1402 = tpu.vector_load_idx %parallel_loop3A_1401[%parallel_loop3A_1397, %parallel_loop3A_1339] : memref<640x64xf32, #tpu.memory_space<vmem>>[vector<16xi32>, vector<16xi32>], vector<16xf32>,
        %parallel_loop3A_1403 = arith.mulf %parallel_loop3A_1344, %parallel_loop3A_1402 : vector<16xf32>
        %parallel_loop3A_1404 = arith.addf %parallel_loop3A_1331, %parallel_loop3A_1403 : vector<16xf32>
        %parallel_loop3A_1405 = arith.constant 112 : i32
        %parallel_loop3A_1406 = vector.broadcast %parallel_loop3A_1405 : i32 to vector<16xi32>
        %parallel_loop3A_1407 = arith.addi %parallel_loop3A_1406, %iota3A : vector<16xi32>
        %parallel_loop3A_1408 = arith.constant 0 : i32
        %parallel_loop3A_1409 = arith.constant 0 : i32
        %parallel_loop3A_1410 = tpu.memref_slice %arg10[%parallel_loop3A_1004, %parallel_loop3A_1408, %parallel_loop3A_1409] : memref<2x640x64xf32, #tpu.memory_space<vmem>> -> memref<1x640x64xf32, #tpu.memory_space<vmem>>
        %parallel_loop3A_1411 = tpu.memref_squeeze %parallel_loop3A_1410 : memref<1x640x64xf32, #tpu.memory_space<vmem>> -> memref<640x64xf32, #tpu.memory_space<vmem>>
        %parallel_loop3A_1412 = tpu.vector_load_idx %parallel_loop3A_1411[%parallel_loop3A_1407, %parallel_loop3A_1339] : memref<640x64xf32, #tpu.memory_space<vmem>>[vector<16xi32>, vector<16xi32>], vector<16xf32>,
        %parallel_loop3A_1413 = arith.mulf %parallel_loop3A_1344, %parallel_loop3A_1412 : vector<16xf32>
        %parallel_loop3A_1414 = arith.addf %parallel_loop3A_1332, %parallel_loop3A_1413 : vector<16xf32>
        %parallel_loop3A_1415 = arith.constant 128 : i32
        %parallel_loop3A_1416 = vector.broadcast %parallel_loop3A_1415 : i32 to vector<16xi32>
        %parallel_loop3A_1417 = arith.addi %parallel_loop3A_1416, %iota3A : vector<16xi32>
        %parallel_loop3A_1418 = arith.constant 0 : i32
        %parallel_loop3A_1419 = arith.constant 0 : i32
        %parallel_loop3A_1420 = tpu.memref_slice %arg10[%parallel_loop3A_1004, %parallel_loop3A_1418, %parallel_loop3A_1419] : memref<2x640x64xf32, #tpu.memory_space<vmem>> -> memref<1x640x64xf32, #tpu.memory_space<vmem>>
        %parallel_loop3A_1421 = tpu.memref_squeeze %parallel_loop3A_1420 : memref<1x640x64xf32, #tpu.memory_space<vmem>> -> memref<640x64xf32, #tpu.memory_space<vmem>>
        %parallel_loop3A_1422 = tpu.vector_load_idx %parallel_loop3A_1421[%parallel_loop3A_1417, %parallel_loop3A_1339] : memref<640x64xf32, #tpu.memory_space<vmem>>[vector<16xi32>, vector<16xi32>], vector<16xf32>,
        %parallel_loop3A_1423 = arith.mulf %parallel_loop3A_1344, %parallel_loop3A_1422 : vector<16xf32>
        %parallel_loop3A_1424 = arith.addf %parallel_loop3A_1333, %parallel_loop3A_1423 : vector<16xf32>
        %parallel_loop3A_1425 = arith.constant 144 : i32
        %parallel_loop3A_1426 = vector.broadcast %parallel_loop3A_1425 : i32 to vector<16xi32>
        %parallel_loop3A_1427 = arith.addi %parallel_loop3A_1426, %iota3A : vector<16xi32>
        %parallel_loop3A_1428 = arith.constant 0 : i32
        %parallel_loop3A_1429 = arith.constant 0 : i32
        %parallel_loop3A_1430 = tpu.memref_slice %arg10[%parallel_loop3A_1004, %parallel_loop3A_1428, %parallel_loop3A_1429] : memref<2x640x64xf32, #tpu.memory_space<vmem>> -> memref<1x640x64xf32, #tpu.memory_space<vmem>>
        %parallel_loop3A_1431 = tpu.memref_squeeze %parallel_loop3A_1430 : memref<1x640x64xf32, #tpu.memory_space<vmem>> -> memref<640x64xf32, #tpu.memory_space<vmem>>
        %parallel_loop3A_1432 = tpu.vector_load_idx %parallel_loop3A_1431[%parallel_loop3A_1427, %parallel_loop3A_1339] : memref<640x64xf32, #tpu.memory_space<vmem>>[vector<16xi32>, vector<16xi32>], vector<16xf32>,
        %parallel_loop3A_1433 = arith.mulf %parallel_loop3A_1344, %parallel_loop3A_1432 : vector<16xf32>
        %parallel_loop3A_1434 = arith.addf %parallel_loop3A_1334, %parallel_loop3A_1433 : vector<16xf32>
        scf.yield %parallel_loop3A_1354, %parallel_loop3A_1364, %parallel_loop3A_1374, %parallel_loop3A_1384, %parallel_loop3A_1394, %parallel_loop3A_1404, %parallel_loop3A_1414, %parallel_loop3A_1424, %parallel_loop3A_1434 : vector<16xf32>, vector<16xf32>, vector<16xf32>, vector<16xf32>, vector<16xf32>, vector<16xf32>, vector<16xf32>, vector<16xf32>, vector<16xf32>
      } {sc.loop_unroll_factor = 1 : i64, sc.parallel_access}
      %broadcast_in_dim3A_1006 = arith.constant 0.000000e+00 : f32
      %broadcast_in_dim3A_1007 = vector.broadcast %broadcast_in_dim3A_1006 : f32 to vector<16xf32>
      %parallel_loop3A_1008 = arith.constant 0 : i32
      %parallel_loop3A_1009 = arith.constant 64 : i32
      %parallel_loop3A_1010 = arith.constant 1 : i32
      %parallel_loop3A_1011 = arith.constant 0 : i32
      %parallel_loop3A_1012:10 = scf.for %parallel_loop3A_1325 = %parallel_loop3A_1008 to %parallel_loop3A_1009 step %parallel_loop3A_1010 iter_args(%parallel_loop3A_1326 = %broadcast_in_dim3A_1007, %parallel_loop3A_1327 = %broadcast_in_dim3A_1007, %parallel_loop3A_1328 = %broadcast_in_dim3A_1007, %parallel_loop3A_1329 = %broadcast_in_dim3A_1007, %parallel_loop3A_1330 = %broadcast_in_dim3A_1007, %parallel_loop3A_1331 = %broadcast_in_dim3A_1007, %parallel_loop3A_1332 = %broadcast_in_dim3A_1007, %parallel_loop3A_1333 = %broadcast_in_dim3A_1007, %parallel_loop3A_1334 = %broadcast_in_dim3A_1007, %parallel_loop3A_1335 = %broadcast_in_dim3A_1007) -> (vector<16xf32>, vector<16xf32>, vector<16xf32>, vector<16xf32>, vector<16xf32>, vector<16xf32>, vector<16xf32>, vector<16xf32>, vector<16xf32>, vector<16xf32>)  : i32 {
        %parallel_loop3A_1336 = vector.broadcast %parallel_loop3A_1325 : i32 to vector<16xi32>
        %parallel_loop3A_1337 = arith.addi %iota3A, %parallel_loop3A_1336 : vector<16xi32>
        %parallel_loop3A_1338 = arith.constant 63 : i32
        %parallel_loop3A_1339 = vector.broadcast %parallel_loop3A_1338 : i32 to vector<16xi32>
        %parallel_loop3A_1340 = arith.andi %parallel_loop3A_1337, %parallel_loop3A_1339 : vector<16xi32>
        %parallel_loop3A_1341 = arith.constant 0 : i32
        %parallel_loop3A_1342 = arith.constant 0 : i32
        %parallel_loop3A_1343 = tpu.memref_slice %arg10[%parallel_loop3A_1011, %parallel_loop3A_1341, %parallel_loop3A_1342] : memref<2x640x64xf32, #tpu.memory_space<vmem>> -> memref<1x640x64xf32, #tpu.memory_space<vmem>>
        %parallel_loop3A_1344 = tpu.memref_squeeze %parallel_loop3A_1343 : memref<1x640x64xf32, #tpu.memory_space<vmem>> -> memref<640x64xf32, #tpu.memory_space<vmem>>
        %parallel_loop3A_1345 = tpu.vector_load_idx %parallel_loop3A_1344[%iota3A, %parallel_loop3A_1340] : memref<640x64xf32, #tpu.memory_space<vmem>>[vector<16xi32>, vector<16xi32>], vector<16xf32>,
        %parallel_loop3A_1346 = arith.constant 160 : i32
        %parallel_loop3A_1347 = vector.broadcast %parallel_loop3A_1346 : i32 to vector<16xi32>
        %parallel_loop3A_1348 = arith.addi %parallel_loop3A_1347, %iota3A : vector<16xi32>
        %parallel_loop3A_1349 = arith.constant 0 : i32
        %parallel_loop3A_1350 = arith.constant 0 : i32
        %parallel_loop3A_1351 = tpu.memref_slice %arg10[%parallel_loop3A_1011, %parallel_loop3A_1349, %parallel_loop3A_1350] : memref<2x640x64xf32, #tpu.memory_space<vmem>> -> memref<1x640x64xf32, #tpu.memory_space<vmem>>
        %parallel_loop3A_1352 = tpu.memref_squeeze %parallel_loop3A_1351 : memref<1x640x64xf32, #tpu.memory_space<vmem>> -> memref<640x64xf32, #tpu.memory_space<vmem>>
        %parallel_loop3A_1353 = tpu.vector_load_idx %parallel_loop3A_1352[%parallel_loop3A_1348, %parallel_loop3A_1340] : memref<640x64xf32, #tpu.memory_space<vmem>>[vector<16xi32>, vector<16xi32>], vector<16xf32>,
        %parallel_loop3A_1354 = arith.mulf %parallel_loop3A_1345, %parallel_loop3A_1353 : vector<16xf32>
        %parallel_loop3A_1355 = arith.addf %parallel_loop3A_1326, %parallel_loop3A_1354 : vector<16xf32>
        %parallel_loop3A_1356 = arith.constant 176 : i32
        %parallel_loop3A_1357 = vector.broadcast %parallel_loop3A_1356 : i32 to vector<16xi32>
        %parallel_loop3A_1358 = arith.addi %parallel_loop3A_1357, %iota3A : vector<16xi32>
        %parallel_loop3A_1359 = arith.constant 0 : i32
        %parallel_loop3A_1360 = arith.constant 0 : i32
        %parallel_loop3A_1361 = tpu.memref_slice %arg10[%parallel_loop3A_1011, %parallel_loop3A_1359, %parallel_loop3A_1360] : memref<2x640x64xf32, #tpu.memory_space<vmem>> -> memref<1x640x64xf32, #tpu.memory_space<vmem>>
        %parallel_loop3A_1362 = tpu.memref_squeeze %parallel_loop3A_1361 : memref<1x640x64xf32, #tpu.memory_space<vmem>> -> memref<640x64xf32, #tpu.memory_space<vmem>>
        %parallel_loop3A_1363 = tpu.vector_load_idx %parallel_loop3A_1362[%parallel_loop3A_1358, %parallel_loop3A_1340] : memref<640x64xf32, #tpu.memory_space<vmem>>[vector<16xi32>, vector<16xi32>], vector<16xf32>,
        %parallel_loop3A_1364 = arith.mulf %parallel_loop3A_1345, %parallel_loop3A_1363 : vector<16xf32>
        %parallel_loop3A_1365 = arith.addf %parallel_loop3A_1327, %parallel_loop3A_1364 : vector<16xf32>
        %parallel_loop3A_1366 = arith.constant 192 : i32
        %parallel_loop3A_1367 = vector.broadcast %parallel_loop3A_1366 : i32 to vector<16xi32>
        %parallel_loop3A_1368 = arith.addi %parallel_loop3A_1367, %iota3A : vector<16xi32>
        %parallel_loop3A_1369 = arith.constant 0 : i32
        %parallel_loop3A_1370 = arith.constant 0 : i32
        %parallel_loop3A_1371 = tpu.memref_slice %arg10[%parallel_loop3A_1011, %parallel_loop3A_1369, %parallel_loop3A_1370] : memref<2x640x64xf32, #tpu.memory_space<vmem>> -> memref<1x640x64xf32, #tpu.memory_space<vmem>>
        %parallel_loop3A_1372 = tpu.memref_squeeze %parallel_loop3A_1371 : memref<1x640x64xf32, #tpu.memory_space<vmem>> -> memref<640x64xf32, #tpu.memory_space<vmem>>
        %parallel_loop3A_1373 = tpu.vector_load_idx %parallel_loop3A_1372[%parallel_loop3A_1368, %parallel_loop3A_1340] : memref<640x64xf32, #tpu.memory_space<vmem>>[vector<16xi32>, vector<16xi32>], vector<16xf32>,
        %parallel_loop3A_1374 = arith.mulf %parallel_loop3A_1345, %parallel_loop3A_1373 : vector<16xf32>
        %parallel_loop3A_1375 = arith.addf %parallel_loop3A_1328, %parallel_loop3A_1374 : vector<16xf32>
        %parallel_loop3A_1376 = arith.constant 208 : i32
        %parallel_loop3A_1377 = vector.broadcast %parallel_loop3A_1376 : i32 to vector<16xi32>
        %parallel_loop3A_1378 = arith.addi %parallel_loop3A_1377, %iota3A : vector<16xi32>
        %parallel_loop3A_1379 = arith.constant 0 : i32
        %parallel_loop3A_1380 = arith.constant 0 : i32
        %parallel_loop3A_1381 = tpu.memref_slice %arg10[%parallel_loop3A_1011, %parallel_loop3A_1379, %parallel_loop3A_1380] : memref<2x640x64xf32, #tpu.memory_space<vmem>> -> memref<1x640x64xf32, #tpu.memory_space<vmem>>
        %parallel_loop3A_1382 = tpu.memref_squeeze %parallel_loop3A_1381 : memref<1x640x64xf32, #tpu.memory_space<vmem>> -> memref<640x64xf32, #tpu.memory_space<vmem>>
        %parallel_loop3A_1383 = tpu.vector_load_idx %parallel_loop3A_1382[%parallel_loop3A_1378, %parallel_loop3A_1340] : memref<640x64xf32, #tpu.memory_space<vmem>>[vector<16xi32>, vector<16xi32>], vector<16xf32>,
        %parallel_loop3A_1384 = arith.mulf %parallel_loop3A_1345, %parallel_loop3A_1383 : vector<16xf32>
        %parallel_loop3A_1385 = arith.addf %parallel_loop3A_1329, %parallel_loop3A_1384 : vector<16xf32>
        %parallel_loop3A_1386 = arith.constant 224 : i32
        %parallel_loop3A_1387 = vector.broadcast %parallel_loop3A_1386 : i32 to vector<16xi32>
        %parallel_loop3A_1388 = arith.addi %parallel_loop3A_1387, %iota3A : vector<16xi32>
        %parallel_loop3A_1389 = arith.constant 0 : i32
        %parallel_loop3A_1390 = arith.constant 0 : i32
        %parallel_loop3A_1391 = tpu.memref_slice %arg10[%parallel_loop3A_1011, %parallel_loop3A_1389, %parallel_loop3A_1390] : memref<2x640x64xf32, #tpu.memory_space<vmem>> -> memref<1x640x64xf32, #tpu.memory_space<vmem>>
        %parallel_loop3A_1392 = tpu.memref_squeeze %parallel_loop3A_1391 : memref<1x640x64xf32, #tpu.memory_space<vmem>> -> memref<640x64xf32, #tpu.memory_space<vmem>>
        %parallel_loop3A_1393 = tpu.vector_load_idx %parallel_loop3A_1392[%parallel_loop3A_1388, %parallel_loop3A_1340] : memref<640x64xf32, #tpu.memory_space<vmem>>[vector<16xi32>, vector<16xi32>], vector<16xf32>,
        %parallel_loop3A_1394 = arith.mulf %parallel_loop3A_1345, %parallel_loop3A_1393 : vector<16xf32>
        %parallel_loop3A_1395 = arith.addf %parallel_loop3A_1330, %parallel_loop3A_1394 : vector<16xf32>
        %parallel_loop3A_1396 = arith.constant 240 : i32
        %parallel_loop3A_1397 = vector.broadcast %parallel_loop3A_1396 : i32 to vector<16xi32>
        %parallel_loop3A_1398 = arith.addi %parallel_loop3A_1397, %iota3A : vector<16xi32>
        %parallel_loop3A_1399 = arith.constant 0 : i32
        %parallel_loop3A_1400 = arith.constant 0 : i32
        %parallel_loop3A_1401 = tpu.memref_slice %arg10[%parallel_loop3A_1011, %parallel_loop3A_1399, %parallel_loop3A_1400] : memref<2x640x64xf32, #tpu.memory_space<vmem>> -> memref<1x640x64xf32, #tpu.memory_space<vmem>>
        %parallel_loop3A_1402 = tpu.memref_squeeze %parallel_loop3A_1401 : memref<1x640x64xf32, #tpu.memory_space<vmem>> -> memref<640x64xf32, #tpu.memory_space<vmem>>
        %parallel_loop3A_1403 = tpu.vector_load_idx %parallel_loop3A_1402[%parallel_loop3A_1398, %parallel_loop3A_1340] : memref<640x64xf32, #tpu.memory_space<vmem>>[vector<16xi32>, vector<16xi32>], vector<16xf32>,
        %parallel_loop3A_1404 = arith.mulf %parallel_loop3A_1345, %parallel_loop3A_1403 : vector<16xf32>
        %parallel_loop3A_1405 = arith.addf %parallel_loop3A_1331, %parallel_loop3A_1404 : vector<16xf32>
        %parallel_loop3A_1406 = arith.constant 256 : i32
        %parallel_loop3A_1407 = vector.broadcast %parallel_loop3A_1406 : i32 to vector<16xi32>
        %parallel_loop3A_1408 = arith.addi %parallel_loop3A_1407, %iota3A : vector<16xi32>
        %parallel_loop3A_1409 = arith.constant 0 : i32
        %parallel_loop3A_1410 = arith.constant 0 : i32
        %parallel_loop3A_1411 = tpu.memref_slice %arg10[%parallel_loop3A_1011, %parallel_loop3A_1409, %parallel_loop3A_1410] : memref<2x640x64xf32, #tpu.memory_space<vmem>> -> memref<1x640x64xf32, #tpu.memory_space<vmem>>
        %parallel_loop3A_1412 = tpu.memref_squeeze %parallel_loop3A_1411 : memref<1x640x64xf32, #tpu.memory_space<vmem>> -> memref<640x64xf32, #tpu.memory_space<vmem>>
        %parallel_loop3A_1413 = tpu.vector_load_idx %parallel_loop3A_1412[%parallel_loop3A_1408, %parallel_loop3A_1340] : memref<640x64xf32, #tpu.memory_space<vmem>>[vector<16xi32>, vector<16xi32>], vector<16xf32>,
        %parallel_loop3A_1414 = arith.mulf %parallel_loop3A_1345, %parallel_loop3A_1413 : vector<16xf32>
        %parallel_loop3A_1415 = arith.addf %parallel_loop3A_1332, %parallel_loop3A_1414 : vector<16xf32>
        %parallel_loop3A_1416 = arith.constant 272 : i32
        %parallel_loop3A_1417 = vector.broadcast %parallel_loop3A_1416 : i32 to vector<16xi32>
        %parallel_loop3A_1418 = arith.addi %parallel_loop3A_1417, %iota3A : vector<16xi32>
        %parallel_loop3A_1419 = arith.constant 0 : i32
        %parallel_loop3A_1420 = arith.constant 0 : i32
        %parallel_loop3A_1421 = tpu.memref_slice %arg10[%parallel_loop3A_1011, %parallel_loop3A_1419, %parallel_loop3A_1420] : memref<2x640x64xf32, #tpu.memory_space<vmem>> -> memref<1x640x64xf32, #tpu.memory_space<vmem>>
        %parallel_loop3A_1422 = tpu.memref_squeeze %parallel_loop3A_1421 : memref<1x640x64xf32, #tpu.memory_space<vmem>> -> memref<640x64xf32, #tpu.memory_space<vmem>>
        %parallel_loop3A_1423 = tpu.vector_load_idx %parallel_loop3A_1422[%parallel_loop3A_1418, %parallel_loop3A_1340] : memref<640x64xf32, #tpu.memory_space<vmem>>[vector<16xi32>, vector<16xi32>], vector<16xf32>,
        %parallel_loop3A_1424 = arith.mulf %parallel_loop3A_1345, %parallel_loop3A_1423 : vector<16xf32>
        %parallel_loop3A_1425 = arith.addf %parallel_loop3A_1333, %parallel_loop3A_1424 : vector<16xf32>
        %parallel_loop3A_1426 = arith.constant 288 : i32
        %parallel_loop3A_1427 = vector.broadcast %parallel_loop3A_1426 : i32 to vector<16xi32>
        %parallel_loop3A_1428 = arith.addi %parallel_loop3A_1427, %iota3A : vector<16xi32>
        %parallel_loop3A_1429 = arith.constant 0 : i32
        %parallel_loop3A_1430 = arith.constant 0 : i32
        %parallel_loop3A_1431 = tpu.memref_slice %arg10[%parallel_loop3A_1011, %parallel_loop3A_1429, %parallel_loop3A_1430] : memref<2x640x64xf32, #tpu.memory_space<vmem>> -> memref<1x640x64xf32, #tpu.memory_space<vmem>>
        %parallel_loop3A_1432 = tpu.memref_squeeze %parallel_loop3A_1431 : memref<1x640x64xf32, #tpu.memory_space<vmem>> -> memref<640x64xf32, #tpu.memory_space<vmem>>
        %parallel_loop3A_1433 = tpu.vector_load_idx %parallel_loop3A_1432[%parallel_loop3A_1428, %parallel_loop3A_1340] : memref<640x64xf32, #tpu.memory_space<vmem>>[vector<16xi32>, vector<16xi32>], vector<16xf32>,
        %parallel_loop3A_1434 = arith.mulf %parallel_loop3A_1345, %parallel_loop3A_1433 : vector<16xf32>
        %parallel_loop3A_1435 = arith.addf %parallel_loop3A_1334, %parallel_loop3A_1434 : vector<16xf32>
        %parallel_loop3A_1436 = arith.constant 304 : i32
        %parallel_loop3A_1437 = vector.broadcast %parallel_loop3A_1436 : i32 to vector<16xi32>
        %parallel_loop3A_1438 = arith.addi %parallel_loop3A_1437, %iota3A : vector<16xi32>
        %parallel_loop3A_1439 = arith.constant 0 : i32
        %parallel_loop3A_1440 = arith.constant 0 : i32
        %parallel_loop3A_1441 = tpu.memref_slice %arg10[%parallel_loop3A_1011, %parallel_loop3A_1439, %parallel_loop3A_1440] : memref<2x640x64xf32, #tpu.memory_space<vmem>> -> memref<1x640x64xf32, #tpu.memory_space<vmem>>
        %parallel_loop3A_1442 = tpu.memref_squeeze %parallel_loop3A_1441 : memref<1x640x64xf32, #tpu.memory_space<vmem>> -> memref<640x64xf32, #tpu.memory_space<vmem>>
        %parallel_loop3A_1443 = tpu.vector_load_idx %parallel_loop3A_1442[%parallel_loop3A_1438, %parallel_loop3A_1340] : memref<640x64xf32, #tpu.memory_space<vmem>>[vector<16xi32>, vector<16xi32>], vector<16xf32>,
        %parallel_loop3A_1444 = arith.mulf %parallel_loop3A_1345, %parallel_loop3A_1443 : vector<16xf32>
        %parallel_loop3A_1445 = arith.addf %parallel_loop3A_1335, %parallel_loop3A_1444 : vector<16xf32>
        scf.yield %parallel_loop3A_1355, %parallel_loop3A_1365, %parallel_loop3A_1375, %parallel_loop3A_1385, %parallel_loop3A_1395, %parallel_loop3A_1405, %parallel_loop3A_1415, %parallel_loop3A_1425, %parallel_loop3A_1435, %parallel_loop3A_1445 : vector<16xf32>, vector<16xf32>, vector<16xf32>, vector<16xf32>, vector<16xf32>, vector<16xf32>, vector<16xf32>, vector<16xf32>, vector<16xf32>, vector<16xf32>
      } {sc.loop_unroll_factor = 1 : i64, sc.parallel_access}
      %broadcast_in_dim3A_1013 = arith.constant 0.000000e+00 : f32
      %broadcast_in_dim3A_1014 = vector.broadcast %broadcast_in_dim3A_1013 : f32 to vector<16xf32>
      %parallel_loop3A_1015 = arith.constant 0 : i32
      %parallel_loop3A_1016 = arith.constant 64 : i32
      %parallel_loop3A_1017 = arith.constant 1 : i32
      %parallel_loop3A_1018 = arith.constant 0 : i32
      %parallel_loop3A_1019:10 = scf.for %parallel_loop3A_1325 = %parallel_loop3A_1015 to %parallel_loop3A_1016 step %parallel_loop3A_1017 iter_args(%parallel_loop3A_1326 = %broadcast_in_dim3A_1014, %parallel_loop3A_1327 = %broadcast_in_dim3A_1014, %parallel_loop3A_1328 = %broadcast_in_dim3A_1014, %parallel_loop3A_1329 = %broadcast_in_dim3A_1014, %parallel_loop3A_1330 = %broadcast_in_dim3A_1014, %parallel_loop3A_1331 = %broadcast_in_dim3A_1014, %parallel_loop3A_1332 = %broadcast_in_dim3A_1014, %parallel_loop3A_1333 = %broadcast_in_dim3A_1014, %parallel_loop3A_1334 = %broadcast_in_dim3A_1014, %parallel_loop3A_1335 = %broadcast_in_dim3A_1014) -> (vector<16xf32>, vector<16xf32>, vector<16xf32>, vector<16xf32>, vector<16xf32>, vector<16xf32>, vector<16xf32>, vector<16xf32>, vector<16xf32>, vector<16xf32>)  : i32 {
        %parallel_loop3A_1336 = vector.broadcast %parallel_loop3A_1325 : i32 to vector<16xi32>
        %parallel_loop3A_1337 = arith.addi %iota3A, %parallel_loop3A_1336 : vector<16xi32>
        %parallel_loop3A_1338 = arith.constant 63 : i32
        %parallel_loop3A_1339 = vector.broadcast %parallel_loop3A_1338 : i32 to vector<16xi32>
        %parallel_loop3A_1340 = arith.andi %parallel_loop3A_1337, %parallel_loop3A_1339 : vector<16xi32>
        %parallel_loop3A_1341 = arith.constant 0 : i32
        %parallel_loop3A_1342 = arith.constant 0 : i32
        %parallel_loop3A_1343 = tpu.memref_slice %arg10[%parallel_loop3A_1018, %parallel_loop3A_1341, %parallel_loop3A_1342] : memref<2x640x64xf32, #tpu.memory_space<vmem>> -> memref<1x640x64xf32, #tpu.memory_space<vmem>>
        %parallel_loop3A_1344 = tpu.memref_squeeze %parallel_loop3A_1343 : memref<1x640x64xf32, #tpu.memory_space<vmem>> -> memref<640x64xf32, #tpu.memory_space<vmem>>
        %parallel_loop3A_1345 = tpu.vector_load_idx %parallel_loop3A_1344[%iota3A, %parallel_loop3A_1340] : memref<640x64xf32, #tpu.memory_space<vmem>>[vector<16xi32>, vector<16xi32>], vector<16xf32>,
        %parallel_loop3A_1346 = arith.constant 320 : i32
        %parallel_loop3A_1347 = vector.broadcast %parallel_loop3A_1346 : i32 to vector<16xi32>
        %parallel_loop3A_1348 = arith.addi %parallel_loop3A_1347, %iota3A : vector<16xi32>
        %parallel_loop3A_1349 = arith.constant 0 : i32
        %parallel_loop3A_1350 = arith.constant 0 : i32
        %parallel_loop3A_1351 = tpu.memref_slice %arg10[%parallel_loop3A_1018, %parallel_loop3A_1349, %parallel_loop3A_1350] : memref<2x640x64xf32, #tpu.memory_space<vmem>> -> memref<1x640x64xf32, #tpu.memory_space<vmem>>
        %parallel_loop3A_1352 = tpu.memref_squeeze %parallel_loop3A_1351 : memref<1x640x64xf32, #tpu.memory_space<vmem>> -> memref<640x64xf32, #tpu.memory_space<vmem>>
        %parallel_loop3A_1353 = tpu.vector_load_idx %parallel_loop3A_1352[%parallel_loop3A_1348, %parallel_loop3A_1340] : memref<640x64xf32, #tpu.memory_space<vmem>>[vector<16xi32>, vector<16xi32>], vector<16xf32>,
        %parallel_loop3A_1354 = arith.mulf %parallel_loop3A_1345, %parallel_loop3A_1353 : vector<16xf32>
        %parallel_loop3A_1355 = arith.addf %parallel_loop3A_1326, %parallel_loop3A_1354 : vector<16xf32>
        %parallel_loop3A_1356 = arith.constant 336 : i32
        %parallel_loop3A_1357 = vector.broadcast %parallel_loop3A_1356 : i32 to vector<16xi32>
        %parallel_loop3A_1358 = arith.addi %parallel_loop3A_1357, %iota3A : vector<16xi32>
        %parallel_loop3A_1359 = arith.constant 0 : i32
        %parallel_loop3A_1360 = arith.constant 0 : i32
        %parallel_loop3A_1361 = tpu.memref_slice %arg10[%parallel_loop3A_1018, %parallel_loop3A_1359, %parallel_loop3A_1360] : memref<2x640x64xf32, #tpu.memory_space<vmem>> -> memref<1x640x64xf32, #tpu.memory_space<vmem>>
        %parallel_loop3A_1362 = tpu.memref_squeeze %parallel_loop3A_1361 : memref<1x640x64xf32, #tpu.memory_space<vmem>> -> memref<640x64xf32, #tpu.memory_space<vmem>>
        %parallel_loop3A_1363 = tpu.vector_load_idx %parallel_loop3A_1362[%parallel_loop3A_1358, %parallel_loop3A_1340] : memref<640x64xf32, #tpu.memory_space<vmem>>[vector<16xi32>, vector<16xi32>], vector<16xf32>,
        %parallel_loop3A_1364 = arith.mulf %parallel_loop3A_1345, %parallel_loop3A_1363 : vector<16xf32>
        %parallel_loop3A_1365 = arith.addf %parallel_loop3A_1327, %parallel_loop3A_1364 : vector<16xf32>
        %parallel_loop3A_1366 = arith.constant 352 : i32
        %parallel_loop3A_1367 = vector.broadcast %parallel_loop3A_1366 : i32 to vector<16xi32>
        %parallel_loop3A_1368 = arith.addi %parallel_loop3A_1367, %iota3A : vector<16xi32>
        %parallel_loop3A_1369 = arith.constant 0 : i32
        %parallel_loop3A_1370 = arith.constant 0 : i32
        %parallel_loop3A_1371 = tpu.memref_slice %arg10[%parallel_loop3A_1018, %parallel_loop3A_1369, %parallel_loop3A_1370] : memref<2x640x64xf32, #tpu.memory_space<vmem>> -> memref<1x640x64xf32, #tpu.memory_space<vmem>>
        %parallel_loop3A_1372 = tpu.memref_squeeze %parallel_loop3A_1371 : memref<1x640x64xf32, #tpu.memory_space<vmem>> -> memref<640x64xf32, #tpu.memory_space<vmem>>
        %parallel_loop3A_1373 = tpu.vector_load_idx %parallel_loop3A_1372[%parallel_loop3A_1368, %parallel_loop3A_1340] : memref<640x64xf32, #tpu.memory_space<vmem>>[vector<16xi32>, vector<16xi32>], vector<16xf32>,
        %parallel_loop3A_1374 = arith.mulf %parallel_loop3A_1345, %parallel_loop3A_1373 : vector<16xf32>
        %parallel_loop3A_1375 = arith.addf %parallel_loop3A_1328, %parallel_loop3A_1374 : vector<16xf32>
        %parallel_loop3A_1376 = arith.constant 368 : i32
        %parallel_loop3A_1377 = vector.broadcast %parallel_loop3A_1376 : i32 to vector<16xi32>
        %parallel_loop3A_1378 = arith.addi %parallel_loop3A_1377, %iota3A : vector<16xi32>
        %parallel_loop3A_1379 = arith.constant 0 : i32
        %parallel_loop3A_1380 = arith.constant 0 : i32
        %parallel_loop3A_1381 = tpu.memref_slice %arg10[%parallel_loop3A_1018, %parallel_loop3A_1379, %parallel_loop3A_1380] : memref<2x640x64xf32, #tpu.memory_space<vmem>> -> memref<1x640x64xf32, #tpu.memory_space<vmem>>
        %parallel_loop3A_1382 = tpu.memref_squeeze %parallel_loop3A_1381 : memref<1x640x64xf32, #tpu.memory_space<vmem>> -> memref<640x64xf32, #tpu.memory_space<vmem>>
        %parallel_loop3A_1383 = tpu.vector_load_idx %parallel_loop3A_1382[%parallel_loop3A_1378, %parallel_loop3A_1340] : memref<640x64xf32, #tpu.memory_space<vmem>>[vector<16xi32>, vector<16xi32>], vector<16xf32>,
        %parallel_loop3A_1384 = arith.mulf %parallel_loop3A_1345, %parallel_loop3A_1383 : vector<16xf32>
        %parallel_loop3A_1385 = arith.addf %parallel_loop3A_1329, %parallel_loop3A_1384 : vector<16xf32>
        %parallel_loop3A_1386 = arith.constant 384 : i32
        %parallel_loop3A_1387 = vector.broadcast %parallel_loop3A_1386 : i32 to vector<16xi32>
        %parallel_loop3A_1388 = arith.addi %parallel_loop3A_1387, %iota3A : vector<16xi32>
        %parallel_loop3A_1389 = arith.constant 0 : i32
        %parallel_loop3A_1390 = arith.constant 0 : i32
        %parallel_loop3A_1391 = tpu.memref_slice %arg10[%parallel_loop3A_1018, %parallel_loop3A_1389, %parallel_loop3A_1390] : memref<2x640x64xf32, #tpu.memory_space<vmem>> -> memref<1x640x64xf32, #tpu.memory_space<vmem>>
        %parallel_loop3A_1392 = tpu.memref_squeeze %parallel_loop3A_1391 : memref<1x640x64xf32, #tpu.memory_space<vmem>> -> memref<640x64xf32, #tpu.memory_space<vmem>>
        %parallel_loop3A_1393 = tpu.vector_load_idx %parallel_loop3A_1392[%parallel_loop3A_1388, %parallel_loop3A_1340] : memref<640x64xf32, #tpu.memory_space<vmem>>[vector<16xi32>, vector<16xi32>], vector<16xf32>,
        %parallel_loop3A_1394 = arith.mulf %parallel_loop3A_1345, %parallel_loop3A_1393 : vector<16xf32>
        %parallel_loop3A_1395 = arith.addf %parallel_loop3A_1330, %parallel_loop3A_1394 : vector<16xf32>
        %parallel_loop3A_1396 = arith.constant 400 : i32
        %parallel_loop3A_1397 = vector.broadcast %parallel_loop3A_1396 : i32 to vector<16xi32>
        %parallel_loop3A_1398 = arith.addi %parallel_loop3A_1397, %iota3A : vector<16xi32>
        %parallel_loop3A_1399 = arith.constant 0 : i32
        %parallel_loop3A_1400 = arith.constant 0 : i32
        %parallel_loop3A_1401 = tpu.memref_slice %arg10[%parallel_loop3A_1018, %parallel_loop3A_1399, %parallel_loop3A_1400] : memref<2x640x64xf32, #tpu.memory_space<vmem>> -> memref<1x640x64xf32, #tpu.memory_space<vmem>>
        %parallel_loop3A_1402 = tpu.memref_squeeze %parallel_loop3A_1401 : memref<1x640x64xf32, #tpu.memory_space<vmem>> -> memref<640x64xf32, #tpu.memory_space<vmem>>
        %parallel_loop3A_1403 = tpu.vector_load_idx %parallel_loop3A_1402[%parallel_loop3A_1398, %parallel_loop3A_1340] : memref<640x64xf32, #tpu.memory_space<vmem>>[vector<16xi32>, vector<16xi32>], vector<16xf32>,
        %parallel_loop3A_1404 = arith.mulf %parallel_loop3A_1345, %parallel_loop3A_1403 : vector<16xf32>
        %parallel_loop3A_1405 = arith.addf %parallel_loop3A_1331, %parallel_loop3A_1404 : vector<16xf32>
        %parallel_loop3A_1406 = arith.constant 416 : i32
        %parallel_loop3A_1407 = vector.broadcast %parallel_loop3A_1406 : i32 to vector<16xi32>
        %parallel_loop3A_1408 = arith.addi %parallel_loop3A_1407, %iota3A : vector<16xi32>
        %parallel_loop3A_1409 = arith.constant 0 : i32
        %parallel_loop3A_1410 = arith.constant 0 : i32
        %parallel_loop3A_1411 = tpu.memref_slice %arg10[%parallel_loop3A_1018, %parallel_loop3A_1409, %parallel_loop3A_1410] : memref<2x640x64xf32, #tpu.memory_space<vmem>> -> memref<1x640x64xf32, #tpu.memory_space<vmem>>
        %parallel_loop3A_1412 = tpu.memref_squeeze %parallel_loop3A_1411 : memref<1x640x64xf32, #tpu.memory_space<vmem>> -> memref<640x64xf32, #tpu.memory_space<vmem>>
        %parallel_loop3A_1413 = tpu.vector_load_idx %parallel_loop3A_1412[%parallel_loop3A_1408, %parallel_loop3A_1340] : memref<640x64xf32, #tpu.memory_space<vmem>>[vector<16xi32>, vector<16xi32>], vector<16xf32>,
        %parallel_loop3A_1414 = arith.mulf %parallel_loop3A_1345, %parallel_loop3A_1413 : vector<16xf32>
        %parallel_loop3A_1415 = arith.addf %parallel_loop3A_1332, %parallel_loop3A_1414 : vector<16xf32>
        %parallel_loop3A_1416 = arith.constant 432 : i32
        %parallel_loop3A_1417 = vector.broadcast %parallel_loop3A_1416 : i32 to vector<16xi32>
        %parallel_loop3A_1418 = arith.addi %parallel_loop3A_1417, %iota3A : vector<16xi32>
        %parallel_loop3A_1419 = arith.constant 0 : i32
        %parallel_loop3A_1420 = arith.constant 0 : i32
        %parallel_loop3A_1421 = tpu.memref_slice %arg10[%parallel_loop3A_1018, %parallel_loop3A_1419, %parallel_loop3A_1420] : memref<2x640x64xf32, #tpu.memory_space<vmem>> -> memref<1x640x64xf32, #tpu.memory_space<vmem>>
        %parallel_loop3A_1422 = tpu.memref_squeeze %parallel_loop3A_1421 : memref<1x640x64xf32, #tpu.memory_space<vmem>> -> memref<640x64xf32, #tpu.memory_space<vmem>>
        %parallel_loop3A_1423 = tpu.vector_load_idx %parallel_loop3A_1422[%parallel_loop3A_1418, %parallel_loop3A_1340] : memref<640x64xf32, #tpu.memory_space<vmem>>[vector<16xi32>, vector<16xi32>], vector<16xf32>,
        %parallel_loop3A_1424 = arith.mulf %parallel_loop3A_1345, %parallel_loop3A_1423 : vector<16xf32>
        %parallel_loop3A_1425 = arith.addf %parallel_loop3A_1333, %parallel_loop3A_1424 : vector<16xf32>
        %parallel_loop3A_1426 = arith.constant 448 : i32
        %parallel_loop3A_1427 = vector.broadcast %parallel_loop3A_1426 : i32 to vector<16xi32>
        %parallel_loop3A_1428 = arith.addi %parallel_loop3A_1427, %iota3A : vector<16xi32>
        %parallel_loop3A_1429 = arith.constant 0 : i32
        %parallel_loop3A_1430 = arith.constant 0 : i32
        %parallel_loop3A_1431 = tpu.memref_slice %arg10[%parallel_loop3A_1018, %parallel_loop3A_1429, %parallel_loop3A_1430] : memref<2x640x64xf32, #tpu.memory_space<vmem>> -> memref<1x640x64xf32, #tpu.memory_space<vmem>>
        %parallel_loop3A_1432 = tpu.memref_squeeze %parallel_loop3A_1431 : memref<1x640x64xf32, #tpu.memory_space<vmem>> -> memref<640x64xf32, #tpu.memory_space<vmem>>
        %parallel_loop3A_1433 = tpu.vector_load_idx %parallel_loop3A_1432[%parallel_loop3A_1428, %parallel_loop3A_1340] : memref<640x64xf32, #tpu.memory_space<vmem>>[vector<16xi32>, vector<16xi32>], vector<16xf32>,
        %parallel_loop3A_1434 = arith.mulf %parallel_loop3A_1345, %parallel_loop3A_1433 : vector<16xf32>
        %parallel_loop3A_1435 = arith.addf %parallel_loop3A_1334, %parallel_loop3A_1434 : vector<16xf32>
        %parallel_loop3A_1436 = arith.constant 464 : i32
        %parallel_loop3A_1437 = vector.broadcast %parallel_loop3A_1436 : i32 to vector<16xi32>
        %parallel_loop3A_1438 = arith.addi %parallel_loop3A_1437, %iota3A : vector<16xi32>
        %parallel_loop3A_1439 = arith.constant 0 : i32
        %parallel_loop3A_1440 = arith.constant 0 : i32
        %parallel_loop3A_1441 = tpu.memref_slice %arg10[%parallel_loop3A_1018, %parallel_loop3A_1439, %parallel_loop3A_1440] : memref<2x640x64xf32, #tpu.memory_space<vmem>> -> memref<1x640x64xf32, #tpu.memory_space<vmem>>
        %parallel_loop3A_1442 = tpu.memref_squeeze %parallel_loop3A_1441 : memref<1x640x64xf32, #tpu.memory_space<vmem>> -> memref<640x64xf32, #tpu.memory_space<vmem>>
        %parallel_loop3A_1443 = tpu.vector_load_idx %parallel_loop3A_1442[%parallel_loop3A_1438, %parallel_loop3A_1340] : memref<640x64xf32, #tpu.memory_space<vmem>>[vector<16xi32>, vector<16xi32>], vector<16xf32>,
        %parallel_loop3A_1444 = arith.mulf %parallel_loop3A_1345, %parallel_loop3A_1443 : vector<16xf32>
        %parallel_loop3A_1445 = arith.addf %parallel_loop3A_1335, %parallel_loop3A_1444 : vector<16xf32>
        scf.yield %parallel_loop3A_1355, %parallel_loop3A_1365, %parallel_loop3A_1375, %parallel_loop3A_1385, %parallel_loop3A_1395, %parallel_loop3A_1405, %parallel_loop3A_1415, %parallel_loop3A_1425, %parallel_loop3A_1435, %parallel_loop3A_1445 : vector<16xf32>, vector<16xf32>, vector<16xf32>, vector<16xf32>, vector<16xf32>, vector<16xf32>, vector<16xf32>, vector<16xf32>, vector<16xf32>, vector<16xf32>
      } {sc.loop_unroll_factor = 1 : i64, sc.parallel_access}
      %broadcast_in_dim3A_1020 = arith.constant 0.000000e+00 : f32
      %broadcast_in_dim3A_1021 = vector.broadcast %broadcast_in_dim3A_1020 : f32 to vector<16xf32>
      %parallel_loop3A_1022 = arith.constant 0 : i32
      %parallel_loop3A_1023 = arith.constant 64 : i32
      %parallel_loop3A_1024 = arith.constant 1 : i32
      %parallel_loop3A_1025 = arith.constant 0 : i32
      %parallel_loop3A_1026:10 = scf.for %parallel_loop3A_1325 = %parallel_loop3A_1022 to %parallel_loop3A_1023 step %parallel_loop3A_1024 iter_args(%parallel_loop3A_1326 = %broadcast_in_dim3A_1021, %parallel_loop3A_1327 = %broadcast_in_dim3A_1021, %parallel_loop3A_1328 = %broadcast_in_dim3A_1021, %parallel_loop3A_1329 = %broadcast_in_dim3A_1021, %parallel_loop3A_1330 = %broadcast_in_dim3A_1021, %parallel_loop3A_1331 = %broadcast_in_dim3A_1021, %parallel_loop3A_1332 = %broadcast_in_dim3A_1021, %parallel_loop3A_1333 = %broadcast_in_dim3A_1021, %parallel_loop3A_1334 = %broadcast_in_dim3A_1021, %parallel_loop3A_1335 = %broadcast_in_dim3A_1021) -> (vector<16xf32>, vector<16xf32>, vector<16xf32>, vector<16xf32>, vector<16xf32>, vector<16xf32>, vector<16xf32>, vector<16xf32>, vector<16xf32>, vector<16xf32>)  : i32 {
        %parallel_loop3A_1336 = vector.broadcast %parallel_loop3A_1325 : i32 to vector<16xi32>
        %parallel_loop3A_1337 = arith.addi %iota3A, %parallel_loop3A_1336 : vector<16xi32>
        %parallel_loop3A_1338 = arith.constant 63 : i32
        %parallel_loop3A_1339 = vector.broadcast %parallel_loop3A_1338 : i32 to vector<16xi32>
        %parallel_loop3A_1340 = arith.andi %parallel_loop3A_1337, %parallel_loop3A_1339 : vector<16xi32>
        %parallel_loop3A_1341 = arith.constant 0 : i32
        %parallel_loop3A_1342 = arith.constant 0 : i32
        %parallel_loop3A_1343 = tpu.memref_slice %arg10[%parallel_loop3A_1025, %parallel_loop3A_1341, %parallel_loop3A_1342] : memref<2x640x64xf32, #tpu.memory_space<vmem>> -> memref<1x640x64xf32, #tpu.memory_space<vmem>>
        %parallel_loop3A_1344 = tpu.memref_squeeze %parallel_loop3A_1343 : memref<1x640x64xf32, #tpu.memory_space<vmem>> -> memref<640x64xf32, #tpu.memory_space<vmem>>
        %parallel_loop3A_1345 = tpu.vector_load_idx %parallel_loop3A_1344[%iota3A, %parallel_loop3A_1340] : memref<640x64xf32, #tpu.memory_space<vmem>>[vector<16xi32>, vector<16xi32>], vector<16xf32>,
        %parallel_loop3A_1346 = arith.constant 480 : i32
        %parallel_loop3A_1347 = vector.broadcast %parallel_loop3A_1346 : i32 to vector<16xi32>
        %parallel_loop3A_1348 = arith.addi %parallel_loop3A_1347, %iota3A : vector<16xi32>
        %parallel_loop3A_1349 = arith.constant 0 : i32
        %parallel_loop3A_1350 = arith.constant 0 : i32
        %parallel_loop3A_1351 = tpu.memref_slice %arg10[%parallel_loop3A_1025, %parallel_loop3A_1349, %parallel_loop3A_1350] : memref<2x640x64xf32, #tpu.memory_space<vmem>> -> memref<1x640x64xf32, #tpu.memory_space<vmem>>
        %parallel_loop3A_1352 = tpu.memref_squeeze %parallel_loop3A_1351 : memref<1x640x64xf32, #tpu.memory_space<vmem>> -> memref<640x64xf32, #tpu.memory_space<vmem>>
        %parallel_loop3A_1353 = tpu.vector_load_idx %parallel_loop3A_1352[%parallel_loop3A_1348, %parallel_loop3A_1340] : memref<640x64xf32, #tpu.memory_space<vmem>>[vector<16xi32>, vector<16xi32>], vector<16xf32>,
        %parallel_loop3A_1354 = arith.mulf %parallel_loop3A_1345, %parallel_loop3A_1353 : vector<16xf32>
        %parallel_loop3A_1355 = arith.addf %parallel_loop3A_1326, %parallel_loop3A_1354 : vector<16xf32>
        %parallel_loop3A_1356 = arith.constant 496 : i32
        %parallel_loop3A_1357 = vector.broadcast %parallel_loop3A_1356 : i32 to vector<16xi32>
        %parallel_loop3A_1358 = arith.addi %parallel_loop3A_1357, %iota3A : vector<16xi32>
        %parallel_loop3A_1359 = arith.constant 0 : i32
        %parallel_loop3A_1360 = arith.constant 0 : i32
        %parallel_loop3A_1361 = tpu.memref_slice %arg10[%parallel_loop3A_1025, %parallel_loop3A_1359, %parallel_loop3A_1360] : memref<2x640x64xf32, #tpu.memory_space<vmem>> -> memref<1x640x64xf32, #tpu.memory_space<vmem>>
        %parallel_loop3A_1362 = tpu.memref_squeeze %parallel_loop3A_1361 : memref<1x640x64xf32, #tpu.memory_space<vmem>> -> memref<640x64xf32, #tpu.memory_space<vmem>>
        %parallel_loop3A_1363 = tpu.vector_load_idx %parallel_loop3A_1362[%parallel_loop3A_1358, %parallel_loop3A_1340] : memref<640x64xf32, #tpu.memory_space<vmem>>[vector<16xi32>, vector<16xi32>], vector<16xf32>,
        %parallel_loop3A_1364 = arith.mulf %parallel_loop3A_1345, %parallel_loop3A_1363 : vector<16xf32>
        %parallel_loop3A_1365 = arith.addf %parallel_loop3A_1327, %parallel_loop3A_1364 : vector<16xf32>
        %parallel_loop3A_1366 = arith.constant 512 : i32
        %parallel_loop3A_1367 = vector.broadcast %parallel_loop3A_1366 : i32 to vector<16xi32>
        %parallel_loop3A_1368 = arith.addi %parallel_loop3A_1367, %iota3A : vector<16xi32>
        %parallel_loop3A_1369 = arith.constant 0 : i32
        %parallel_loop3A_1370 = arith.constant 0 : i32
        %parallel_loop3A_1371 = tpu.memref_slice %arg10[%parallel_loop3A_1025, %parallel_loop3A_1369, %parallel_loop3A_1370] : memref<2x640x64xf32, #tpu.memory_space<vmem>> -> memref<1x640x64xf32, #tpu.memory_space<vmem>>
        %parallel_loop3A_1372 = tpu.memref_squeeze %parallel_loop3A_1371 : memref<1x640x64xf32, #tpu.memory_space<vmem>> -> memref<640x64xf32, #tpu.memory_space<vmem>>
        %parallel_loop3A_1373 = tpu.vector_load_idx %parallel_loop3A_1372[%parallel_loop3A_1368, %parallel_loop3A_1340] : memref<640x64xf32, #tpu.memory_space<vmem>>[vector<16xi32>, vector<16xi32>], vector<16xf32>,
        %parallel_loop3A_1374 = arith.mulf %parallel_loop3A_1345, %parallel_loop3A_1373 : vector<16xf32>
        %parallel_loop3A_1375 = arith.addf %parallel_loop3A_1328, %parallel_loop3A_1374 : vector<16xf32>
        %parallel_loop3A_1376 = arith.constant 528 : i32
        %parallel_loop3A_1377 = vector.broadcast %parallel_loop3A_1376 : i32 to vector<16xi32>
        %parallel_loop3A_1378 = arith.addi %parallel_loop3A_1377, %iota3A : vector<16xi32>
        %parallel_loop3A_1379 = arith.constant 0 : i32
        %parallel_loop3A_1380 = arith.constant 0 : i32
        %parallel_loop3A_1381 = tpu.memref_slice %arg10[%parallel_loop3A_1025, %parallel_loop3A_1379, %parallel_loop3A_1380] : memref<2x640x64xf32, #tpu.memory_space<vmem>> -> memref<1x640x64xf32, #tpu.memory_space<vmem>>
        %parallel_loop3A_1382 = tpu.memref_squeeze %parallel_loop3A_1381 : memref<1x640x64xf32, #tpu.memory_space<vmem>> -> memref<640x64xf32, #tpu.memory_space<vmem>>
        %parallel_loop3A_1383 = tpu.vector_load_idx %parallel_loop3A_1382[%parallel_loop3A_1378, %parallel_loop3A_1340] : memref<640x64xf32, #tpu.memory_space<vmem>>[vector<16xi32>, vector<16xi32>], vector<16xf32>,
        %parallel_loop3A_1384 = arith.mulf %parallel_loop3A_1345, %parallel_loop3A_1383 : vector<16xf32>
        %parallel_loop3A_1385 = arith.addf %parallel_loop3A_1329, %parallel_loop3A_1384 : vector<16xf32>
        %parallel_loop3A_1386 = arith.constant 544 : i32
        %parallel_loop3A_1387 = vector.broadcast %parallel_loop3A_1386 : i32 to vector<16xi32>
        %parallel_loop3A_1388 = arith.addi %parallel_loop3A_1387, %iota3A : vector<16xi32>
        %parallel_loop3A_1389 = arith.constant 0 : i32
        %parallel_loop3A_1390 = arith.constant 0 : i32
        %parallel_loop3A_1391 = tpu.memref_slice %arg10[%parallel_loop3A_1025, %parallel_loop3A_1389, %parallel_loop3A_1390] : memref<2x640x64xf32, #tpu.memory_space<vmem>> -> memref<1x640x64xf32, #tpu.memory_space<vmem>>
        %parallel_loop3A_1392 = tpu.memref_squeeze %parallel_loop3A_1391 : memref<1x640x64xf32, #tpu.memory_space<vmem>> -> memref<640x64xf32, #tpu.memory_space<vmem>>
        %parallel_loop3A_1393 = tpu.vector_load_idx %parallel_loop3A_1392[%parallel_loop3A_1388, %parallel_loop3A_1340] : memref<640x64xf32, #tpu.memory_space<vmem>>[vector<16xi32>, vector<16xi32>], vector<16xf32>,
        %parallel_loop3A_1394 = arith.mulf %parallel_loop3A_1345, %parallel_loop3A_1393 : vector<16xf32>
        %parallel_loop3A_1395 = arith.addf %parallel_loop3A_1330, %parallel_loop3A_1394 : vector<16xf32>
        %parallel_loop3A_1396 = arith.constant 560 : i32
        %parallel_loop3A_1397 = vector.broadcast %parallel_loop3A_1396 : i32 to vector<16xi32>
        %parallel_loop3A_1398 = arith.addi %parallel_loop3A_1397, %iota3A : vector<16xi32>
        %parallel_loop3A_1399 = arith.constant 0 : i32
        %parallel_loop3A_1400 = arith.constant 0 : i32
        %parallel_loop3A_1401 = tpu.memref_slice %arg10[%parallel_loop3A_1025, %parallel_loop3A_1399, %parallel_loop3A_1400] : memref<2x640x64xf32, #tpu.memory_space<vmem>> -> memref<1x640x64xf32, #tpu.memory_space<vmem>>
        %parallel_loop3A_1402 = tpu.memref_squeeze %parallel_loop3A_1401 : memref<1x640x64xf32, #tpu.memory_space<vmem>> -> memref<640x64xf32, #tpu.memory_space<vmem>>
        %parallel_loop3A_1403 = tpu.vector_load_idx %parallel_loop3A_1402[%parallel_loop3A_1398, %parallel_loop3A_1340] : memref<640x64xf32, #tpu.memory_space<vmem>>[vector<16xi32>, vector<16xi32>], vector<16xf32>,
        %parallel_loop3A_1404 = arith.mulf %parallel_loop3A_1345, %parallel_loop3A_1403 : vector<16xf32>
        %parallel_loop3A_1405 = arith.addf %parallel_loop3A_1331, %parallel_loop3A_1404 : vector<16xf32>
        %parallel_loop3A_1406 = arith.constant 576 : i32
        %parallel_loop3A_1407 = vector.broadcast %parallel_loop3A_1406 : i32 to vector<16xi32>
        %parallel_loop3A_1408 = arith.addi %parallel_loop3A_1407, %iota3A : vector<16xi32>
        %parallel_loop3A_1409 = arith.constant 0 : i32
        %parallel_loop3A_1410 = arith.constant 0 : i32
        %parallel_loop3A_1411 = tpu.memref_slice %arg10[%parallel_loop3A_1025, %parallel_loop3A_1409, %parallel_loop3A_1410] : memref<2x640x64xf32, #tpu.memory_space<vmem>> -> memref<1x640x64xf32, #tpu.memory_space<vmem>>
        %parallel_loop3A_1412 = tpu.memref_squeeze %parallel_loop3A_1411 : memref<1x640x64xf32, #tpu.memory_space<vmem>> -> memref<640x64xf32, #tpu.memory_space<vmem>>
        %parallel_loop3A_1413 = tpu.vector_load_idx %parallel_loop3A_1412[%parallel_loop3A_1408, %parallel_loop3A_1340] : memref<640x64xf32, #tpu.memory_space<vmem>>[vector<16xi32>, vector<16xi32>], vector<16xf32>,
        %parallel_loop3A_1414 = arith.mulf %parallel_loop3A_1345, %parallel_loop3A_1413 : vector<16xf32>
        %parallel_loop3A_1415 = arith.addf %parallel_loop3A_1332, %parallel_loop3A_1414 : vector<16xf32>
        %parallel_loop3A_1416 = arith.constant 592 : i32
        %parallel_loop3A_1417 = vector.broadcast %parallel_loop3A_1416 : i32 to vector<16xi32>
        %parallel_loop3A_1418 = arith.addi %parallel_loop3A_1417, %iota3A : vector<16xi32>
        %parallel_loop3A_1419 = arith.constant 0 : i32
        %parallel_loop3A_1420 = arith.constant 0 : i32
        %parallel_loop3A_1421 = tpu.memref_slice %arg10[%parallel_loop3A_1025, %parallel_loop3A_1419, %parallel_loop3A_1420] : memref<2x640x64xf32, #tpu.memory_space<vmem>> -> memref<1x640x64xf32, #tpu.memory_space<vmem>>
        %parallel_loop3A_1422 = tpu.memref_squeeze %parallel_loop3A_1421 : memref<1x640x64xf32, #tpu.memory_space<vmem>> -> memref<640x64xf32, #tpu.memory_space<vmem>>
        %parallel_loop3A_1423 = tpu.vector_load_idx %parallel_loop3A_1422[%parallel_loop3A_1418, %parallel_loop3A_1340] : memref<640x64xf32, #tpu.memory_space<vmem>>[vector<16xi32>, vector<16xi32>], vector<16xf32>,
        %parallel_loop3A_1424 = arith.mulf %parallel_loop3A_1345, %parallel_loop3A_1423 : vector<16xf32>
        %parallel_loop3A_1425 = arith.addf %parallel_loop3A_1333, %parallel_loop3A_1424 : vector<16xf32>
        %parallel_loop3A_1426 = arith.constant 608 : i32
        %parallel_loop3A_1427 = vector.broadcast %parallel_loop3A_1426 : i32 to vector<16xi32>
        %parallel_loop3A_1428 = arith.addi %parallel_loop3A_1427, %iota3A : vector<16xi32>
        %parallel_loop3A_1429 = arith.constant 0 : i32
        %parallel_loop3A_1430 = arith.constant 0 : i32
        %parallel_loop3A_1431 = tpu.memref_slice %arg10[%parallel_loop3A_1025, %parallel_loop3A_1429, %parallel_loop3A_1430] : memref<2x640x64xf32, #tpu.memory_space<vmem>> -> memref<1x640x64xf32, #tpu.memory_space<vmem>>
        %parallel_loop3A_1432 = tpu.memref_squeeze %parallel_loop3A_1431 : memref<1x640x64xf32, #tpu.memory_space<vmem>> -> memref<640x64xf32, #tpu.memory_space<vmem>>
        %parallel_loop3A_1433 = tpu.vector_load_idx %parallel_loop3A_1432[%parallel_loop3A_1428, %parallel_loop3A_1340] : memref<640x64xf32, #tpu.memory_space<vmem>>[vector<16xi32>, vector<16xi32>], vector<16xf32>,
        %parallel_loop3A_1434 = arith.mulf %parallel_loop3A_1345, %parallel_loop3A_1433 : vector<16xf32>
        %parallel_loop3A_1435 = arith.addf %parallel_loop3A_1334, %parallel_loop3A_1434 : vector<16xf32>
        %parallel_loop3A_1436 = arith.constant 624 : i32
        %parallel_loop3A_1437 = vector.broadcast %parallel_loop3A_1436 : i32 to vector<16xi32>
        %parallel_loop3A_1438 = arith.addi %parallel_loop3A_1437, %iota3A : vector<16xi32>
        %parallel_loop3A_1439 = arith.constant 0 : i32
        %parallel_loop3A_1440 = arith.constant 0 : i32
        %parallel_loop3A_1441 = tpu.memref_slice %arg10[%parallel_loop3A_1025, %parallel_loop3A_1439, %parallel_loop3A_1440] : memref<2x640x64xf32, #tpu.memory_space<vmem>> -> memref<1x640x64xf32, #tpu.memory_space<vmem>>
        %parallel_loop3A_1442 = tpu.memref_squeeze %parallel_loop3A_1441 : memref<1x640x64xf32, #tpu.memory_space<vmem>> -> memref<640x64xf32, #tpu.memory_space<vmem>>
        %parallel_loop3A_1443 = tpu.vector_load_idx %parallel_loop3A_1442[%parallel_loop3A_1438, %parallel_loop3A_1340] : memref<640x64xf32, #tpu.memory_space<vmem>>[vector<16xi32>, vector<16xi32>], vector<16xf32>,
        %parallel_loop3A_1444 = arith.mulf %parallel_loop3A_1345, %parallel_loop3A_1443 : vector<16xf32>
        %parallel_loop3A_1445 = arith.addf %parallel_loop3A_1335, %parallel_loop3A_1444 : vector<16xf32>
        scf.yield %parallel_loop3A_1355, %parallel_loop3A_1365, %parallel_loop3A_1375, %parallel_loop3A_1385, %parallel_loop3A_1395, %parallel_loop3A_1405, %parallel_loop3A_1415, %parallel_loop3A_1425, %parallel_loop3A_1435, %parallel_loop3A_1445 : vector<16xf32>, vector<16xf32>, vector<16xf32>, vector<16xf32>, vector<16xf32>, vector<16xf32>, vector<16xf32>, vector<16xf32>, vector<16xf32>, vector<16xf32>
      } {sc.loop_unroll_factor = 1 : i64, sc.parallel_access}
      %add3A_1027 = arith.addf %parallel_loop3A_1005#0, %parallel_loop3A_1005#1 : vector<16xf32>
      %add3A_1028 = arith.addf %add3A_1027, %parallel_loop3A_1005#2 : vector<16xf32>
      %add3A_1029 = arith.addf %add3A_1028, %parallel_loop3A_1005#3 : vector<16xf32>
      %add3A_1030 = arith.addf %add3A_1029, %parallel_loop3A_1005#4 : vector<16xf32>
      %add3A_1031 = arith.addf %add3A_1030, %parallel_loop3A_1005#5 : vector<16xf32>
      %add3A_1032 = arith.addf %add3A_1031, %parallel_loop3A_1005#6 : vector<16xf32>
      %add3A_1033 = arith.addf %add3A_1032, %parallel_loop3A_1005#7 : vector<16xf32>
      %add3A_1034 = arith.addf %add3A_1033, %parallel_loop3A_1005#8 : vector<16xf32>
      %add3A_1035 = arith.addf %add3A_1034, %parallel_loop3A_1012#0 : vector<16xf32>
      %add3A_1036 = arith.addf %add3A_1035, %parallel_loop3A_1012#1 : vector<16xf32>
      %add3A_1037 = arith.addf %add3A_1036, %parallel_loop3A_1012#2 : vector<16xf32>
      %add3A_1038 = arith.addf %add3A_1037, %parallel_loop3A_1012#3 : vector<16xf32>
      %add3A_1039 = arith.addf %add3A_1038, %parallel_loop3A_1012#4 : vector<16xf32>
      %add3A_1040 = arith.addf %add3A_1039, %parallel_loop3A_1012#5 : vector<16xf32>
      %add3A_1041 = arith.addf %add3A_1040, %parallel_loop3A_1012#6 : vector<16xf32>
      %add3A_1042 = arith.addf %add3A_1041, %parallel_loop3A_1012#7 : vector<16xf32>
      %add3A_1043 = arith.addf %add3A_1042, %parallel_loop3A_1012#8 : vector<16xf32>
      %add3A_1044 = arith.addf %add3A_1043, %parallel_loop3A_1012#9 : vector<16xf32>
      %exp3A = math.exp %parallel_loop3A_1005#0 : vector<16xf32>
      %exp3A_1045 = math.exp %parallel_loop3A_1005#1 : vector<16xf32>
      %add3A_1046 = arith.addf %exp3A, %exp3A_1045 : vector<16xf32>
      %exp3A_1047 = math.exp %parallel_loop3A_1005#2 : vector<16xf32>
      %add3A_1048 = arith.addf %add3A_1046, %exp3A_1047 : vector<16xf32>
      %exp3A_1049 = math.exp %parallel_loop3A_1005#3 : vector<16xf32>
      %add3A_1050 = arith.addf %add3A_1048, %exp3A_1049 : vector<16xf32>
      %exp3A_1051 = math.exp %parallel_loop3A_1005#4 : vector<16xf32>
      %add3A_1052 = arith.addf %add3A_1050, %exp3A_1051 : vector<16xf32>
      %exp3A_1053 = math.exp %parallel_loop3A_1005#5 : vector<16xf32>
      %add3A_1054 = arith.addf %add3A_1052, %exp3A_1053 : vector<16xf32>
      %exp3A_1055 = math.exp %parallel_loop3A_1005#6 : vector<16xf32>
      %add3A_1056 = arith.addf %add3A_1054, %exp3A_1055 : vector<16xf32>
      %exp3A_1057 = math.exp %parallel_loop3A_1005#7 : vector<16xf32>
      %add3A_1058 = arith.addf %add3A_1056, %exp3A_1057 : vector<16xf32>
      %exp3A_1059 = math.exp %parallel_loop3A_1005#8 : vector<16xf32>
      %add3A_1060 = arith.addf %add3A_1058, %exp3A_1059 : vector<16xf32>
      %exp3A_1061 = math.exp %parallel_loop3A_1012#0 : vector<16xf32>
      %add3A_1062 = arith.addf %add3A_1060, %exp3A_1061 : vector<16xf32>
      %exp3A_1063 = math.exp %parallel_loop3A_1012#1 : vector<16xf32>
      %add3A_1064 = arith.addf %add3A_1062, %exp3A_1063 : vector<16xf32>
      %exp3A_1065 = math.exp %parallel_loop3A_1012#2 : vector<16xf32>
      %add3A_1066 = arith.addf %add3A_1064, %exp3A_1065 : vector<16xf32>
      %exp3A_1067 = math.exp %parallel_loop3A_1012#3 : vector<16xf32>
      %add3A_1068 = arith.addf %add3A_1066, %exp3A_1067 : vector<16xf32>
      %exp3A_1069 = math.exp %parallel_loop3A_1012#4 : vector<16xf32>
      %add3A_1070 = arith.addf %add3A_1068, %exp3A_1069 : vector<16xf32>
      %exp3A_1071 = math.exp %parallel_loop3A_1012#5 : vector<16xf32>
      %add3A_1072 = arith.addf %add3A_1070, %exp3A_1071 : vector<16xf32>
      %exp3A_1073 = math.exp %parallel_loop3A_1012#6 : vector<16xf32>
      %add3A_1074 = arith.addf %add3A_1072, %exp3A_1073 : vector<16xf32>
      %exp3A_1075 = math.exp %parallel_loop3A_1012#7 : vector<16xf32>
      %add3A_1076 = arith.addf %add3A_1074, %exp3A_1075 : vector<16xf32>
      %exp3A_1077 = math.exp %parallel_loop3A_1012#8 : vector<16xf32>
      %add3A_1078 = arith.addf %add3A_1076, %exp3A_1077 : vector<16xf32>
      %exp3A_1079 = math.exp %parallel_loop3A_1012#9 : vector<16xf32>
      %add3A_1080 = arith.addf %add3A_1078, %exp3A_1079 : vector<16xf32>
      %exp3A_1081 = math.exp %parallel_loop3A_1019#0 : vector<16xf32>
      %add3A_1082 = arith.addf %add3A_1080, %exp3A_1081 : vector<16xf32>
      %exp3A_1083 = math.exp %parallel_loop3A_1019#1 : vector<16xf32>
      %add3A_1084 = arith.addf %add3A_1082, %exp3A_1083 : vector<16xf32>
      %exp3A_1085 = math.exp %parallel_loop3A_1019#2 : vector<16xf32>
      %add3A_1086 = arith.addf %add3A_1084, %exp3A_1085 : vector<16xf32>
      %exp3A_1087 = math.exp %parallel_loop3A_1019#3 : vector<16xf32>
      %add3A_1088 = arith.addf %add3A_1086, %exp3A_1087 : vector<16xf32>
      %exp3A_1089 = math.exp %parallel_loop3A_1019#4 : vector<16xf32>
      %add3A_1090 = arith.addf %add3A_1088, %exp3A_1089 : vector<16xf32>
      %exp3A_1091 = math.exp %parallel_loop3A_1019#5 : vector<16xf32>
      %add3A_1092 = arith.addf %add3A_1090, %exp3A_1091 : vector<16xf32>
      %exp3A_1093 = math.exp %parallel_loop3A_1019#6 : vector<16xf32>
      %add3A_1094 = arith.addf %add3A_1092, %exp3A_1093 : vector<16xf32>
      %exp3A_1095 = math.exp %parallel_loop3A_1019#7 : vector<16xf32>
      %add3A_1096 = arith.addf %add3A_1094, %exp3A_1095 : vector<16xf32>
      %exp3A_1097 = math.exp %parallel_loop3A_1019#8 : vector<16xf32>
      %add3A_1098 = arith.addf %add3A_1096, %exp3A_1097 : vector<16xf32>
      %exp3A_1099 = math.exp %parallel_loop3A_1019#9 : vector<16xf32>
      %add3A_1100 = arith.addf %add3A_1098, %exp3A_1099 : vector<16xf32>
      %exp3A_1101 = math.exp %parallel_loop3A_1026#0 : vector<16xf32>
      %add3A_1102 = arith.addf %add3A_1100, %exp3A_1101 : vector<16xf32>
      %exp3A_1103 = math.exp %parallel_loop3A_1026#1 : vector<16xf32>
      %add3A_1104 = arith.addf %add3A_1102, %exp3A_1103 : vector<16xf32>
      %exp3A_1105 = math.exp %parallel_loop3A_1026#2 : vector<16xf32>
      %add3A_1106 = arith.addf %add3A_1104, %exp3A_1105 : vector<16xf32>
      %exp3A_1107 = math.exp %parallel_loop3A_1026#3 : vector<16xf32>
      %add3A_1108 = arith.addf %add3A_1106, %exp3A_1107 : vector<16xf32>
      %exp3A_1109 = math.exp %parallel_loop3A_1026#4 : vector<16xf32>
      %add3A_1110 = arith.addf %add3A_1108, %exp3A_1109 : vector<16xf32>
      %exp3A_1111 = math.exp %parallel_loop3A_1026#5 : vector<16xf32>
      %add3A_1112 = arith.addf %add3A_1110, %exp3A_1111 : vector<16xf32>
      %exp3A_1113 = math.exp %parallel_loop3A_1026#6 : vector<16xf32>
      %add3A_1114 = arith.addf %add3A_1112, %exp3A_1113 : vector<16xf32>
      %exp3A_1115 = math.exp %parallel_loop3A_1026#7 : vector<16xf32>
      %add3A_1116 = arith.addf %add3A_1114, %exp3A_1115 : vector<16xf32>
      %exp3A_1117 = math.exp %parallel_loop3A_1026#8 : vector<16xf32>
      %add3A_1118 = arith.addf %add3A_1116, %exp3A_1117 : vector<16xf32>
      %exp3A_1119 = math.exp %parallel_loop3A_1026#9 : vector<16xf32>
      %add3A_1120 = arith.addf %add3A_1118, %exp3A_1119 : vector<16xf32>
      %get3A = arith.constant 0 : index
      %get3A_1121 = tpu.vector_load %arg12[%get3A] {strides = array<i32>} : memref<16xf32, #tpu.memory_space<vmem>>, vector<16xf32>,
      %add3A_1122 = arith.addf %get3A_1121, %add3A_1044 : vector<16xf32>
      %swap3A_1123 = arith.constant 0 : index
      %swap3A_1124 = tpu.vector_load %arg12[%swap3A_1123] {strides = array<i32>} : memref<16xf32, #tpu.memory_space<vmem>>, vector<16xf32>,
      tpu.vector_store %arg12[%swap3A_1123], %add3A_1122 {strides = array<i32>} : memref<16xf32, #tpu.memory_space<vmem>>, vector<16xf32>,
      %swap3A_1125 = arith.index_cast %add3A_475 : i32 to index
      %swap3A_1126 = arith.constant 0 : index
      %swap3A_1127 = tpu.vector_load %arg11[%swap3A_1125, %swap3A_1126] {strides = array<i32>} : memref<32x16xf32, #tpu.memory_space<vmem>>, vector<16xf32>,
      tpu.vector_store %arg11[%swap3A_1125, %swap3A_1126], %add3A_1120 {strides = array<i32>} : memref<32x16xf32, #tpu.memory_space<vmem>>, vector<16xf32>,
      %add3A_1128 = arith.constant 2 : i32
      %add3A_1129 = arith.addi %add3A_475, %add3A_1128 : i32
      %lt3A = arith.constant 32 : i32
      %lt3A_1130 = arith.cmpi slt, %add3A_1129, %lt3A : i32
      %convert_element_type3A = arith.extui %lt3A_1130 : i1 to i32
      %cond3A = arith.constant 0 : i32
      %cond3A_1131 = arith.cmpi ne, %convert_element_type3A, %cond3A : i32
      scf.if %cond3A_1131 {
        %add3A_1325 = arith.constant 2 : i32
        %add3A_1326 = arith.addi %add3A_475, %add3A_1325 : i32
        %mul3A_1327 = arith.constant 16 : i32
        %mul3A_1328 = arith.muli %add3A_1326, %mul3A_1327 : i32
        %add3A_1329 = arith.addi %mul3A_2, %mul3A_1328 : i32
        "tpu.region"() ({
          %run_scoped3A = tpu.sem_alloc : memref<!tpu.dma_semaphore, #tpu.memory_space<semaphore_mem>>
          %dma_start3A_1790 = arith.constant 0 : i32
          %dma_start3A_1791 = tpu.memref_slice %arg2[%add3A_1329, %dma_start3A_1790] : memref<16384x20xi32, #tpu.memory_space<hbm>> -> memref<16x20xi32, #tpu.memory_space<hbm>>
          %dma_start3A_1792 = arith.constant 0 : i32
          %dma_start3A_1793 = tpu.memref_slice %arg2[%add3A_1329, %dma_start3A_1792] : memref<16384x20xi32, #tpu.memory_space<hbm>> -> memref<16x20xi32, #tpu.memory_space<hbm>>
          tpu.enqueue_dma source(%dma_start3A_1793 : memref<16x20xi32, #tpu.memory_space<hbm>>) target(%arg7 : memref<16x20xi32, #tpu.memory_space<vmem>>) target_semaphore(%run_scoped3A : memref<!tpu.dma_semaphore, #tpu.memory_space<semaphore_mem>>)
          %dma_wait3A_1794 = arith.constant 0 : i32
          %dma_wait3A_1795 = tpu.memref_slice %arg2[%add3A_1329, %dma_wait3A_1794] : memref<16384x20xi32, #tpu.memory_space<hbm>> -> memref<16x20xi32, #tpu.memory_space<hbm>>
          %dma_wait3A_1796 = arith.constant 0 : i32
          %dma_wait3A_1797 = tpu.memref_slice %arg2[%add3A_1329, %dma_wait3A_1796] : memref<16384x20xi32, #tpu.memory_space<hbm>> -> memref<16x20xi32, #tpu.memory_space<hbm>>
          tpu.wait_dma2 semaphore(%run_scoped3A : memref<!tpu.dma_semaphore, #tpu.memory_space<semaphore_mem>>) src(%dma_wait3A_1797 : memref<16x20xi32, #tpu.memory_space<hbm>>) dst(%arg7 : memref<16x20xi32, #tpu.memory_space<vmem>>)
          tpu.yield
        }) : () -> ()
        "tpu.region"() ({
          %run_scoped3A = tpu.sem_alloc : memref<!tpu.dma_semaphore, #tpu.memory_space<semaphore_mem>>
          %dma_start3A_1790 = arith.constant 0 : i32
          %dma_start3A_1791 = tpu.memref_slice %arg3[%add3A_1329, %dma_start3A_1790] : memref<16384x20xi32, #tpu.memory_space<hbm>> -> memref<16x20xi32, #tpu.memory_space<hbm>>
          %dma_start3A_1792 = arith.constant 0 : i32
          %dma_start3A_1793 = tpu.memref_slice %arg3[%add3A_1329, %dma_start3A_1792] : memref<16384x20xi32, #tpu.memory_space<hbm>> -> memref<16x20xi32, #tpu.memory_space<hbm>>
          tpu.enqueue_dma source(%dma_start3A_1793 : memref<16x20xi32, #tpu.memory_space<hbm>>) target(%arg8 : memref<16x20xi32, #tpu.memory_space<vmem>>) target_semaphore(%run_scoped3A : memref<!tpu.dma_semaphore, #tpu.memory_space<semaphore_mem>>)
          %dma_wait3A_1794 = arith.constant 0 : i32
          %dma_wait3A_1795 = tpu.memref_slice %arg3[%add3A_1329, %dma_wait3A_1794] : memref<16384x20xi32, #tpu.memory_space<hbm>> -> memref<16x20xi32, #tpu.memory_space<hbm>>
          %dma_wait3A_1796 = arith.constant 0 : i32
          %dma_wait3A_1797 = tpu.memref_slice %arg3[%add3A_1329, %dma_wait3A_1796] : memref<16384x20xi32, #tpu.memory_space<hbm>> -> memref<16x20xi32, #tpu.memory_space<hbm>>
          tpu.wait_dma2 semaphore(%run_scoped3A : memref<!tpu.dma_semaphore, #tpu.memory_space<semaphore_mem>>) src(%dma_wait3A_1797 : memref<16x20xi32, #tpu.memory_space<hbm>>) dst(%arg8 : memref<16x20xi32, #tpu.memory_space<vmem>>)
          tpu.yield
        }) : () -> ()
        %broadcast_in_dim3A_1330 = arith.constant 0 : i32
        %broadcast_in_dim3A_1331 = vector.broadcast %broadcast_in_dim3A_1330 : i32 to vector<16xi32>
        %add3A_1332 = arith.constant 0 : i32
        %add3A_1333 = vector.broadcast %add3A_1332 : i32 to vector<16xi32>
        %add3A_1334 = arith.addi %broadcast_in_dim3A_1331, %add3A_1333 : vector<16xi32>
        %gather3A_1335 = tpu.vector_load_idx %arg7[%iota3A, %add3A_1334] : memref<16x20xi32, #tpu.memory_space<vmem>>[vector<16xi32>, vector<16xi32>], vector<16xi32>,
        %swap3A_1336 = arith.constant 0 : i32
        %swap3A_1337 = arith.index_cast %swap3A_1336 : i32 to index
        %swap3A_1338 = arith.constant 0 : index
        %swap3A_1339 = tpu.vector_load %arg9[%swap3A_1337, %swap3A_1338] {strides = array<i32>} : memref<2x640xi32, #tpu.memory_space<vmem>>, vector<16xi32>,
        tpu.vector_store %arg9[%swap3A_1337, %swap3A_1338], %gather3A_1335 {strides = array<i32>} : memref<2x640xi32, #tpu.memory_space<vmem>>, vector<16xi32>,
        %broadcast_in_dim3A_1340 = arith.constant 0 : i32
        %broadcast_in_dim3A_1341 = vector.broadcast %broadcast_in_dim3A_1340 : i32 to vector<16xi32>
        %add3A_1342 = arith.constant 1 : i32
        %add3A_1343 = vector.broadcast %add3A_1342 : i32 to vector<16xi32>
        %add3A_1344 = arith.addi %broadcast_in_dim3A_1341, %add3A_1343 : vector<16xi32>
        %gather3A_1345 = tpu.vector_load_idx %arg7[%iota3A, %add3A_1344] : memref<16x20xi32, #tpu.memory_space<vmem>>[vector<16xi32>, vector<16xi32>], vector<16xi32>,
        %swap3A_1346 = arith.constant 0 : i32
        %swap3A_1347 = arith.index_cast %swap3A_1346 : i32 to index
        %swap3A_1348 = arith.constant 16 : index
        %swap3A_1349 = tpu.vector_load %arg9[%swap3A_1347, %swap3A_1348] {strides = array<i32>} : memref<2x640xi32, #tpu.memory_space<vmem>>, vector<16xi32>,
        tpu.vector_store %arg9[%swap3A_1347, %swap3A_1348], %gather3A_1345 {strides = array<i32>} : memref<2x640xi32, #tpu.memory_space<vmem>>, vector<16xi32>,
        %broadcast_in_dim3A_1350 = arith.constant 0 : i32
        %broadcast_in_dim3A_1351 = vector.broadcast %broadcast_in_dim3A_1350 : i32 to vector<16xi32>
        %add3A_1352 = arith.constant 2 : i32
        %add3A_1353 = vector.broadcast %add3A_1352 : i32 to vector<16xi32>
        %add3A_1354 = arith.addi %broadcast_in_dim3A_1351, %add3A_1353 : vector<16xi32>
        %gather3A_1355 = tpu.vector_load_idx %arg7[%iota3A, %add3A_1354] : memref<16x20xi32, #tpu.memory_space<vmem>>[vector<16xi32>, vector<16xi32>], vector<16xi32>,
        %swap3A_1356 = arith.constant 0 : i32
        %swap3A_1357 = arith.index_cast %swap3A_1356 : i32 to index
        %swap3A_1358 = arith.constant 32 : index
        %swap3A_1359 = tpu.vector_load %arg9[%swap3A_1357, %swap3A_1358] {strides = array<i32>} : memref<2x640xi32, #tpu.memory_space<vmem>>, vector<16xi32>,
        tpu.vector_store %arg9[%swap3A_1357, %swap3A_1358], %gather3A_1355 {strides = array<i32>} : memref<2x640xi32, #tpu.memory_space<vmem>>, vector<16xi32>,
        %broadcast_in_dim3A_1360 = arith.constant 0 : i32
        %broadcast_in_dim3A_1361 = vector.broadcast %broadcast_in_dim3A_1360 : i32 to vector<16xi32>
        %add3A_1362 = arith.constant 3 : i32
        %add3A_1363 = vector.broadcast %add3A_1362 : i32 to vector<16xi32>
        %add3A_1364 = arith.addi %broadcast_in_dim3A_1361, %add3A_1363 : vector<16xi32>
        %gather3A_1365 = tpu.vector_load_idx %arg7[%iota3A, %add3A_1364] : memref<16x20xi32, #tpu.memory_space<vmem>>[vector<16xi32>, vector<16xi32>], vector<16xi32>,
        %swap3A_1366 = arith.constant 0 : i32
        %swap3A_1367 = arith.index_cast %swap3A_1366 : i32 to index
        %swap3A_1368 = arith.constant 48 : index
        %swap3A_1369 = tpu.vector_load %arg9[%swap3A_1367, %swap3A_1368] {strides = array<i32>} : memref<2x640xi32, #tpu.memory_space<vmem>>, vector<16xi32>,
        tpu.vector_store %arg9[%swap3A_1367, %swap3A_1368], %gather3A_1365 {strides = array<i32>} : memref<2x640xi32, #tpu.memory_space<vmem>>, vector<16xi32>,
        %broadcast_in_dim3A_1370 = arith.constant 0 : i32
        %broadcast_in_dim3A_1371 = vector.broadcast %broadcast_in_dim3A_1370 : i32 to vector<16xi32>
        %add3A_1372 = arith.constant 4 : i32
        %add3A_1373 = vector.broadcast %add3A_1372 : i32 to vector<16xi32>
        %add3A_1374 = arith.addi %broadcast_in_dim3A_1371, %add3A_1373 : vector<16xi32>
        %gather3A_1375 = tpu.vector_load_idx %arg7[%iota3A, %add3A_1374] : memref<16x20xi32, #tpu.memory_space<vmem>>[vector<16xi32>, vector<16xi32>], vector<16xi32>,
        %swap3A_1376 = arith.constant 0 : i32
        %swap3A_1377 = arith.index_cast %swap3A_1376 : i32 to index
        %swap3A_1378 = arith.constant 64 : index
        %swap3A_1379 = tpu.vector_load %arg9[%swap3A_1377, %swap3A_1378] {strides = array<i32>} : memref<2x640xi32, #tpu.memory_space<vmem>>, vector<16xi32>,
        tpu.vector_store %arg9[%swap3A_1377, %swap3A_1378], %gather3A_1375 {strides = array<i32>} : memref<2x640xi32, #tpu.memory_space<vmem>>, vector<16xi32>,
        %broadcast_in_dim3A_1380 = arith.constant 0 : i32
        %broadcast_in_dim3A_1381 = vector.broadcast %broadcast_in_dim3A_1380 : i32 to vector<16xi32>
        %add3A_1382 = arith.constant 5 : i32
        %add3A_1383 = vector.broadcast %add3A_1382 : i32 to vector<16xi32>
        %add3A_1384 = arith.addi %broadcast_in_dim3A_1381, %add3A_1383 : vector<16xi32>
        %gather3A_1385 = tpu.vector_load_idx %arg7[%iota3A, %add3A_1384] : memref<16x20xi32, #tpu.memory_space<vmem>>[vector<16xi32>, vector<16xi32>], vector<16xi32>,
        %swap3A_1386 = arith.constant 0 : i32
        %swap3A_1387 = arith.index_cast %swap3A_1386 : i32 to index
        %swap3A_1388 = arith.constant 80 : index
        %swap3A_1389 = tpu.vector_load %arg9[%swap3A_1387, %swap3A_1388] {strides = array<i32>} : memref<2x640xi32, #tpu.memory_space<vmem>>, vector<16xi32>,
        tpu.vector_store %arg9[%swap3A_1387, %swap3A_1388], %gather3A_1385 {strides = array<i32>} : memref<2x640xi32, #tpu.memory_space<vmem>>, vector<16xi32>,
        %broadcast_in_dim3A_1390 = arith.constant 0 : i32
        %broadcast_in_dim3A_1391 = vector.broadcast %broadcast_in_dim3A_1390 : i32 to vector<16xi32>
        %add3A_1392 = arith.constant 6 : i32
        %add3A_1393 = vector.broadcast %add3A_1392 : i32 to vector<16xi32>
        %add3A_1394 = arith.addi %broadcast_in_dim3A_1391, %add3A_1393 : vector<16xi32>
        %gather3A_1395 = tpu.vector_load_idx %arg7[%iota3A, %add3A_1394] : memref<16x20xi32, #tpu.memory_space<vmem>>[vector<16xi32>, vector<16xi32>], vector<16xi32>,
        %swap3A_1396 = arith.constant 0 : i32
        %swap3A_1397 = arith.index_cast %swap3A_1396 : i32 to index
        %swap3A_1398 = arith.constant 96 : index
        %swap3A_1399 = tpu.vector_load %arg9[%swap3A_1397, %swap3A_1398] {strides = array<i32>} : memref<2x640xi32, #tpu.memory_space<vmem>>, vector<16xi32>,
        tpu.vector_store %arg9[%swap3A_1397, %swap3A_1398], %gather3A_1395 {strides = array<i32>} : memref<2x640xi32, #tpu.memory_space<vmem>>, vector<16xi32>,
        %broadcast_in_dim3A_1400 = arith.constant 0 : i32
        %broadcast_in_dim3A_1401 = vector.broadcast %broadcast_in_dim3A_1400 : i32 to vector<16xi32>
        %add3A_1402 = arith.constant 7 : i32
        %add3A_1403 = vector.broadcast %add3A_1402 : i32 to vector<16xi32>
        %add3A_1404 = arith.addi %broadcast_in_dim3A_1401, %add3A_1403 : vector<16xi32>
        %gather3A_1405 = tpu.vector_load_idx %arg7[%iota3A, %add3A_1404] : memref<16x20xi32, #tpu.memory_space<vmem>>[vector<16xi32>, vector<16xi32>], vector<16xi32>,
        %swap3A_1406 = arith.constant 0 : i32
        %swap3A_1407 = arith.index_cast %swap3A_1406 : i32 to index
        %swap3A_1408 = arith.constant 112 : index
        %swap3A_1409 = tpu.vector_load %arg9[%swap3A_1407, %swap3A_1408] {strides = array<i32>} : memref<2x640xi32, #tpu.memory_space<vmem>>, vector<16xi32>,
        tpu.vector_store %arg9[%swap3A_1407, %swap3A_1408], %gather3A_1405 {strides = array<i32>} : memref<2x640xi32, #tpu.memory_space<vmem>>, vector<16xi32>,
        %broadcast_in_dim3A_1410 = arith.constant 0 : i32
        %broadcast_in_dim3A_1411 = vector.broadcast %broadcast_in_dim3A_1410 : i32 to vector<16xi32>
        %add3A_1412 = arith.constant 8 : i32
        %add3A_1413 = vector.broadcast %add3A_1412 : i32 to vector<16xi32>
        %add3A_1414 = arith.addi %broadcast_in_dim3A_1411, %add3A_1413 : vector<16xi32>
        %gather3A_1415 = tpu.vector_load_idx %arg7[%iota3A, %add3A_1414] : memref<16x20xi32, #tpu.memory_space<vmem>>[vector<16xi32>, vector<16xi32>], vector<16xi32>,
        %swap3A_1416 = arith.constant 0 : i32
        %swap3A_1417 = arith.index_cast %swap3A_1416 : i32 to index
        %swap3A_1418 = arith.constant 128 : index
        %swap3A_1419 = tpu.vector_load %arg9[%swap3A_1417, %swap3A_1418] {strides = array<i32>} : memref<2x640xi32, #tpu.memory_space<vmem>>, vector<16xi32>,
        tpu.vector_store %arg9[%swap3A_1417, %swap3A_1418], %gather3A_1415 {strides = array<i32>} : memref<2x640xi32, #tpu.memory_space<vmem>>, vector<16xi32>,
        %broadcast_in_dim3A_1420 = arith.constant 0 : i32
        %broadcast_in_dim3A_1421 = vector.broadcast %broadcast_in_dim3A_1420 : i32 to vector<16xi32>
        %add3A_1422 = arith.constant 9 : i32
        %add3A_1423 = vector.broadcast %add3A_1422 : i32 to vector<16xi32>
        %add3A_1424 = arith.addi %broadcast_in_dim3A_1421, %add3A_1423 : vector<16xi32>
        %gather3A_1425 = tpu.vector_load_idx %arg7[%iota3A, %add3A_1424] : memref<16x20xi32, #tpu.memory_space<vmem>>[vector<16xi32>, vector<16xi32>], vector<16xi32>,
        %swap3A_1426 = arith.constant 0 : i32
        %swap3A_1427 = arith.index_cast %swap3A_1426 : i32 to index
        %swap3A_1428 = arith.constant 144 : index
        %swap3A_1429 = tpu.vector_load %arg9[%swap3A_1427, %swap3A_1428] {strides = array<i32>} : memref<2x640xi32, #tpu.memory_space<vmem>>, vector<16xi32>,
        tpu.vector_store %arg9[%swap3A_1427, %swap3A_1428], %gather3A_1425 {strides = array<i32>} : memref<2x640xi32, #tpu.memory_space<vmem>>, vector<16xi32>,
        %broadcast_in_dim3A_1430 = arith.constant 0 : i32
        %broadcast_in_dim3A_1431 = vector.broadcast %broadcast_in_dim3A_1430 : i32 to vector<16xi32>
        %add3A_1432 = arith.constant 10 : i32
        %add3A_1433 = vector.broadcast %add3A_1432 : i32 to vector<16xi32>
        %add3A_1434 = arith.addi %broadcast_in_dim3A_1431, %add3A_1433 : vector<16xi32>
        %gather3A_1435 = tpu.vector_load_idx %arg7[%iota3A, %add3A_1434] : memref<16x20xi32, #tpu.memory_space<vmem>>[vector<16xi32>, vector<16xi32>], vector<16xi32>,
        %swap3A_1436 = arith.constant 0 : i32
        %swap3A_1437 = arith.index_cast %swap3A_1436 : i32 to index
        %swap3A_1438 = arith.constant 160 : index
        %swap3A_1439 = tpu.vector_load %arg9[%swap3A_1437, %swap3A_1438] {strides = array<i32>} : memref<2x640xi32, #tpu.memory_space<vmem>>, vector<16xi32>,
        tpu.vector_store %arg9[%swap3A_1437, %swap3A_1438], %gather3A_1435 {strides = array<i32>} : memref<2x640xi32, #tpu.memory_space<vmem>>, vector<16xi32>,
        %broadcast_in_dim3A_1440 = arith.constant 0 : i32
        %broadcast_in_dim3A_1441 = vector.broadcast %broadcast_in_dim3A_1440 : i32 to vector<16xi32>
        %add3A_1442 = arith.constant 11 : i32
        %add3A_1443 = vector.broadcast %add3A_1442 : i32 to vector<16xi32>
        %add3A_1444 = arith.addi %broadcast_in_dim3A_1441, %add3A_1443 : vector<16xi32>
        %gather3A_1445 = tpu.vector_load_idx %arg7[%iota3A, %add3A_1444] : memref<16x20xi32, #tpu.memory_space<vmem>>[vector<16xi32>, vector<16xi32>], vector<16xi32>,
        %swap3A_1446 = arith.constant 0 : i32
        %swap3A_1447 = arith.index_cast %swap3A_1446 : i32 to index
        %swap3A_1448 = arith.constant 176 : index
        %swap3A_1449 = tpu.vector_load %arg9[%swap3A_1447, %swap3A_1448] {strides = array<i32>} : memref<2x640xi32, #tpu.memory_space<vmem>>, vector<16xi32>,
        tpu.vector_store %arg9[%swap3A_1447, %swap3A_1448], %gather3A_1445 {strides = array<i32>} : memref<2x640xi32, #tpu.memory_space<vmem>>, vector<16xi32>,
        %broadcast_in_dim3A_1450 = arith.constant 0 : i32
        %broadcast_in_dim3A_1451 = vector.broadcast %broadcast_in_dim3A_1450 : i32 to vector<16xi32>
        %add3A_1452 = arith.constant 12 : i32
        %add3A_1453 = vector.broadcast %add3A_1452 : i32 to vector<16xi32>
        %add3A_1454 = arith.addi %broadcast_in_dim3A_1451, %add3A_1453 : vector<16xi32>
        %gather3A_1455 = tpu.vector_load_idx %arg7[%iota3A, %add3A_1454] : memref<16x20xi32, #tpu.memory_space<vmem>>[vector<16xi32>, vector<16xi32>], vector<16xi32>,
        %swap3A_1456 = arith.constant 0 : i32
        %swap3A_1457 = arith.index_cast %swap3A_1456 : i32 to index
        %swap3A_1458 = arith.constant 192 : index
        %swap3A_1459 = tpu.vector_load %arg9[%swap3A_1457, %swap3A_1458] {strides = array<i32>} : memref<2x640xi32, #tpu.memory_space<vmem>>, vector<16xi32>,
        tpu.vector_store %arg9[%swap3A_1457, %swap3A_1458], %gather3A_1455 {strides = array<i32>} : memref<2x640xi32, #tpu.memory_space<vmem>>, vector<16xi32>,
        %broadcast_in_dim3A_1460 = arith.constant 0 : i32
        %broadcast_in_dim3A_1461 = vector.broadcast %broadcast_in_dim3A_1460 : i32 to vector<16xi32>
        %add3A_1462 = arith.constant 13 : i32
        %add3A_1463 = vector.broadcast %add3A_1462 : i32 to vector<16xi32>
        %add3A_1464 = arith.addi %broadcast_in_dim3A_1461, %add3A_1463 : vector<16xi32>
        %gather3A_1465 = tpu.vector_load_idx %arg7[%iota3A, %add3A_1464] : memref<16x20xi32, #tpu.memory_space<vmem>>[vector<16xi32>, vector<16xi32>], vector<16xi32>,
        %swap3A_1466 = arith.constant 0 : i32
        %swap3A_1467 = arith.index_cast %swap3A_1466 : i32 to index
        %swap3A_1468 = arith.constant 208 : index
        %swap3A_1469 = tpu.vector_load %arg9[%swap3A_1467, %swap3A_1468] {strides = array<i32>} : memref<2x640xi32, #tpu.memory_space<vmem>>, vector<16xi32>,
        tpu.vector_store %arg9[%swap3A_1467, %swap3A_1468], %gather3A_1465 {strides = array<i32>} : memref<2x640xi32, #tpu.memory_space<vmem>>, vector<16xi32>,
        %broadcast_in_dim3A_1470 = arith.constant 0 : i32
        %broadcast_in_dim3A_1471 = vector.broadcast %broadcast_in_dim3A_1470 : i32 to vector<16xi32>
        %add3A_1472 = arith.constant 14 : i32
        %add3A_1473 = vector.broadcast %add3A_1472 : i32 to vector<16xi32>
        %add3A_1474 = arith.addi %broadcast_in_dim3A_1471, %add3A_1473 : vector<16xi32>
        %gather3A_1475 = tpu.vector_load_idx %arg7[%iota3A, %add3A_1474] : memref<16x20xi32, #tpu.memory_space<vmem>>[vector<16xi32>, vector<16xi32>], vector<16xi32>,
        %swap3A_1476 = arith.constant 0 : i32
        %swap3A_1477 = arith.index_cast %swap3A_1476 : i32 to index
        %swap3A_1478 = arith.constant 224 : index
        %swap3A_1479 = tpu.vector_load %arg9[%swap3A_1477, %swap3A_1478] {strides = array<i32>} : memref<2x640xi32, #tpu.memory_space<vmem>>, vector<16xi32>,
        tpu.vector_store %arg9[%swap3A_1477, %swap3A_1478], %gather3A_1475 {strides = array<i32>} : memref<2x640xi32, #tpu.memory_space<vmem>>, vector<16xi32>,
        %broadcast_in_dim3A_1480 = arith.constant 0 : i32
        %broadcast_in_dim3A_1481 = vector.broadcast %broadcast_in_dim3A_1480 : i32 to vector<16xi32>
        %add3A_1482 = arith.constant 15 : i32
        %add3A_1483 = vector.broadcast %add3A_1482 : i32 to vector<16xi32>
        %add3A_1484 = arith.addi %broadcast_in_dim3A_1481, %add3A_1483 : vector<16xi32>
        %gather3A_1485 = tpu.vector_load_idx %arg7[%iota3A, %add3A_1484] : memref<16x20xi32, #tpu.memory_space<vmem>>[vector<16xi32>, vector<16xi32>], vector<16xi32>,
        %swap3A_1486 = arith.constant 0 : i32
        %swap3A_1487 = arith.index_cast %swap3A_1486 : i32 to index
        %swap3A_1488 = arith.constant 240 : index
        %swap3A_1489 = tpu.vector_load %arg9[%swap3A_1487, %swap3A_1488] {strides = array<i32>} : memref<2x640xi32, #tpu.memory_space<vmem>>, vector<16xi32>,
        tpu.vector_store %arg9[%swap3A_1487, %swap3A_1488], %gather3A_1485 {strides = array<i32>} : memref<2x640xi32, #tpu.memory_space<vmem>>, vector<16xi32>,
        %broadcast_in_dim3A_1490 = arith.constant 0 : i32
        %broadcast_in_dim3A_1491 = vector.broadcast %broadcast_in_dim3A_1490 : i32 to vector<16xi32>
        %add3A_1492 = arith.constant 16 : i32
        %add3A_1493 = vector.broadcast %add3A_1492 : i32 to vector<16xi32>
        %add3A_1494 = arith.addi %broadcast_in_dim3A_1491, %add3A_1493 : vector<16xi32>
        %gather3A_1495 = tpu.vector_load_idx %arg7[%iota3A, %add3A_1494] : memref<16x20xi32, #tpu.memory_space<vmem>>[vector<16xi32>, vector<16xi32>], vector<16xi32>,
        %swap3A_1496 = arith.constant 0 : i32
        %swap3A_1497 = arith.index_cast %swap3A_1496 : i32 to index
        %swap3A_1498 = arith.constant 256 : index
        %swap3A_1499 = tpu.vector_load %arg9[%swap3A_1497, %swap3A_1498] {strides = array<i32>} : memref<2x640xi32, #tpu.memory_space<vmem>>, vector<16xi32>,
        tpu.vector_store %arg9[%swap3A_1497, %swap3A_1498], %gather3A_1495 {strides = array<i32>} : memref<2x640xi32, #tpu.memory_space<vmem>>, vector<16xi32>,
        %broadcast_in_dim3A_1500 = arith.constant 0 : i32
        %broadcast_in_dim3A_1501 = vector.broadcast %broadcast_in_dim3A_1500 : i32 to vector<16xi32>
        %add3A_1502 = arith.constant 17 : i32
        %add3A_1503 = vector.broadcast %add3A_1502 : i32 to vector<16xi32>
        %add3A_1504 = arith.addi %broadcast_in_dim3A_1501, %add3A_1503 : vector<16xi32>
        %gather3A_1505 = tpu.vector_load_idx %arg7[%iota3A, %add3A_1504] : memref<16x20xi32, #tpu.memory_space<vmem>>[vector<16xi32>, vector<16xi32>], vector<16xi32>,
        %swap3A_1506 = arith.constant 0 : i32
        %swap3A_1507 = arith.index_cast %swap3A_1506 : i32 to index
        %swap3A_1508 = arith.constant 272 : index
        %swap3A_1509 = tpu.vector_load %arg9[%swap3A_1507, %swap3A_1508] {strides = array<i32>} : memref<2x640xi32, #tpu.memory_space<vmem>>, vector<16xi32>,
        tpu.vector_store %arg9[%swap3A_1507, %swap3A_1508], %gather3A_1505 {strides = array<i32>} : memref<2x640xi32, #tpu.memory_space<vmem>>, vector<16xi32>,
        %broadcast_in_dim3A_1510 = arith.constant 0 : i32
        %broadcast_in_dim3A_1511 = vector.broadcast %broadcast_in_dim3A_1510 : i32 to vector<16xi32>
        %add3A_1512 = arith.constant 18 : i32
        %add3A_1513 = vector.broadcast %add3A_1512 : i32 to vector<16xi32>
        %add3A_1514 = arith.addi %broadcast_in_dim3A_1511, %add3A_1513 : vector<16xi32>
        %gather3A_1515 = tpu.vector_load_idx %arg7[%iota3A, %add3A_1514] : memref<16x20xi32, #tpu.memory_space<vmem>>[vector<16xi32>, vector<16xi32>], vector<16xi32>,
        %swap3A_1516 = arith.constant 0 : i32
        %swap3A_1517 = arith.index_cast %swap3A_1516 : i32 to index
        %swap3A_1518 = arith.constant 288 : index
        %swap3A_1519 = tpu.vector_load %arg9[%swap3A_1517, %swap3A_1518] {strides = array<i32>} : memref<2x640xi32, #tpu.memory_space<vmem>>, vector<16xi32>,
        tpu.vector_store %arg9[%swap3A_1517, %swap3A_1518], %gather3A_1515 {strides = array<i32>} : memref<2x640xi32, #tpu.memory_space<vmem>>, vector<16xi32>,
        %broadcast_in_dim3A_1520 = arith.constant 0 : i32
        %broadcast_in_dim3A_1521 = vector.broadcast %broadcast_in_dim3A_1520 : i32 to vector<16xi32>
        %add3A_1522 = arith.constant 19 : i32
        %add3A_1523 = vector.broadcast %add3A_1522 : i32 to vector<16xi32>
        %add3A_1524 = arith.addi %broadcast_in_dim3A_1521, %add3A_1523 : vector<16xi32>
        %gather3A_1525 = tpu.vector_load_idx %arg7[%iota3A, %add3A_1524] : memref<16x20xi32, #tpu.memory_space<vmem>>[vector<16xi32>, vector<16xi32>], vector<16xi32>,
        %swap3A_1526 = arith.constant 0 : i32
        %swap3A_1527 = arith.index_cast %swap3A_1526 : i32 to index
        %swap3A_1528 = arith.constant 304 : index
        %swap3A_1529 = tpu.vector_load %arg9[%swap3A_1527, %swap3A_1528] {strides = array<i32>} : memref<2x640xi32, #tpu.memory_space<vmem>>, vector<16xi32>,
        tpu.vector_store %arg9[%swap3A_1527, %swap3A_1528], %gather3A_1525 {strides = array<i32>} : memref<2x640xi32, #tpu.memory_space<vmem>>, vector<16xi32>,
        %broadcast_in_dim3A_1530 = arith.constant 0 : i32
        %broadcast_in_dim3A_1531 = vector.broadcast %broadcast_in_dim3A_1530 : i32 to vector<16xi32>
        %add3A_1532 = arith.constant 0 : i32
        %add3A_1533 = vector.broadcast %add3A_1532 : i32 to vector<16xi32>
        %add3A_1534 = arith.addi %broadcast_in_dim3A_1531, %add3A_1533 : vector<16xi32>
        %gather3A_1535 = tpu.vector_load_idx %arg8[%iota3A, %add3A_1534] : memref<16x20xi32, #tpu.memory_space<vmem>>[vector<16xi32>, vector<16xi32>], vector<16xi32>,
        %swap3A_1536 = arith.constant 0 : i32
        %swap3A_1537 = arith.index_cast %swap3A_1536 : i32 to index
        %swap3A_1538 = arith.constant 320 : index
        %swap3A_1539 = tpu.vector_load %arg9[%swap3A_1537, %swap3A_1538] {strides = array<i32>} : memref<2x640xi32, #tpu.memory_space<vmem>>, vector<16xi32>,
        tpu.vector_store %arg9[%swap3A_1537, %swap3A_1538], %gather3A_1535 {strides = array<i32>} : memref<2x640xi32, #tpu.memory_space<vmem>>, vector<16xi32>,
        %broadcast_in_dim3A_1540 = arith.constant 0 : i32
        %broadcast_in_dim3A_1541 = vector.broadcast %broadcast_in_dim3A_1540 : i32 to vector<16xi32>
        %add3A_1542 = arith.constant 1 : i32
        %add3A_1543 = vector.broadcast %add3A_1542 : i32 to vector<16xi32>
        %add3A_1544 = arith.addi %broadcast_in_dim3A_1541, %add3A_1543 : vector<16xi32>
        %gather3A_1545 = tpu.vector_load_idx %arg8[%iota3A, %add3A_1544] : memref<16x20xi32, #tpu.memory_space<vmem>>[vector<16xi32>, vector<16xi32>], vector<16xi32>,
        %swap3A_1546 = arith.constant 0 : i32
        %swap3A_1547 = arith.index_cast %swap3A_1546 : i32 to index
        %swap3A_1548 = arith.constant 336 : index
        %swap3A_1549 = tpu.vector_load %arg9[%swap3A_1547, %swap3A_1548] {strides = array<i32>} : memref<2x640xi32, #tpu.memory_space<vmem>>, vector<16xi32>,
        tpu.vector_store %arg9[%swap3A_1547, %swap3A_1548], %gather3A_1545 {strides = array<i32>} : memref<2x640xi32, #tpu.memory_space<vmem>>, vector<16xi32>,
        %broadcast_in_dim3A_1550 = arith.constant 0 : i32
        %broadcast_in_dim3A_1551 = vector.broadcast %broadcast_in_dim3A_1550 : i32 to vector<16xi32>
        %add3A_1552 = arith.constant 2 : i32
        %add3A_1553 = vector.broadcast %add3A_1552 : i32 to vector<16xi32>
        %add3A_1554 = arith.addi %broadcast_in_dim3A_1551, %add3A_1553 : vector<16xi32>
        %gather3A_1555 = tpu.vector_load_idx %arg8[%iota3A, %add3A_1554] : memref<16x20xi32, #tpu.memory_space<vmem>>[vector<16xi32>, vector<16xi32>], vector<16xi32>,
        %swap3A_1556 = arith.constant 0 : i32
        %swap3A_1557 = arith.index_cast %swap3A_1556 : i32 to index
        %swap3A_1558 = arith.constant 352 : index
        %swap3A_1559 = tpu.vector_load %arg9[%swap3A_1557, %swap3A_1558] {strides = array<i32>} : memref<2x640xi32, #tpu.memory_space<vmem>>, vector<16xi32>,
        tpu.vector_store %arg9[%swap3A_1557, %swap3A_1558], %gather3A_1555 {strides = array<i32>} : memref<2x640xi32, #tpu.memory_space<vmem>>, vector<16xi32>,
        %broadcast_in_dim3A_1560 = arith.constant 0 : i32
        %broadcast_in_dim3A_1561 = vector.broadcast %broadcast_in_dim3A_1560 : i32 to vector<16xi32>
        %add3A_1562 = arith.constant 3 : i32
        %add3A_1563 = vector.broadcast %add3A_1562 : i32 to vector<16xi32>
        %add3A_1564 = arith.addi %broadcast_in_dim3A_1561, %add3A_1563 : vector<16xi32>
        %gather3A_1565 = tpu.vector_load_idx %arg8[%iota3A, %add3A_1564] : memref<16x20xi32, #tpu.memory_space<vmem>>[vector<16xi32>, vector<16xi32>], vector<16xi32>,
        %swap3A_1566 = arith.constant 0 : i32
        %swap3A_1567 = arith.index_cast %swap3A_1566 : i32 to index
        %swap3A_1568 = arith.constant 368 : index
        %swap3A_1569 = tpu.vector_load %arg9[%swap3A_1567, %swap3A_1568] {strides = array<i32>} : memref<2x640xi32, #tpu.memory_space<vmem>>, vector<16xi32>,
        tpu.vector_store %arg9[%swap3A_1567, %swap3A_1568], %gather3A_1565 {strides = array<i32>} : memref<2x640xi32, #tpu.memory_space<vmem>>, vector<16xi32>,
        %broadcast_in_dim3A_1570 = arith.constant 0 : i32
        %broadcast_in_dim3A_1571 = vector.broadcast %broadcast_in_dim3A_1570 : i32 to vector<16xi32>
        %add3A_1572 = arith.constant 4 : i32
        %add3A_1573 = vector.broadcast %add3A_1572 : i32 to vector<16xi32>
        %add3A_1574 = arith.addi %broadcast_in_dim3A_1571, %add3A_1573 : vector<16xi32>
        %gather3A_1575 = tpu.vector_load_idx %arg8[%iota3A, %add3A_1574] : memref<16x20xi32, #tpu.memory_space<vmem>>[vector<16xi32>, vector<16xi32>], vector<16xi32>,
        %swap3A_1576 = arith.constant 0 : i32
        %swap3A_1577 = arith.index_cast %swap3A_1576 : i32 to index
        %swap3A_1578 = arith.constant 384 : index
        %swap3A_1579 = tpu.vector_load %arg9[%swap3A_1577, %swap3A_1578] {strides = array<i32>} : memref<2x640xi32, #tpu.memory_space<vmem>>, vector<16xi32>,
        tpu.vector_store %arg9[%swap3A_1577, %swap3A_1578], %gather3A_1575 {strides = array<i32>} : memref<2x640xi32, #tpu.memory_space<vmem>>, vector<16xi32>,
        %broadcast_in_dim3A_1580 = arith.constant 0 : i32
        %broadcast_in_dim3A_1581 = vector.broadcast %broadcast_in_dim3A_1580 : i32 to vector<16xi32>
        %add3A_1582 = arith.constant 5 : i32
        %add3A_1583 = vector.broadcast %add3A_1582 : i32 to vector<16xi32>
        %add3A_1584 = arith.addi %broadcast_in_dim3A_1581, %add3A_1583 : vector<16xi32>
        %gather3A_1585 = tpu.vector_load_idx %arg8[%iota3A, %add3A_1584] : memref<16x20xi32, #tpu.memory_space<vmem>>[vector<16xi32>, vector<16xi32>], vector<16xi32>,
        %swap3A_1586 = arith.constant 0 : i32
        %swap3A_1587 = arith.index_cast %swap3A_1586 : i32 to index
        %swap3A_1588 = arith.constant 400 : index
        %swap3A_1589 = tpu.vector_load %arg9[%swap3A_1587, %swap3A_1588] {strides = array<i32>} : memref<2x640xi32, #tpu.memory_space<vmem>>, vector<16xi32>,
        tpu.vector_store %arg9[%swap3A_1587, %swap3A_1588], %gather3A_1585 {strides = array<i32>} : memref<2x640xi32, #tpu.memory_space<vmem>>, vector<16xi32>,
        %broadcast_in_dim3A_1590 = arith.constant 0 : i32
        %broadcast_in_dim3A_1591 = vector.broadcast %broadcast_in_dim3A_1590 : i32 to vector<16xi32>
        %add3A_1592 = arith.constant 6 : i32
        %add3A_1593 = vector.broadcast %add3A_1592 : i32 to vector<16xi32>
        %add3A_1594 = arith.addi %broadcast_in_dim3A_1591, %add3A_1593 : vector<16xi32>
        %gather3A_1595 = tpu.vector_load_idx %arg8[%iota3A, %add3A_1594] : memref<16x20xi32, #tpu.memory_space<vmem>>[vector<16xi32>, vector<16xi32>], vector<16xi32>,
        %swap3A_1596 = arith.constant 0 : i32
        %swap3A_1597 = arith.index_cast %swap3A_1596 : i32 to index
        %swap3A_1598 = arith.constant 416 : index
        %swap3A_1599 = tpu.vector_load %arg9[%swap3A_1597, %swap3A_1598] {strides = array<i32>} : memref<2x640xi32, #tpu.memory_space<vmem>>, vector<16xi32>,
        tpu.vector_store %arg9[%swap3A_1597, %swap3A_1598], %gather3A_1595 {strides = array<i32>} : memref<2x640xi32, #tpu.memory_space<vmem>>, vector<16xi32>,
        %broadcast_in_dim3A_1600 = arith.constant 0 : i32
        %broadcast_in_dim3A_1601 = vector.broadcast %broadcast_in_dim3A_1600 : i32 to vector<16xi32>
        %add3A_1602 = arith.constant 7 : i32
        %add3A_1603 = vector.broadcast %add3A_1602 : i32 to vector<16xi32>
        %add3A_1604 = arith.addi %broadcast_in_dim3A_1601, %add3A_1603 : vector<16xi32>
        %gather3A_1605 = tpu.vector_load_idx %arg8[%iota3A, %add3A_1604] : memref<16x20xi32, #tpu.memory_space<vmem>>[vector<16xi32>, vector<16xi32>], vector<16xi32>,
        %swap3A_1606 = arith.constant 0 : i32
        %swap3A_1607 = arith.index_cast %swap3A_1606 : i32 to index
        %swap3A_1608 = arith.constant 432 : index
        %swap3A_1609 = tpu.vector_load %arg9[%swap3A_1607, %swap3A_1608] {strides = array<i32>} : memref<2x640xi32, #tpu.memory_space<vmem>>, vector<16xi32>,
        tpu.vector_store %arg9[%swap3A_1607, %swap3A_1608], %gather3A_1605 {strides = array<i32>} : memref<2x640xi32, #tpu.memory_space<vmem>>, vector<16xi32>,
        %broadcast_in_dim3A_1610 = arith.constant 0 : i32
        %broadcast_in_dim3A_1611 = vector.broadcast %broadcast_in_dim3A_1610 : i32 to vector<16xi32>
        %add3A_1612 = arith.constant 8 : i32
        %add3A_1613 = vector.broadcast %add3A_1612 : i32 to vector<16xi32>
        %add3A_1614 = arith.addi %broadcast_in_dim3A_1611, %add3A_1613 : vector<16xi32>
        %gather3A_1615 = tpu.vector_load_idx %arg8[%iota3A, %add3A_1614] : memref<16x20xi32, #tpu.memory_space<vmem>>[vector<16xi32>, vector<16xi32>], vector<16xi32>,
        %swap3A_1616 = arith.constant 0 : i32
        %swap3A_1617 = arith.index_cast %swap3A_1616 : i32 to index
        %swap3A_1618 = arith.constant 448 : index
        %swap3A_1619 = tpu.vector_load %arg9[%swap3A_1617, %swap3A_1618] {strides = array<i32>} : memref<2x640xi32, #tpu.memory_space<vmem>>, vector<16xi32>,
        tpu.vector_store %arg9[%swap3A_1617, %swap3A_1618], %gather3A_1615 {strides = array<i32>} : memref<2x640xi32, #tpu.memory_space<vmem>>, vector<16xi32>,
        %broadcast_in_dim3A_1620 = arith.constant 0 : i32
        %broadcast_in_dim3A_1621 = vector.broadcast %broadcast_in_dim3A_1620 : i32 to vector<16xi32>
        %add3A_1622 = arith.constant 9 : i32
        %add3A_1623 = vector.broadcast %add3A_1622 : i32 to vector<16xi32>
        %add3A_1624 = arith.addi %broadcast_in_dim3A_1621, %add3A_1623 : vector<16xi32>
        %gather3A_1625 = tpu.vector_load_idx %arg8[%iota3A, %add3A_1624] : memref<16x20xi32, #tpu.memory_space<vmem>>[vector<16xi32>, vector<16xi32>], vector<16xi32>,
        %swap3A_1626 = arith.constant 0 : i32
        %swap3A_1627 = arith.index_cast %swap3A_1626 : i32 to index
        %swap3A_1628 = arith.constant 464 : index
        %swap3A_1629 = tpu.vector_load %arg9[%swap3A_1627, %swap3A_1628] {strides = array<i32>} : memref<2x640xi32, #tpu.memory_space<vmem>>, vector<16xi32>,
        tpu.vector_store %arg9[%swap3A_1627, %swap3A_1628], %gather3A_1625 {strides = array<i32>} : memref<2x640xi32, #tpu.memory_space<vmem>>, vector<16xi32>,
        %broadcast_in_dim3A_1630 = arith.constant 0 : i32
        %broadcast_in_dim3A_1631 = vector.broadcast %broadcast_in_dim3A_1630 : i32 to vector<16xi32>
        %add3A_1632 = arith.constant 10 : i32
        %add3A_1633 = vector.broadcast %add3A_1632 : i32 to vector<16xi32>
        %add3A_1634 = arith.addi %broadcast_in_dim3A_1631, %add3A_1633 : vector<16xi32>
        %gather3A_1635 = tpu.vector_load_idx %arg8[%iota3A, %add3A_1634] : memref<16x20xi32, #tpu.memory_space<vmem>>[vector<16xi32>, vector<16xi32>], vector<16xi32>,
        %swap3A_1636 = arith.constant 0 : i32
        %swap3A_1637 = arith.index_cast %swap3A_1636 : i32 to index
        %swap3A_1638 = arith.constant 480 : index
        %swap3A_1639 = tpu.vector_load %arg9[%swap3A_1637, %swap3A_1638] {strides = array<i32>} : memref<2x640xi32, #tpu.memory_space<vmem>>, vector<16xi32>,
        tpu.vector_store %arg9[%swap3A_1637, %swap3A_1638], %gather3A_1635 {strides = array<i32>} : memref<2x640xi32, #tpu.memory_space<vmem>>, vector<16xi32>,
        %broadcast_in_dim3A_1640 = arith.constant 0 : i32
        %broadcast_in_dim3A_1641 = vector.broadcast %broadcast_in_dim3A_1640 : i32 to vector<16xi32>
        %add3A_1642 = arith.constant 11 : i32
        %add3A_1643 = vector.broadcast %add3A_1642 : i32 to vector<16xi32>
        %add3A_1644 = arith.addi %broadcast_in_dim3A_1641, %add3A_1643 : vector<16xi32>
        %gather3A_1645 = tpu.vector_load_idx %arg8[%iota3A, %add3A_1644] : memref<16x20xi32, #tpu.memory_space<vmem>>[vector<16xi32>, vector<16xi32>], vector<16xi32>,
        %swap3A_1646 = arith.constant 0 : i32
        %swap3A_1647 = arith.index_cast %swap3A_1646 : i32 to index
        %swap3A_1648 = arith.constant 496 : index
        %swap3A_1649 = tpu.vector_load %arg9[%swap3A_1647, %swap3A_1648] {strides = array<i32>} : memref<2x640xi32, #tpu.memory_space<vmem>>, vector<16xi32>,
        tpu.vector_store %arg9[%swap3A_1647, %swap3A_1648], %gather3A_1645 {strides = array<i32>} : memref<2x640xi32, #tpu.memory_space<vmem>>, vector<16xi32>,
        %broadcast_in_dim3A_1650 = arith.constant 0 : i32
        %broadcast_in_dim3A_1651 = vector.broadcast %broadcast_in_dim3A_1650 : i32 to vector<16xi32>
        %add3A_1652 = arith.constant 12 : i32
        %add3A_1653 = vector.broadcast %add3A_1652 : i32 to vector<16xi32>
        %add3A_1654 = arith.addi %broadcast_in_dim3A_1651, %add3A_1653 : vector<16xi32>
        %gather3A_1655 = tpu.vector_load_idx %arg8[%iota3A, %add3A_1654] : memref<16x20xi32, #tpu.memory_space<vmem>>[vector<16xi32>, vector<16xi32>], vector<16xi32>,
        %swap3A_1656 = arith.constant 0 : i32
        %swap3A_1657 = arith.index_cast %swap3A_1656 : i32 to index
        %swap3A_1658 = arith.constant 512 : index
        %swap3A_1659 = tpu.vector_load %arg9[%swap3A_1657, %swap3A_1658] {strides = array<i32>} : memref<2x640xi32, #tpu.memory_space<vmem>>, vector<16xi32>,
        tpu.vector_store %arg9[%swap3A_1657, %swap3A_1658], %gather3A_1655 {strides = array<i32>} : memref<2x640xi32, #tpu.memory_space<vmem>>, vector<16xi32>,
        %broadcast_in_dim3A_1660 = arith.constant 0 : i32
        %broadcast_in_dim3A_1661 = vector.broadcast %broadcast_in_dim3A_1660 : i32 to vector<16xi32>
        %add3A_1662 = arith.constant 13 : i32
        %add3A_1663 = vector.broadcast %add3A_1662 : i32 to vector<16xi32>
        %add3A_1664 = arith.addi %broadcast_in_dim3A_1661, %add3A_1663 : vector<16xi32>
        %gather3A_1665 = tpu.vector_load_idx %arg8[%iota3A, %add3A_1664] : memref<16x20xi32, #tpu.memory_space<vmem>>[vector<16xi32>, vector<16xi32>], vector<16xi32>,
        %swap3A_1666 = arith.constant 0 : i32
        %swap3A_1667 = arith.index_cast %swap3A_1666 : i32 to index
        %swap3A_1668 = arith.constant 528 : index
        %swap3A_1669 = tpu.vector_load %arg9[%swap3A_1667, %swap3A_1668] {strides = array<i32>} : memref<2x640xi32, #tpu.memory_space<vmem>>, vector<16xi32>,
        tpu.vector_store %arg9[%swap3A_1667, %swap3A_1668], %gather3A_1665 {strides = array<i32>} : memref<2x640xi32, #tpu.memory_space<vmem>>, vector<16xi32>,
        %broadcast_in_dim3A_1670 = arith.constant 0 : i32
        %broadcast_in_dim3A_1671 = vector.broadcast %broadcast_in_dim3A_1670 : i32 to vector<16xi32>
        %add3A_1672 = arith.constant 14 : i32
        %add3A_1673 = vector.broadcast %add3A_1672 : i32 to vector<16xi32>
        %add3A_1674 = arith.addi %broadcast_in_dim3A_1671, %add3A_1673 : vector<16xi32>
        %gather3A_1675 = tpu.vector_load_idx %arg8[%iota3A, %add3A_1674] : memref<16x20xi32, #tpu.memory_space<vmem>>[vector<16xi32>, vector<16xi32>], vector<16xi32>,
        %swap3A_1676 = arith.constant 0 : i32
        %swap3A_1677 = arith.index_cast %swap3A_1676 : i32 to index
        %swap3A_1678 = arith.constant 544 : index
        %swap3A_1679 = tpu.vector_load %arg9[%swap3A_1677, %swap3A_1678] {strides = array<i32>} : memref<2x640xi32, #tpu.memory_space<vmem>>, vector<16xi32>,
        tpu.vector_store %arg9[%swap3A_1677, %swap3A_1678], %gather3A_1675 {strides = array<i32>} : memref<2x640xi32, #tpu.memory_space<vmem>>, vector<16xi32>,
        %broadcast_in_dim3A_1680 = arith.constant 0 : i32
        %broadcast_in_dim3A_1681 = vector.broadcast %broadcast_in_dim3A_1680 : i32 to vector<16xi32>
        %add3A_1682 = arith.constant 15 : i32
        %add3A_1683 = vector.broadcast %add3A_1682 : i32 to vector<16xi32>
        %add3A_1684 = arith.addi %broadcast_in_dim3A_1681, %add3A_1683 : vector<16xi32>
        %gather3A_1685 = tpu.vector_load_idx %arg8[%iota3A, %add3A_1684] : memref<16x20xi32, #tpu.memory_space<vmem>>[vector<16xi32>, vector<16xi32>], vector<16xi32>,
        %swap3A_1686 = arith.constant 0 : i32
        %swap3A_1687 = arith.index_cast %swap3A_1686 : i32 to index
        %swap3A_1688 = arith.constant 560 : index
        %swap3A_1689 = tpu.vector_load %arg9[%swap3A_1687, %swap3A_1688] {strides = array<i32>} : memref<2x640xi32, #tpu.memory_space<vmem>>, vector<16xi32>,
        tpu.vector_store %arg9[%swap3A_1687, %swap3A_1688], %gather3A_1685 {strides = array<i32>} : memref<2x640xi32, #tpu.memory_space<vmem>>, vector<16xi32>,
        %broadcast_in_dim3A_1690 = arith.constant 0 : i32
        %broadcast_in_dim3A_1691 = vector.broadcast %broadcast_in_dim3A_1690 : i32 to vector<16xi32>
        %add3A_1692 = arith.constant 16 : i32
        %add3A_1693 = vector.broadcast %add3A_1692 : i32 to vector<16xi32>
        %add3A_1694 = arith.addi %broadcast_in_dim3A_1691, %add3A_1693 : vector<16xi32>
        %gather3A_1695 = tpu.vector_load_idx %arg8[%iota3A, %add3A_1694] : memref<16x20xi32, #tpu.memory_space<vmem>>[vector<16xi32>, vector<16xi32>], vector<16xi32>,
        %swap3A_1696 = arith.constant 0 : i32
        %swap3A_1697 = arith.index_cast %swap3A_1696 : i32 to index
        %swap3A_1698 = arith.constant 576 : index
        %swap3A_1699 = tpu.vector_load %arg9[%swap3A_1697, %swap3A_1698] {strides = array<i32>} : memref<2x640xi32, #tpu.memory_space<vmem>>, vector<16xi32>,
        tpu.vector_store %arg9[%swap3A_1697, %swap3A_1698], %gather3A_1695 {strides = array<i32>} : memref<2x640xi32, #tpu.memory_space<vmem>>, vector<16xi32>,
        %broadcast_in_dim3A_1700 = arith.constant 0 : i32
        %broadcast_in_dim3A_1701 = vector.broadcast %broadcast_in_dim3A_1700 : i32 to vector<16xi32>
        %add3A_1702 = arith.constant 17 : i32
        %add3A_1703 = vector.broadcast %add3A_1702 : i32 to vector<16xi32>
        %add3A_1704 = arith.addi %broadcast_in_dim3A_1701, %add3A_1703 : vector<16xi32>
        %gather3A_1705 = tpu.vector_load_idx %arg8[%iota3A, %add3A_1704] : memref<16x20xi32, #tpu.memory_space<vmem>>[vector<16xi32>, vector<16xi32>], vector<16xi32>,
        %swap3A_1706 = arith.constant 0 : i32
        %swap3A_1707 = arith.index_cast %swap3A_1706 : i32 to index
        %swap3A_1708 = arith.constant 592 : index
        %swap3A_1709 = tpu.vector_load %arg9[%swap3A_1707, %swap3A_1708] {strides = array<i32>} : memref<2x640xi32, #tpu.memory_space<vmem>>, vector<16xi32>,
        tpu.vector_store %arg9[%swap3A_1707, %swap3A_1708], %gather3A_1705 {strides = array<i32>} : memref<2x640xi32, #tpu.memory_space<vmem>>, vector<16xi32>,
        %broadcast_in_dim3A_1710 = arith.constant 0 : i32
        %broadcast_in_dim3A_1711 = vector.broadcast %broadcast_in_dim3A_1710 : i32 to vector<16xi32>
        %add3A_1712 = arith.constant 18 : i32
        %add3A_1713 = vector.broadcast %add3A_1712 : i32 to vector<16xi32>
        %add3A_1714 = arith.addi %broadcast_in_dim3A_1711, %add3A_1713 : vector<16xi32>
        %gather3A_1715 = tpu.vector_load_idx %arg8[%iota3A, %add3A_1714] : memref<16x20xi32, #tpu.memory_space<vmem>>[vector<16xi32>, vector<16xi32>], vector<16xi32>,
        %swap3A_1716 = arith.constant 0 : i32
        %swap3A_1717 = arith.index_cast %swap3A_1716 : i32 to index
        %swap3A_1718 = arith.constant 608 : index
        %swap3A_1719 = tpu.vector_load %arg9[%swap3A_1717, %swap3A_1718] {strides = array<i32>} : memref<2x640xi32, #tpu.memory_space<vmem>>, vector<16xi32>,
        tpu.vector_store %arg9[%swap3A_1717, %swap3A_1718], %gather3A_1715 {strides = array<i32>} : memref<2x640xi32, #tpu.memory_space<vmem>>, vector<16xi32>,
        %broadcast_in_dim3A_1720 = arith.constant 0 : i32
        %broadcast_in_dim3A_1721 = vector.broadcast %broadcast_in_dim3A_1720 : i32 to vector<16xi32>
        %add3A_1722 = arith.constant 19 : i32
        %add3A_1723 = vector.broadcast %add3A_1722 : i32 to vector<16xi32>
        %add3A_1724 = arith.addi %broadcast_in_dim3A_1721, %add3A_1723 : vector<16xi32>
        %gather3A_1725 = tpu.vector_load_idx %arg8[%iota3A, %add3A_1724] : memref<16x20xi32, #tpu.memory_space<vmem>>[vector<16xi32>, vector<16xi32>], vector<16xi32>,
        %swap3A_1726 = arith.constant 0 : i32
        %swap3A_1727 = arith.index_cast %swap3A_1726 : i32 to index
        %swap3A_1728 = arith.constant 624 : index
        %swap3A_1729 = tpu.vector_load %arg9[%swap3A_1727, %swap3A_1728] {strides = array<i32>} : memref<2x640xi32, #tpu.memory_space<vmem>>, vector<16xi32>,
        tpu.vector_store %arg9[%swap3A_1727, %swap3A_1728], %gather3A_1725 {strides = array<i32>} : memref<2x640xi32, #tpu.memory_space<vmem>>, vector<16xi32>,
        %dma_start3A_1730 = arith.constant 0 : i32
        %dma_start3A_1731 = arith.constant 0 : i32
        %dma_start3A_1732 = arith.constant 0 : i32
        %dma_start3A_1733 = arith.constant 0 : i32
        %dma_start3A_1734 = tpu.memref_slice %arg10[%dma_start3A_1731, %dma_start3A_1732, %dma_start3A_1733] : memref<2x640x64xf32, #tpu.memory_space<vmem>> -> memref<1x128x64xf32, #tpu.memory_space<vmem>>
        %dma_start3A_1735 = tpu.memref_squeeze %dma_start3A_1734 : memref<1x128x64xf32, #tpu.memory_space<vmem>> -> memref<128x64xf32, #tpu.memory_space<vmem>>
        %dma_start3A_1736 = arith.constant 0 : i32
        %dma_start3A_1737 = tpu.memref_slice %arg9[%dma_start3A_1730, %dma_start3A_1736] : memref<2x640xi32, #tpu.memory_space<vmem>> -> memref<1x128xi32, #tpu.memory_space<vmem>>
        %dma_start3A_1738 = tpu.memref_squeeze %dma_start3A_1737 : memref<1x128xi32, #tpu.memory_space<vmem>> -> memref<128xi32, #tpu.memory_space<vmem>>
        %dma_start3A_1739 = arith.constant 0 : i32
        %dma_start3A_1740 = arith.constant 0 : i32
        %dma_start3A_1741 = tpu.memref_slice %arg4[%dma_start3A_1739, %dma_start3A_1740] : memref<1000000x64xf32, #tpu.memory_space<hbm>> -> memref<1000000x64xf32, #tpu.memory_space<hbm>>
        tpu.enqueue_indirect_dma source(%dma_start3A_1741 : memref<1000000x64xf32, #tpu.memory_space<hbm>>) target(%dma_start3A_1735 : memref<128x64xf32, #tpu.memory_space<vmem>>) offsets(%dma_start3A_1738 : memref<128xi32, #tpu.memory_space<vmem>>) semaphore(%arg13 : memref<!tpu.dma_semaphore, #tpu.memory_space<semaphore_mem>>)
        %dma_start3A_1742 = arith.constant 0 : i32
        %dma_start3A_1743 = arith.constant 0 : i32
        %dma_start3A_1744 = arith.constant 128 : i32
        %dma_start3A_1745 = arith.constant 0 : i32
        %dma_start3A_1746 = tpu.memref_slice %arg10[%dma_start3A_1743, %dma_start3A_1744, %dma_start3A_1745] : memref<2x640x64xf32, #tpu.memory_space<vmem>> -> memref<1x128x64xf32, #tpu.memory_space<vmem>>
        %dma_start3A_1747 = tpu.memref_squeeze %dma_start3A_1746 : memref<1x128x64xf32, #tpu.memory_space<vmem>> -> memref<128x64xf32, #tpu.memory_space<vmem>>
        %dma_start3A_1748 = arith.constant 128 : i32
        %dma_start3A_1749 = tpu.memref_slice %arg9[%dma_start3A_1742, %dma_start3A_1748] : memref<2x640xi32, #tpu.memory_space<vmem>> -> memref<1x128xi32, #tpu.memory_space<vmem>>
        %dma_start3A_1750 = tpu.memref_squeeze %dma_start3A_1749 : memref<1x128xi32, #tpu.memory_space<vmem>> -> memref<128xi32, #tpu.memory_space<vmem>>
        %dma_start3A_1751 = arith.constant 0 : i32
        %dma_start3A_1752 = arith.constant 0 : i32
        %dma_start3A_1753 = tpu.memref_slice %arg4[%dma_start3A_1751, %dma_start3A_1752] : memref<1000000x64xf32, #tpu.memory_space<hbm>> -> memref<1000000x64xf32, #tpu.memory_space<hbm>>
        tpu.enqueue_indirect_dma source(%dma_start3A_1753 : memref<1000000x64xf32, #tpu.memory_space<hbm>>) target(%dma_start3A_1747 : memref<128x64xf32, #tpu.memory_space<vmem>>) offsets(%dma_start3A_1750 : memref<128xi32, #tpu.memory_space<vmem>>) semaphore(%arg13 : memref<!tpu.dma_semaphore, #tpu.memory_space<semaphore_mem>>)
        %dma_start3A_1754 = arith.constant 0 : i32
        %dma_start3A_1755 = arith.constant 0 : i32
        %dma_start3A_1756 = arith.constant 256 : i32
        %dma_start3A_1757 = arith.constant 0 : i32
        %dma_start3A_1758 = tpu.memref_slice %arg10[%dma_start3A_1755, %dma_start3A_1756, %dma_start3A_1757] : memref<2x640x64xf32, #tpu.memory_space<vmem>> -> memref<1x128x64xf32, #tpu.memory_space<vmem>>
        %dma_start3A_1759 = tpu.memref_squeeze %dma_start3A_1758 : memref<1x128x64xf32, #tpu.memory_space<vmem>> -> memref<128x64xf32, #tpu.memory_space<vmem>>
        %dma_start3A_1760 = arith.constant 256 : i32
        %dma_start3A_1761 = tpu.memref_slice %arg9[%dma_start3A_1754, %dma_start3A_1760] : memref<2x640xi32, #tpu.memory_space<vmem>> -> memref<1x128xi32, #tpu.memory_space<vmem>>
        %dma_start3A_1762 = tpu.memref_squeeze %dma_start3A_1761 : memref<1x128xi32, #tpu.memory_space<vmem>> -> memref<128xi32, #tpu.memory_space<vmem>>
        %dma_start3A_1763 = arith.constant 0 : i32
        %dma_start3A_1764 = arith.constant 0 : i32
        %dma_start3A_1765 = tpu.memref_slice %arg4[%dma_start3A_1763, %dma_start3A_1764] : memref<1000000x64xf32, #tpu.memory_space<hbm>> -> memref<1000000x64xf32, #tpu.memory_space<hbm>>
        tpu.enqueue_indirect_dma source(%dma_start3A_1765 : memref<1000000x64xf32, #tpu.memory_space<hbm>>) target(%dma_start3A_1759 : memref<128x64xf32, #tpu.memory_space<vmem>>) offsets(%dma_start3A_1762 : memref<128xi32, #tpu.memory_space<vmem>>) semaphore(%arg13 : memref<!tpu.dma_semaphore, #tpu.memory_space<semaphore_mem>>)
        %dma_start3A_1766 = arith.constant 0 : i32
        %dma_start3A_1767 = arith.constant 0 : i32
        %dma_start3A_1768 = arith.constant 384 : i32
        %dma_start3A_1769 = arith.constant 0 : i32
        %dma_start3A_1770 = tpu.memref_slice %arg10[%dma_start3A_1767, %dma_start3A_1768, %dma_start3A_1769] : memref<2x640x64xf32, #tpu.memory_space<vmem>> -> memref<1x128x64xf32, #tpu.memory_space<vmem>>
        %dma_start3A_1771 = tpu.memref_squeeze %dma_start3A_1770 : memref<1x128x64xf32, #tpu.memory_space<vmem>> -> memref<128x64xf32, #tpu.memory_space<vmem>>
        %dma_start3A_1772 = arith.constant 384 : i32
        %dma_start3A_1773 = tpu.memref_slice %arg9[%dma_start3A_1766, %dma_start3A_1772] : memref<2x640xi32, #tpu.memory_space<vmem>> -> memref<1x128xi32, #tpu.memory_space<vmem>>
        %dma_start3A_1774 = tpu.memref_squeeze %dma_start3A_1773 : memref<1x128xi32, #tpu.memory_space<vmem>> -> memref<128xi32, #tpu.memory_space<vmem>>
        %dma_start3A_1775 = arith.constant 0 : i32
        %dma_start3A_1776 = arith.constant 0 : i32
        %dma_start3A_1777 = tpu.memref_slice %arg4[%dma_start3A_1775, %dma_start3A_1776] : memref<1000000x64xf32, #tpu.memory_space<hbm>> -> memref<1000000x64xf32, #tpu.memory_space<hbm>>
        tpu.enqueue_indirect_dma source(%dma_start3A_1777 : memref<1000000x64xf32, #tpu.memory_space<hbm>>) target(%dma_start3A_1771 : memref<128x64xf32, #tpu.memory_space<vmem>>) offsets(%dma_start3A_1774 : memref<128xi32, #tpu.memory_space<vmem>>) semaphore(%arg13 : memref<!tpu.dma_semaphore, #tpu.memory_space<semaphore_mem>>)
        %dma_start3A_1778 = arith.constant 0 : i32
        %dma_start3A_1779 = arith.constant 0 : i32
        %dma_start3A_1780 = arith.constant 512 : i32
        %dma_start3A_1781 = arith.constant 0 : i32
        %dma_start3A_1782 = tpu.memref_slice %arg10[%dma_start3A_1779, %dma_start3A_1780, %dma_start3A_1781] : memref<2x640x64xf32, #tpu.memory_space<vmem>> -> memref<1x128x64xf32, #tpu.memory_space<vmem>>
        %dma_start3A_1783 = tpu.memref_squeeze %dma_start3A_1782 : memref<1x128x64xf32, #tpu.memory_space<vmem>> -> memref<128x64xf32, #tpu.memory_space<vmem>>
        %dma_start3A_1784 = arith.constant 512 : i32
        %dma_start3A_1785 = tpu.memref_slice %arg9[%dma_start3A_1778, %dma_start3A_1784] : memref<2x640xi32, #tpu.memory_space<vmem>> -> memref<1x128xi32, #tpu.memory_space<vmem>>
        %dma_start3A_1786 = tpu.memref_squeeze %dma_start3A_1785 : memref<1x128xi32, #tpu.memory_space<vmem>> -> memref<128xi32, #tpu.memory_space<vmem>>
        %dma_start3A_1787 = arith.constant 0 : i32
        %dma_start3A_1788 = arith.constant 0 : i32
        %dma_start3A_1789 = tpu.memref_slice %arg4[%dma_start3A_1787, %dma_start3A_1788] : memref<1000000x64xf32, #tpu.memory_space<hbm>> -> memref<1000000x64xf32, #tpu.memory_space<hbm>>
        tpu.enqueue_indirect_dma source(%dma_start3A_1789 : memref<1000000x64xf32, #tpu.memory_space<hbm>>) target(%dma_start3A_1783 : memref<128x64xf32, #tpu.memory_space<vmem>>) offsets(%dma_start3A_1786 : memref<128xi32, #tpu.memory_space<vmem>>) semaphore(%arg13 : memref<!tpu.dma_semaphore, #tpu.memory_space<semaphore_mem>>)
      } else {
      }
      %dma_wait3A_1132 = arith.constant 1 : i32
      %dma_wait3A_1133 = arith.constant 1 : i32
      %dma_wait3A_1134 = arith.constant 0 : i32
      %dma_wait3A_1135 = arith.constant 0 : i32
      %dma_wait3A_1136 = tpu.memref_slice %arg10[%dma_wait3A_1133, %dma_wait3A_1134, %dma_wait3A_1135] : memref<2x640x64xf32, #tpu.memory_space<vmem>> -> memref<1x128x64xf32, #tpu.memory_space<vmem>>
      %dma_wait3A_1137 = tpu.memref_squeeze %dma_wait3A_1136 : memref<1x128x64xf32, #tpu.memory_space<vmem>> -> memref<128x64xf32, #tpu.memory_space<vmem>>
      %dma_wait3A_1138 = arith.constant 0 : i32
      %dma_wait3A_1139 = tpu.memref_slice %arg9[%dma_wait3A_1132, %dma_wait3A_1138] : memref<2x640xi32, #tpu.memory_space<vmem>> -> memref<1x128xi32, #tpu.memory_space<vmem>>
      %dma_wait3A_1140 = tpu.memref_squeeze %dma_wait3A_1139 : memref<1x128xi32, #tpu.memory_space<vmem>> -> memref<128xi32, #tpu.memory_space<vmem>>
      %dma_wait3A_1141 = arith.constant 0 : i32
      %dma_wait3A_1142 = arith.constant 0 : i32
      %dma_wait3A_1143 = tpu.memref_slice %arg4[%dma_wait3A_1141, %dma_wait3A_1142] : memref<1000000x64xf32, #tpu.memory_space<hbm>> -> memref<1000000x64xf32, #tpu.memory_space<hbm>>
      tpu.wait_indirect_dma semaphore(%arg14 : memref<!tpu.dma_semaphore, #tpu.memory_space<semaphore_mem>>) src(%dma_wait3A_1143 : memref<1000000x64xf32, #tpu.memory_space<hbm>>) dst(%dma_wait3A_1137 : memref<128x64xf32, #tpu.memory_space<vmem>>)
      %dma_wait3A_1144 = arith.constant 1 : i32
      %dma_wait3A_1145 = arith.constant 1 : i32
      %dma_wait3A_1146 = arith.constant 128 : i32
      %dma_wait3A_1147 = arith.constant 0 : i32
      %dma_wait3A_1148 = tpu.memref_slice %arg10[%dma_wait3A_1145, %dma_wait3A_1146, %dma_wait3A_1147] : memref<2x640x64xf32, #tpu.memory_space<vmem>> -> memref<1x128x64xf32, #tpu.memory_space<vmem>>
      %dma_wait3A_1149 = tpu.memref_squeeze %dma_wait3A_1148 : memref<1x128x64xf32, #tpu.memory_space<vmem>> -> memref<128x64xf32, #tpu.memory_space<vmem>>
      %dma_wait3A_1150 = arith.constant 128 : i32
      %dma_wait3A_1151 = tpu.memref_slice %arg9[%dma_wait3A_1144, %dma_wait3A_1150] : memref<2x640xi32, #tpu.memory_space<vmem>> -> memref<1x128xi32, #tpu.memory_space<vmem>>
      %dma_wait3A_1152 = tpu.memref_squeeze %dma_wait3A_1151 : memref<1x128xi32, #tpu.memory_space<vmem>> -> memref<128xi32, #tpu.memory_space<vmem>>
      %dma_wait3A_1153 = arith.constant 0 : i32
      %dma_wait3A_1154 = arith.constant 0 : i32
      %dma_wait3A_1155 = tpu.memref_slice %arg4[%dma_wait3A_1153, %dma_wait3A_1154] : memref<1000000x64xf32, #tpu.memory_space<hbm>> -> memref<1000000x64xf32, #tpu.memory_space<hbm>>
      tpu.wait_indirect_dma semaphore(%arg14 : memref<!tpu.dma_semaphore, #tpu.memory_space<semaphore_mem>>) src(%dma_wait3A_1155 : memref<1000000x64xf32, #tpu.memory_space<hbm>>) dst(%dma_wait3A_1149 : memref<128x64xf32, #tpu.memory_space<vmem>>)
      %dma_wait3A_1156 = arith.constant 1 : i32
      %dma_wait3A_1157 = arith.constant 1 : i32
      %dma_wait3A_1158 = arith.constant 256 : i32
      %dma_wait3A_1159 = arith.constant 0 : i32
      %dma_wait3A_1160 = tpu.memref_slice %arg10[%dma_wait3A_1157, %dma_wait3A_1158, %dma_wait3A_1159] : memref<2x640x64xf32, #tpu.memory_space<vmem>> -> memref<1x128x64xf32, #tpu.memory_space<vmem>>
      %dma_wait3A_1161 = tpu.memref_squeeze %dma_wait3A_1160 : memref<1x128x64xf32, #tpu.memory_space<vmem>> -> memref<128x64xf32, #tpu.memory_space<vmem>>
      %dma_wait3A_1162 = arith.constant 256 : i32
      %dma_wait3A_1163 = tpu.memref_slice %arg9[%dma_wait3A_1156, %dma_wait3A_1162] : memref<2x640xi32, #tpu.memory_space<vmem>> -> memref<1x128xi32, #tpu.memory_space<vmem>>
      %dma_wait3A_1164 = tpu.memref_squeeze %dma_wait3A_1163 : memref<1x128xi32, #tpu.memory_space<vmem>> -> memref<128xi32, #tpu.memory_space<vmem>>
      %dma_wait3A_1165 = arith.constant 0 : i32
      %dma_wait3A_1166 = arith.constant 0 : i32
      %dma_wait3A_1167 = tpu.memref_slice %arg4[%dma_wait3A_1165, %dma_wait3A_1166] : memref<1000000x64xf32, #tpu.memory_space<hbm>> -> memref<1000000x64xf32, #tpu.memory_space<hbm>>
      tpu.wait_indirect_dma semaphore(%arg14 : memref<!tpu.dma_semaphore, #tpu.memory_space<semaphore_mem>>) src(%dma_wait3A_1167 : memref<1000000x64xf32, #tpu.memory_space<hbm>>) dst(%dma_wait3A_1161 : memref<128x64xf32, #tpu.memory_space<vmem>>)
      %dma_wait3A_1168 = arith.constant 1 : i32
      %dma_wait3A_1169 = arith.constant 1 : i32
      %dma_wait3A_1170 = arith.constant 384 : i32
      %dma_wait3A_1171 = arith.constant 0 : i32
      %dma_wait3A_1172 = tpu.memref_slice %arg10[%dma_wait3A_1169, %dma_wait3A_1170, %dma_wait3A_1171] : memref<2x640x64xf32, #tpu.memory_space<vmem>> -> memref<1x128x64xf32, #tpu.memory_space<vmem>>
      %dma_wait3A_1173 = tpu.memref_squeeze %dma_wait3A_1172 : memref<1x128x64xf32, #tpu.memory_space<vmem>> -> memref<128x64xf32, #tpu.memory_space<vmem>>
      %dma_wait3A_1174 = arith.constant 384 : i32
      %dma_wait3A_1175 = tpu.memref_slice %arg9[%dma_wait3A_1168, %dma_wait3A_1174] : memref<2x640xi32, #tpu.memory_space<vmem>> -> memref<1x128xi32, #tpu.memory_space<vmem>>
      %dma_wait3A_1176 = tpu.memref_squeeze %dma_wait3A_1175 : memref<1x128xi32, #tpu.memory_space<vmem>> -> memref<128xi32, #tpu.memory_space<vmem>>
      %dma_wait3A_1177 = arith.constant 0 : i32
      %dma_wait3A_1178 = arith.constant 0 : i32
      %dma_wait3A_1179 = tpu.memref_slice %arg4[%dma_wait3A_1177, %dma_wait3A_1178] : memref<1000000x64xf32, #tpu.memory_space<hbm>> -> memref<1000000x64xf32, #tpu.memory_space<hbm>>
      tpu.wait_indirect_dma semaphore(%arg14 : memref<!tpu.dma_semaphore, #tpu.memory_space<semaphore_mem>>) src(%dma_wait3A_1179 : memref<1000000x64xf32, #tpu.memory_space<hbm>>) dst(%dma_wait3A_1173 : memref<128x64xf32, #tpu.memory_space<vmem>>)
      %dma_wait3A_1180 = arith.constant 1 : i32
      %dma_wait3A_1181 = arith.constant 1 : i32
      %dma_wait3A_1182 = arith.constant 512 : i32
      %dma_wait3A_1183 = arith.constant 0 : i32
      %dma_wait3A_1184 = tpu.memref_slice %arg10[%dma_wait3A_1181, %dma_wait3A_1182, %dma_wait3A_1183] : memref<2x640x64xf32, #tpu.memory_space<vmem>> -> memref<1x128x64xf32, #tpu.memory_space<vmem>>
      %dma_wait3A_1185 = tpu.memref_squeeze %dma_wait3A_1184 : memref<1x128x64xf32, #tpu.memory_space<vmem>> -> memref<128x64xf32, #tpu.memory_space<vmem>>
      %dma_wait3A_1186 = arith.constant 512 : i32
      %dma_wait3A_1187 = tpu.memref_slice %arg9[%dma_wait3A_1180, %dma_wait3A_1186] : memref<2x640xi32, #tpu.memory_space<vmem>> -> memref<1x128xi32, #tpu.memory_space<vmem>>
      %dma_wait3A_1188 = tpu.memref_squeeze %dma_wait3A_1187 : memref<1x128xi32, #tpu.memory_space<vmem>> -> memref<128xi32, #tpu.memory_space<vmem>>
      %dma_wait3A_1189 = arith.constant 0 : i32
      %dma_wait3A_1190 = arith.constant 0 : i32
      %dma_wait3A_1191 = tpu.memref_slice %arg4[%dma_wait3A_1189, %dma_wait3A_1190] : memref<1000000x64xf32, #tpu.memory_space<hbm>> -> memref<1000000x64xf32, #tpu.memory_space<hbm>>
      tpu.wait_indirect_dma semaphore(%arg14 : memref<!tpu.dma_semaphore, #tpu.memory_space<semaphore_mem>>) src(%dma_wait3A_1191 : memref<1000000x64xf32, #tpu.memory_space<hbm>>) dst(%dma_wait3A_1185 : memref<128x64xf32, #tpu.memory_space<vmem>>)
      %add3A_1192 = arith.constant 1 : i32
      %add3A_1193 = arith.addi %add3A_475, %add3A_1192 : i32
      %broadcast_in_dim3A_1194 = arith.constant 0.000000e+00 : f32
      %broadcast_in_dim3A_1195 = vector.broadcast %broadcast_in_dim3A_1194 : f32 to vector<16xf32>
      %parallel_loop3A_1196 = arith.constant 0 : i32
      %parallel_loop3A_1197 = arith.constant 64 : i32
      %parallel_loop3A_1198 = arith.constant 1 : i32
      %parallel_loop3A_1199 = arith.constant 1 : i32
      %parallel_loop3A_1200:9 = scf.for %parallel_loop3A_1325 = %parallel_loop3A_1196 to %parallel_loop3A_1197 step %parallel_loop3A_1198 iter_args(%parallel_loop3A_1326 = %broadcast_in_dim3A_1195, %parallel_loop3A_1327 = %broadcast_in_dim3A_1195, %parallel_loop3A_1328 = %broadcast_in_dim3A_1195, %parallel_loop3A_1329 = %broadcast_in_dim3A_1195, %parallel_loop3A_1330 = %broadcast_in_dim3A_1195, %parallel_loop3A_1331 = %broadcast_in_dim3A_1195, %parallel_loop3A_1332 = %broadcast_in_dim3A_1195, %parallel_loop3A_1333 = %broadcast_in_dim3A_1195, %parallel_loop3A_1334 = %broadcast_in_dim3A_1195) -> (vector<16xf32>, vector<16xf32>, vector<16xf32>, vector<16xf32>, vector<16xf32>, vector<16xf32>, vector<16xf32>, vector<16xf32>, vector<16xf32>)  : i32 {
        %parallel_loop3A_1335 = vector.broadcast %parallel_loop3A_1325 : i32 to vector<16xi32>
        %parallel_loop3A_1336 = arith.addi %iota3A, %parallel_loop3A_1335 : vector<16xi32>
        %parallel_loop3A_1337 = arith.constant 63 : i32
        %parallel_loop3A_1338 = vector.broadcast %parallel_loop3A_1337 : i32 to vector<16xi32>
        %parallel_loop3A_1339 = arith.andi %parallel_loop3A_1336, %parallel_loop3A_1338 : vector<16xi32>
        %parallel_loop3A_1340 = arith.constant 0 : i32
        %parallel_loop3A_1341 = arith.constant 0 : i32
        %parallel_loop3A_1342 = tpu.memref_slice %arg10[%parallel_loop3A_1199, %parallel_loop3A_1340, %parallel_loop3A_1341] : memref<2x640x64xf32, #tpu.memory_space<vmem>> -> memref<1x640x64xf32, #tpu.memory_space<vmem>>
        %parallel_loop3A_1343 = tpu.memref_squeeze %parallel_loop3A_1342 : memref<1x640x64xf32, #tpu.memory_space<vmem>> -> memref<640x64xf32, #tpu.memory_space<vmem>>
        %parallel_loop3A_1344 = tpu.vector_load_idx %parallel_loop3A_1343[%iota3A, %parallel_loop3A_1339] : memref<640x64xf32, #tpu.memory_space<vmem>>[vector<16xi32>, vector<16xi32>], vector<16xf32>,
        %parallel_loop3A_1345 = arith.constant 16 : i32
        %parallel_loop3A_1346 = vector.broadcast %parallel_loop3A_1345 : i32 to vector<16xi32>
        %parallel_loop3A_1347 = arith.addi %parallel_loop3A_1346, %iota3A : vector<16xi32>
        %parallel_loop3A_1348 = arith.constant 0 : i32
        %parallel_loop3A_1349 = arith.constant 0 : i32
        %parallel_loop3A_1350 = tpu.memref_slice %arg10[%parallel_loop3A_1199, %parallel_loop3A_1348, %parallel_loop3A_1349] : memref<2x640x64xf32, #tpu.memory_space<vmem>> -> memref<1x640x64xf32, #tpu.memory_space<vmem>>
        %parallel_loop3A_1351 = tpu.memref_squeeze %parallel_loop3A_1350 : memref<1x640x64xf32, #tpu.memory_space<vmem>> -> memref<640x64xf32, #tpu.memory_space<vmem>>
        %parallel_loop3A_1352 = tpu.vector_load_idx %parallel_loop3A_1351[%parallel_loop3A_1347, %parallel_loop3A_1339] : memref<640x64xf32, #tpu.memory_space<vmem>>[vector<16xi32>, vector<16xi32>], vector<16xf32>,
        %parallel_loop3A_1353 = arith.mulf %parallel_loop3A_1344, %parallel_loop3A_1352 : vector<16xf32>
        %parallel_loop3A_1354 = arith.addf %parallel_loop3A_1326, %parallel_loop3A_1353 : vector<16xf32>
        %parallel_loop3A_1355 = arith.constant 32 : i32
        %parallel_loop3A_1356 = vector.broadcast %parallel_loop3A_1355 : i32 to vector<16xi32>
        %parallel_loop3A_1357 = arith.addi %parallel_loop3A_1356, %iota3A : vector<16xi32>
        %parallel_loop3A_1358 = arith.constant 0 : i32
        %parallel_loop3A_1359 = arith.constant 0 : i32
        %parallel_loop3A_1360 = tpu.memref_slice %arg10[%parallel_loop3A_1199, %parallel_loop3A_1358, %parallel_loop3A_1359] : memref<2x640x64xf32, #tpu.memory_space<vmem>> -> memref<1x640x64xf32, #tpu.memory_space<vmem>>
        %parallel_loop3A_1361 = tpu.memref_squeeze %parallel_loop3A_1360 : memref<1x640x64xf32, #tpu.memory_space<vmem>> -> memref<640x64xf32, #tpu.memory_space<vmem>>
        %parallel_loop3A_1362 = tpu.vector_load_idx %parallel_loop3A_1361[%parallel_loop3A_1357, %parallel_loop3A_1339] : memref<640x64xf32, #tpu.memory_space<vmem>>[vector<16xi32>, vector<16xi32>], vector<16xf32>,
        %parallel_loop3A_1363 = arith.mulf %parallel_loop3A_1344, %parallel_loop3A_1362 : vector<16xf32>
        %parallel_loop3A_1364 = arith.addf %parallel_loop3A_1327, %parallel_loop3A_1363 : vector<16xf32>
        %parallel_loop3A_1365 = arith.constant 48 : i32
        %parallel_loop3A_1366 = vector.broadcast %parallel_loop3A_1365 : i32 to vector<16xi32>
        %parallel_loop3A_1367 = arith.addi %parallel_loop3A_1366, %iota3A : vector<16xi32>
        %parallel_loop3A_1368 = arith.constant 0 : i32
        %parallel_loop3A_1369 = arith.constant 0 : i32
        %parallel_loop3A_1370 = tpu.memref_slice %arg10[%parallel_loop3A_1199, %parallel_loop3A_1368, %parallel_loop3A_1369] : memref<2x640x64xf32, #tpu.memory_space<vmem>> -> memref<1x640x64xf32, #tpu.memory_space<vmem>>
        %parallel_loop3A_1371 = tpu.memref_squeeze %parallel_loop3A_1370 : memref<1x640x64xf32, #tpu.memory_space<vmem>> -> memref<640x64xf32, #tpu.memory_space<vmem>>
        %parallel_loop3A_1372 = tpu.vector_load_idx %parallel_loop3A_1371[%parallel_loop3A_1367, %parallel_loop3A_1339] : memref<640x64xf32, #tpu.memory_space<vmem>>[vector<16xi32>, vector<16xi32>], vector<16xf32>,
        %parallel_loop3A_1373 = arith.mulf %parallel_loop3A_1344, %parallel_loop3A_1372 : vector<16xf32>
        %parallel_loop3A_1374 = arith.addf %parallel_loop3A_1328, %parallel_loop3A_1373 : vector<16xf32>
        %parallel_loop3A_1375 = arith.constant 64 : i32
        %parallel_loop3A_1376 = vector.broadcast %parallel_loop3A_1375 : i32 to vector<16xi32>
        %parallel_loop3A_1377 = arith.addi %parallel_loop3A_1376, %iota3A : vector<16xi32>
        %parallel_loop3A_1378 = arith.constant 0 : i32
        %parallel_loop3A_1379 = arith.constant 0 : i32
        %parallel_loop3A_1380 = tpu.memref_slice %arg10[%parallel_loop3A_1199, %parallel_loop3A_1378, %parallel_loop3A_1379] : memref<2x640x64xf32, #tpu.memory_space<vmem>> -> memref<1x640x64xf32, #tpu.memory_space<vmem>>
        %parallel_loop3A_1381 = tpu.memref_squeeze %parallel_loop3A_1380 : memref<1x640x64xf32, #tpu.memory_space<vmem>> -> memref<640x64xf32, #tpu.memory_space<vmem>>
        %parallel_loop3A_1382 = tpu.vector_load_idx %parallel_loop3A_1381[%parallel_loop3A_1377, %parallel_loop3A_1339] : memref<640x64xf32, #tpu.memory_space<vmem>>[vector<16xi32>, vector<16xi32>], vector<16xf32>,
        %parallel_loop3A_1383 = arith.mulf %parallel_loop3A_1344, %parallel_loop3A_1382 : vector<16xf32>
        %parallel_loop3A_1384 = arith.addf %parallel_loop3A_1329, %parallel_loop3A_1383 : vector<16xf32>
        %parallel_loop3A_1385 = arith.constant 80 : i32
        %parallel_loop3A_1386 = vector.broadcast %parallel_loop3A_1385 : i32 to vector<16xi32>
        %parallel_loop3A_1387 = arith.addi %parallel_loop3A_1386, %iota3A : vector<16xi32>
        %parallel_loop3A_1388 = arith.constant 0 : i32
        %parallel_loop3A_1389 = arith.constant 0 : i32
        %parallel_loop3A_1390 = tpu.memref_slice %arg10[%parallel_loop3A_1199, %parallel_loop3A_1388, %parallel_loop3A_1389] : memref<2x640x64xf32, #tpu.memory_space<vmem>> -> memref<1x640x64xf32, #tpu.memory_space<vmem>>
        %parallel_loop3A_1391 = tpu.memref_squeeze %parallel_loop3A_1390 : memref<1x640x64xf32, #tpu.memory_space<vmem>> -> memref<640x64xf32, #tpu.memory_space<vmem>>
        %parallel_loop3A_1392 = tpu.vector_load_idx %parallel_loop3A_1391[%parallel_loop3A_1387, %parallel_loop3A_1339] : memref<640x64xf32, #tpu.memory_space<vmem>>[vector<16xi32>, vector<16xi32>], vector<16xf32>,
        %parallel_loop3A_1393 = arith.mulf %parallel_loop3A_1344, %parallel_loop3A_1392 : vector<16xf32>
        %parallel_loop3A_1394 = arith.addf %parallel_loop3A_1330, %parallel_loop3A_1393 : vector<16xf32>
        %parallel_loop3A_1395 = arith.constant 96 : i32
        %parallel_loop3A_1396 = vector.broadcast %parallel_loop3A_1395 : i32 to vector<16xi32>
        %parallel_loop3A_1397 = arith.addi %parallel_loop3A_1396, %iota3A : vector<16xi32>
        %parallel_loop3A_1398 = arith.constant 0 : i32
        %parallel_loop3A_1399 = arith.constant 0 : i32
        %parallel_loop3A_1400 = tpu.memref_slice %arg10[%parallel_loop3A_1199, %parallel_loop3A_1398, %parallel_loop3A_1399] : memref<2x640x64xf32, #tpu.memory_space<vmem>> -> memref<1x640x64xf32, #tpu.memory_space<vmem>>
        %parallel_loop3A_1401 = tpu.memref_squeeze %parallel_loop3A_1400 : memref<1x640x64xf32, #tpu.memory_space<vmem>> -> memref<640x64xf32, #tpu.memory_space<vmem>>
        %parallel_loop3A_1402 = tpu.vector_load_idx %parallel_loop3A_1401[%parallel_loop3A_1397, %parallel_loop3A_1339] : memref<640x64xf32, #tpu.memory_space<vmem>>[vector<16xi32>, vector<16xi32>], vector<16xf32>,
        %parallel_loop3A_1403 = arith.mulf %parallel_loop3A_1344, %parallel_loop3A_1402 : vector<16xf32>
        %parallel_loop3A_1404 = arith.addf %parallel_loop3A_1331, %parallel_loop3A_1403 : vector<16xf32>
        %parallel_loop3A_1405 = arith.constant 112 : i32
        %parallel_loop3A_1406 = vector.broadcast %parallel_loop3A_1405 : i32 to vector<16xi32>
        %parallel_loop3A_1407 = arith.addi %parallel_loop3A_1406, %iota3A : vector<16xi32>
        %parallel_loop3A_1408 = arith.constant 0 : i32
        %parallel_loop3A_1409 = arith.constant 0 : i32
        %parallel_loop3A_1410 = tpu.memref_slice %arg10[%parallel_loop3A_1199, %parallel_loop3A_1408, %parallel_loop3A_1409] : memref<2x640x64xf32, #tpu.memory_space<vmem>> -> memref<1x640x64xf32, #tpu.memory_space<vmem>>
        %parallel_loop3A_1411 = tpu.memref_squeeze %parallel_loop3A_1410 : memref<1x640x64xf32, #tpu.memory_space<vmem>> -> memref<640x64xf32, #tpu.memory_space<vmem>>
        %parallel_loop3A_1412 = tpu.vector_load_idx %parallel_loop3A_1411[%parallel_loop3A_1407, %parallel_loop3A_1339] : memref<640x64xf32, #tpu.memory_space<vmem>>[vector<16xi32>, vector<16xi32>], vector<16xf32>,
        %parallel_loop3A_1413 = arith.mulf %parallel_loop3A_1344, %parallel_loop3A_1412 : vector<16xf32>
        %parallel_loop3A_1414 = arith.addf %parallel_loop3A_1332, %parallel_loop3A_1413 : vector<16xf32>
        %parallel_loop3A_1415 = arith.constant 128 : i32
        %parallel_loop3A_1416 = vector.broadcast %parallel_loop3A_1415 : i32 to vector<16xi32>
        %parallel_loop3A_1417 = arith.addi %parallel_loop3A_1416, %iota3A : vector<16xi32>
        %parallel_loop3A_1418 = arith.constant 0 : i32
        %parallel_loop3A_1419 = arith.constant 0 : i32
        %parallel_loop3A_1420 = tpu.memref_slice %arg10[%parallel_loop3A_1199, %parallel_loop3A_1418, %parallel_loop3A_1419] : memref<2x640x64xf32, #tpu.memory_space<vmem>> -> memref<1x640x64xf32, #tpu.memory_space<vmem>>
        %parallel_loop3A_1421 = tpu.memref_squeeze %parallel_loop3A_1420 : memref<1x640x64xf32, #tpu.memory_space<vmem>> -> memref<640x64xf32, #tpu.memory_space<vmem>>
        %parallel_loop3A_1422 = tpu.vector_load_idx %parallel_loop3A_1421[%parallel_loop3A_1417, %parallel_loop3A_1339] : memref<640x64xf32, #tpu.memory_space<vmem>>[vector<16xi32>, vector<16xi32>], vector<16xf32>,
        %parallel_loop3A_1423 = arith.mulf %parallel_loop3A_1344, %parallel_loop3A_1422 : vector<16xf32>
        %parallel_loop3A_1424 = arith.addf %parallel_loop3A_1333, %parallel_loop3A_1423 : vector<16xf32>
        %parallel_loop3A_1425 = arith.constant 144 : i32
        %parallel_loop3A_1426 = vector.broadcast %parallel_loop3A_1425 : i32 to vector<16xi32>
        %parallel_loop3A_1427 = arith.addi %parallel_loop3A_1426, %iota3A : vector<16xi32>
        %parallel_loop3A_1428 = arith.constant 0 : i32
        %parallel_loop3A_1429 = arith.constant 0 : i32
        %parallel_loop3A_1430 = tpu.memref_slice %arg10[%parallel_loop3A_1199, %parallel_loop3A_1428, %parallel_loop3A_1429] : memref<2x640x64xf32, #tpu.memory_space<vmem>> -> memref<1x640x64xf32, #tpu.memory_space<vmem>>
        %parallel_loop3A_1431 = tpu.memref_squeeze %parallel_loop3A_1430 : memref<1x640x64xf32, #tpu.memory_space<vmem>> -> memref<640x64xf32, #tpu.memory_space<vmem>>
        %parallel_loop3A_1432 = tpu.vector_load_idx %parallel_loop3A_1431[%parallel_loop3A_1427, %parallel_loop3A_1339] : memref<640x64xf32, #tpu.memory_space<vmem>>[vector<16xi32>, vector<16xi32>], vector<16xf32>,
        %parallel_loop3A_1433 = arith.mulf %parallel_loop3A_1344, %parallel_loop3A_1432 : vector<16xf32>
        %parallel_loop3A_1434 = arith.addf %parallel_loop3A_1334, %parallel_loop3A_1433 : vector<16xf32>
        scf.yield %parallel_loop3A_1354, %parallel_loop3A_1364, %parallel_loop3A_1374, %parallel_loop3A_1384, %parallel_loop3A_1394, %parallel_loop3A_1404, %parallel_loop3A_1414, %parallel_loop3A_1424, %parallel_loop3A_1434 : vector<16xf32>, vector<16xf32>, vector<16xf32>, vector<16xf32>, vector<16xf32>, vector<16xf32>, vector<16xf32>, vector<16xf32>, vector<16xf32>
      } {sc.loop_unroll_factor = 1 : i64, sc.parallel_access}
      %broadcast_in_dim3A_1201 = arith.constant 0.000000e+00 : f32
      %broadcast_in_dim3A_1202 = vector.broadcast %broadcast_in_dim3A_1201 : f32 to vector<16xf32>
      %parallel_loop3A_1203 = arith.constant 0 : i32
      %parallel_loop3A_1204 = arith.constant 64 : i32
      %parallel_loop3A_1205 = arith.constant 1 : i32
      %parallel_loop3A_1206 = arith.constant 1 : i32
      %parallel_loop3A_1207:10 = scf.for %parallel_loop3A_1325 = %parallel_loop3A_1203 to %parallel_loop3A_1204 step %parallel_loop3A_1205 iter_args(%parallel_loop3A_1326 = %broadcast_in_dim3A_1202, %parallel_loop3A_1327 = %broadcast_in_dim3A_1202, %parallel_loop3A_1328 = %broadcast_in_dim3A_1202, %parallel_loop3A_1329 = %broadcast_in_dim3A_1202, %parallel_loop3A_1330 = %broadcast_in_dim3A_1202, %parallel_loop3A_1331 = %broadcast_in_dim3A_1202, %parallel_loop3A_1332 = %broadcast_in_dim3A_1202, %parallel_loop3A_1333 = %broadcast_in_dim3A_1202, %parallel_loop3A_1334 = %broadcast_in_dim3A_1202, %parallel_loop3A_1335 = %broadcast_in_dim3A_1202) -> (vector<16xf32>, vector<16xf32>, vector<16xf32>, vector<16xf32>, vector<16xf32>, vector<16xf32>, vector<16xf32>, vector<16xf32>, vector<16xf32>, vector<16xf32>)  : i32 {
        %parallel_loop3A_1336 = vector.broadcast %parallel_loop3A_1325 : i32 to vector<16xi32>
        %parallel_loop3A_1337 = arith.addi %iota3A, %parallel_loop3A_1336 : vector<16xi32>
        %parallel_loop3A_1338 = arith.constant 63 : i32
        %parallel_loop3A_1339 = vector.broadcast %parallel_loop3A_1338 : i32 to vector<16xi32>
        %parallel_loop3A_1340 = arith.andi %parallel_loop3A_1337, %parallel_loop3A_1339 : vector<16xi32>
        %parallel_loop3A_1341 = arith.constant 0 : i32
        %parallel_loop3A_1342 = arith.constant 0 : i32
        %parallel_loop3A_1343 = tpu.memref_slice %arg10[%parallel_loop3A_1206, %parallel_loop3A_1341, %parallel_loop3A_1342] : memref<2x640x64xf32, #tpu.memory_space<vmem>> -> memref<1x640x64xf32, #tpu.memory_space<vmem>>
        %parallel_loop3A_1344 = tpu.memref_squeeze %parallel_loop3A_1343 : memref<1x640x64xf32, #tpu.memory_space<vmem>> -> memref<640x64xf32, #tpu.memory_space<vmem>>
        %parallel_loop3A_1345 = tpu.vector_load_idx %parallel_loop3A_1344[%iota3A, %parallel_loop3A_1340] : memref<640x64xf32, #tpu.memory_space<vmem>>[vector<16xi32>, vector<16xi32>], vector<16xf32>,
        %parallel_loop3A_1346 = arith.constant 160 : i32
        %parallel_loop3A_1347 = vector.broadcast %parallel_loop3A_1346 : i32 to vector<16xi32>
        %parallel_loop3A_1348 = arith.addi %parallel_loop3A_1347, %iota3A : vector<16xi32>
        %parallel_loop3A_1349 = arith.constant 0 : i32
        %parallel_loop3A_1350 = arith.constant 0 : i32
        %parallel_loop3A_1351 = tpu.memref_slice %arg10[%parallel_loop3A_1206, %parallel_loop3A_1349, %parallel_loop3A_1350] : memref<2x640x64xf32, #tpu.memory_space<vmem>> -> memref<1x640x64xf32, #tpu.memory_space<vmem>>
        %parallel_loop3A_1352 = tpu.memref_squeeze %parallel_loop3A_1351 : memref<1x640x64xf32, #tpu.memory_space<vmem>> -> memref<640x64xf32, #tpu.memory_space<vmem>>
        %parallel_loop3A_1353 = tpu.vector_load_idx %parallel_loop3A_1352[%parallel_loop3A_1348, %parallel_loop3A_1340] : memref<640x64xf32, #tpu.memory_space<vmem>>[vector<16xi32>, vector<16xi32>], vector<16xf32>,
        %parallel_loop3A_1354 = arith.mulf %parallel_loop3A_1345, %parallel_loop3A_1353 : vector<16xf32>
        %parallel_loop3A_1355 = arith.addf %parallel_loop3A_1326, %parallel_loop3A_1354 : vector<16xf32>
        %parallel_loop3A_1356 = arith.constant 176 : i32
        %parallel_loop3A_1357 = vector.broadcast %parallel_loop3A_1356 : i32 to vector<16xi32>
        %parallel_loop3A_1358 = arith.addi %parallel_loop3A_1357, %iota3A : vector<16xi32>
        %parallel_loop3A_1359 = arith.constant 0 : i32
        %parallel_loop3A_1360 = arith.constant 0 : i32
        %parallel_loop3A_1361 = tpu.memref_slice %arg10[%parallel_loop3A_1206, %parallel_loop3A_1359, %parallel_loop3A_1360] : memref<2x640x64xf32, #tpu.memory_space<vmem>> -> memref<1x640x64xf32, #tpu.memory_space<vmem>>
        %parallel_loop3A_1362 = tpu.memref_squeeze %parallel_loop3A_1361 : memref<1x640x64xf32, #tpu.memory_space<vmem>> -> memref<640x64xf32, #tpu.memory_space<vmem>>
        %parallel_loop3A_1363 = tpu.vector_load_idx %parallel_loop3A_1362[%parallel_loop3A_1358, %parallel_loop3A_1340] : memref<640x64xf32, #tpu.memory_space<vmem>>[vector<16xi32>, vector<16xi32>], vector<16xf32>,
        %parallel_loop3A_1364 = arith.mulf %parallel_loop3A_1345, %parallel_loop3A_1363 : vector<16xf32>
        %parallel_loop3A_1365 = arith.addf %parallel_loop3A_1327, %parallel_loop3A_1364 : vector<16xf32>
        %parallel_loop3A_1366 = arith.constant 192 : i32
        %parallel_loop3A_1367 = vector.broadcast %parallel_loop3A_1366 : i32 to vector<16xi32>
        %parallel_loop3A_1368 = arith.addi %parallel_loop3A_1367, %iota3A : vector<16xi32>
        %parallel_loop3A_1369 = arith.constant 0 : i32
        %parallel_loop3A_1370 = arith.constant 0 : i32
        %parallel_loop3A_1371 = tpu.memref_slice %arg10[%parallel_loop3A_1206, %parallel_loop3A_1369, %parallel_loop3A_1370] : memref<2x640x64xf32, #tpu.memory_space<vmem>> -> memref<1x640x64xf32, #tpu.memory_space<vmem>>
        %parallel_loop3A_1372 = tpu.memref_squeeze %parallel_loop3A_1371 : memref<1x640x64xf32, #tpu.memory_space<vmem>> -> memref<640x64xf32, #tpu.memory_space<vmem>>
        %parallel_loop3A_1373 = tpu.vector_load_idx %parallel_loop3A_1372[%parallel_loop3A_1368, %parallel_loop3A_1340] : memref<640x64xf32, #tpu.memory_space<vmem>>[vector<16xi32>, vector<16xi32>], vector<16xf32>,
        %parallel_loop3A_1374 = arith.mulf %parallel_loop3A_1345, %parallel_loop3A_1373 : vector<16xf32>
        %parallel_loop3A_1375 = arith.addf %parallel_loop3A_1328, %parallel_loop3A_1374 : vector<16xf32>
        %parallel_loop3A_1376 = arith.constant 208 : i32
        %parallel_loop3A_1377 = vector.broadcast %parallel_loop3A_1376 : i32 to vector<16xi32>
        %parallel_loop3A_1378 = arith.addi %parallel_loop3A_1377, %iota3A : vector<16xi32>
        %parallel_loop3A_1379 = arith.constant 0 : i32
        %parallel_loop3A_1380 = arith.constant 0 : i32
        %parallel_loop3A_1381 = tpu.memref_slice %arg10[%parallel_loop3A_1206, %parallel_loop3A_1379, %parallel_loop3A_1380] : memref<2x640x64xf32, #tpu.memory_space<vmem>> -> memref<1x640x64xf32, #tpu.memory_space<vmem>>
        %parallel_loop3A_1382 = tpu.memref_squeeze %parallel_loop3A_1381 : memref<1x640x64xf32, #tpu.memory_space<vmem>> -> memref<640x64xf32, #tpu.memory_space<vmem>>
        %parallel_loop3A_1383 = tpu.vector_load_idx %parallel_loop3A_1382[%parallel_loop3A_1378, %parallel_loop3A_1340] : memref<640x64xf32, #tpu.memory_space<vmem>>[vector<16xi32>, vector<16xi32>], vector<16xf32>,
        %parallel_loop3A_1384 = arith.mulf %parallel_loop3A_1345, %parallel_loop3A_1383 : vector<16xf32>
        %parallel_loop3A_1385 = arith.addf %parallel_loop3A_1329, %parallel_loop3A_1384 : vector<16xf32>
        %parallel_loop3A_1386 = arith.constant 224 : i32
        %parallel_loop3A_1387 = vector.broadcast %parallel_loop3A_1386 : i32 to vector<16xi32>
        %parallel_loop3A_1388 = arith.addi %parallel_loop3A_1387, %iota3A : vector<16xi32>
        %parallel_loop3A_1389 = arith.constant 0 : i32
        %parallel_loop3A_1390 = arith.constant 0 : i32
        %parallel_loop3A_1391 = tpu.memref_slice %arg10[%parallel_loop3A_1206, %parallel_loop3A_1389, %parallel_loop3A_1390] : memref<2x640x64xf32, #tpu.memory_space<vmem>> -> memref<1x640x64xf32, #tpu.memory_space<vmem>>
        %parallel_loop3A_1392 = tpu.memref_squeeze %parallel_loop3A_1391 : memref<1x640x64xf32, #tpu.memory_space<vmem>> -> memref<640x64xf32, #tpu.memory_space<vmem>>
        %parallel_loop3A_1393 = tpu.vector_load_idx %parallel_loop3A_1392[%parallel_loop3A_1388, %parallel_loop3A_1340] : memref<640x64xf32, #tpu.memory_space<vmem>>[vector<16xi32>, vector<16xi32>], vector<16xf32>,
        %parallel_loop3A_1394 = arith.mulf %parallel_loop3A_1345, %parallel_loop3A_1393 : vector<16xf32>
        %parallel_loop3A_1395 = arith.addf %parallel_loop3A_1330, %parallel_loop3A_1394 : vector<16xf32>
        %parallel_loop3A_1396 = arith.constant 240 : i32
        %parallel_loop3A_1397 = vector.broadcast %parallel_loop3A_1396 : i32 to vector<16xi32>
        %parallel_loop3A_1398 = arith.addi %parallel_loop3A_1397, %iota3A : vector<16xi32>
        %parallel_loop3A_1399 = arith.constant 0 : i32
        %parallel_loop3A_1400 = arith.constant 0 : i32
        %parallel_loop3A_1401 = tpu.memref_slice %arg10[%parallel_loop3A_1206, %parallel_loop3A_1399, %parallel_loop3A_1400] : memref<2x640x64xf32, #tpu.memory_space<vmem>> -> memref<1x640x64xf32, #tpu.memory_space<vmem>>
        %parallel_loop3A_1402 = tpu.memref_squeeze %parallel_loop3A_1401 : memref<1x640x64xf32, #tpu.memory_space<vmem>> -> memref<640x64xf32, #tpu.memory_space<vmem>>
        %parallel_loop3A_1403 = tpu.vector_load_idx %parallel_loop3A_1402[%parallel_loop3A_1398, %parallel_loop3A_1340] : memref<640x64xf32, #tpu.memory_space<vmem>>[vector<16xi32>, vector<16xi32>], vector<16xf32>,
        %parallel_loop3A_1404 = arith.mulf %parallel_loop3A_1345, %parallel_loop3A_1403 : vector<16xf32>
        %parallel_loop3A_1405 = arith.addf %parallel_loop3A_1331, %parallel_loop3A_1404 : vector<16xf32>
        %parallel_loop3A_1406 = arith.constant 256 : i32
        %parallel_loop3A_1407 = vector.broadcast %parallel_loop3A_1406 : i32 to vector<16xi32>
        %parallel_loop3A_1408 = arith.addi %parallel_loop3A_1407, %iota3A : vector<16xi32>
        %parallel_loop3A_1409 = arith.constant 0 : i32
        %parallel_loop3A_1410 = arith.constant 0 : i32
        %parallel_loop3A_1411 = tpu.memref_slice %arg10[%parallel_loop3A_1206, %parallel_loop3A_1409, %parallel_loop3A_1410] : memref<2x640x64xf32, #tpu.memory_space<vmem>> -> memref<1x640x64xf32, #tpu.memory_space<vmem>>
        %parallel_loop3A_1412 = tpu.memref_squeeze %parallel_loop3A_1411 : memref<1x640x64xf32, #tpu.memory_space<vmem>> -> memref<640x64xf32, #tpu.memory_space<vmem>>
        %parallel_loop3A_1413 = tpu.vector_load_idx %parallel_loop3A_1412[%parallel_loop3A_1408, %parallel_loop3A_1340] : memref<640x64xf32, #tpu.memory_space<vmem>>[vector<16xi32>, vector<16xi32>], vector<16xf32>,
        %parallel_loop3A_1414 = arith.mulf %parallel_loop3A_1345, %parallel_loop3A_1413 : vector<16xf32>
        %parallel_loop3A_1415 = arith.addf %parallel_loop3A_1332, %parallel_loop3A_1414 : vector<16xf32>
        %parallel_loop3A_1416 = arith.constant 272 : i32
        %parallel_loop3A_1417 = vector.broadcast %parallel_loop3A_1416 : i32 to vector<16xi32>
        %parallel_loop3A_1418 = arith.addi %parallel_loop3A_1417, %iota3A : vector<16xi32>
        %parallel_loop3A_1419 = arith.constant 0 : i32
        %parallel_loop3A_1420 = arith.constant 0 : i32
        %parallel_loop3A_1421 = tpu.memref_slice %arg10[%parallel_loop3A_1206, %parallel_loop3A_1419, %parallel_loop3A_1420] : memref<2x640x64xf32, #tpu.memory_space<vmem>> -> memref<1x640x64xf32, #tpu.memory_space<vmem>>
        %parallel_loop3A_1422 = tpu.memref_squeeze %parallel_loop3A_1421 : memref<1x640x64xf32, #tpu.memory_space<vmem>> -> memref<640x64xf32, #tpu.memory_space<vmem>>
        %parallel_loop3A_1423 = tpu.vector_load_idx %parallel_loop3A_1422[%parallel_loop3A_1418, %parallel_loop3A_1340] : memref<640x64xf32, #tpu.memory_space<vmem>>[vector<16xi32>, vector<16xi32>], vector<16xf32>,
        %parallel_loop3A_1424 = arith.mulf %parallel_loop3A_1345, %parallel_loop3A_1423 : vector<16xf32>
        %parallel_loop3A_1425 = arith.addf %parallel_loop3A_1333, %parallel_loop3A_1424 : vector<16xf32>
        %parallel_loop3A_1426 = arith.constant 288 : i32
        %parallel_loop3A_1427 = vector.broadcast %parallel_loop3A_1426 : i32 to vector<16xi32>
        %parallel_loop3A_1428 = arith.addi %parallel_loop3A_1427, %iota3A : vector<16xi32>
        %parallel_loop3A_1429 = arith.constant 0 : i32
        %parallel_loop3A_1430 = arith.constant 0 : i32
        %parallel_loop3A_1431 = tpu.memref_slice %arg10[%parallel_loop3A_1206, %parallel_loop3A_1429, %parallel_loop3A_1430] : memref<2x640x64xf32, #tpu.memory_space<vmem>> -> memref<1x640x64xf32, #tpu.memory_space<vmem>>
        %parallel_loop3A_1432 = tpu.memref_squeeze %parallel_loop3A_1431 : memref<1x640x64xf32, #tpu.memory_space<vmem>> -> memref<640x64xf32, #tpu.memory_space<vmem>>
        %parallel_loop3A_1433 = tpu.vector_load_idx %parallel_loop3A_1432[%parallel_loop3A_1428, %parallel_loop3A_1340] : memref<640x64xf32, #tpu.memory_space<vmem>>[vector<16xi32>, vector<16xi32>], vector<16xf32>,
        %parallel_loop3A_1434 = arith.mulf %parallel_loop3A_1345, %parallel_loop3A_1433 : vector<16xf32>
        %parallel_loop3A_1435 = arith.addf %parallel_loop3A_1334, %parallel_loop3A_1434 : vector<16xf32>
        %parallel_loop3A_1436 = arith.constant 304 : i32
        %parallel_loop3A_1437 = vector.broadcast %parallel_loop3A_1436 : i32 to vector<16xi32>
        %parallel_loop3A_1438 = arith.addi %parallel_loop3A_1437, %iota3A : vector<16xi32>
        %parallel_loop3A_1439 = arith.constant 0 : i32
        %parallel_loop3A_1440 = arith.constant 0 : i32
        %parallel_loop3A_1441 = tpu.memref_slice %arg10[%parallel_loop3A_1206, %parallel_loop3A_1439, %parallel_loop3A_1440] : memref<2x640x64xf32, #tpu.memory_space<vmem>> -> memref<1x640x64xf32, #tpu.memory_space<vmem>>
        %parallel_loop3A_1442 = tpu.memref_squeeze %parallel_loop3A_1441 : memref<1x640x64xf32, #tpu.memory_space<vmem>> -> memref<640x64xf32, #tpu.memory_space<vmem>>
        %parallel_loop3A_1443 = tpu.vector_load_idx %parallel_loop3A_1442[%parallel_loop3A_1438, %parallel_loop3A_1340] : memref<640x64xf32, #tpu.memory_space<vmem>>[vector<16xi32>, vector<16xi32>], vector<16xf32>,
        %parallel_loop3A_1444 = arith.mulf %parallel_loop3A_1345, %parallel_loop3A_1443 : vector<16xf32>
        %parallel_loop3A_1445 = arith.addf %parallel_loop3A_1335, %parallel_loop3A_1444 : vector<16xf32>
        scf.yield %parallel_loop3A_1355, %parallel_loop3A_1365, %parallel_loop3A_1375, %parallel_loop3A_1385, %parallel_loop3A_1395, %parallel_loop3A_1405, %parallel_loop3A_1415, %parallel_loop3A_1425, %parallel_loop3A_1435, %parallel_loop3A_1445 : vector<16xf32>, vector<16xf32>, vector<16xf32>, vector<16xf32>, vector<16xf32>, vector<16xf32>, vector<16xf32>, vector<16xf32>, vector<16xf32>, vector<16xf32>
      } {sc.loop_unroll_factor = 1 : i64, sc.parallel_access}
      %broadcast_in_dim3A_1208 = arith.constant 0.000000e+00 : f32
      %broadcast_in_dim3A_1209 = vector.broadcast %broadcast_in_dim3A_1208 : f32 to vector<16xf32>
      %parallel_loop3A_1210 = arith.constant 0 : i32
      %parallel_loop3A_1211 = arith.constant 64 : i32
      %parallel_loop3A_1212 = arith.constant 1 : i32
      %parallel_loop3A_1213 = arith.constant 1 : i32
      %parallel_loop3A_1214:10 = scf.for %parallel_loop3A_1325 = %parallel_loop3A_1210 to %parallel_loop3A_1211 step %parallel_loop3A_1212 iter_args(%parallel_loop3A_1326 = %broadcast_in_dim3A_1209, %parallel_loop3A_1327 = %broadcast_in_dim3A_1209, %parallel_loop3A_1328 = %broadcast_in_dim3A_1209, %parallel_loop3A_1329 = %broadcast_in_dim3A_1209, %parallel_loop3A_1330 = %broadcast_in_dim3A_1209, %parallel_loop3A_1331 = %broadcast_in_dim3A_1209, %parallel_loop3A_1332 = %broadcast_in_dim3A_1209, %parallel_loop3A_1333 = %broadcast_in_dim3A_1209, %parallel_loop3A_1334 = %broadcast_in_dim3A_1209, %parallel_loop3A_1335 = %broadcast_in_dim3A_1209) -> (vector<16xf32>, vector<16xf32>, vector<16xf32>, vector<16xf32>, vector<16xf32>, vector<16xf32>, vector<16xf32>, vector<16xf32>, vector<16xf32>, vector<16xf32>)  : i32 {
        %parallel_loop3A_1336 = vector.broadcast %parallel_loop3A_1325 : i32 to vector<16xi32>
        %parallel_loop3A_1337 = arith.addi %iota3A, %parallel_loop3A_1336 : vector<16xi32>
        %parallel_loop3A_1338 = arith.constant 63 : i32
        %parallel_loop3A_1339 = vector.broadcast %parallel_loop3A_1338 : i32 to vector<16xi32>
        %parallel_loop3A_1340 = arith.andi %parallel_loop3A_1337, %parallel_loop3A_1339 : vector<16xi32>
        %parallel_loop3A_1341 = arith.constant 0 : i32
        %parallel_loop3A_1342 = arith.constant 0 : i32
        %parallel_loop3A_1343 = tpu.memref_slice %arg10[%parallel_loop3A_1213, %parallel_loop3A_1341, %parallel_loop3A_1342] : memref<2x640x64xf32, #tpu.memory_space<vmem>> -> memref<1x640x64xf32, #tpu.memory_space<vmem>>
        %parallel_loop3A_1344 = tpu.memref_squeeze %parallel_loop3A_1343 : memref<1x640x64xf32, #tpu.memory_space<vmem>> -> memref<640x64xf32, #tpu.memory_space<vmem>>
        %parallel_loop3A_1345 = tpu.vector_load_idx %parallel_loop3A_1344[%iota3A, %parallel_loop3A_1340] : memref<640x64xf32, #tpu.memory_space<vmem>>[vector<16xi32>, vector<16xi32>], vector<16xf32>,
        %parallel_loop3A_1346 = arith.constant 320 : i32
        %parallel_loop3A_1347 = vector.broadcast %parallel_loop3A_1346 : i32 to vector<16xi32>
        %parallel_loop3A_1348 = arith.addi %parallel_loop3A_1347, %iota3A : vector<16xi32>
        %parallel_loop3A_1349 = arith.constant 0 : i32
        %parallel_loop3A_1350 = arith.constant 0 : i32
        %parallel_loop3A_1351 = tpu.memref_slice %arg10[%parallel_loop3A_1213, %parallel_loop3A_1349, %parallel_loop3A_1350] : memref<2x640x64xf32, #tpu.memory_space<vmem>> -> memref<1x640x64xf32, #tpu.memory_space<vmem>>
        %parallel_loop3A_1352 = tpu.memref_squeeze %parallel_loop3A_1351 : memref<1x640x64xf32, #tpu.memory_space<vmem>> -> memref<640x64xf32, #tpu.memory_space<vmem>>
        %parallel_loop3A_1353 = tpu.vector_load_idx %parallel_loop3A_1352[%parallel_loop3A_1348, %parallel_loop3A_1340] : memref<640x64xf32, #tpu.memory_space<vmem>>[vector<16xi32>, vector<16xi32>], vector<16xf32>,
        %parallel_loop3A_1354 = arith.mulf %parallel_loop3A_1345, %parallel_loop3A_1353 : vector<16xf32>
        %parallel_loop3A_1355 = arith.addf %parallel_loop3A_1326, %parallel_loop3A_1354 : vector<16xf32>
        %parallel_loop3A_1356 = arith.constant 336 : i32
        %parallel_loop3A_1357 = vector.broadcast %parallel_loop3A_1356 : i32 to vector<16xi32>
        %parallel_loop3A_1358 = arith.addi %parallel_loop3A_1357, %iota3A : vector<16xi32>
        %parallel_loop3A_1359 = arith.constant 0 : i32
        %parallel_loop3A_1360 = arith.constant 0 : i32
        %parallel_loop3A_1361 = tpu.memref_slice %arg10[%parallel_loop3A_1213, %parallel_loop3A_1359, %parallel_loop3A_1360] : memref<2x640x64xf32, #tpu.memory_space<vmem>> -> memref<1x640x64xf32, #tpu.memory_space<vmem>>
        %parallel_loop3A_1362 = tpu.memref_squeeze %parallel_loop3A_1361 : memref<1x640x64xf32, #tpu.memory_space<vmem>> -> memref<640x64xf32, #tpu.memory_space<vmem>>
        %parallel_loop3A_1363 = tpu.vector_load_idx %parallel_loop3A_1362[%parallel_loop3A_1358, %parallel_loop3A_1340] : memref<640x64xf32, #tpu.memory_space<vmem>>[vector<16xi32>, vector<16xi32>], vector<16xf32>,
        %parallel_loop3A_1364 = arith.mulf %parallel_loop3A_1345, %parallel_loop3A_1363 : vector<16xf32>
        %parallel_loop3A_1365 = arith.addf %parallel_loop3A_1327, %parallel_loop3A_1364 : vector<16xf32>
        %parallel_loop3A_1366 = arith.constant 352 : i32
        %parallel_loop3A_1367 = vector.broadcast %parallel_loop3A_1366 : i32 to vector<16xi32>
        %parallel_loop3A_1368 = arith.addi %parallel_loop3A_1367, %iota3A : vector<16xi32>
        %parallel_loop3A_1369 = arith.constant 0 : i32
        %parallel_loop3A_1370 = arith.constant 0 : i32
        %parallel_loop3A_1371 = tpu.memref_slice %arg10[%parallel_loop3A_1213, %parallel_loop3A_1369, %parallel_loop3A_1370] : memref<2x640x64xf32, #tpu.memory_space<vmem>> -> memref<1x640x64xf32, #tpu.memory_space<vmem>>
        %parallel_loop3A_1372 = tpu.memref_squeeze %parallel_loop3A_1371 : memref<1x640x64xf32, #tpu.memory_space<vmem>> -> memref<640x64xf32, #tpu.memory_space<vmem>>
        %parallel_loop3A_1373 = tpu.vector_load_idx %parallel_loop3A_1372[%parallel_loop3A_1368, %parallel_loop3A_1340] : memref<640x64xf32, #tpu.memory_space<vmem>>[vector<16xi32>, vector<16xi32>], vector<16xf32>,
        %parallel_loop3A_1374 = arith.mulf %parallel_loop3A_1345, %parallel_loop3A_1373 : vector<16xf32>
        %parallel_loop3A_1375 = arith.addf %parallel_loop3A_1328, %parallel_loop3A_1374 : vector<16xf32>
        %parallel_loop3A_1376 = arith.constant 368 : i32
        %parallel_loop3A_1377 = vector.broadcast %parallel_loop3A_1376 : i32 to vector<16xi32>
        %parallel_loop3A_1378 = arith.addi %parallel_loop3A_1377, %iota3A : vector<16xi32>
        %parallel_loop3A_1379 = arith.constant 0 : i32
        %parallel_loop3A_1380 = arith.constant 0 : i32
        %parallel_loop3A_1381 = tpu.memref_slice %arg10[%parallel_loop3A_1213, %parallel_loop3A_1379, %parallel_loop3A_1380] : memref<2x640x64xf32, #tpu.memory_space<vmem>> -> memref<1x640x64xf32, #tpu.memory_space<vmem>>
        %parallel_loop3A_1382 = tpu.memref_squeeze %parallel_loop3A_1381 : memref<1x640x64xf32, #tpu.memory_space<vmem>> -> memref<640x64xf32, #tpu.memory_space<vmem>>
        %parallel_loop3A_1383 = tpu.vector_load_idx %parallel_loop3A_1382[%parallel_loop3A_1378, %parallel_loop3A_1340] : memref<640x64xf32, #tpu.memory_space<vmem>>[vector<16xi32>, vector<16xi32>], vector<16xf32>,
        %parallel_loop3A_1384 = arith.mulf %parallel_loop3A_1345, %parallel_loop3A_1383 : vector<16xf32>
        %parallel_loop3A_1385 = arith.addf %parallel_loop3A_1329, %parallel_loop3A_1384 : vector<16xf32>
        %parallel_loop3A_1386 = arith.constant 384 : i32
        %parallel_loop3A_1387 = vector.broadcast %parallel_loop3A_1386 : i32 to vector<16xi32>
        %parallel_loop3A_1388 = arith.addi %parallel_loop3A_1387, %iota3A : vector<16xi32>
        %parallel_loop3A_1389 = arith.constant 0 : i32
        %parallel_loop3A_1390 = arith.constant 0 : i32
        %parallel_loop3A_1391 = tpu.memref_slice %arg10[%parallel_loop3A_1213, %parallel_loop3A_1389, %parallel_loop3A_1390] : memref<2x640x64xf32, #tpu.memory_space<vmem>> -> memref<1x640x64xf32, #tpu.memory_space<vmem>>
        %parallel_loop3A_1392 = tpu.memref_squeeze %parallel_loop3A_1391 : memref<1x640x64xf32, #tpu.memory_space<vmem>> -> memref<640x64xf32, #tpu.memory_space<vmem>>
        %parallel_loop3A_1393 = tpu.vector_load_idx %parallel_loop3A_1392[%parallel_loop3A_1388, %parallel_loop3A_1340] : memref<640x64xf32, #tpu.memory_space<vmem>>[vector<16xi32>, vector<16xi32>], vector<16xf32>,
        %parallel_loop3A_1394 = arith.mulf %parallel_loop3A_1345, %parallel_loop3A_1393 : vector<16xf32>
        %parallel_loop3A_1395 = arith.addf %parallel_loop3A_1330, %parallel_loop3A_1394 : vector<16xf32>
        %parallel_loop3A_1396 = arith.constant 400 : i32
        %parallel_loop3A_1397 = vector.broadcast %parallel_loop3A_1396 : i32 to vector<16xi32>
        %parallel_loop3A_1398 = arith.addi %parallel_loop3A_1397, %iota3A : vector<16xi32>
        %parallel_loop3A_1399 = arith.constant 0 : i32
        %parallel_loop3A_1400 = arith.constant 0 : i32
        %parallel_loop3A_1401 = tpu.memref_slice %arg10[%parallel_loop3A_1213, %parallel_loop3A_1399, %parallel_loop3A_1400] : memref<2x640x64xf32, #tpu.memory_space<vmem>> -> memref<1x640x64xf32, #tpu.memory_space<vmem>>
        %parallel_loop3A_1402 = tpu.memref_squeeze %parallel_loop3A_1401 : memref<1x640x64xf32, #tpu.memory_space<vmem>> -> memref<640x64xf32, #tpu.memory_space<vmem>>
        %parallel_loop3A_1403 = tpu.vector_load_idx %parallel_loop3A_1402[%parallel_loop3A_1398, %parallel_loop3A_1340] : memref<640x64xf32, #tpu.memory_space<vmem>>[vector<16xi32>, vector<16xi32>], vector<16xf32>,
        %parallel_loop3A_1404 = arith.mulf %parallel_loop3A_1345, %parallel_loop3A_1403 : vector<16xf32>
        %parallel_loop3A_1405 = arith.addf %parallel_loop3A_1331, %parallel_loop3A_1404 : vector<16xf32>
        %parallel_loop3A_1406 = arith.constant 416 : i32
        %parallel_loop3A_1407 = vector.broadcast %parallel_loop3A_1406 : i32 to vector<16xi32>
        %parallel_loop3A_1408 = arith.addi %parallel_loop3A_1407, %iota3A : vector<16xi32>
        %parallel_loop3A_1409 = arith.constant 0 : i32
        %parallel_loop3A_1410 = arith.constant 0 : i32
        %parallel_loop3A_1411 = tpu.memref_slice %arg10[%parallel_loop3A_1213, %parallel_loop3A_1409, %parallel_loop3A_1410] : memref<2x640x64xf32, #tpu.memory_space<vmem>> -> memref<1x640x64xf32, #tpu.memory_space<vmem>>
        %parallel_loop3A_1412 = tpu.memref_squeeze %parallel_loop3A_1411 : memref<1x640x64xf32, #tpu.memory_space<vmem>> -> memref<640x64xf32, #tpu.memory_space<vmem>>
        %parallel_loop3A_1413 = tpu.vector_load_idx %parallel_loop3A_1412[%parallel_loop3A_1408, %parallel_loop3A_1340] : memref<640x64xf32, #tpu.memory_space<vmem>>[vector<16xi32>, vector<16xi32>], vector<16xf32>,
        %parallel_loop3A_1414 = arith.mulf %parallel_loop3A_1345, %parallel_loop3A_1413 : vector<16xf32>
        %parallel_loop3A_1415 = arith.addf %parallel_loop3A_1332, %parallel_loop3A_1414 : vector<16xf32>
        %parallel_loop3A_1416 = arith.constant 432 : i32
        %parallel_loop3A_1417 = vector.broadcast %parallel_loop3A_1416 : i32 to vector<16xi32>
        %parallel_loop3A_1418 = arith.addi %parallel_loop3A_1417, %iota3A : vector<16xi32>
        %parallel_loop3A_1419 = arith.constant 0 : i32
        %parallel_loop3A_1420 = arith.constant 0 : i32
        %parallel_loop3A_1421 = tpu.memref_slice %arg10[%parallel_loop3A_1213, %parallel_loop3A_1419, %parallel_loop3A_1420] : memref<2x640x64xf32, #tpu.memory_space<vmem>> -> memref<1x640x64xf32, #tpu.memory_space<vmem>>
        %parallel_loop3A_1422 = tpu.memref_squeeze %parallel_loop3A_1421 : memref<1x640x64xf32, #tpu.memory_space<vmem>> -> memref<640x64xf32, #tpu.memory_space<vmem>>
        %parallel_loop3A_1423 = tpu.vector_load_idx %parallel_loop3A_1422[%parallel_loop3A_1418, %parallel_loop3A_1340] : memref<640x64xf32, #tpu.memory_space<vmem>>[vector<16xi32>, vector<16xi32>], vector<16xf32>,
        %parallel_loop3A_1424 = arith.mulf %parallel_loop3A_1345, %parallel_loop3A_1423 : vector<16xf32>
        %parallel_loop3A_1425 = arith.addf %parallel_loop3A_1333, %parallel_loop3A_1424 : vector<16xf32>
        %parallel_loop3A_1426 = arith.constant 448 : i32
        %parallel_loop3A_1427 = vector.broadcast %parallel_loop3A_1426 : i32 to vector<16xi32>
        %parallel_loop3A_1428 = arith.addi %parallel_loop3A_1427, %iota3A : vector<16xi32>
        %parallel_loop3A_1429 = arith.constant 0 : i32
        %parallel_loop3A_1430 = arith.constant 0 : i32
        %parallel_loop3A_1431 = tpu.memref_slice %arg10[%parallel_loop3A_1213, %parallel_loop3A_1429, %parallel_loop3A_1430] : memref<2x640x64xf32, #tpu.memory_space<vmem>> -> memref<1x640x64xf32, #tpu.memory_space<vmem>>
        %parallel_loop3A_1432 = tpu.memref_squeeze %parallel_loop3A_1431 : memref<1x640x64xf32, #tpu.memory_space<vmem>> -> memref<640x64xf32, #tpu.memory_space<vmem>>
        %parallel_loop3A_1433 = tpu.vector_load_idx %parallel_loop3A_1432[%parallel_loop3A_1428, %parallel_loop3A_1340] : memref<640x64xf32, #tpu.memory_space<vmem>>[vector<16xi32>, vector<16xi32>], vector<16xf32>,
        %parallel_loop3A_1434 = arith.mulf %parallel_loop3A_1345, %parallel_loop3A_1433 : vector<16xf32>
        %parallel_loop3A_1435 = arith.addf %parallel_loop3A_1334, %parallel_loop3A_1434 : vector<16xf32>
        %parallel_loop3A_1436 = arith.constant 464 : i32
        %parallel_loop3A_1437 = vector.broadcast %parallel_loop3A_1436 : i32 to vector<16xi32>
        %parallel_loop3A_1438 = arith.addi %parallel_loop3A_1437, %iota3A : vector<16xi32>
        %parallel_loop3A_1439 = arith.constant 0 : i32
        %parallel_loop3A_1440 = arith.constant 0 : i32
        %parallel_loop3A_1441 = tpu.memref_slice %arg10[%parallel_loop3A_1213, %parallel_loop3A_1439, %parallel_loop3A_1440] : memref<2x640x64xf32, #tpu.memory_space<vmem>> -> memref<1x640x64xf32, #tpu.memory_space<vmem>>
        %parallel_loop3A_1442 = tpu.memref_squeeze %parallel_loop3A_1441 : memref<1x640x64xf32, #tpu.memory_space<vmem>> -> memref<640x64xf32, #tpu.memory_space<vmem>>
        %parallel_loop3A_1443 = tpu.vector_load_idx %parallel_loop3A_1442[%parallel_loop3A_1438, %parallel_loop3A_1340] : memref<640x64xf32, #tpu.memory_space<vmem>>[vector<16xi32>, vector<16xi32>], vector<16xf32>,
        %parallel_loop3A_1444 = arith.mulf %parallel_loop3A_1345, %parallel_loop3A_1443 : vector<16xf32>
        %parallel_loop3A_1445 = arith.addf %parallel_loop3A_1335, %parallel_loop3A_1444 : vector<16xf32>
        scf.yield %parallel_loop3A_1355, %parallel_loop3A_1365, %parallel_loop3A_1375, %parallel_loop3A_1385, %parallel_loop3A_1395, %parallel_loop3A_1405, %parallel_loop3A_1415, %parallel_loop3A_1425, %parallel_loop3A_1435, %parallel_loop3A_1445 : vector<16xf32>, vector<16xf32>, vector<16xf32>, vector<16xf32>, vector<16xf32>, vector<16xf32>, vector<16xf32>, vector<16xf32>, vector<16xf32>, vector<16xf32>
      } {sc.loop_unroll_factor = 1 : i64, sc.parallel_access}
      %broadcast_in_dim3A_1215 = arith.constant 0.000000e+00 : f32
      %broadcast_in_dim3A_1216 = vector.broadcast %broadcast_in_dim3A_1215 : f32 to vector<16xf32>
      %parallel_loop3A_1217 = arith.constant 0 : i32
      %parallel_loop3A_1218 = arith.constant 64 : i32
      %parallel_loop3A_1219 = arith.constant 1 : i32
      %parallel_loop3A_1220 = arith.constant 1 : i32
      %parallel_loop3A_1221:10 = scf.for %parallel_loop3A_1325 = %parallel_loop3A_1217 to %parallel_loop3A_1218 step %parallel_loop3A_1219 iter_args(%parallel_loop3A_1326 = %broadcast_in_dim3A_1216, %parallel_loop3A_1327 = %broadcast_in_dim3A_1216, %parallel_loop3A_1328 = %broadcast_in_dim3A_1216, %parallel_loop3A_1329 = %broadcast_in_dim3A_1216, %parallel_loop3A_1330 = %broadcast_in_dim3A_1216, %parallel_loop3A_1331 = %broadcast_in_dim3A_1216, %parallel_loop3A_1332 = %broadcast_in_dim3A_1216, %parallel_loop3A_1333 = %broadcast_in_dim3A_1216, %parallel_loop3A_1334 = %broadcast_in_dim3A_1216, %parallel_loop3A_1335 = %broadcast_in_dim3A_1216) -> (vector<16xf32>, vector<16xf32>, vector<16xf32>, vector<16xf32>, vector<16xf32>, vector<16xf32>, vector<16xf32>, vector<16xf32>, vector<16xf32>, vector<16xf32>)  : i32 {
        %parallel_loop3A_1336 = vector.broadcast %parallel_loop3A_1325 : i32 to vector<16xi32>
        %parallel_loop3A_1337 = arith.addi %iota3A, %parallel_loop3A_1336 : vector<16xi32>
        %parallel_loop3A_1338 = arith.constant 63 : i32
        %parallel_loop3A_1339 = vector.broadcast %parallel_loop3A_1338 : i32 to vector<16xi32>
        %parallel_loop3A_1340 = arith.andi %parallel_loop3A_1337, %parallel_loop3A_1339 : vector<16xi32>
        %parallel_loop3A_1341 = arith.constant 0 : i32
        %parallel_loop3A_1342 = arith.constant 0 : i32
        %parallel_loop3A_1343 = tpu.memref_slice %arg10[%parallel_loop3A_1220, %parallel_loop3A_1341, %parallel_loop3A_1342] : memref<2x640x64xf32, #tpu.memory_space<vmem>> -> memref<1x640x64xf32, #tpu.memory_space<vmem>>
        %parallel_loop3A_1344 = tpu.memref_squeeze %parallel_loop3A_1343 : memref<1x640x64xf32, #tpu.memory_space<vmem>> -> memref<640x64xf32, #tpu.memory_space<vmem>>
        %parallel_loop3A_1345 = tpu.vector_load_idx %parallel_loop3A_1344[%iota3A, %parallel_loop3A_1340] : memref<640x64xf32, #tpu.memory_space<vmem>>[vector<16xi32>, vector<16xi32>], vector<16xf32>,
        %parallel_loop3A_1346 = arith.constant 480 : i32
        %parallel_loop3A_1347 = vector.broadcast %parallel_loop3A_1346 : i32 to vector<16xi32>
        %parallel_loop3A_1348 = arith.addi %parallel_loop3A_1347, %iota3A : vector<16xi32>
        %parallel_loop3A_1349 = arith.constant 0 : i32
        %parallel_loop3A_1350 = arith.constant 0 : i32
        %parallel_loop3A_1351 = tpu.memref_slice %arg10[%parallel_loop3A_1220, %parallel_loop3A_1349, %parallel_loop3A_1350] : memref<2x640x64xf32, #tpu.memory_space<vmem>> -> memref<1x640x64xf32, #tpu.memory_space<vmem>>
        %parallel_loop3A_1352 = tpu.memref_squeeze %parallel_loop3A_1351 : memref<1x640x64xf32, #tpu.memory_space<vmem>> -> memref<640x64xf32, #tpu.memory_space<vmem>>
        %parallel_loop3A_1353 = tpu.vector_load_idx %parallel_loop3A_1352[%parallel_loop3A_1348, %parallel_loop3A_1340] : memref<640x64xf32, #tpu.memory_space<vmem>>[vector<16xi32>, vector<16xi32>], vector<16xf32>,
        %parallel_loop3A_1354 = arith.mulf %parallel_loop3A_1345, %parallel_loop3A_1353 : vector<16xf32>
        %parallel_loop3A_1355 = arith.addf %parallel_loop3A_1326, %parallel_loop3A_1354 : vector<16xf32>
        %parallel_loop3A_1356 = arith.constant 496 : i32
        %parallel_loop3A_1357 = vector.broadcast %parallel_loop3A_1356 : i32 to vector<16xi32>
        %parallel_loop3A_1358 = arith.addi %parallel_loop3A_1357, %iota3A : vector<16xi32>
        %parallel_loop3A_1359 = arith.constant 0 : i32
        %parallel_loop3A_1360 = arith.constant 0 : i32
        %parallel_loop3A_1361 = tpu.memref_slice %arg10[%parallel_loop3A_1220, %parallel_loop3A_1359, %parallel_loop3A_1360] : memref<2x640x64xf32, #tpu.memory_space<vmem>> -> memref<1x640x64xf32, #tpu.memory_space<vmem>>
        %parallel_loop3A_1362 = tpu.memref_squeeze %parallel_loop3A_1361 : memref<1x640x64xf32, #tpu.memory_space<vmem>> -> memref<640x64xf32, #tpu.memory_space<vmem>>
        %parallel_loop3A_1363 = tpu.vector_load_idx %parallel_loop3A_1362[%parallel_loop3A_1358, %parallel_loop3A_1340] : memref<640x64xf32, #tpu.memory_space<vmem>>[vector<16xi32>, vector<16xi32>], vector<16xf32>,
        %parallel_loop3A_1364 = arith.mulf %parallel_loop3A_1345, %parallel_loop3A_1363 : vector<16xf32>
        %parallel_loop3A_1365 = arith.addf %parallel_loop3A_1327, %parallel_loop3A_1364 : vector<16xf32>
        %parallel_loop3A_1366 = arith.constant 512 : i32
        %parallel_loop3A_1367 = vector.broadcast %parallel_loop3A_1366 : i32 to vector<16xi32>
        %parallel_loop3A_1368 = arith.addi %parallel_loop3A_1367, %iota3A : vector<16xi32>
        %parallel_loop3A_1369 = arith.constant 0 : i32
        %parallel_loop3A_1370 = arith.constant 0 : i32
        %parallel_loop3A_1371 = tpu.memref_slice %arg10[%parallel_loop3A_1220, %parallel_loop3A_1369, %parallel_loop3A_1370] : memref<2x640x64xf32, #tpu.memory_space<vmem>> -> memref<1x640x64xf32, #tpu.memory_space<vmem>>
        %parallel_loop3A_1372 = tpu.memref_squeeze %parallel_loop3A_1371 : memref<1x640x64xf32, #tpu.memory_space<vmem>> -> memref<640x64xf32, #tpu.memory_space<vmem>>
        %parallel_loop3A_1373 = tpu.vector_load_idx %parallel_loop3A_1372[%parallel_loop3A_1368, %parallel_loop3A_1340] : memref<640x64xf32, #tpu.memory_space<vmem>>[vector<16xi32>, vector<16xi32>], vector<16xf32>,
        %parallel_loop3A_1374 = arith.mulf %parallel_loop3A_1345, %parallel_loop3A_1373 : vector<16xf32>
        %parallel_loop3A_1375 = arith.addf %parallel_loop3A_1328, %parallel_loop3A_1374 : vector<16xf32>
        %parallel_loop3A_1376 = arith.constant 528 : i32
        %parallel_loop3A_1377 = vector.broadcast %parallel_loop3A_1376 : i32 to vector<16xi32>
        %parallel_loop3A_1378 = arith.addi %parallel_loop3A_1377, %iota3A : vector<16xi32>
        %parallel_loop3A_1379 = arith.constant 0 : i32
        %parallel_loop3A_1380 = arith.constant 0 : i32
        %parallel_loop3A_1381 = tpu.memref_slice %arg10[%parallel_loop3A_1220, %parallel_loop3A_1379, %parallel_loop3A_1380] : memref<2x640x64xf32, #tpu.memory_space<vmem>> -> memref<1x640x64xf32, #tpu.memory_space<vmem>>
        %parallel_loop3A_1382 = tpu.memref_squeeze %parallel_loop3A_1381 : memref<1x640x64xf32, #tpu.memory_space<vmem>> -> memref<640x64xf32, #tpu.memory_space<vmem>>
        %parallel_loop3A_1383 = tpu.vector_load_idx %parallel_loop3A_1382[%parallel_loop3A_1378, %parallel_loop3A_1340] : memref<640x64xf32, #tpu.memory_space<vmem>>[vector<16xi32>, vector<16xi32>], vector<16xf32>,
        %parallel_loop3A_1384 = arith.mulf %parallel_loop3A_1345, %parallel_loop3A_1383 : vector<16xf32>
        %parallel_loop3A_1385 = arith.addf %parallel_loop3A_1329, %parallel_loop3A_1384 : vector<16xf32>
        %parallel_loop3A_1386 = arith.constant 544 : i32
        %parallel_loop3A_1387 = vector.broadcast %parallel_loop3A_1386 : i32 to vector<16xi32>
        %parallel_loop3A_1388 = arith.addi %parallel_loop3A_1387, %iota3A : vector<16xi32>
        %parallel_loop3A_1389 = arith.constant 0 : i32
        %parallel_loop3A_1390 = arith.constant 0 : i32
        %parallel_loop3A_1391 = tpu.memref_slice %arg10[%parallel_loop3A_1220, %parallel_loop3A_1389, %parallel_loop3A_1390] : memref<2x640x64xf32, #tpu.memory_space<vmem>> -> memref<1x640x64xf32, #tpu.memory_space<vmem>>
        %parallel_loop3A_1392 = tpu.memref_squeeze %parallel_loop3A_1391 : memref<1x640x64xf32, #tpu.memory_space<vmem>> -> memref<640x64xf32, #tpu.memory_space<vmem>>
        %parallel_loop3A_1393 = tpu.vector_load_idx %parallel_loop3A_1392[%parallel_loop3A_1388, %parallel_loop3A_1340] : memref<640x64xf32, #tpu.memory_space<vmem>>[vector<16xi32>, vector<16xi32>], vector<16xf32>,
        %parallel_loop3A_1394 = arith.mulf %parallel_loop3A_1345, %parallel_loop3A_1393 : vector<16xf32>
        %parallel_loop3A_1395 = arith.addf %parallel_loop3A_1330, %parallel_loop3A_1394 : vector<16xf32>
        %parallel_loop3A_1396 = arith.constant 560 : i32
        %parallel_loop3A_1397 = vector.broadcast %parallel_loop3A_1396 : i32 to vector<16xi32>
        %parallel_loop3A_1398 = arith.addi %parallel_loop3A_1397, %iota3A : vector<16xi32>
        %parallel_loop3A_1399 = arith.constant 0 : i32
        %parallel_loop3A_1400 = arith.constant 0 : i32
        %parallel_loop3A_1401 = tpu.memref_slice %arg10[%parallel_loop3A_1220, %parallel_loop3A_1399, %parallel_loop3A_1400] : memref<2x640x64xf32, #tpu.memory_space<vmem>> -> memref<1x640x64xf32, #tpu.memory_space<vmem>>
        %parallel_loop3A_1402 = tpu.memref_squeeze %parallel_loop3A_1401 : memref<1x640x64xf32, #tpu.memory_space<vmem>> -> memref<640x64xf32, #tpu.memory_space<vmem>>
        %parallel_loop3A_1403 = tpu.vector_load_idx %parallel_loop3A_1402[%parallel_loop3A_1398, %parallel_loop3A_1340] : memref<640x64xf32, #tpu.memory_space<vmem>>[vector<16xi32>, vector<16xi32>], vector<16xf32>,
        %parallel_loop3A_1404 = arith.mulf %parallel_loop3A_1345, %parallel_loop3A_1403 : vector<16xf32>
        %parallel_loop3A_1405 = arith.addf %parallel_loop3A_1331, %parallel_loop3A_1404 : vector<16xf32>
        %parallel_loop3A_1406 = arith.constant 576 : i32
        %parallel_loop3A_1407 = vector.broadcast %parallel_loop3A_1406 : i32 to vector<16xi32>
        %parallel_loop3A_1408 = arith.addi %parallel_loop3A_1407, %iota3A : vector<16xi32>
        %parallel_loop3A_1409 = arith.constant 0 : i32
        %parallel_loop3A_1410 = arith.constant 0 : i32
        %parallel_loop3A_1411 = tpu.memref_slice %arg10[%parallel_loop3A_1220, %parallel_loop3A_1409, %parallel_loop3A_1410] : memref<2x640x64xf32, #tpu.memory_space<vmem>> -> memref<1x640x64xf32, #tpu.memory_space<vmem>>
        %parallel_loop3A_1412 = tpu.memref_squeeze %parallel_loop3A_1411 : memref<1x640x64xf32, #tpu.memory_space<vmem>> -> memref<640x64xf32, #tpu.memory_space<vmem>>
        %parallel_loop3A_1413 = tpu.vector_load_idx %parallel_loop3A_1412[%parallel_loop3A_1408, %parallel_loop3A_1340] : memref<640x64xf32, #tpu.memory_space<vmem>>[vector<16xi32>, vector<16xi32>], vector<16xf32>,
        %parallel_loop3A_1414 = arith.mulf %parallel_loop3A_1345, %parallel_loop3A_1413 : vector<16xf32>
        %parallel_loop3A_1415 = arith.addf %parallel_loop3A_1332, %parallel_loop3A_1414 : vector<16xf32>
        %parallel_loop3A_1416 = arith.constant 592 : i32
        %parallel_loop3A_1417 = vector.broadcast %parallel_loop3A_1416 : i32 to vector<16xi32>
        %parallel_loop3A_1418 = arith.addi %parallel_loop3A_1417, %iota3A : vector<16xi32>
        %parallel_loop3A_1419 = arith.constant 0 : i32
        %parallel_loop3A_1420 = arith.constant 0 : i32
        %parallel_loop3A_1421 = tpu.memref_slice %arg10[%parallel_loop3A_1220, %parallel_loop3A_1419, %parallel_loop3A_1420] : memref<2x640x64xf32, #tpu.memory_space<vmem>> -> memref<1x640x64xf32, #tpu.memory_space<vmem>>
        %parallel_loop3A_1422 = tpu.memref_squeeze %parallel_loop3A_1421 : memref<1x640x64xf32, #tpu.memory_space<vmem>> -> memref<640x64xf32, #tpu.memory_space<vmem>>
        %parallel_loop3A_1423 = tpu.vector_load_idx %parallel_loop3A_1422[%parallel_loop3A_1418, %parallel_loop3A_1340] : memref<640x64xf32, #tpu.memory_space<vmem>>[vector<16xi32>, vector<16xi32>], vector<16xf32>,
        %parallel_loop3A_1424 = arith.mulf %parallel_loop3A_1345, %parallel_loop3A_1423 : vector<16xf32>
        %parallel_loop3A_1425 = arith.addf %parallel_loop3A_1333, %parallel_loop3A_1424 : vector<16xf32>
        %parallel_loop3A_1426 = arith.constant 608 : i32
        %parallel_loop3A_1427 = vector.broadcast %parallel_loop3A_1426 : i32 to vector<16xi32>
        %parallel_loop3A_1428 = arith.addi %parallel_loop3A_1427, %iota3A : vector<16xi32>
        %parallel_loop3A_1429 = arith.constant 0 : i32
        %parallel_loop3A_1430 = arith.constant 0 : i32
        %parallel_loop3A_1431 = tpu.memref_slice %arg10[%parallel_loop3A_1220, %parallel_loop3A_1429, %parallel_loop3A_1430] : memref<2x640x64xf32, #tpu.memory_space<vmem>> -> memref<1x640x64xf32, #tpu.memory_space<vmem>>
        %parallel_loop3A_1432 = tpu.memref_squeeze %parallel_loop3A_1431 : memref<1x640x64xf32, #tpu.memory_space<vmem>> -> memref<640x64xf32, #tpu.memory_space<vmem>>
        %parallel_loop3A_1433 = tpu.vector_load_idx %parallel_loop3A_1432[%parallel_loop3A_1428, %parallel_loop3A_1340] : memref<640x64xf32, #tpu.memory_space<vmem>>[vector<16xi32>, vector<16xi32>], vector<16xf32>,
        %parallel_loop3A_1434 = arith.mulf %parallel_loop3A_1345, %parallel_loop3A_1433 : vector<16xf32>
        %parallel_loop3A_1435 = arith.addf %parallel_loop3A_1334, %parallel_loop3A_1434 : vector<16xf32>
        %parallel_loop3A_1436 = arith.constant 624 : i32
        %parallel_loop3A_1437 = vector.broadcast %parallel_loop3A_1436 : i32 to vector<16xi32>
        %parallel_loop3A_1438 = arith.addi %parallel_loop3A_1437, %iota3A : vector<16xi32>
        %parallel_loop3A_1439 = arith.constant 0 : i32
        %parallel_loop3A_1440 = arith.constant 0 : i32
        %parallel_loop3A_1441 = tpu.memref_slice %arg10[%parallel_loop3A_1220, %parallel_loop3A_1439, %parallel_loop3A_1440] : memref<2x640x64xf32, #tpu.memory_space<vmem>> -> memref<1x640x64xf32, #tpu.memory_space<vmem>>
        %parallel_loop3A_1442 = tpu.memref_squeeze %parallel_loop3A_1441 : memref<1x640x64xf32, #tpu.memory_space<vmem>> -> memref<640x64xf32, #tpu.memory_space<vmem>>
        %parallel_loop3A_1443 = tpu.vector_load_idx %parallel_loop3A_1442[%parallel_loop3A_1438, %parallel_loop3A_1340] : memref<640x64xf32, #tpu.memory_space<vmem>>[vector<16xi32>, vector<16xi32>], vector<16xf32>,
        %parallel_loop3A_1444 = arith.mulf %parallel_loop3A_1345, %parallel_loop3A_1443 : vector<16xf32>
        %parallel_loop3A_1445 = arith.addf %parallel_loop3A_1335, %parallel_loop3A_1444 : vector<16xf32>
        scf.yield %parallel_loop3A_1355, %parallel_loop3A_1365, %parallel_loop3A_1375, %parallel_loop3A_1385, %parallel_loop3A_1395, %parallel_loop3A_1405, %parallel_loop3A_1415, %parallel_loop3A_1425, %parallel_loop3A_1435, %parallel_loop3A_1445 : vector<16xf32>, vector<16xf32>, vector<16xf32>, vector<16xf32>, vector<16xf32>, vector<16xf32>, vector<16xf32>, vector<16xf32>, vector<16xf32>, vector<16xf32>
      } {sc.loop_unroll_factor = 1 : i64, sc.parallel_access}
      %add3A_1222 = arith.addf %parallel_loop3A_1200#0, %parallel_loop3A_1200#1 : vector<16xf32>
      %add3A_1223 = arith.addf %add3A_1222, %parallel_loop3A_1200#2 : vector<16xf32>
      %add3A_1224 = arith.addf %add3A_1223, %parallel_loop3A_1200#3 : vector<16xf32>
      %add3A_1225 = arith.addf %add3A_1224, %parallel_loop3A_1200#4 : vector<16xf32>
      %add3A_1226 = arith.addf %add3A_1225, %parallel_loop3A_1200#5 : vector<16xf32>
      %add3A_1227 = arith.addf %add3A_1226, %parallel_loop3A_1200#6 : vector<16xf32>
      %add3A_1228 = arith.addf %add3A_1227, %parallel_loop3A_1200#7 : vector<16xf32>
      %add3A_1229 = arith.addf %add3A_1228, %parallel_loop3A_1200#8 : vector<16xf32>
      %add3A_1230 = arith.addf %add3A_1229, %parallel_loop3A_1207#0 : vector<16xf32>
      %add3A_1231 = arith.addf %add3A_1230, %parallel_loop3A_1207#1 : vector<16xf32>
      %add3A_1232 = arith.addf %add3A_1231, %parallel_loop3A_1207#2 : vector<16xf32>
      %add3A_1233 = arith.addf %add3A_1232, %parallel_loop3A_1207#3 : vector<16xf32>
      %add3A_1234 = arith.addf %add3A_1233, %parallel_loop3A_1207#4 : vector<16xf32>
      %add3A_1235 = arith.addf %add3A_1234, %parallel_loop3A_1207#5 : vector<16xf32>
      %add3A_1236 = arith.addf %add3A_1235, %parallel_loop3A_1207#6 : vector<16xf32>
      %add3A_1237 = arith.addf %add3A_1236, %parallel_loop3A_1207#7 : vector<16xf32>
      %add3A_1238 = arith.addf %add3A_1237, %parallel_loop3A_1207#8 : vector<16xf32>
      %add3A_1239 = arith.addf %add3A_1238, %parallel_loop3A_1207#9 : vector<16xf32>
      %exp3A_1240 = math.exp %parallel_loop3A_1200#0 : vector<16xf32>
      %exp3A_1241 = math.exp %parallel_loop3A_1200#1 : vector<16xf32>
      %add3A_1242 = arith.addf %exp3A_1240, %exp3A_1241 : vector<16xf32>
      %exp3A_1243 = math.exp %parallel_loop3A_1200#2 : vector<16xf32>
      %add3A_1244 = arith.addf %add3A_1242, %exp3A_1243 : vector<16xf32>
      %exp3A_1245 = math.exp %parallel_loop3A_1200#3 : vector<16xf32>
      %add3A_1246 = arith.addf %add3A_1244, %exp3A_1245 : vector<16xf32>
      %exp3A_1247 = math.exp %parallel_loop3A_1200#4 : vector<16xf32>
      %add3A_1248 = arith.addf %add3A_1246, %exp3A_1247 : vector<16xf32>
      %exp3A_1249 = math.exp %parallel_loop3A_1200#5 : vector<16xf32>
      %add3A_1250 = arith.addf %add3A_1248, %exp3A_1249 : vector<16xf32>
      %exp3A_1251 = math.exp %parallel_loop3A_1200#6 : vector<16xf32>
      %add3A_1252 = arith.addf %add3A_1250, %exp3A_1251 : vector<16xf32>
      %exp3A_1253 = math.exp %parallel_loop3A_1200#7 : vector<16xf32>
      %add3A_1254 = arith.addf %add3A_1252, %exp3A_1253 : vector<16xf32>
      %exp3A_1255 = math.exp %parallel_loop3A_1200#8 : vector<16xf32>
      %add3A_1256 = arith.addf %add3A_1254, %exp3A_1255 : vector<16xf32>
      %exp3A_1257 = math.exp %parallel_loop3A_1207#0 : vector<16xf32>
      %add3A_1258 = arith.addf %add3A_1256, %exp3A_1257 : vector<16xf32>
      %exp3A_1259 = math.exp %parallel_loop3A_1207#1 : vector<16xf32>
      %add3A_1260 = arith.addf %add3A_1258, %exp3A_1259 : vector<16xf32>
      %exp3A_1261 = math.exp %parallel_loop3A_1207#2 : vector<16xf32>
      %add3A_1262 = arith.addf %add3A_1260, %exp3A_1261 : vector<16xf32>
      %exp3A_1263 = math.exp %parallel_loop3A_1207#3 : vector<16xf32>
      %add3A_1264 = arith.addf %add3A_1262, %exp3A_1263 : vector<16xf32>
      %exp3A_1265 = math.exp %parallel_loop3A_1207#4 : vector<16xf32>
      %add3A_1266 = arith.addf %add3A_1264, %exp3A_1265 : vector<16xf32>
      %exp3A_1267 = math.exp %parallel_loop3A_1207#5 : vector<16xf32>
      %add3A_1268 = arith.addf %add3A_1266, %exp3A_1267 : vector<16xf32>
      %exp3A_1269 = math.exp %parallel_loop3A_1207#6 : vector<16xf32>
      %add3A_1270 = arith.addf %add3A_1268, %exp3A_1269 : vector<16xf32>
      %exp3A_1271 = math.exp %parallel_loop3A_1207#7 : vector<16xf32>
      %add3A_1272 = arith.addf %add3A_1270, %exp3A_1271 : vector<16xf32>
      %exp3A_1273 = math.exp %parallel_loop3A_1207#8 : vector<16xf32>
      %add3A_1274 = arith.addf %add3A_1272, %exp3A_1273 : vector<16xf32>
      %exp3A_1275 = math.exp %parallel_loop3A_1207#9 : vector<16xf32>
      %add3A_1276 = arith.addf %add3A_1274, %exp3A_1275 : vector<16xf32>
      %exp3A_1277 = math.exp %parallel_loop3A_1214#0 : vector<16xf32>
      %add3A_1278 = arith.addf %add3A_1276, %exp3A_1277 : vector<16xf32>
      %exp3A_1279 = math.exp %parallel_loop3A_1214#1 : vector<16xf32>
      %add3A_1280 = arith.addf %add3A_1278, %exp3A_1279 : vector<16xf32>
      %exp3A_1281 = math.exp %parallel_loop3A_1214#2 : vector<16xf32>
      %add3A_1282 = arith.addf %add3A_1280, %exp3A_1281 : vector<16xf32>
      %exp3A_1283 = math.exp %parallel_loop3A_1214#3 : vector<16xf32>
      %add3A_1284 = arith.addf %add3A_1282, %exp3A_1283 : vector<16xf32>
      %exp3A_1285 = math.exp %parallel_loop3A_1214#4 : vector<16xf32>
      %add3A_1286 = arith.addf %add3A_1284, %exp3A_1285 : vector<16xf32>
      %exp3A_1287 = math.exp %parallel_loop3A_1214#5 : vector<16xf32>
      %add3A_1288 = arith.addf %add3A_1286, %exp3A_1287 : vector<16xf32>
      %exp3A_1289 = math.exp %parallel_loop3A_1214#6 : vector<16xf32>
      %add3A_1290 = arith.addf %add3A_1288, %exp3A_1289 : vector<16xf32>
      %exp3A_1291 = math.exp %parallel_loop3A_1214#7 : vector<16xf32>
      %add3A_1292 = arith.addf %add3A_1290, %exp3A_1291 : vector<16xf32>
      %exp3A_1293 = math.exp %parallel_loop3A_1214#8 : vector<16xf32>
      %add3A_1294 = arith.addf %add3A_1292, %exp3A_1293 : vector<16xf32>
      %exp3A_1295 = math.exp %parallel_loop3A_1214#9 : vector<16xf32>
      %add3A_1296 = arith.addf %add3A_1294, %exp3A_1295 : vector<16xf32>
      %exp3A_1297 = math.exp %parallel_loop3A_1221#0 : vector<16xf32>
      %add3A_1298 = arith.addf %add3A_1296, %exp3A_1297 : vector<16xf32>
      %exp3A_1299 = math.exp %parallel_loop3A_1221#1 : vector<16xf32>
      %add3A_1300 = arith.addf %add3A_1298, %exp3A_1299 : vector<16xf32>
      %exp3A_1301 = math.exp %parallel_loop3A_1221#2 : vector<16xf32>
      %add3A_1302 = arith.addf %add3A_1300, %exp3A_1301 : vector<16xf32>
      %exp3A_1303 = math.exp %parallel_loop3A_1221#3 : vector<16xf32>
      %add3A_1304 = arith.addf %add3A_1302, %exp3A_1303 : vector<16xf32>
      %exp3A_1305 = math.exp %parallel_loop3A_1221#4 : vector<16xf32>
      %add3A_1306 = arith.addf %add3A_1304, %exp3A_1305 : vector<16xf32>
      %exp3A_1307 = math.exp %parallel_loop3A_1221#5 : vector<16xf32>
      %add3A_1308 = arith.addf %add3A_1306, %exp3A_1307 : vector<16xf32>
      %exp3A_1309 = math.exp %parallel_loop3A_1221#6 : vector<16xf32>
      %add3A_1310 = arith.addf %add3A_1308, %exp3A_1309 : vector<16xf32>
      %exp3A_1311 = math.exp %parallel_loop3A_1221#7 : vector<16xf32>
      %add3A_1312 = arith.addf %add3A_1310, %exp3A_1311 : vector<16xf32>
      %exp3A_1313 = math.exp %parallel_loop3A_1221#8 : vector<16xf32>
      %add3A_1314 = arith.addf %add3A_1312, %exp3A_1313 : vector<16xf32>
      %exp3A_1315 = math.exp %parallel_loop3A_1221#9 : vector<16xf32>
      %add3A_1316 = arith.addf %add3A_1314, %exp3A_1315 : vector<16xf32>
      %get3A_1317 = arith.constant 0 : index
      %get3A_1318 = tpu.vector_load %arg12[%get3A_1317] {strides = array<i32>} : memref<16xf32, #tpu.memory_space<vmem>>, vector<16xf32>,
      %add3A_1319 = arith.addf %get3A_1318, %add3A_1239 : vector<16xf32>
      %swap3A_1320 = arith.constant 0 : index
      %swap3A_1321 = tpu.vector_load %arg12[%swap3A_1320] {strides = array<i32>} : memref<16xf32, #tpu.memory_space<vmem>>, vector<16xf32>,
      tpu.vector_store %arg12[%swap3A_1320], %add3A_1319 {strides = array<i32>} : memref<16xf32, #tpu.memory_space<vmem>>, vector<16xf32>,
      %swap3A_1322 = arith.index_cast %add3A_1193 : i32 to index
      %swap3A_1323 = arith.constant 0 : index
      %swap3A_1324 = tpu.vector_load %arg11[%swap3A_1322, %swap3A_1323] {strides = array<i32>} : memref<32x16xf32, #tpu.memory_space<vmem>>, vector<16xf32>,
      tpu.vector_store %arg11[%swap3A_1322, %swap3A_1323], %add3A_1316 {strides = array<i32>} : memref<32x16xf32, #tpu.memory_space<vmem>>, vector<16xf32>,
    }
    %scan3A_468 = arith.constant 16 : i32
    %mul3A_469 = arith.constant 32 : i32
    %mul3A_470 = arith.muli %add3A, %mul3A_469 : i32
    "tpu.region"() ({
      %run_scoped3A = tpu.sem_alloc : memref<!tpu.dma_semaphore, #tpu.memory_space<semaphore_mem>>
      %dma_start3A_471 = arith.constant 0 : i32
      %dma_start3A_472 = tpu.memref_slice %arg5[%mul3A_470, %dma_start3A_471] : memref<1024x16xf32, #tpu.memory_space<hbm>> -> memref<32x16xf32, #tpu.memory_space<hbm>>
      %dma_start3A_473 = arith.constant 0 : i32
      %dma_start3A_474 = tpu.memref_slice %arg5[%mul3A_470, %dma_start3A_473] : memref<1024x16xf32, #tpu.memory_space<hbm>> -> memref<32x16xf32, #tpu.memory_space<hbm>>
      tpu.enqueue_dma source(%arg11 : memref<32x16xf32, #tpu.memory_space<vmem>>) target(%dma_start3A_474 : memref<32x16xf32, #tpu.memory_space<hbm>>) target_semaphore(%run_scoped3A : memref<!tpu.dma_semaphore, #tpu.memory_space<semaphore_mem>>)
      %dma_wait3A = arith.constant 0 : i32
      %dma_wait3A_475 = tpu.memref_slice %arg5[%mul3A_470, %dma_wait3A] : memref<1024x16xf32, #tpu.memory_space<hbm>> -> memref<32x16xf32, #tpu.memory_space<hbm>>
      %dma_wait3A_476 = arith.constant 0 : i32
      %dma_wait3A_477 = tpu.memref_slice %arg5[%mul3A_470, %dma_wait3A_476] : memref<1024x16xf32, #tpu.memory_space<hbm>> -> memref<32x16xf32, #tpu.memory_space<hbm>>
      tpu.wait_dma2 semaphore(%run_scoped3A : memref<!tpu.dma_semaphore, #tpu.memory_space<semaphore_mem>>) src(%arg11 : memref<32x16xf32, #tpu.memory_space<vmem>>) dst(%dma_wait3A_477 : memref<32x16xf32, #tpu.memory_space<hbm>>)
      tpu.yield
    }) : () -> ()
    "tpu.region"() ({
      %run_scoped3A = tpu.sem_alloc : memref<!tpu.dma_semaphore, #tpu.memory_space<semaphore_mem>>
      %dma_start3A_471 = arith.constant 0 : i32
      %dma_start3A_472 = tpu.memref_slice %arg6[%add3A, %dma_start3A_471] : memref<32x16xf32, #tpu.memory_space<hbm>> -> memref<1x16xf32, #tpu.memory_space<hbm>>
      %dma_start3A_473 = tpu.memref_squeeze %dma_start3A_472 : memref<1x16xf32, #tpu.memory_space<hbm>> -> memref<16xf32, #tpu.memory_space<hbm>>
      %dma_start3A_474 = arith.constant 0 : i32
      %dma_start3A_475 = tpu.memref_slice %arg6[%add3A, %dma_start3A_474] : memref<32x16xf32, #tpu.memory_space<hbm>> -> memref<1x16xf32, #tpu.memory_space<hbm>>
      %dma_start3A_476 = tpu.memref_squeeze %dma_start3A_475 : memref<1x16xf32, #tpu.memory_space<hbm>> -> memref<16xf32, #tpu.memory_space<hbm>>
      tpu.enqueue_dma source(%arg12 : memref<16xf32, #tpu.memory_space<vmem>>) target(%dma_start3A_476 : memref<16xf32, #tpu.memory_space<hbm>>) target_semaphore(%run_scoped3A : memref<!tpu.dma_semaphore, #tpu.memory_space<semaphore_mem>>)
      %dma_wait3A = arith.constant 0 : i32
      %dma_wait3A_477 = tpu.memref_slice %arg6[%add3A, %dma_wait3A] : memref<32x16xf32, #tpu.memory_space<hbm>> -> memref<1x16xf32, #tpu.memory_space<hbm>>
      %dma_wait3A_478 = tpu.memref_squeeze %dma_wait3A_477 : memref<1x16xf32, #tpu.memory_space<hbm>> -> memref<16xf32, #tpu.memory_space<hbm>>
      %dma_wait3A_479 = arith.constant 0 : i32
      %dma_wait3A_480 = tpu.memref_slice %arg6[%add3A, %dma_wait3A_479] : memref<32x16xf32, #tpu.memory_space<hbm>> -> memref<1x16xf32, #tpu.memory_space<hbm>>
      %dma_wait3A_481 = tpu.memref_squeeze %dma_wait3A_480 : memref<1x16xf32, #tpu.memory_space<hbm>> -> memref<16xf32, #tpu.memory_space<hbm>>
      tpu.wait_dma2 semaphore(%run_scoped3A : memref<!tpu.dma_semaphore, #tpu.memory_space<semaphore_mem>>) src(%arg12 : memref<16xf32, #tpu.memory_space<vmem>>) dst(%dma_wait3A_481 : memref<16xf32, #tpu.memory_space<hbm>>)
      tpu.yield
    }) : () -> ()
    return
  }
}

module attributes {stable_mosaic.version = 14 : i64} {
  func.func @_tc_body(%arg0: memref<128x128xf32, #tpu.memory_space<vmem>>, %arg1: memref<4x128xf32, #tpu.memory_space<vmem>>, %arg2: memref<1x1xf32, #tpu.memory_space<vmem>>) attributes {dimension_semantics = [], scalar_prefetch = 0 : i64, scratch_operands = 0 : i64, tpu.core_type = #tpu.core_type<tc>} {
    %get3A = arith.constant 0 : index
    %get3A_0 = arith.constant 0 : index
    %get3A_1 = vector.load %arg0[%get3A, %get3A_0] : memref<128x128xf32, #tpu.memory_space<vmem>>, vector<128x128xf32>
    %log3A = math.log %get3A_1 : vector<128x128xf32>
    %reduce_sum3A = vector.shape_cast %log3A : vector<128x128xf32> to vector<1x128x128xf32>
    %reduce_sum3A_2 = arith.constant dense<0.000000e+00> : vector<1xf32>
    %reduce_sum3A_3 = vector.multi_reduction <add>, %reduce_sum3A, %reduce_sum3A_2 [1, 2] : vector<1x128x128xf32> to vector<1xf32>
    %reduce_sum3A_4 = vector.shape_cast %reduce_sum3A_3 : vector<1xf32> to vector<1x1x1xf32>
    %reduce_sum3A_5 = vector.extract %reduce_sum3A_4[0, 0, 0] : f32 from vector<1x1x1xf32>
    %mul3A = arith.constant 2.000000e+01 : f32
    %mul3A_6 = arith.mulf %mul3A, %reduce_sum3A_5 : f32
    %get3A_7 = arith.constant 0 : index
    %get3A_8 = arith.constant 0 : index
    %get3A_9 = vector.load %arg1[%get3A_7, %get3A_8] : memref<4x128xf32, #tpu.memory_space<vmem>>, vector<4x128xf32>
    %reduce_sum3A_10 = vector.shape_cast %get3A_9 : vector<4x128xf32> to vector<1x4x128xf32>
    %reduce_sum3A_11 = arith.constant dense<0.000000e+00> : vector<1xf32>
    %reduce_sum3A_12 = vector.multi_reduction <add>, %reduce_sum3A_10, %reduce_sum3A_11 [1, 2] : vector<1x4x128xf32> to vector<1xf32>
    %reduce_sum3A_13 = vector.shape_cast %reduce_sum3A_12 : vector<1xf32> to vector<1x1x1xf32>
    %reduce_sum3A_14 = vector.extract %reduce_sum3A_13[0, 0, 0] : f32 from vector<1x1x1xf32>
    %sub3A = arith.subf %mul3A_6, %reduce_sum3A_14 : f32
    %broadcast_in_dim3A = arith.constant 0.000000e+00 : f32
    %broadcast_in_dim3A_15 = vector.broadcast %broadcast_in_dim3A : f32 to vector<1x1xf32>
    %add3A = vector.broadcast %sub3A : f32 to vector<1x1xf32>
    %add3A_16 = arith.addf %broadcast_in_dim3A_15, %add3A : vector<1x1xf32>
    %swap3A = arith.constant 0 : index
    %swap3A_17 = arith.constant 0 : index
    %swap3A_18 = vector.load %arg2[%swap3A, %swap3A_17] : memref<1x1xf32, #tpu.memory_space<vmem>>, vector<1x1xf32>
    tpu.vector_store %arg2[%swap3A, %swap3A_17], %add3A_16 {strides = array<i32>} : memref<1x1xf32, #tpu.memory_space<vmem>>, vector<1x1xf32>,
    return
  }
}

</mosaic_0001>

<sc_bundles>
// kernel: kernel.4.cloned.1.call-start
scs
__scs_entry_jumppad:
0x0: {  	(pc) =	sbr.rel $0x88, $3  }
0x1: {  	(tag) =	ssettag $0x0;
	lr =	simm.s32 $0x1  }
0x2: {  	[smem:$0x3F9E] =	sst lr;
	_ =	strace $0xD0000000  }
0x3: {  	_ = 	snop  }
0x4: {  	_ = 	snop  }
0x5: {  	_ = 	snop  }
0x6: {  	_ = 	snop  }
0x7: {  	_ = 	snop  }
__scs_overlays_trampoline_lowered:
0x8: {  	[smem:$0x3FAD] =	sst s0  }
0x9: {  	[smem:$0x3FAE] =	sst s1  }
0xa: {  	[smem:$0x3FAF] =	sst s2  }
0xb: {  	[smem:$0x3FB0] =	sst s3  }
0xc: {  	[smem:$0x3FB1] =	sst s4  }
0xd: {  	[smem:$0x3FB2] =	sst s5  }
0xe: {  	[smem:$0x3FB3] =	sst s6  }
0xf: {  	[smem:$0x3FB4] =	sst s7  }
0x10: {  	[smem:$0x3FB5] =	sst s8  }
0x11: {  	[smem:$0x3FB6] =	sst s9;
	s0 =	simm.s32 @!p0 $0x0  }
0x12: {  	s1 =	sld [smem:$0x3F9C];
	s0 =	simm.s32 @p0 $0x1  }
0x13: {  	[smem:$0x3FB7] =	sst s0;
	s0 =	simm.s32 @!p1 $0x0  }
0x14: {  	s2 =	sld [smem:$0x3F9B];
	s0 =	simm.s32 @p1 $0x1  }
0x15: {  	[smem:$0x3FB8] =	sst s0;
	s0 =	simm.s32 @!p2 $0x0  }
0x16: {  	s3 =	sld [smem:$0x3FDB];
	s0 =	simm.s32 @p2 $0x1  }
0x17: {  	s4 =	simm.s32 $0x1BF5;
	[smem:$0x3FBA] =	sst s0  }
0x18: {  	s0 =	sld [smem:$0x3F9D];
	_ =	swait.ge [sflag:s4], $0x0  }
0x19: {  	s7 =	sld [smem:$0x3F9E]  }
0x1a: {  	s8 =	sadd.s32 $0xFFFFE003, lr  }
0x1b: {  	s9 =	sadd.s32 $0xFFFFFEF7, lr;
	s5 =	simm.s32 $0xFFFFFFFF;
	p2 =	slt.u32 s8, $0xFFFFF086  }
0x1c: {  	p1 =	slt.u32 s9, $0xF7A;
	s5 =	simm.s32 @!p2 $0x0  }
0x1d: {  	s5 =	simm.s32 @p1 $0x1;
	p0 =	seq.s32 s7, s2  }
0x1e: {  	s7 =	smul.u32 @!p0 $0xF7A, s2;
	p2 =	seq.s32 @!p0 s5, $0x0  }
0x1f: {  	s9 =	smul.u32 $0xF7A, s1;
	s8 =	simm.s32 @!p0 $0x1BF5;
	p2 =	por !p2, p0  }
0x20: {  	[sflag:s8] =	ssyncset.s32 @!p0 $0xFFFFF086;
	s6 =	sadd.s32 @!p0 s3, s7;
	s7 =	simm.s32 @!p0 $0x108  }
0x21: {  	s3 =	sadd.s32 s3, s9;
	s6 =	sadd.s32 @!p0 $0x88, s6;
	s7 =	simm.s32 @p2 $0x1082  }
0x22: {  	[simem:s7], [sflag:s8] =	dma.local @!p0 [hbm:s6], $0xF7A  }
0x23: {  	s9 =	sor.u32 $0xD0000000, s2;
	s6 =	simm.s32 $0x108;
	_ =	swait.ge @!p0 [sflag:s8], $0x0  }
0x24: {  	s3 =	sadd.s32 $0x88, s3;
	s6 =	simm.s32 @!p1 $0x1082;
	[sflag:s4] =	ssyncset.s32 $0xFFFFF086  }
0x25: {  	[simem:s6], [sflag:s4] =	dma.local [hbm:s3], $0xF7A  }
0x26: {  	[smem:$0x3F9E] =	sst s1;
	(tag) =	ssettag s2;
	_ =	strace s9  }
0x27: {  	s1 =	sld [smem:$0x3FAE]  }
0x28: {  	s2 =	sld [smem:$0x3FAF]  }
0x29: {  	s4 =	sld [smem:$0x3FB1]  }
0x2a: {  	p0 =	seq.s32 s5, $0x0;
	s5 =	sld [smem:$0x3FB2]  }
0x2b: {  	s6 =	sld [smem:$0x3FB3]  }
0x2c: {  	s7 =	sld [smem:$0x3FB4]  }
0x2d: {  	s3 =	simm.s32 $0x108;
	s8 =	sld [smem:$0x3FB5]  }
0x2e: {  	s3 =	simm.s32 @!p0 $0x1082;
	s9 =	sld [smem:$0x3FB6]  }
0x2f: {  	lr =	sadd.s32 s0, s3;
	s0 =	sld [smem:$0x3FAD]  }
0x30: {  	s3 =	sld [smem:$0x3FB0]  }
0x31: {  	[smem:$0x3FB9] =	sst s10  }
0x32: {  	s10 =	sld [smem:$0x3FB7];
	_ =	sdelay $0x3  }
0x33: {  	p0 =	seq.s32 s10, $0x1;
	s10 =	sld [smem:$0x3FB9];
	_ =	sdelay $0x3  }
0x34: {  	[smem:$0x3FB9] =	sst s10  }
0x35: {  	s10 =	sld [smem:$0x3FB8];
	_ =	sdelay $0x3  }
0x36: {  	p1 =	seq.s32 s10, $0x1;
	s10 =	sld [smem:$0x3FB9];
	_ =	sdelay $0x3  }
0x37: {  	[smem:$0x3FB9] =	sst s10  }
0x38: {  	s10 =	sld [smem:$0x3FBA]  }
0x39: {  	_ = 	snop;
	(pc) =	sbr.ind lr, $3  }
0x3a: {  	_ = 	snop  }
0x3b: {  	_ = 	snop  }
0x3c: {  	p2 =	seq.s32 s10, $0x1;
	s10 =	sld [smem:$0x3FB9]  }
0x3d: {  	_ =	shalt  }
0x3e: {  	_ =	shalt  }
0x3f: {  	_ =	shalt  }
0x40: {  	_ =	shalt  }
0x41: {  	_ =	shalt  }
0x42: {  	_ =	shalt  }
0x43: {  	_ =	shalt  }
0x44: {  	_ =	shalt  }
0x45: {  	_ =	shalt  }
0x46: {  	_ =	shalt  }
0x47: {  	_ =	shalt  }
0x48: {  	_ =	shalt  }
0x49: {  	_ =	shalt  }
0x4a: {  	_ =	shalt  }
0x4b: {  	_ =	shalt  }
0x4c: {  	_ =	shalt  }
0x4d: {  	_ =	shalt  }
0x4e: {  	_ =	shalt  }
0x4f: {  	_ =	shalt  }
0x50: {  	_ =	shalt  }
0x51: {  	_ =	shalt  }
0x52: {  	_ =	shalt  }
0x53: {  	_ =	shalt  }
0x54: {  	_ =	shalt  }
0x55: {  	_ =	shalt  }
0x56: {  	_ =	shalt  }
0x57: {  	_ =	shalt  }
0x58: {  	_ =	shalt  }
0x59: {  	_ =	shalt  }
0x5a: {  	_ =	shalt  }
0x5b: {  	_ =	shalt  }
0x5c: {  	_ =	shalt  }
0x5d: {  	_ =	shalt  }
0x5e: {  	_ =	shalt  }
0x5f: {  	_ =	shalt  }
0x60: {  	_ =	shalt  }
0x61: {  	_ =	shalt  }
0x62: {  	_ =	shalt  }
0x63: {  	_ =	shalt  }
0x64: {  	_ =	shalt  }
0x65: {  	_ =	shalt  }
0x66: {  	_ =	shalt  }
0x67: {  	_ =	shalt  }
0x68: {  	_ =	shalt  }
0x69: {  	_ =	shalt  }
0x6a: {  	_ =	shalt  }
0x6b: {  	_ =	shalt  }
0x6c: {  	_ =	shalt  }
0x6d: {  	_ =	shalt  }
0x6e: {  	_ =	shalt  }
0x6f: {  	_ =	shalt  }
0x70: {  	_ =	shalt  }
0x71: {  	_ =	shalt  }
0x72: {  	_ =	shalt  }
0x73: {  	_ =	shalt  }
0x74: {  	_ =	shalt  }
0x75: {  	_ =	shalt  }
0x76: {  	_ =	shalt  }
0x77: {  	_ =	shalt  }
0x78: {  	_ =	shalt  }
0x79: {  	_ =	shalt  }
0x7a: {  	_ =	shalt  }
0x7b: {  	_ =	shalt  }
0x7c: {  	_ =	shalt  }
0x7d: {  	_ =	shalt  }
0x7e: {  	_ =	shalt  }
0x7f: {  	_ =	shalt  }
0x80: {  	_ =	shalt  }
0x81: {  	_ =	shalt  }
0x82: {  	_ =	shalt  }
0x83: {  	_ =	shalt  }
0x84: {  	_ =	shalt  }
0x85: {  	_ =	shalt  }
0x86: {  	_ =	shalt  }
0x87: {  	_ =	shalt  }
.Lfunc_end0:
.L_simem_size_0:
called_computation_lowered:
.L_overlay_start_0:
0x88: {  	s2 =	sld [smem:$0x3FD9]  }
0x89: {  	s3 =	sld [smem:$0x3FFE];
	_ =	sdelay $0x1  }
0x8a: {  	s1 =	srdreg.scid  }
0x8b: {  	s0 =	sand.u32 $0x1, s1  }
0x8c: {  	s16 =	sshll.u32 s0, $0xA;
	s2 =	sadd.s32 s3, s2  }
0x8d: {  	s2 =	sadd.s32 s2, s16  }
0x8e: {  	[smem:$0x3FC5] =	sst s2  }
0x8f: {  	_ = 	snop  }
0x90: {  	(tm) =	ssettm $0x1  }
0x91: {  	s17 =	sld [smem:$0x3FFB];
	_ =	sdelay $0x3  }
0x92: {  	_ =	strace s17  }
0x93: {  	s2 =	sld [smem:$0x3FFC];
	_ =	sdelay $0x3  }
0x94: {  	_ =	strace s2  }
0x95: {  	s2 =	sld [smem:$0x3FFD];
	_ =	sdelay $0x3  }
0x96: {  	_ =	strace s2  }
0x97: {  	_ =	strace $0x8FFFFFFF  }
0x98: {  	s18 =	sld [smem:$0x3FDB];
	_ =	sdelay $0x1  }
0x99: {  	s19 =	simm.s32 $_scs_section_size  }
0x9a: {  	s4 =	simm.s32 $_size__tile_overlayer_lowered;
	s5 =	simm.s32 $_tile_overlayer_lowered  }
0x9b: {  	s22 =	simm.s32 $0x1BFF;
	s21 =	sshll.u32 s5, $0x1;
	s2 =	sadd.s32 s19, s18  }
0x9c: {  	s6 =	simm.s32 $0x0;
	s20 =	sshll.u32 s4, $0x1;
	s4 =	sadd.s32 s21, s2  }
0x9d: {  	[timem:s6], [sflag:s22] =	dma.local [hbm:s4], s20  }
0x9e: {  	_ =	swait.ge [sflag:s22], s20  }
0x9f: {  	s3 =	ssub.s32 $0x0, s20;
	[sflag:s22] =	ssyncset.done $0x0  }
0xa0: {  	[sflag:s22] =	ssyncadd.s32 s3;
	_ =	sdelay $0x1  }
0xa1: {  	s23 =	simm.s32 $0x1B8B  }
0xa2: {  	_ =	swait.ge [sflag:s23], $0x1  }
0xa3: {  	[sflag:s23] =	ssyncset.done $0x0  }
0xa4: {  	s25 =	simm.s32 $0x1B8E;
	s24 =	sld [smem:$0x3FFE];
	[sflag:s23] =	ssyncadd.s32 $0xFFFFFFFF  }
0xa5: {  	s26 =	simm.s32 $execute0_lowered;
	[smem:$0x3FD2] =	sst s25  }
0xa6: {  	s4 =	sshll.u32 s26, $0x1;
	_ =	strace $0x80000046;
	[dreg:$0x1] =	wrdreg $0xFFFFFFFF  }
0xa7: {  	s28 =	simm.s32 $_size_execute0_lowered;
	s2 =	sadd.s32 s2, s4;
	[dreg:$0x0] =	wrdreg $0x0  }
0xa8: {  	s4 =	sshll.u32 s28, $0x1;
	[dreg:$0x2] =	wrdreg s2  }
0xa9: {  	[dreg:$0x3] =	wrdreg s4  }
0xaa: {  	[dreg:$0x4] =	wrdreg $0xC0  }
0xab: {  	_ =	task [dreg:s6], $0x5FFFF  }
0xac: {  	[dreg:$0x1] =	wrdreg $0xFFFFFFFF  }
0xad: {  	[dreg:$0x0] =	wrdreg $0x60  }
0xae: {  	[dreg:$0x2] =	wrdreg s24  }
0xaf: {  	[dreg:$0x3] =	wrdreg $0x9  }
0xb0: {  	_ =	task.clear_ibuf [dreg:s6], $0x4FFFF;
	_ =	strace $0x90000046  }
0xb1: {  	s29 =	simm.s32 $0x9;
	_ =	strace $0x80000048  }
0xb2: {  	_ =	swait.ge [sflag:s29], $0x1  }
0xb3: {  	[sflag:s29] =	ssyncadd.s32 $0xFFFFFFFF  }
0xb4: {  	_ =	strace $0x90000048  }
0xb5: {  	_ =	sfence  }
0xb6: {  	s30 =	sld [smem:$0x0];
	_ =	sdelay $0x2  }
0xb7: {  	s31 =	sshll.u32 s1, $0xD;
	s1 =	sshrl.u32 s1, $0x2  }
0xb8: {  	s3 =	sand.u32 $0x4000, s31;
	s1 =	sadd.s32 s1, s30  }
0xb9: {  	s0 =	sor.u32 s3, s0;
	s1 =	sshll.u32 s1, $0x11  }
0xba: {  	s0 =	sor.u32 s1, s0  }
0xbb: {  	s0 =	sadd.s32 $0x8F2B, s0  }
0xbc: {  	[sflag:s0] =	ssyncadd.remote.s32 $0x1  }
0xbd: {  	_ =	sfence.sel $0xFFFF  }
0xbe: {  	[dreg:$0x0] =	wrdreg $0xFFFFFFFF;
	(pc) =	sbr.abs _section_cstart, $3  }
0xbf: {  	[dreg:$0x1] =	wrdreg $0xFFFFFFFF  }
0xc0: {  	_ =	task.clear_ibuf [dreg:s6], $0x2FFFF;
	_ =	strace $0x9FFFFFFF  }
0xc1: {  	(tm) =	ssettm $0x7FFFFFFF  }
tec
execute0_lowered:
.L_overlay_start_1:
0x0: {  	(tag) =	ssettag $0x1  }
0x1: {  	v0 =	vlaneseq.u32  }
0x2: {  	v1 =	vmul.u32 $0x18, v0;
	_ =	sdelay $0x1  }
0x3: {  	v2 =	vor.u32 $0x1, v1  }
0x4: {  	[tilespmem:$0x1FD70] =	vst v2;
	v2 =	vor.u32 $0x2, v1  }
0x5: {  	[tilespmem:$0x1FD80] =	vst v2;
	v2 =	vor.u32 $0x3, v1  }
0x6: {  	[tilespmem:$0x1FD90] =	vst v2;
	v2 =	vor.u32 $0x4, v1  }
0x7: {  	s2 =	simm.s32 $0x0;
	[tilespmem:$0x1FDA0] =	vst v2;
	v2 =	vor.u32 $0x5, v1  }
0x8: {  	[smem:$0x7FF] =	sst s2;
	v19 =	vmul.u32 $0x40, v0;
	[tilespmem:$0x1FDB0] =	vst v2;
	v2 =	vor.u32 $0x6, v1  }
0x9: {  	s0 =	rddreg [dreg:$0x0];
	_ =	strace $0x80000047;
	[tilespmem:$0x1FDC0] =	vst v2  }
0xa: {  	v36 =	vor.u32 $0x400, v19;
	[tilespmem:$0x1FE90] =	vst v1  }
0xb: {  	v32 =	vor.u32 $0x800, v19;
	[tilespmem:$0x1FF30] =	vst v36  }
0xc: {  	v33 =	vor.u32 $0xC00, v19;
	[tilespmem:$0x1FF40] =	vst v32  }
0xd: {  	v35 =	vor.u32 $0x1400, v19;
	[tilespmem:$0x1FF50] =	vst v33  }
0xe: {  	v39 =	vor.u32 $0x2400, v19;
	[tilespmem:$0x1FF60] =	vst v35  }
0xf: {  	v41 =	vor.u32 $0x2800, v19;
	[tilespmem:$0x1FF70] =	vst v39  }
0x10: {  	v42 =	vor.u32 $0x2C00, v19;
	[tilespmem:$0x1FF80] =	vst v41  }
0x11: {  	v43 =	vor.u32 $0x3000, v19;
	[tilespmem:$0x1FF90] =	vst v42  }
0x12: {  	v37 =	vor.u32 $0x5000, v19;
	[tilespmem:$0x1FFA0] =	vst v43  }
0x13: {  	v38 =	vor.u32 $0x6400, v19;
	[tilespmem:$0x1FFB0] =	vst v37  }
0x14: {  	v40 =	vor.u32 $0x1800, v19;
	[tilespmem:$0x1FFC0] =	vst v38  }
0x15: {  	v30 =	vor.u32 $0x1C00, v19;
	[tilespmem:$0x1FFD0] =	vst v40  }
0x16: {  	v31 =	vor.u32 $0x2000, v19;
	[tilespmem:$0x1FFE0] =	vst v30  }
0x17: {  	v2 =	vor.u32 $0x7, v1;
	[tilespmem:$0x1FFF0] =	vst v31  }
0x18: {  	[tilespmem:$0x1FDD0] =	vst v2;
	v2 =	vadd.s32 $0x8, v1  }
0x19: {  	[tilespmem:$0x1FDE0] =	vst v2;
	v2 =	vadd.s32 $0x9, v1  }
0x1a: {  	[tilespmem:$0x1FDF0] =	vst v2;
	v2 =	vadd.s32 $0xA, v1  }
0x1b: {  	[tilespmem:$0x1FE00] =	vst v2;
	v2 =	vadd.s32 $0xB, v1  }
0x1c: {  	[tilespmem:$0x1FE10] =	vst v2;
	v2 =	vadd.s32 $0xC, v1  }
0x1d: {  	s1 =	srdreg.scid;
	[tilespmem:$0x1FE20] =	vst v2;
	v2 =	vadd.s32 $0xD, v1  }
0x1e: {  	s3 =	stileid.u32;
	s13 =	simm.s32 $0x3;
	s14 =	simm.s32 $0x180;
	[tilespmem:$0x1FE30] =	vst v2;
	v2 =	vadd.s32 $0xE, v1  }
0x1f: {  	s15 =	simm.s32 $0x80;
	s17 =	simm.s32 $0x800;
	s28 =	simm.s32 $0xA800;
	[tilespmem:$0x1FE40] =	vst v2;
	v2 =	vadd.s32 $0xF, v1  }
0x20: {  	s29 =	simm.s32 $0x600;
	s30 =	simm.s32 $0xC800;
	s31 =	simm.s32 $0x680;
	[tilespmem:$0x1FE50] =	vst v2;
	v2 =	vadd.s32 $0x10, v1  }
0x21: {  	s10 =	simm.s32 $0x12800;
	s11 =	simm.s32 $0x1;
	s12 =	simm.s32 $0x2;
	[tilespmem:$0x1FE60] =	vst v2;
	v2 =	vadd.s32 $0x11, v1  }
0x22: {  	s18 =	simm.s32 $0x0;
	s1 =	sand.u32 $0x1, s1;
	s4 =	sshll.u32 s3, $0x1;
	[tilespmem:$0x1FE70] =	vst v2;
	v2 =	vadd.s32 $0x12, v1  }
0x23: {  	s3 =	sadd.s32 $0xD000, s0;
	s5 =	sadd.s32 $0xF43400, s0;
	s6 =	sor.u32 s1, s4;
	v1 =	vadd.s32 $0x13, v1;
	[tilespmem:$0x1FE80] =	vst v2  }
0x24: {  	s4 =	sadd.s32 $0x1000, s0;
	s1 =	ssub.s32 $0x2, s1;
	s9 =	smul.u32 $0x600, s6;
	[tilespmem:$0x1FEA0] =	vst v1;
	v1 =	vor.u32 $0x3400, v19  }
0x25: {  	s7 =	sshll.u32 s6, $0x6;
	s8 =	sshll.u32 s6, $0x1;
	s23 =	sshrl.u32 s1, $0x1;
	[tilespmem:$0x1FEB0] =	vst v1;
	v1 =	vor.u32 $0x3800, v19  }
0x26: {  	s6 =	sshll.u32 s6, $0x9;
	s7 =	sadd.s32 s7, s0;
	s24 =	sadd.s32 s3, s9;
	[tilespmem:$0x1FEC0] =	vst v1;
	v1 =	vor.u32 $0x3C00, v19  }
0x27: {  	v34 =	vor.u32 $0x1000, v19;
	v45 =	vor.u32 $0x5800, v19;
	s0 =	sadd.s32 s8, s0;
	s25 =	sadd.s32 s4, s9;
	[dreg:$0x2] =	wrdreg s24;
	[tilespmem:$0x1FED0] =	vst v1;
	v1 =	vor.u32 $0x4000, v19  }
0x28: {  	v47 =	vor.u32 $0x5C00, v19;
	v46 =	vor.u32 $0x6000, v19;
	s1 =	ssub.s32 s1, s23;
	s7 =	sadd.s32 $0x19000, s7;
	[dreg:$0x3] =	wrdreg s25;
	[tilespmem:$0x1FEE0] =	vst v1;
	v1 =	vor.u32 $0x4400, v19  }
0x29: {  	v48 =	vor.u32 $0x6800, v19;
	v49 =	vor.u32 $0x6C00, v19;
	s8 =	simm.s32 $0x780;
	s0 =	sadd.s32 $0x19800, s0;
	[dreg:$0x4] =	wrdreg s7;
	[tilespmem:$0x1FEF0] =	vst v1;
	v1 =	vor.u32 $0x4800, v19  }
0x2a: {  	v50 =	vor.u32 $0x7000, v19;
	v51 =	vor.u32 $0x7400, v19;
	s9 =	sor.u32 $0x20, s6;
	s26 =	smax.u32 s1, $0x1;
	[dreg:$0x5] =	wrdreg s0;
	[tilespmem:$0x1FF00] =	vst v1;
	v1 =	vor.u32 $0x4C00, v19  }
0x2b: {  	v52 =	vor.u32 $0x7800, v19;
	v53 =	vor.u32 $0x7C00, v19;
	s1 =	simm.s32 $0x700;
	[dreg:$0x6] =	wrdreg s26;
	s25 =	simm.s32 $0x8800;
	[tilespmem:$0x1FF10] =	vst v1;
	v1 =	vor.u32 $0x5400, v19  }
0x2c: {  	v54 =	vor.u32 $0x8000, v19;
	v55 =	vor.u32 $0x8400, v19;
	s26 =	simm.s32 $0x580;
	s0 =	simm.s32 $0xE800;
	s7 =	simm.s32 $0x10800;
	[tilespmem:$0x1FF20] =	vst v1  }
.LBB2_1:
0x2d: {  	[dreg:$0x7] =	wrdreg s18;
	v1 =	vimm.f32 $0.0e+00  }
0x2e: {  	s16 =	rddreg [dreg:$0x2];
	[tilespmem:$0x14A00] =	vst v1  }
0x2f: {  	[tilespmem:s2], [sflag:$0x3] =	stream.linear.gather [hbm4b:s16+s2], $0x180, $0x38;
	[tilespmem:$0x14A10] =	vst v63  }
0x30: {  	_ =	swait.ge [sflag:s13], $0x180  }
0x31: {  	[sflag:s13] =	ssyncset.done $0x0  }
0x32: {  	s23 =	rddreg [dreg:$0x3];
	[sflag:s13] =	ssyncadd.s32 $0xFFFFFE80  }
0x33: {  	[tilespmem:s14], [sflag:$0x3] =	stream.linear.gather [hbm4b:s23+s2], $0x180, $0x38;
	[tilespmem:$0x14A10] =	vst v63  }
0x34: {  	_ =	swait.ge [sflag:s13], $0x180  }
0x35: {  	v2 =	vld [tilespmem:$0x1FE90];
	_ =	sdelay $0x5  }
0x36: {  	[sflag:s13] =	ssyncset.done $0x0;
	v3 =	vld [tilespmem:$0x1FD70]  }
0x37: {  	[sflag:s13] =	ssyncadd.s32 $0xFFFFFE80  }
0x38: {  	v1 =	vld.idx.msk [tilespmem:v2+s2+$0x0], $0xffff;
	_ =	sdelay $0x3  }
0x39: {  	v4 =	vld [tilespmem:$0x1FD80]  }
0x3a: {  	[tilespmem:$0x300] =	vst v1  }
0x3b: {  	v1 =	vld.idx.msk [tilespmem:v3+s2+$0x0], $0xffff;
	_ =	sdelay $0x3  }
0x3c: {  	v5 =	vld [tilespmem:$0x1FD90]  }
0x3d: {  	[tilespmem:$0x310] =	vst v1  }
0x3e: {  	v1 =	vld.idx.msk [tilespmem:v4+s2+$0x0], $0xffff;
	_ =	sdelay $0x3  }
0x3f: {  	v6 =	vld [tilespmem:$0x1FDA0]  }
0x40: {  	[tilespmem:$0x320] =	vst v1  }
0x41: {  	v1 =	vld.idx.msk [tilespmem:v5+s2+$0x0], $0xffff;
	_ =	sdelay $0x3  }
0x42: {  	v7 =	vld [tilespmem:$0x1FDB0]  }
0x43: {  	[tilespmem:$0x330] =	vst v1  }
0x44: {  	v1 =	vld.idx.msk [tilespmem:v6+s2+$0x0], $0xffff;
	_ =	sdelay $0x3  }
0x45: {  	v8 =	vld [tilespmem:$0x1FDC0]  }
0x46: {  	[tilespmem:$0x340] =	vst v1  }
0x47: {  	v1 =	vld.idx.msk [tilespmem:v7+s2+$0x0], $0xffff;
	_ =	sdelay $0x3  }
0x48: {  	v9 =	vld [tilespmem:$0x1FDD0]  }
0x49: {  	[tilespmem:$0x350] =	vst v1  }
0x4a: {  	v1 =	vld.idx.msk [tilespmem:v8+s2+$0x0], $0xffff;
	_ =	sdelay $0x3  }
0x4b: {  	v10 =	vld [tilespmem:$0x1FDE0]  }
0x4c: {  	[tilespmem:$0x360] =	vst v1  }
0x4d: {  	v1 =	vld.idx.msk [tilespmem:v9+s2+$0x0], $0xffff;
	_ =	sdelay $0x3  }
0x4e: {  	v11 =	vld [tilespmem:$0x1FDF0]  }
0x4f: {  	[tilespmem:$0x370] =	vst v1  }
0x50: {  	v1 =	vld.idx.msk [tilespmem:v10+s2+$0x0], $0xffff;
	_ =	sdelay $0x3  }
0x51: {  	v12 =	vld [tilespmem:$0x1FE00]  }
0x52: {  	[tilespmem:$0x380] =	vst v1  }
0x53: {  	v1 =	vld.idx.msk [tilespmem:v11+s2+$0x0], $0xffff;
	_ =	sdelay $0x3  }
0x54: {  	v13 =	vld [tilespmem:$0x1FE10]  }
0x55: {  	[tilespmem:$0x390] =	vst v1  }
0x56: {  	v1 =	vld.idx.msk [tilespmem:v12+s2+$0x0], $0xffff;
	_ =	sdelay $0x3  }
0x57: {  	v14 =	vld [tilespmem:$0x1FE20]  }
0x58: {  	[tilespmem:$0x3A0] =	vst v1  }
0x59: {  	v1 =	vld.idx.msk [tilespmem:v13+s2+$0x0], $0xffff;
	_ =	sdelay $0x3  }
0x5a: {  	v15 =	vld [tilespmem:$0x1FE30]  }
0x5b: {  	[tilespmem:$0x3B0] =	vst v1  }
0x5c: {  	v1 =	vld.idx.msk [tilespmem:v14+s2+$0x0], $0xffff;
	_ =	sdelay $0x3  }
0x5d: {  	v16 =	vld [tilespmem:$0x1FE40]  }
0x5e: {  	[tilespmem:$0x3C0] =	vst v1  }
0x5f: {  	v1 =	vld.idx.msk [tilespmem:v15+s2+$0x0], $0xffff;
	_ =	sdelay $0x3  }
0x60: {  	v17 =	vld [tilespmem:$0x1FE50]  }
0x61: {  	[tilespmem:$0x3D0] =	vst v1  }
0x62: {  	v1 =	vld.idx.msk [tilespmem:v16+s2+$0x0], $0xffff;
	_ =	sdelay $0x3  }
0x63: {  	v18 =	vld [tilespmem:$0x1FE60]  }
0x64: {  	[tilespmem:$0x3E0] =	vst v1  }
0x65: {  	v1 =	vld.idx.msk [tilespmem:v17+s2+$0x0], $0xffff;
	_ =	sdelay $0x3  }
0x66: {  	v20 =	vld [tilespmem:$0x1FE70]  }
0x67: {  	[tilespmem:$0x3F0] =	vst v1  }
0x68: {  	v1 =	vld.idx.msk [tilespmem:v18+s2+$0x0], $0xffff;
	_ =	sdelay $0x3  }
0x69: {  	v21 =	vld [tilespmem:$0x1FE80]  }
0x6a: {  	[tilespmem:$0x400] =	vst v1  }
0x6b: {  	v1 =	vld.idx.msk [tilespmem:v20+s2+$0x0], $0xffff;
	_ =	sdelay $0x3  }
0x6c: {  	v22 =	vld [tilespmem:$0x1FEA0]  }
0x6d: {  	[tilespmem:$0x410] =	vst v1  }
0x6e: {  	v1 =	vld.idx.msk [tilespmem:v21+s2+$0x0], $0xffff;
	_ =	sdelay $0x4  }
0x6f: {  	[tilespmem:$0x420] =	vst v1  }
0x70: {  	v1 =	vld.idx.msk [tilespmem:v22+s2+$0x0], $0xffff;
	_ =	sdelay $0x4  }
0x71: {  	[tilespmem:$0x430] =	vst v1  }
0x72: {  	v1 =	vld.idx.msk [tilespmem:v2+s14+$0x0], $0xffff;
	_ =	sdelay $0x4  }
0x73: {  	[tilespmem:$0x440] =	vst v1  }
0x74: {  	v1 =	vld.idx.msk [tilespmem:v3+s14+$0x0], $0xffff;
	_ =	sdelay $0x4  }
0x75: {  	[tilespmem:$0x450] =	vst v1  }
0x76: {  	v1 =	vld.idx.msk [tilespmem:v4+s14+$0x0], $0xffff;
	_ =	sdelay $0x4  }
0x77: {  	[tilespmem:$0x460] =	vst v1  }
0x78: {  	v1 =	vld.idx.msk [tilespmem:v5+s14+$0x0], $0xffff;
	_ =	sdelay $0x4  }
0x79: {  	[tilespmem:$0x470] =	vst v1  }
0x7a: {  	v1 =	vld.idx.msk [tilespmem:v6+s14+$0x0], $0xffff;
	_ =	sdelay $0x4  }
0x7b: {  	[tilespmem:$0x480] =	vst v1  }
0x7c: {  	v1 =	vld.idx.msk [tilespmem:v7+s14+$0x0], $0xffff;
	_ =	sdelay $0x4  }
0x7d: {  	[tilespmem:$0x490] =	vst v1  }
0x7e: {  	v1 =	vld.idx.msk [tilespmem:v8+s14+$0x0], $0xffff;
	_ =	sdelay $0x4  }
0x7f: {  	[tilespmem:$0x4A0] =	vst v1  }
0x80: {  	v1 =	vld.idx.msk [tilespmem:v9+s14+$0x0], $0xffff;
	_ =	sdelay $0x4  }
0x81: {  	[tilespmem:$0x4B0] =	vst v1  }
0x82: {  	v1 =	vld.idx.msk [tilespmem:v10+s14+$0x0], $0xffff;
	_ =	sdelay $0x4  }
0x83: {  	[tilespmem:$0x4C0] =	vst v1  }
0x84: {  	v1 =	vld.idx.msk [tilespmem:v11+s14+$0x0], $0xffff;
	_ =	sdelay $0x4  }
0x85: {  	[tilespmem:$0x4D0] =	vst v1  }
0x86: {  	v1 =	vld.idx.msk [tilespmem:v12+s14+$0x0], $0xffff;
	_ =	sdelay $0x4  }
0x87: {  	[tilespmem:$0x4E0] =	vst v1  }
0x88: {  	v1 =	vld.idx.msk [tilespmem:v13+s14+$0x0], $0xffff;
	_ =	sdelay $0x4  }
0x89: {  	[tilespmem:$0x4F0] =	vst v1  }
0x8a: {  	v1 =	vld.idx.msk [tilespmem:v14+s14+$0x0], $0xffff;
	_ =	sdelay $0x4  }
0x8b: {  	[tilespmem:$0x500] =	vst v1  }
0x8c: {  	v1 =	vld.idx.msk [tilespmem:v15+s14+$0x0], $0xffff;
	_ =	sdelay $0x4  }
0x8d: {  	[tilespmem:$0x510] =	vst v1  }
0x8e: {  	v1 =	vld.idx.msk [tilespmem:v16+s14+$0x0], $0xffff;
	_ =	sdelay $0x4  }
0x8f: {  	[tilespmem:$0x520] =	vst v1  }
0x90: {  	v1 =	vld.idx.msk [tilespmem:v17+s14+$0x0], $0xffff;
	_ =	sdelay $0x4  }
0x91: {  	[tilespmem:$0x530] =	vst v1  }
0x92: {  	v1 =	vld.idx.msk [tilespmem:v18+s14+$0x0], $0xffff;
	_ =	sdelay $0x4  }
0x93: {  	[tilespmem:$0x540] =	vst v1  }
0x94: {  	v1 =	vld.idx.msk [tilespmem:v20+s14+$0x0], $0xffff;
	_ =	sdelay $0x4  }
0x95: {  	[tilespmem:$0x550] =	vst v1  }
0x96: {  	v1 =	vld.idx.msk [tilespmem:v21+s14+$0x0], $0xffff;
	_ =	sdelay $0x4  }
0x97: {  	[tilespmem:$0x560] =	vst v1  }
0x98: {  	v1 =	vld.idx.msk [tilespmem:v22+s14+$0x0], $0xffff;
	_ =	sdelay $0x4  }
0x99: {  	s24 =	simm.s32 $0x300;
	[tilespmem:$0x570] =	vst v1  }
0x9a: {  	[tilespmem:s17], [sflag:$0x1] =	stream.indirect.gather [hbm4b:s5+s15], $0x40, s24, s15, $0xb8;
	[tilespmem:$0x14A10] =	vst v63  }
0x9b: {  	s18 =	simm.s32 $0x380;
	s19 =	simm.s32 $0x2800  }
0x9c: {  	[tilespmem:s19], [sflag:$0x1] =	stream.indirect.gather [hbm4b:s5+s15], $0x40, s18, s15, $0xb8;
	[tilespmem:$0x14A10] =	vst v63  }
0x9d: {  	s20 =	simm.s32 $0x400;
	s21 =	simm.s32 $0x4800  }
0x9e: {  	[tilespmem:s21], [sflag:$0x1] =	stream.indirect.gather [hbm4b:s5+s15], $0x40, s20, s15, $0xb8;
	[tilespmem:$0x14A10] =	vst v63  }
0x9f: {  	s22 =	simm.s32 $0x480;
	s23 =	simm.s32 $0x6800  }
0xa0: {  	[tilespmem:s23], [sflag:$0x1] =	stream.indirect.gather [hbm4b:s5+s15], $0x40, s22, s15, $0xb8;
	[tilespmem:$0x14A10] =	vst v63  }
0xa1: {  	s16 =	simm.s32 $0x0;
	s24 =	simm.s32 $0x500  }
0xa2: {  	[tilespmem:s25], [sflag:$0x1] =	stream.indirect.gather [hbm4b:s5+s15], $0x40, s24, s15, $0xb8;
	[tilespmem:$0x14A10] =	vst v63  }
.LBB2_2:
0xa3: {  	s19 =	sshll.u32 s16, $0x5  }
0xa4: {  	s18 =	sor.u32 $0x10, s19  }
0xa5: {  	s20 =	sor.u32 s6, s18  }
0xa6: {  	s21 =	smul.u32 $0x3, s20;
	_ =	sdelay $0x1  }
0xa7: {  	s20 =	simm.s32 $0x0;
	s22 =	sadd.s32 s3, s21  }
0xa8: {  	[tilespmem:s20], [sflag:$0x3] =	stream.linear.gather [hbm4b:s22+s20], $0x180, $0x38;
	[tilespmem:$0x14A10] =	vst v63  }
0xa9: {  	_ =	swait.ge [sflag:s13], $0x180  }
0xaa: {  	[sflag:s13] =	ssyncset.done $0x0  }
0xab: {  	s21 =	sadd.s32 s4, s21;
	[sflag:s13] =	ssyncadd.s32 $0xFFFFFE80  }
0xac: {  	[tilespmem:s14], [sflag:$0x3] =	stream.linear.gather [hbm4b:s21+s20], $0x180, $0x38;
	[tilespmem:$0x14A10] =	vst v63  }
0xad: {  	_ =	swait.ge [sflag:s13], $0x180  }
0xae: {  	v2 =	vld [tilespmem:$0x1FE90];
	_ =	sdelay $0x5  }
0xaf: {  	[sflag:s13] =	ssyncset.done $0x0;
	v3 =	vld [tilespmem:$0x1FD70]  }
0xb0: {  	[sflag:s13] =	ssyncadd.s32 $0xFFFFFE80  }
0xb1: {  	v1 =	vld.idx.msk [tilespmem:v2+s20+$0x0], $0xffff;
	_ =	sdelay $0x3  }
0xb2: {  	v4 =	vld [tilespmem:$0x1FD80]  }
0xb3: {  	[tilespmem:$0x580] =	vst v1  }
0xb4: {  	v1 =	vld.idx.msk [tilespmem:v3+s20+$0x0], $0xffff;
	_ =	sdelay $0x3  }
0xb5: {  	v5 =	vld [tilespmem:$0x1FD90]  }
0xb6: {  	[tilespmem:$0x590] =	vst v1  }
0xb7: {  	v1 =	vld.idx.msk [tilespmem:v4+s20+$0x0], $0xffff;
	_ =	sdelay $0x3  }
0xb8: {  	v6 =	vld [tilespmem:$0x1FDA0]  }
0xb9: {  	[tilespmem:$0x5A0] =	vst v1  }
0xba: {  	v1 =	vld.idx.msk [tilespmem:v5+s20+$0x0], $0xffff;
	_ =	sdelay $0x3  }
0xbb: {  	v7 =	vld [tilespmem:$0x1FDB0]  }
0xbc: {  	[tilespmem:$0x5B0] =	vst v1  }
0xbd: {  	v1 =	vld.idx.msk [tilespmem:v6+s20+$0x0], $0xffff;
	_ =	sdelay $0x3  }
0xbe: {  	v8 =	vld [tilespmem:$0x1FDC0]  }
0xbf: {  	[tilespmem:$0x5C0] =	vst v1  }
0xc0: {  	v1 =	vld.idx.msk [tilespmem:v7+s20+$0x0], $0xffff;
	_ =	sdelay $0x3  }
0xc1: {  	v9 =	vld [tilespmem:$0x1FDD0]  }
0xc2: {  	[tilespmem:$0x5D0] =	vst v1  }
0xc3: {  	v1 =	vld.idx.msk [tilespmem:v8+s20+$0x0], $0xffff;
	_ =	sdelay $0x3  }
0xc4: {  	v10 =	vld [tilespmem:$0x1FDE0]  }
0xc5: {  	[tilespmem:$0x5E0] =	vst v1  }
0xc6: {  	v1 =	vld.idx.msk [tilespmem:v9+s20+$0x0], $0xffff;
	_ =	sdelay $0x3  }
0xc7: {  	v11 =	vld [tilespmem:$0x1FDF0]  }
0xc8: {  	[tilespmem:$0x5F0] =	vst v1  }
0xc9: {  	v1 =	vld.idx.msk [tilespmem:v10+s20+$0x0], $0xffff;
	_ =	sdelay $0x3  }
0xca: {  	v12 =	vld [tilespmem:$0x1FE00]  }
0xcb: {  	[tilespmem:$0x600] =	vst v1  }
0xcc: {  	v1 =	vld.idx.msk [tilespmem:v11+s20+$0x0], $0xffff;
	_ =	sdelay $0x3  }
0xcd: {  	v13 =	vld [tilespmem:$0x1FE10]  }
0xce: {  	[tilespmem:$0x610] =	vst v1  }
0xcf: {  	v1 =	vld.idx.msk [tilespmem:v12+s20+$0x0], $0xffff;
	_ =	sdelay $0x3  }
0xd0: {  	v14 =	vld [tilespmem:$0x1FE20]  }
0xd1: {  	[tilespmem:$0x620] =	vst v1  }
0xd2: {  	v1 =	vld.idx.msk [tilespmem:v13+s20+$0x0], $0xffff;
	_ =	sdelay $0x3  }
0xd3: {  	v15 =	vld [tilespmem:$0x1FE30]  }
0xd4: {  	[tilespmem:$0x630] =	vst v1  }
0xd5: {  	v1 =	vld.idx.msk [tilespmem:v14+s20+$0x0], $0xffff;
	_ =	sdelay $0x3  }
0xd6: {  	v16 =	vld [tilespmem:$0x1FE40]  }
0xd7: {  	[tilespmem:$0x640] =	vst v1  }
0xd8: {  	v1 =	vld.idx.msk [tilespmem:v15+s20+$0x0], $0xffff;
	_ =	sdelay $0x3  }
0xd9: {  	v17 =	vld [tilespmem:$0x1FE50]  }
0xda: {  	[tilespmem:$0x650] =	vst v1  }
0xdb: {  	v1 =	vld.idx.msk [tilespmem:v16+s20+$0x0], $0xffff;
	_ =	sdelay $0x3  }
0xdc: {  	v18 =	vld [tilespmem:$0x1FE60]  }
0xdd: {  	[tilespmem:$0x660] =	vst v1  }
0xde: {  	v1 =	vld.idx.msk [tilespmem:v17+s20+$0x0], $0xffff;
	_ =	sdelay $0x3  }
0xdf: {  	v20 =	vld [tilespmem:$0x1FE70]  }
0xe0: {  	[tilespmem:$0x670] =	vst v1  }
0xe1: {  	v1 =	vld.idx.msk [tilespmem:v18+s20+$0x0], $0xffff;
	_ =	sdelay $0x3  }
0xe2: {  	v21 =	vld [tilespmem:$0x1FE80]  }
0xe3: {  	[tilespmem:$0x680] =	vst v1  }
0xe4: {  	v1 =	vld.idx.msk [tilespmem:v20+s20+$0x0], $0xffff;
	_ =	sdelay $0x3  }
0xe5: {  	v22 =	vld [tilespmem:$0x1FEA0]  }
0xe6: {  	[tilespmem:$0x690] =	vst v1  }
0xe7: {  	v1 =	vld.idx.msk [tilespmem:v21+s20+$0x0], $0xffff;
	_ =	sdelay $0x4  }
0xe8: {  	[tilespmem:$0x6A0] =	vst v1  }
0xe9: {  	v1 =	vld.idx.msk [tilespmem:v22+s20+$0x0], $0xffff;
	_ =	sdelay $0x4  }
0xea: {  	[tilespmem:$0x6B0] =	vst v1  }
0xeb: {  	v1 =	vld.idx.msk [tilespmem:v2+s14+$0x0], $0xffff;
	_ =	sdelay $0x4  }
0xec: {  	[tilespmem:$0x6C0] =	vst v1  }
0xed: {  	v1 =	vld.idx.msk [tilespmem:v3+s14+$0x0], $0xffff;
	_ =	sdelay $0x4  }
0xee: {  	[tilespmem:$0x6D0] =	vst v1  }
0xef: {  	v1 =	vld.idx.msk [tilespmem:v4+s14+$0x0], $0xffff;
	_ =	sdelay $0x4  }
0xf0: {  	[tilespmem:$0x6E0] =	vst v1  }
0xf1: {  	v1 =	vld.idx.msk [tilespmem:v5+s14+$0x0], $0xffff;
	_ =	sdelay $0x4  }
0xf2: {  	[tilespmem:$0x6F0] =	vst v1  }
0xf3: {  	v1 =	vld.idx.msk [tilespmem:v6+s14+$0x0], $0xffff;
	_ =	sdelay $0x4  }
0xf4: {  	[tilespmem:$0x700] =	vst v1  }
0xf5: {  	v1 =	vld.idx.msk [tilespmem:v7+s14+$0x0], $0xffff;
	_ =	sdelay $0x4  }
0xf6: {  	[tilespmem:$0x710] =	vst v1  }
0xf7: {  	v1 =	vld.idx.msk [tilespmem:v8+s14+$0x0], $0xffff;
	_ =	sdelay $0x4  }
0xf8: {  	[tilespmem:$0x720] =	vst v1  }
0xf9: {  	v1 =	vld.idx.msk [tilespmem:v9+s14+$0x0], $0xffff;
	_ =	sdelay $0x4  }
0xfa: {  	[tilespmem:$0x730] =	vst v1  }
0xfb: {  	v1 =	vld.idx.msk [tilespmem:v10+s14+$0x0], $0xffff;
	_ =	sdelay $0x4  }
0xfc: {  	[tilespmem:$0x740] =	vst v1  }
0xfd: {  	v1 =	vld.idx.msk [tilespmem:v11+s14+$0x0], $0xffff;
	_ =	sdelay $0x4  }
0xfe: {  	[tilespmem:$0x750] =	vst v1  }
0xff: {  	v1 =	vld.idx.msk [tilespmem:v12+s14+$0x0], $0xffff;
	_ =	sdelay $0x4  }
0x100: {  	[tilespmem:$0x760] =	vst v1  }
0x101: {  	v1 =	vld.idx.msk [tilespmem:v13+s14+$0x0], $0xffff;
	_ =	sdelay $0x4  }
0x102: {  	[tilespmem:$0x770] =	vst v1  }
0x103: {  	v1 =	vld.idx.msk [tilespmem:v14+s14+$0x0], $0xffff;
	_ =	sdelay $0x4  }
0x104: {  	[tilespmem:$0x780] =	vst v1  }
0x105: {  	v1 =	vld.idx.msk [tilespmem:v15+s14+$0x0], $0xffff;
	_ =	sdelay $0x4  }
0x106: {  	[tilespmem:$0x790] =	vst v1  }
0x107: {  	v1 =	vld.idx.msk [tilespmem:v16+s14+$0x0], $0xffff;
	_ =	sdelay $0x4  }
0x108: {  	[tilespmem:$0x7A0] =	vst v1  }
0x109: {  	v1 =	vld.idx.msk [tilespmem:v17+s14+$0x0], $0xffff;
	_ =	sdelay $0x4  }
0x10a: {  	[tilespmem:$0x7B0] =	vst v1  }
0x10b: {  	v1 =	vld.idx.msk [tilespmem:v18+s14+$0x0], $0xffff;
	_ =	sdelay $0x4  }
0x10c: {  	[tilespmem:$0x7C0] =	vst v1  }
0x10d: {  	v1 =	vld.idx.msk [tilespmem:v20+s14+$0x0], $0xffff;
	_ =	sdelay $0x4  }
0x10e: {  	[tilespmem:$0x7D0] =	vst v1  }
0x10f: {  	v1 =	vld.idx.msk [tilespmem:v21+s14+$0x0], $0xffff;
	_ =	sdelay $0x4  }
0x110: {  	[tilespmem:$0x7E0] =	vst v1  }
0x111: {  	v1 =	vld.idx.msk [tilespmem:v22+s14+$0x0], $0xffff;
	_ =	sdelay $0x4  }
0x112: {  	[tilespmem:$0x7F0] =	vst v1  }
0x113: {  	[tilespmem:s28], [sflag:$0x2] =	stream.indirect.gather [hbm4b:s5+s15], $0x40, s26, s15, $0xb8;
	[tilespmem:$0x14A10] =	vst v63  }
0x114: {  	_ = 	snop  }
0x115: {  	[tilespmem:s30], [sflag:$0x2] =	stream.indirect.gather [hbm4b:s5+s15], $0x40, s29, s15, $0xb8;
	[tilespmem:$0x14A10] =	vst v63  }
0x116: {  	_ = 	snop  }
0x117: {  	[tilespmem:s0], [sflag:$0x2] =	stream.indirect.gather [hbm4b:s5+s15], $0x40, s31, s15, $0xb8;
	[tilespmem:$0x14A10] =	vst v63  }
0x118: {  	_ = 	snop  }
0x119: {  	[tilespmem:s7], [sflag:$0x2] =	stream.indirect.gather [hbm4b:s5+s15], $0x40, s1, s15, $0xb8;
	[tilespmem:$0x14A10] =	vst v63  }
0x11a: {  	_ = 	snop  }
0x11b: {  	[tilespmem:s10], [sflag:$0x2] =	stream.indirect.gather [hbm4b:s5+s15], $0x40, s8, s15, $0xb8;
	[tilespmem:$0x14A10] =	vst v63  }
0x11c: {  	_ =	swait.ge [sflag:s11], $0x2000  }
0x11d: {  	[sflag:s11] =	ssyncset.done $0x0  }
0x11e: {  	[sflag:s11] =	ssyncadd.s32 $0xFFFFE000  }
0x11f: {  	_ =	swait.ge [sflag:s11], $0x2000  }
0x120: {  	[sflag:s11] =	ssyncset.done $0x0  }
0x121: {  	[sflag:s11] =	ssyncadd.s32 $0xFFFFE000  }
0x122: {  	_ =	swait.ge [sflag:s11], $0x2000  }
0x123: {  	[sflag:s11] =	ssyncset.done $0x0  }
0x124: {  	v1 =	vadd.s32 s20, v0;
	[sflag:s11] =	ssyncadd.s32 $0xFFFFE000  }
0x125: {  	v1 =	vand.u32 $0x3F, v1;
	_ =	swait.ge [sflag:s11], $0x2000  }
0x126: {  	v2 =	vor.u32 v19, v1;
	[sflag:s11] =	ssyncset.done $0x0  }
0x127: {  	v3 =	vor.u32 v33, v1;
	[sflag:s11] =	ssyncadd.s32 $0xFFFFE000  }
0x128: {  	v4 =	vor.u32 v34, v1;
	_ =	swait.ge [sflag:s11], $0x2000  }
0x129: {  	v5 =	vor.u32 v36, v1;
	[sflag:s11] =	ssyncset.done $0x0  }
0x12a: {  	v6 =	vor.u32 v32, v1;
	[sflag:s11] =	ssyncadd.s32 $0xFFFFE000  }
0x12b: {  	s22 =	simm.s32 $0x1;
	v7 =	vor.u32 v31, v1;
	v11 =	vld.idx.msk [tilespmem:v2+s17+$0x0], $0xffff  }
0x12c: {  	v8 =	vadd.s32 s22, v0;
	v9 =	vor.u32 v35, v1;
	v3 =	vld.idx.msk [tilespmem:v3+s17+$0x0], $0xffff  }
0x12d: {  	v12 =	vand.u32 $0x3F, v8;
	v10 =	vor.u32 v40, v1;
	v4 =	vld.idx.msk [tilespmem:v4+s17+$0x0], $0xffff  }
0x12e: {  	v17 =	vor.u32 v33, v12;
	v5 =	vld.idx.msk [tilespmem:v5+s17+$0x0], $0xffff  }
0x12f: {  	v21 =	vor.u32 v34, v12;
	v6 =	vld.idx.msk [tilespmem:v6+s17+$0x0], $0xffff  }
0x130: {  	v20 =	vor.u32 v32, v12;
	v18 =	vld.idx.msk [tilespmem:v7+s17+$0x0], $0xffff  }
0x131: {  	v2 =	vor.u32 v39, v1;
	v22 =	vld.idx.msk [tilespmem:v9+s17+$0x0], $0xffff  }
0x132: {  	v57 =	vor.u32 v31, v12;
	v24 =	vld.idx.msk [tilespmem:v10+s17+$0x0], $0xffff  }
0x133: {  	v1 =	vor.u32 v30, v1;
	v9 =	vld.idx.msk [tilespmem:v17+s17+$0x0], $0xffff  }
0x134: {  	v16 =	vor.u32 v36, v12;
	v10 =	vld.idx.msk [tilespmem:v21+s17+$0x0], $0xffff  }
0x135: {  	s21 =	simm.s32 $0x2;
	v8 =	vimm.f32 $0.0e+00;
	v13 =	vor.u32 v19, v12;
	v23 =	vld.idx.msk [tilespmem:v20+s17+$0x0], $0xffff  }
0x136: {  	v29 =	vor.u32 v35, v12;
	v14 =	vor.u32 v30, v12;
	v17 =	vadd.s32 s21, v0;
	v15 =	vld.idx.msk [tilespmem:v2+s17+$0x0], $0xffff  }
0x137: {  	v7 =	vor.u32 v40, v12;
	v12 =	vor.u32 v39, v12;
	v20 =	vld.idx.msk [tilespmem:v57+s17+$0x0], $0xffff;
	v56 =	vand.u32 $0x3F, v17  }
0x138: {  	v57 =	vimm.f32 $0.0e+00;
	v17 =	vimm.f32 $0.0e+00;
	v26 =	vor.u32 v19, v56;
	v27 =	vld.idx.msk [tilespmem:v1+s17+$0x0], $0xffff  }
0x139: {  	v21 =	vld.idx.msk [tilespmem:v16+s17+$0x0], $0xffff;
	v16 =	vor.u32 v36, v56;
	v2 =	vmul.f32 v5, v11;
	v5 =	vmul.f32 v6, v11  }
0x13a: {  	v25 =	vor.u32 v33, v56;
	v1 =	vld.idx.msk [tilespmem:v13+s17+$0x0], $0xffff;
	v13 =	vmul.f32 v3, v11;
	v28 =	vmul.f32 v24, v11  }
0x13b: {  	v24 =	vor.u32 v34, v56;
	v2 =	vadd.f32 v2, v8;
	v6 =	vmul.f32 v15, v11  }
0x13c: {  	v3 =	vadd.f32 v5, v8;
	v5 =	vmul.f32 v4, v11;
	v15 =	vmul.f32 v18, v11  }
0x13d: {  	v18 =	vmul.f32 v22, v11;
	v27 =	vmul.f32 v27, v11;
	v4 =	vadd.f32 v6, v8  }
0x13e: {  	v58 =	vld.idx.msk [tilespmem:v29+s17+$0x0], $0xffff;
	v11 =	vor.u32 v35, v56;
	v6 =	vadd.f32 v5, v8;
	v5 =	vadd.f32 v15, v8  }
0x13f: {  	s23 =	simm.s32 $0x3;
	v22 =	vld.idx.msk [tilespmem:v12+s17+$0x0], $0xffff;
	v15 =	vor.u32 v32, v56;
	v12 =	vadd.f32 v18, v8;
	v18 =	vimm.f32 $0.0e+00  }
.LBB2_3:
0x140: {  	v29 =	vor.u32 v30, v56  }
0x141: {  	p0 =	sne.s32 s23, $0x3F;
	v59 =	vld.idx.msk [tilespmem:v7+s17+$0x0], $0xffff;
	v7 =	vor.u32 v40, v56;
	v57 =	vadd.f32 v28, v57;
	v60 =	vmov v1;
	s24 =	smov.u32 s23;
	s23 =	sadd.s32 $0x1, s23  }
0x142: {  	v61 =	vor.u32 v31, v56;
	v18 =	vadd.f32 v13, v18;
	v21 =	vmul.f32 v21, v60;
	v62 =	vld.idx.msk [tilespmem:v14+s17+$0x0], $0xffff  }
0x143: {  	v28 =	vor.u32 v39, v56;
	v17 =	vadd.f32 v27, v17;
	v1 =	vld.idx.msk [tilespmem:v26+s17+$0x0], $0xffff;
	v26 =	vmul.f32 v23, v60  }
0x144: {  	v13 =	vmul.f32 v9, v60;
	v22 =	vmul.f32 v22, v60;
	v2 =	vadd.f32 v21, v2;
	v9 =	vld.idx.msk [tilespmem:v25+s17+$0x0], $0xffff  }
0x145: {  	v25 =	vmul.f32 v10, v60;
	v20 =	vmul.f32 v20, v60;
	v3 =	vadd.f32 v26, v3;
	v10 =	vld.idx.msk [tilespmem:v24+s17+$0x0], $0xffff  }
.Ltmp0:
0x146: {  	v14 =	vmovc v29;
	v23 =	vadd.s32 s24, v0;
	v63 =	vmul.f32 v58, v60;
	v4 =	vadd.f32 v22, v4;
	v21 =	vld.idx.msk [tilespmem:v16+s17+$0x0], $0xffff;
	(pc) =	sbr.rel @p0 .LBB2_3-.Ltmp0, $4  }
0x147: {  	v56 =	vand.u32 $0x3F, v23;
	v6 =	vadd.f32 v25, v6;
	v5 =	vadd.f32 v20, v5;
	v23 =	vld.idx.msk [tilespmem:v15+s17+$0x0], $0xffff  }
0x148: {  	v26 =	vor.u32 v19, v56;
	v16 =	vor.u32 v36, v56;
	v22 =	vld.idx.msk [tilespmem:v28+s17+$0x0], $0xffff;
	v28 =	vmul.f32 v59, v60  }
0x149: {  	v25 =	vor.u32 v33, v56;
	v15 =	vor.u32 v32, v56;
	v27 =	vmul.f32 v62, v60;
	v20 =	vld.idx.msk [tilespmem:v61+s17+$0x0], $0xffff  }
0x14a: {  	v24 =	vor.u32 v34, v56;
	v12 =	vadd.f32 v63, v12;
	v58 =	vld.idx.msk [tilespmem:v11+s17+$0x0], $0xffff;
	v11 =	vor.u32 v35, v56  }
0x14b: {  	_ =	sdelay $0x3  }
0x14c: {  	v7 =	vld.idx.msk [tilespmem:v7+s17+$0x0], $0xffff  }
0x14d: {  	v14 =	vld.idx.msk [tilespmem:v14+s17+$0x0], $0xffff  }
0x14e: {  	v26 =	vld.idx.msk [tilespmem:v26+s17+$0x0], $0xffff;
	v62 =	vor.u32 v39, v56  }
0x14f: {  	v29 =	vor.u32 v40, v56;
	v59 =	vor.u32 v30, v56;
	v21 =	vmul.f32 v21, v1;
	v16 =	vld.idx.msk [tilespmem:v16+s17+$0x0], $0xffff  }
0x150: {  	v63 =	vor.u32 v31, v56;
	v13 =	vadd.f32 v13, v18;
	v10 =	vmul.f32 v10, v1  }
0x151: {  	v18 =	vld.idx.msk [tilespmem:v25+s17+$0x0], $0xffff;
	v9 =	vmul.f32 v9, v1;
	v23 =	vmul.f32 v23, v1;
	v2 =	vadd.f32 v21, v2  }
0x152: {  	v15 =	vld.idx.msk [tilespmem:v15+s17+$0x0], $0xffff;
	v21 =	vmul.f32 v22, v1;
	v6 =	vadd.f32 v10, v6;
	v20 =	vmul.f32 v20, v1  }
0x153: {  	v3 =	vadd.f32 v23, v3;
	v23 =	vmul.f32 v58, v1;
	v10 =	vld.idx.msk [tilespmem:v62+s17+$0x0], $0xffff;
	v7 =	vmul.f32 v7, v1  }
0x154: {  	v11 =	vld.idx.msk [tilespmem:v11+s17+$0x0], $0xffff;
	v1 =	vmul.f32 v14, v1;
	v14 =	vmul.f32 v16, v26  }
0x155: {  	v17 =	vadd.f32 v27, v17;
	v22 =	vld.idx.msk [tilespmem:v24+s17+$0x0], $0xffff;
	v9 =	vadd.f32 v9, v13  }
0x156: {  	v5 =	vadd.f32 v20, v5;
	v20 =	vld.idx.msk [tilespmem:v63+s17+$0x0], $0xffff;
	v2 =	vadd.f32 v14, v2  }
0x157: {  	v4 =	vadd.f32 v21, v4;
	v13 =	vld.idx.msk [tilespmem:v29+s17+$0x0], $0xffff;
	v16 =	vadd.f32 v1, v17;
	v1 =	vadd.s32 s20, v0  }
0x158: {  	v17 =	vld.idx.msk [tilespmem:v59+s17+$0x0], $0xffff;
	[tilespmem:$0x1FCE0] =	vst v2;
	v2 =	vmul.f32 v18, v26;
	v18 =	vand.u32 $0x3F, v1;
	v1 =	vmul.f32 v10, v26  }
0x159: {  	v15 =	vmul.f32 v15, v26  }
0x15a: {  	v10 =	vmul.f32 v22, v26;
	v1 =	vadd.f32 v1, v4  }
0x15b: {  	v28 =	vadd.f32 v28, v57;
	v3 =	vadd.f32 v15, v3  }
0x15c: {  	v63 =	vld [tilespmem:$0x1FF10];
	v11 =	vmul.f32 v11, v26;
	v12 =	vadd.f32 v23, v12;
	[tilespmem:$0x1FD00] =	vst v1;
	v1 =	vadd.f32 v10, v6  }
0x15d: {  	v7 =	vadd.f32 v7, v28;
	[tilespmem:$0x1FCF0] =	vst v3;
	v14 =	vmul.f32 v20, v26  }
0x15e: {  	v30 =	vld [tilespmem:$0x1FEB0];
	v11 =	vadd.f32 v11, v12;
	v3 =	vor.u32 v19, v18;
	[tilespmem:$0x1FD10] =	vst v1;
	v1 =	vmul.f32 v13, v26  }
0x15f: {  	v31 =	vld [tilespmem:$0x1FEC0];
	v5 =	vadd.f32 v14, v5  }
0x160: {  	v44 =	vld [tilespmem:$0x1FED0];
	[tilespmem:$0x1FD30] =	vst v11;
	v1 =	vadd.f32 v1, v7  }
0x161: {  	v60 =	vld [tilespmem:$0x1FEE0];
	v15 =	vor.u32 v63, v18;
	v2 =	vadd.f32 v2, v9;
	[tilespmem:$0x1FD20] =	vst v5;
	v5 =	vmul.f32 v17, v26  }
0x162: {  	v62 =	vld [tilespmem:$0x1FF00];
	v4 =	vor.u32 v41, v18;
	[tilespmem:$0x1FD40] =	vst v1  }
0x163: {  	v6 =	vor.u32 v42, v18;
	v1 =	vld.idx.msk [tilespmem:v3+s17+$0x0], $0xffff;
	[tilespmem:$0x1FD50] =	vst v2;
	v2 =	vadd.f32 v5, v16  }
0x164: {  	v61 =	vld [tilespmem:$0x1FEF0];
	v10 =	vor.u32 v43, v18  }
0x165: {  	v7 =	vor.u32 v30, v18;
	[tilespmem:$0x1FD60] =	vst v2  }
0x166: {  	v2 =	vor.u32 v31, v18;
	v23 =	vld.idx.msk [tilespmem:v15+s17+$0x0], $0xffff  }
0x167: {  	v20 =	vor.u32 v44, v18;
	v12 =	vor.u32 v62, v18;
	v11 =	vimm.f32 $0.0e+00;
	v13 =	vld.idx.msk [tilespmem:v4+s17+$0x0], $0xffff  }
0x168: {  	v9 =	vimm.f32 $0.0e+00;
	v3 =	vadd.s32 s22, v0;
	v15 =	vor.u32 v60, v18;
	v16 =	vld.idx.msk [tilespmem:v6+s17+$0x0], $0xffff  }
0x169: {  	v14 =	vor.u32 v61, v18;
	v5 =	vimm.f32 $0.0e+00;
	v18 =	vand.u32 $0x3F, v3;
	v17 =	vld.idx.msk [tilespmem:v10+s17+$0x0], $0xffff  }
0x16a: {  	v10 =	vimm.f32 $0.0e+00;
	v21 =	vld.idx.msk [tilespmem:v7+s17+$0x0], $0xffff;
	v6 =	vimm.f32 $0.0e+00;
	v7 =	vimm.f32 $0.0e+00  }
0x16b: {  	v38 =	vmovc v46;
	v4 =	vimm.f32 $0.0e+00;
	v3 =	vimm.f32 $0.0e+00;
	v22 =	vld.idx.msk [tilespmem:v2+s17+$0x0], $0xffff;
	v2 =	vimm.f32 $0.0e+00  }
.LBB2_5:
0x16c: {  	p0 =	sne.s32 s21, $0x3F;
	v24 =	vor.u32 v19, v18;
	v25 =	vor.u32 v41, v18;
	v26 =	vld.idx.msk [tilespmem:v20+s17+$0x0], $0xffff;
	v20 =	vmul.f32 v23, v1  }
0x16d: {  	v27 =	vor.u32 v42, v18;
	v28 =	vor.u32 v43, v18;
	v23 =	vor.u32 v63, v18;
	v29 =	vld.idx.msk [tilespmem:v15+s17+$0x0], $0xffff  }
0x16e: {  	v56 =	vor.u32 v30, v18;
	v57 =	vor.u32 v31, v18;
	v58 =	vld.idx.msk [tilespmem:v14+s17+$0x0], $0xffff;
	v8 =	vadd.f32 v20, v8  }
0x16f: {  	v15 =	vor.u32 v60, v18;
	v20 =	vor.u32 v44, v18;
	v14 =	vor.u32 v61, v18;
	v59 =	vld.idx.msk [tilespmem:v12+s17+$0x0], $0xffff  }
0x170: {  	v13 =	vmul.f32 v13, v1;
	v16 =	vmul.f32 v16, v1;
	v12 =	vor.u32 v62, v18  }
0x171: {  	v17 =	vmul.f32 v17, v1;
	v18 =	vmul.f32 v21, v1;
	v24 =	vld.idx.msk [tilespmem:v24+s17+$0x0], $0xffff  }
0x172: {  	v11 =	vadd.f32 v13, v11;
	v21 =	vmul.f32 v22, v1;
	v22 =	vmul.f32 v26, v1;
	v23 =	vld.idx.msk [tilespmem:v23+s17+$0x0], $0xffff  }
.Ltmp1:
0x173: {  	v9 =	vadd.f32 v16, v9;
	v10 =	vadd.f32 v17, v10;
	v13 =	vld.idx.msk [tilespmem:v25+s17+$0x0], $0xffff;
	v25 =	vmul.f32 v29, v1;
	(pc) =	sbr.rel @p0 .LBB2_5-.Ltmp1, $4  }
0x174: {  	v6 =	vadd.f32 v18, v6;
	v7 =	vadd.f32 v21, v7;
	v18 =	vmul.f32 v58, v1;
	v16 =	vld.idx.msk [tilespmem:v27+s17+$0x0], $0xffff  }
0x175: {  	v4 =	vadd.f32 v22, v4;
	v17 =	vld.idx.msk [tilespmem:v28+s17+$0x0], $0xffff;
	v5 =	vadd.f32 v25, v5;
	v25 =	vmul.f32 v59, v1  }
0x176: {  	v22 =	vadd.s32 s21, v0;
	v3 =	vadd.f32 v18, v3;
	v21 =	vld.idx.msk [tilespmem:v56+s17+$0x0], $0xffff  }
0x177: {  	s21 =	sadd.s32 $0x1, s21;
	v18 =	vand.u32 $0x3F, v22;
	v1 =	vmov v24;
	v22 =	vld.idx.msk [tilespmem:v57+s17+$0x0], $0xffff;
	v2 =	vadd.f32 v25, v2  }
0x178: {  	_ =	sdelay $0x2  }
0x179: {  	v24 =	vor.u32 v19, v18  }
0x17a: {  	v20 =	vld.idx.msk [tilespmem:v20+s17+$0x0], $0xffff;
	v25 =	vor.u32 v63, v18  }
0x17b: {  	v15 =	vld.idx.msk [tilespmem:v15+s17+$0x0], $0xffff  }
0x17c: {  	v26 =	vor.u32 v41, v18;
	v23 =	vmul.f32 v23, v1;
	v14 =	vld.idx.msk [tilespmem:v14+s17+$0x0], $0xffff  }
0x17d: {  	v27 =	vor.u32 v42, v18;
	v28 =	vor.u32 v43, v18;
	v29 =	vor.u32 v30, v18;
	v12 =	vld.idx.msk [tilespmem:v12+s17+$0x0], $0xffff  }
0x17e: {  	v56 =	vor.u32 v31, v18;
	v57 =	vor.u32 v60, v18;
	v13 =	vmul.f32 v13, v1;
	v24 =	vld.idx.msk [tilespmem:v24+s17+$0x0], $0xffff  }
0x17f: {  	v58 =	vor.u32 v61, v18;
	v16 =	vmul.f32 v16, v1;
	v8 =	vadd.f32 v23, v8;
	v25 =	vld.idx.msk [tilespmem:v25+s17+$0x0], $0xffff  }
0x180: {  	v23 =	vor.u32 v44, v18;
	v17 =	vmul.f32 v17, v1;
	v11 =	vadd.f32 v13, v11  }
0x181: {  	v21 =	vmul.f32 v21, v1;
	v9 =	vadd.f32 v16, v9;
	v13 =	vmul.f32 v22, v1;
	v26 =	vld.idx.msk [tilespmem:v26+s17+$0x0], $0xffff  }
0x182: {  	v10 =	vadd.f32 v17, v10;
	v17 =	vor.u32 v62, v18;
	v20 =	vmul.f32 v20, v1  }
0x183: {  	s20 =	simm.s32 $0x0;
	v15 =	vmul.f32 v15, v1;
	v16 =	vld.idx.msk [tilespmem:v27+s17+$0x0], $0xffff;
	v6 =	vadd.f32 v21, v6;
	v14 =	vmul.f32 v14, v1  }
0x184: {  	v1 =	vmul.f32 v12, v1;
	v12 =	vld.idx.msk [tilespmem:v56+s17+$0x0], $0xffff;
	v21 =	vadd.s32 s20, v0;
	v18 =	vmul.f32 v25, v24  }
0x185: {  	v7 =	vadd.f32 v13, v7;
	v13 =	vld.idx.msk [tilespmem:v28+s17+$0x0], $0xffff;
	v22 =	vand.u32 $0x3F, v21  }
0x186: {  	v21 =	vld.idx.msk [tilespmem:v57+s17+$0x0], $0xffff;
	v1 =	vadd.f32 v1, v2;
	v2 =	vadd.f32 v18, v8;
	v8 =	vmul.f32 v26, v24  }
0x187: {  	v5 =	vadd.f32 v15, v5;
	v15 =	vld.idx.msk [tilespmem:v29+s17+$0x0], $0xffff;
	v3 =	vadd.f32 v14, v3  }
0x188: {  	v14 =	vld.idx.msk [tilespmem:v23+s17+$0x0], $0xffff;
	v16 =	vmul.f32 v16, v24;
	[tilespmem:$0x1FC20] =	vst v2;
	v2 =	vadd.f32 v8, v11  }
0x189: {  	v23 =	vld.idx.msk [tilespmem:v58+s17+$0x0], $0xffff  }
0x18a: {  	v13 =	vmul.f32 v13, v24;
	v17 =	vld.idx.msk [tilespmem:v17+s17+$0x0], $0xffff;
	[tilespmem:$0x1FC30] =	vst v2;
	v2 =	vadd.f32 v16, v9  }
0x18b: {  	v27 =	vor.u32 v19, v22  }
0x18c: {  	v15 =	vmul.f32 v15, v24;
	[tilespmem:$0x1FC40] =	vst v2;
	v2 =	vadd.f32 v13, v10;
	_ =	sdelay $0x1  }
0x18d: {  	v44 =	vld [tilespmem:$0x1FF20];
	v8 =	vmul.f32 v12, v24;
	[tilespmem:$0x1FC50] =	vst v2;
	v2 =	vadd.f32 v15, v6  }
0x18e: {  	v4 =	vadd.f32 v20, v4;
	v18 =	vor.u32 v51, v22;
	v12 =	vmul.f32 v14, v24;
	[tilespmem:$0x1FC60] =	vst v27  }
0x18f: {  	v10 =	vmul.f32 v21, v24;
	v21 =	vld.idx.msk [tilespmem:v27+s17+$0x0], $0xffff;
	[tilespmem:$0x1FC70] =	vst v2;
	v2 =	vadd.f32 v8, v7  }
0x190: {  	v25 =	vor.u32 v37, v22  }
0x191: {  	[tilespmem:$0x1FC80] =	vst v2;
	v2 =	vadd.f32 v12, v4  }
0x192: {  	v40 =	vld [tilespmem:$0x1FFC0];
	v11 =	vor.u32 v44, v22;
	v9 =	vor.u32 v45, v22  }
0x193: {  	v8 =	vmul.f32 v23, v24;
	v7 =	vld.idx.msk [tilespmem:v18+s17+$0x0], $0xffff;
	[tilespmem:$0x1FC90] =	vst v2;
	v2 =	vadd.f32 v10, v5  }
0x194: {  	v5 =	vmul.f32 v17, v24  }
0x195: {  	v13 =	vor.u32 v47, v22;
	v12 =	vld.idx.msk [tilespmem:v25+s17+$0x0], $0xffff;
	[tilespmem:$0x1FCA0] =	vst v2;
	v2 =	vadd.f32 v8, v3  }
0x196: {  	v6 =	vor.u32 v38, v22;
	v1 =	vadd.f32 v5, v1  }
0x197: {  	s24 =	simm.s32 $0x1;
	v4 =	vor.u32 v40, v22;
	v17 =	vld.idx.msk [tilespmem:v11+s17+$0x0], $0xffff;
	[tilespmem:$0x1FCB0] =	vst v2  }
0x198: {  	v10 =	vor.u32 v48, v22;
	v8 =	vadd.s32 s24, v0;
	v9 =	vld.idx.msk [tilespmem:v9+s17+$0x0], $0xffff;
	[tilespmem:$0x1FCC0] =	vst v1  }
0x199: {  	v3 =	vor.u32 v49, v22;
	v18 =	vand.u32 $0x3F, v8;
	[tilespmem:$0x1FCD0] =	vst v22  }
0x19a: {  	v20 =	vimm.f32 $0.0e+00;
	v24 =	vor.u32 v44, v18;
	v13 =	vld.idx.msk [tilespmem:v13+s17+$0x0], $0xffff  }
0x19b: {  	v5 =	vor.u32 v19, v18;
	v23 =	vor.u32 v37, v18;
	v1 =	vor.u32 v50, v22;
	v6 =	vld.idx.msk [tilespmem:v6+s17+$0x0], $0xffff  }
0x19c: {  	v25 =	vor.u32 v45, v18;
	v26 =	vor.u32 v51, v18;
	v28 =	vor.u32 v47, v18;
	v27 =	vld.idx.msk [tilespmem:v4+s17+$0x0], $0xffff  }
0x19d: {  	v16 =	vor.u32 v38, v18;
	v15 =	vor.u32 v40, v18;
	v4 =	vmul.f32 v7, v21;
	v7 =	vld.idx.msk [tilespmem:v10+s17+$0x0], $0xffff  }
0x19e: {  	v14 =	vor.u32 v48, v18;
	v11 =	vor.u32 v49, v18;
	v29 =	vld.idx.msk [tilespmem:v3+s17+$0x0], $0xffff;
	v3 =	vmul.f32 v12, v21  }
0x19f: {  	s20 =	simm.s32 $0x2;
	v12 =	vor.u32 v50, v18;
	v8 =	vadd.f32 v4, v20;
	v4 =	vmul.f32 v17, v21;
	v56 =	vld.idx.msk [tilespmem:v24+s17+$0x0], $0xffff  }
0x1a0: {  	v3 =	vadd.f32 v3, v20;
	v24 =	vadd.s32 s20, v0;
	v17 =	vld.idx.msk [tilespmem:v1+s17+$0x0], $0xffff;
	v1 =	vmul.f32 v9, v21  }
0x1a1: {  	v5 =	vld.idx.msk [tilespmem:v5+s17+$0x0], $0xffff;
	v4 =	vadd.f32 v4, v20;
	v9 =	vmul.f32 v13, v21;
	v6 =	vmul.f32 v6, v21  }
0x1a2: {  	v59 =	vld.idx.msk [tilespmem:v26+s17+$0x0], $0xffff;
	v13 =	vmul.f32 v27, v21;
	v7 =	vmul.f32 v7, v21;
	v10 =	vadd.f32 v1, v20  }
0x1a3: {  	v23 =	vld.idx.msk [tilespmem:v23+s17+$0x0], $0xffff;
	v24 =	vand.u32 $0x3F, v24;
	v9 =	vadd.f32 v9, v20;
	v6 =	vadd.f32 v6, v20  }
0x1a4: {  	v58 =	vld.idx.msk [tilespmem:v25+s17+$0x0], $0xffff;
	v57 =	vmul.f32 v29, v21;
	v1 =	vadd.f32 v13, v20;
	v7 =	vadd.f32 v7, v20  }
0x1a5: {  	v30 =	vmovc v45;
	v46 =	vmovc v47;
	s21 =	simm.s32 $0x3;
	v60 =	vld.idx.msk [tilespmem:v28+s17+$0x0], $0xffff;
	v13 =	vimm.f32 $0.0e+00;
	v17 =	vmul.f32 v17, v21;
	v21 =	vimm.f32 $0.0e+00  }
.LBB2_7:
0x1a6: {  	v25 =	vor.u32 v19, v24  }
0x1a7: {  	p0 =	sne.s32 s21, $0x3F;
	v26 =	vor.u32 v37, v24;
	v27 =	vor.u32 v44, v24;
	v28 =	vld.idx.msk [tilespmem:v16+s17+$0x0], $0xffff;
	v29 =	vmov v5  }
0x1a8: {  	v61 =	vor.u32 v30, v24;
	v62 =	vor.u32 v51, v24;
	v63 =	vld.idx.msk [tilespmem:v15+s17+$0x0], $0xffff;
	v5 =	vmul.f32 v59, v29  }
0x1a9: {  	v2 =	vor.u32 v46, v24;
	v16 =	vor.u32 v38, v24;
	v15 =	vor.u32 v40, v24;
	v22 =	vld.idx.msk [tilespmem:v14+s17+$0x0], $0xffff  }
0x1aa: {  	v14 =	vor.u32 v48, v24;
	v30 =	vld.idx.msk [tilespmem:v11+s17+$0x0], $0xffff;
	v11 =	vor.u32 v49, v24;
	v8 =	vadd.f32 v5, v8  }
0x1ab: {  	v23 =	vmul.f32 v23, v29;
	v56 =	vmul.f32 v56, v29;
	v31 =	vld.idx.msk [tilespmem:v12+s17+$0x0], $0xffff;
	v12 =	vor.u32 v50, v24  }
0x1ac: {  	v21 =	vadd.f32 v57, v21;
	v24 =	vmul.f32 v58, v29;
	v5 =	vld.idx.msk [tilespmem:v25+s17+$0x0], $0xffff;
	v25 =	vmul.f32 v60, v29  }
.Ltmp2:
0x1ad: {  	v3 =	vadd.f32 v23, v3;
	v4 =	vadd.f32 v56, v4;
	v28 =	vmul.f32 v28, v29;
	v59 =	vld.idx.msk [tilespmem:v62+s17+$0x0], $0xffff;
	(pc) =	sbr.rel @p0 .LBB2_7-.Ltmp2, $4  }
0x1ae: {  	v10 =	vadd.f32 v24, v10;
	v24 =	vmul.f32 v63, v29;
	v23 =	vld.idx.msk [tilespmem:v26+s17+$0x0], $0xffff;
	v9 =	vadd.f32 v25, v9  }
0x1af: {  	v13 =	vadd.f32 v17, v13;
	v6 =	vadd.f32 v28, v6;
	v22 =	vmul.f32 v22, v29;
	v56 =	vld.idx.msk [tilespmem:v27+s17+$0x0], $0xffff  }
0x1b0: {  	v17 =	vadd.s32 s21, v0;
	v1 =	vadd.f32 v24, v1;
	v57 =	vmul.f32 v30, v29;
	v58 =	vld.idx.msk [tilespmem:v61+s17+$0x0], $0xffff  }
0x1b1: {  	s21 =	sadd.s32 $0x1, s21;
	v24 =	vand.u32 $0x3F, v17;
	v30 =	vmovc v45;
	v7 =	vadd.f32 v22, v7;
	v17 =	vmul.f32 v31, v29;
	v60 =	vld.idx.msk [tilespmem:v2+s17+$0x0], $0xffff  }
0x1b2: {  	_ =	sdelay $0x1  }
0x1b3: {  	v2 =	vor.u32 v19, v24  }
0x1b4: {  	v22 =	vor.u32 v51, v24  }
0x1b5: {  	v16 =	vld.idx.msk [tilespmem:v16+s17+$0x0], $0xffff  }
0x1b6: {  	v15 =	vld.idx.msk [tilespmem:v15+s17+$0x0], $0xffff  }
0x1b7: {  	v25 =	vor.u32 v37, v24;
	v14 =	vld.idx.msk [tilespmem:v14+s17+$0x0], $0xffff  }
0x1b8: {  	v26 =	vor.u32 v44, v24;
	v2 =	vld.idx.msk [tilespmem:v2+s17+$0x0], $0xffff  }
0x1b9: {  	v27 =	vor.u32 v30, v24;
	v22 =	vld.idx.msk [tilespmem:v22+s17+$0x0], $0xffff  }
0x1ba: {  	v11 =	vld.idx.msk [tilespmem:v11+s17+$0x0], $0xffff;
	v28 =	vmul.f32 v59, v5;
	v29 =	vor.u32 v46, v24;
	v37 =	vor.u32 v38, v24  }
0x1bb: {  	v12 =	vld.idx.msk [tilespmem:v12+s17+$0x0], $0xffff;
	v31 =	vor.u32 v40, v24;
	v41 =	vor.u32 v48, v24;
	v23 =	vmul.f32 v23, v5  }
0x1bc: {  	v13 =	vadd.f32 v17, v13;
	v43 =	vmul.f32 v56, v5;
	v44 =	vmul.f32 v58, v5;
	v25 =	vld.idx.msk [tilespmem:v25+s17+$0x0], $0xffff  }
0x1bd: {  	v3 =	vadd.f32 v23, v3;
	v46 =	vmul.f32 v60, v5;
	v23 =	vld.idx.msk [tilespmem:v26+s17+$0x0], $0xffff;
	v16 =	vmul.f32 v16, v5  }
0x1be: {  	v8 =	vadd.f32 v28, v8;
	v60 =	vld.idx.msk [tilespmem:v27+s17+$0x0], $0xffff;
	v14 =	vmul.f32 v14, v5;
	v17 =	vmul.f32 v22, v2  }
0x1bf: {  	v61 =	vor.u32 v49, v24;
	v15 =	vmul.f32 v15, v5;
	v62 =	vld.idx.msk [tilespmem:v29+s17+$0x0], $0xffff;
	v11 =	vmul.f32 v11, v5  }
0x1c0: {  	v5 =	vmul.f32 v12, v5;
	v12 =	vld.idx.msk [tilespmem:v41+s17+$0x0], $0xffff;
	v14 =	vadd.f32 v14, v7;
	v7 =	vadd.f32 v17, v8  }
0x1c1: {  	v42 =	vor.u32 v50, v24;
	v6 =	vadd.f32 v16, v6;
	v16 =	vld.idx.msk [tilespmem:v37+s17+$0x0], $0xffff  }
0x1c2: {  	v1 =	vadd.f32 v15, v1;
	v15 =	vld.idx.msk [tilespmem:v31+s17+$0x0], $0xffff;
	[tilespmem:$0x1FB80] =	vst v7;
	v7 =	vmul.f32 v25, v2  }
0x1c3: {  	v4 =	vadd.f32 v43, v4;
	v10 =	vadd.f32 v44, v10  }
0x1c4: {  	v22 =	vmul.f32 v60, v2;
	v17 =	vmul.f32 v23, v2;
	v3 =	vadd.f32 v7, v3  }
0x1c5: {  	v9 =	vadd.f32 v46, v9;
	v63 =	vmul.f32 v62, v2;
	v23 =	vld.idx.msk [tilespmem:v61+s17+$0x0], $0xffff  }
0x1c6: {  	v24 =	vld.idx.msk [tilespmem:v42+s17+$0x0], $0xffff;
	[tilespmem:$0x1FB90] =	vst v3;
	v3 =	vadd.f32 v17, v4;
	v4 =	vadd.f32 v22, v10;
	_ =	sdelay $0x1  }
0x1c7: {  	[tilespmem:$0x1FBB0] =	vst v4;
	v4 =	vadd.f32 v63, v9;
	_ =	sdelay $0x1  }
0x1c8: {  	[tilespmem:$0x1FBC0] =	vst v4;
	v4 =	vmul.f32 v15, v2;
	_ =	sdelay $0x1  }
0x1c9: {  	v1 =	vadd.f32 v4, v1;
	v4 =	vld [tilespmem:$0x1FC60];
	_ =	sdelay $0x1  }
0x1ca: {  	v8 =	vld [tilespmem:$0x1FCD0];
	[tilespmem:$0x1FBA0] =	vst v3;
	v3 =	vmul.f32 v16, v2;
	_ =	sdelay $0x1  }
0x1cb: {  	v3 =	vadd.f32 v3, v6  }
0x1cc: {  	v21 =	vadd.f32 v57, v21  }
0x1cd: {  	v56 =	vor.u32 $0x9C00, v19;
	[tilespmem:$0x1FBD0] =	vst v3  }
0x1ce: {  	v11 =	vadd.f32 v11, v21;
	v21 =	vor.u32 v56, v8;
	v3 =	vmul.f32 v12, v2;
	[tilespmem:$0x1FBE0] =	vst v1  }
0x1cf: {  	v5 =	vadd.f32 v5, v13;
	v63 =	vld.idx.msk [tilespmem:v4+s17+$0x0], $0xffff;
	v4 =	vmul.f32 v23, v2  }
0x1d0: {  	v6 =	vor.u32 v52, v8;
	v3 =	vadd.f32 v3, v14;
	v2 =	vmul.f32 v24, v2  }
0x1d1: {  	v1 =	vor.u32 v53, v8;
	v4 =	vadd.f32 v4, v11  }
0x1d2: {  	[tilespmem:$0x1FBF0] =	vst v3;
	v3 =	vor.u32 v54, v8;
	v2 =	vadd.f32 v2, v5  }
0x1d3: {  	v58 =	vor.u32 $0x8C00, v19;
	v10 =	vor.u32 v55, v8;
	v9 =	vld.idx.msk [tilespmem:v21+s17+$0x0], $0xffff;
	[tilespmem:$0x1FC00] =	vst v4  }
0x1d4: {  	v57 =	vor.u32 $0x8800, v19;
	v22 =	vor.u32 v58, v8;
	[tilespmem:$0x1FC10] =	vst v2  }
0x1d5: {  	v59 =	vor.u32 $0x9000, v19;
	v11 =	vor.u32 v57, v8;
	v6 =	vld.idx.msk [tilespmem:v6+s17+$0x0], $0xffff  }
0x1d6: {  	v13 =	vimm.f32 $0.0e+00;
	v61 =	vor.u32 $0x9400, v19;
	v21 =	vor.u32 v59, v8;
	v1 =	vld.idx.msk [tilespmem:v1+s17+$0x0], $0xffff  }
0x1d7: {  	v60 =	vor.u32 $0x9800, v19;
	v17 =	vimm.f32 $0.0e+00;
	v16 =	vor.u32 v61, v8;
	v5 =	vld.idx.msk [tilespmem:v3+s17+$0x0], $0xffff  }
0x1d8: {  	v15 =	vor.u32 v60, v8;
	v12 =	vimm.f32 $0.0e+00;
	v14 =	vimm.f32 $0.0e+00;
	v4 =	vld.idx.msk [tilespmem:v10+s17+$0x0], $0xffff  }
0x1d9: {  	v2 =	vimm.f32 $0.0e+00;
	v10 =	vimm.f32 $0.0e+00;
	v62 =	vld.idx.msk [tilespmem:v22+s17+$0x0], $0xffff;
	v22 =	vimm.f32 $0.0e+00  }
0x1da: {  	v46 =	vmovc v38;
	v23 =	vmul.f32 v9, v63;
	v9 =	vimm.f32 $0.0e+00;
	v3 =	vld.idx.msk [tilespmem:v11+s17+$0x0], $0xffff;
	v11 =	vimm.f32 $0.0e+00  }
.LBB2_9:
0x1db: {  	p0 =	sne.s32 s20, $0x3F;
	v24 =	vor.u32 v19, v18;
	v25 =	vor.u32 v52, v18;
	v26 =	vld.idx.msk [tilespmem:v21+s17+$0x0], $0xffff  }
0x1dc: {  	v27 =	vor.u32 v53, v18;
	v28 =	vor.u32 v56, v18;
	v29 =	vld.idx.msk [tilespmem:v16+s17+$0x0], $0xffff;
	v20 =	vadd.f32 v23, v20  }
0x1dd: {  	v30 =	vor.u32 v55, v18;
	v31 =	vor.u32 v57, v18;
	v23 =	vor.u32 v54, v18;
	v7 =	vld.idx.msk [tilespmem:v15+s17+$0x0], $0xffff  }
0x1de: {  	v8 =	vor.u32 v58, v18;
	v21 =	vor.u32 v59, v18;
	v16 =	vor.u32 v61, v18  }
0x1df: {  	v6 =	vmul.f32 v6, v63;
	v1 =	vmul.f32 v1, v63;
	v15 =	vor.u32 v60, v18  }
0x1e0: {  	v5 =	vmul.f32 v5, v63;
	v4 =	vmul.f32 v4, v63;
	v18 =	vld.idx.msk [tilespmem:v24+s17+$0x0], $0xffff  }
0x1e1: {  	v2 =	vadd.f32 v6, v2;
	v3 =	vmul.f32 v3, v63;
	v24 =	vld.idx.msk [tilespmem:v28+s17+$0x0], $0xffff;
	v28 =	vmul.f32 v62, v63  }
0x1e2: {  	v17 =	vadd.f32 v1, v17;
	v6 =	vld.idx.msk [tilespmem:v25+s17+$0x0], $0xffff;
	v25 =	vmul.f32 v26, v63;
	v26 =	vmul.f32 v29, v63  }
.Ltmp3:
0x1e3: {  	v13 =	vadd.f32 v5, v13;
	v14 =	vadd.f32 v4, v14;
	v7 =	vmul.f32 v7, v63;
	v1 =	vld.idx.msk [tilespmem:v27+s17+$0x0], $0xffff;
	(pc) =	sbr.rel @p0 .LBB2_9-.Ltmp3, $4  }
0x1e4: {  	v12 =	vadd.f32 v3, v12;
	v10 =	vadd.f32 v28, v10;
	v5 =	vld.idx.msk [tilespmem:v23+s17+$0x0], $0xffff  }
0x1e5: {  	v11 =	vadd.f32 v25, v11;
	v9 =	vadd.f32 v26, v9;
	v4 =	vld.idx.msk [tilespmem:v30+s17+$0x0], $0xffff  }
0x1e6: {  	v23 =	vadd.s32 s20, v0;
	v22 =	vadd.f32 v7, v22;
	v63 =	vmov v18;
	v3 =	vld.idx.msk [tilespmem:v31+s17+$0x0], $0xffff  }
0x1e7: {  	s20 =	sadd.s32 $0x1, s20;
	v18 =	vand.u32 $0x3F, v23;
	v23 =	vmul.f32 v24, v63;
	v62 =	vld.idx.msk [tilespmem:v8+s17+$0x0], $0xffff  }
0x1e8: {  	v31 =	vld [tilespmem:$0x1FCE0]  }
0x1e9: {  	v37 =	vld [tilespmem:$0x1FCF0];
	_ =	sdelay $0x1  }
0x1ea: {  	v38 =	vld [tilespmem:$0x1FD50];
	_ =	sdelay $0x1  }
0x1eb: {  	v30 =	vld [tilespmem:$0x1FD10];
	v7 =	vmul.f32 $1.442695020e+00, v31  }
0x1ec: {  	v8 =	vmul.f32 $1.442695020e+00, v37  }
0x1ed: {  	(erf) = vpow2.f32 v7  }
0x1ee: {  	v24 =	vmul.f32 $1.442695020e+00, v38;
	(erf) = vpow2.f32 v8;
	_ =	sdelay $0x1  }
0x1ef: {  	v25 =	vmul.f32 $1.442695020e+00, v30;
	(erf) = vpow2.f32 v24  }
0x1f0: {  	v29 =	vld [tilespmem:$0x1FD30]  }
0x1f1: {  	v28 =	vld [tilespmem:$0x1FD40];
	(erf) = vpow2.f32 v25;
	_ =	sdelay $0x3  }
0x1f2: {  	v26 =	vmul.f32 $1.442695020e+00, v29;
	v40 =	vpop (erf)  }
0x1f3: {  	v27 =	vmul.f32 $1.442695020e+00, v28;
	v24 =	vpop (erf)  }
0x1f4: {  	(erf) = vpow2.f32 v26;
	v8 =	vadd.f32 v24, v40  }
0x1f5: {  	(erf) = vpow2.f32 v27;
	v27 =	vld [tilespmem:$0x1FD60];
	v43 =	vpop (erf)  }
0x1f6: {  	v26 =	vld [tilespmem:$0x1FD20];
	v8 =	vadd.f32 v43, v8  }
0x1f7: {  	v25 =	vld [tilespmem:$0x1FD00];
	v40 =	vpop (erf)  }
0x1f8: {  	v8 =	vadd.f32 v40, v8;
	v40 =	vld [tilespmem:$0x1FC30];
	_ =	sdelay $0x1  }
0x1f9: {  	v41 =	vmul.f32 $1.442695020e+00, v27  }
0x1fa: {  	v42 =	vmul.f32 $1.442695020e+00, v26  }
0x1fb: {  	v44 =	vmul.f32 $1.442695020e+00, v25;
	(erf) = vpow2.f32 v41  }
0x1fc: {  	(erf) = vpow2.f32 v42;
	v41 =	vmul.f32 $1.442695020e+00, v40  }
0x1fd: {  	(erf) = vpow2.f32 v44  }
0x1fe: {  	(erf) = vpow2.f32 v41;
	v41 =	vld [tilespmem:$0x1FC40];
	_ =	sdelay $0x4  }
0x1ff: {  	v42 =	vpop (erf);
	v43 =	vmul.f32 $1.442695020e+00, v41  }
0x200: {  	v8 =	vadd.f32 v42, v8  }
0x201: {  	v44 =	vpop (erf);
	(erf) = vpow2.f32 v43;
	v43 =	vld [tilespmem:$0x1FC50]  }
0x202: {  	v8 =	vadd.f32 v44, v8  }
0x203: {  	v44 =	vpop (erf)  }
0x204: {  	v8 =	vadd.f32 v44, v8  }
0x205: {  	v44 =	vpop (erf)  }
0x206: {  	v8 =	vadd.f32 v44, v8;
	v44 =	vld [tilespmem:$0x1FC80];
	v42 =	vmul.f32 $1.442695020e+00, v43;
	_ =	sdelay $0x1  }
0x207: {  	(erf) = vpow2.f32 v42;
	v42 =	vld [tilespmem:$0x1FC70];
	_ =	sdelay $0x2  }
0x208: {  	v24 =	vmul.f32 $1.442695020e+00, v44;
	v44 =	vld [tilespmem:$0x1FC90];
	_ =	sdelay $0x1  }
0x209: {  	v7 =	vmul.f32 $1.442695020e+00, v42;
	_ =	sdelay $0x1  }
0x20a: {  	v42 =	vpop (erf);
	(erf) = vpow2.f32 v7  }
0x20b: {  	v7 =	vadd.f32 v42, v8;
	v42 =	vpop (erf);
	(erf) = vpow2.f32 v24;
	v24 =	vmul.f32 $1.442695020e+00, v44;
	v44 =	vld [tilespmem:$0x1FCA0];
	_ =	sdelay $0x4  }
0x20c: {  	v7 =	vadd.f32 v42, v7;
	v42 =	vpop (erf);
	(erf) = vpow2.f32 v24;
	v24 =	vmul.f32 $1.442695020e+00, v44;
	v44 =	vld [tilespmem:$0x1FCB0];
	_ =	sdelay $0x2  }
0x20d: {  	v6 =	vmul.f32 v6, v63;
	_ =	sdelay $0x1  }
0x20e: {  	v7 =	vadd.f32 v42, v7;
	v42 =	vmul.f32 $1.442695020e+00, v44  }
0x20f: {  	v8 =	vpop (erf);
	(erf) = vpow2.f32 v24  }
0x210: {  	v2 =	vadd.f32 v6, v2;
	v6 =	vpop (erf);
	(erf) = vpow2.f32 v42;
	v42 =	vld [tilespmem:$0x1FCC0];
	_ =	sdelay $0x3  }
0x211: {  	v20 =	vadd.f32 v23, v20  }
0x212: {  	v24 =	vmul.f32 $1.442695020e+00, v42  }
0x213: {  	[tilespmem:$0x1FB70] =	vst v20;
	v20 =	vld [tilespmem:$0x1FC20]  }
0x214: {  	(erf) = vpow2.f32 v24;
	v24 =	vld [tilespmem:$0x1FB90];
	_ =	sdelay $0x3  }
0x215: {  	v7 =	vadd.f32 v8, v7;
	v8 =	vmul.f32 $1.442695020e+00, v20  }
0x216: {  	v1 =	vmul.f32 v1, v63;
	v24 =	vmul.f32 $1.442695020e+00, v24  }
0x217: {  	(erf) = vpow2.f32 v8  }
0x218: {  	v1 =	vadd.f32 v1, v17;
	v17 =	vpop (erf);
	(erf) = vpow2.f32 v24;
	v24 =	vld [tilespmem:$0x1FBA0];
	_ =	sdelay $0x1  }
0x219: {  	v23 =	vor.u32 v19, v18;
	v6 =	vadd.f32 v6, v7;
	_ =	sdelay $0x1  }
0x21a: {  	v16 =	vld.idx.msk [tilespmem:v16+s17+$0x0], $0xffff;
	v6 =	vadd.f32 v17, v6  }
0x21b: {  	v5 =	vmul.f32 v5, v63;
	v17 =	vld.idx.msk [tilespmem:v21+s17+$0x0], $0xffff;
	v21 =	vpop (erf);
	v24 =	vmul.f32 $1.442695020e+00, v24  }
0x21c: {  	v6 =	vadd.f32 v21, v6  }
0x21d: {  	v5 =	vadd.f32 v5, v13;
	v13 =	vld.idx.msk [tilespmem:v23+s17+$0x0], $0xffff;
	v23 =	vpop (erf)  }
0x21e: {  	v6 =	vadd.f32 v23, v6  }
0x21f: {  	v21 =	vld [tilespmem:$0x1FBB0];
	v8 =	vor.u32 v53, v18;
	(erf) = vpow2.f32 v24;
	v24 =	vpop (erf)  }
0x220: {  	v6 =	vadd.f32 v24, v6;
	v24 =	vmul.f32 v16, v63;
	v16 =	vld [tilespmem:$0x1FBC0]  }
0x221: {  	v7 =	vor.u32 v52, v18;
	_ =	sdelay $0x2  }
0x222: {  	v4 =	vmul.f32 v4, v63;
	v21 =	vmul.f32 $1.442695020e+00, v21;
	v8 =	vld.idx.msk [tilespmem:v8+s17+$0x0], $0xffff  }
0x223: {  	v15 =	vld.idx.msk [tilespmem:v15+s17+$0x0], $0xffff;
	v17 =	vmul.f32 v17, v63;
	v16 =	vmul.f32 $1.442695020e+00, v16  }
0x224: {  	v4 =	vadd.f32 v4, v14;
	v14 =	vor.u32 v54, v18;
	v7 =	vld.idx.msk [tilespmem:v7+s17+$0x0], $0xffff;
	(erf) = vpow2.f32 v21  }
0x225: {  	v62 =	vmul.f32 v62, v63;
	(erf) = vpow2.f32 v16;
	v16 =	vld [tilespmem:$0x1FBD0]  }
0x226: {  	v21 =	vld [tilespmem:$0x1FBE0]  }
0x227: {  	v11 =	vadd.f32 v17, v11;
	v8 =	vmul.f32 v8, v13;
	v17 =	vpop (erf)  }
0x228: {  	v3 =	vmul.f32 v3, v63;
	v6 =	vadd.f32 v17, v6;
	v9 =	vadd.f32 v24, v9;
	v24 =	vld [tilespmem:$0x1FBF0]  }
0x229: {  	v10 =	vadd.f32 v62, v10;
	v15 =	vmul.f32 v15, v63;
	v1 =	vadd.f32 v8, v1;
	v63 =	vld.idx.msk [tilespmem:v14+s17+$0x0], $0xffff;
	v62 =	vpop (erf)  }
0x22a: {  	v8 =	vor.u32 v57, v18;
	v6 =	vadd.f32 v62, v6;
	v62 =	vld [tilespmem:$0x1FC00];
	v16 =	vmul.f32 $1.442695020e+00, v16  }
0x22b: {  	v7 =	vmul.f32 v7, v13;
	v17 =	vor.u32 v55, v18;
	v23 =	vpop (erf);
	v14 =	vmul.f32 $1.442695020e+00, v21  }
0x22c: {  	v6 =	vadd.f32 v23, v6;
	v23 =	vld [tilespmem:$0x1FC10];
	(erf) = vpow2.f32 v16  }
0x22d: {  	v2 =	vadd.f32 v7, v2;
	v7 =	vmul.f32 $1.442695020e+00, v24;
	(erf) = vpow2.f32 v14  }
0x22e: {  	v3 =	vadd.f32 v3, v12;
	v37 =	vadd.f32 v37, v31;
	v31 =	vld [tilespmem:$0x1FB80];
	v12 =	vmul.f32 v63, v13  }
0x22f: {  	v8 =	vld.idx.msk [tilespmem:v8+s17+$0x0], $0xffff;
	v16 =	vpop (erf);
	(erf) = vpow2.f32 v7;
	v7 =	vmul.f32 $1.442695020e+00, v62  }
0x230: {  	v24 =	vor.u32 v59, v18;
	v6 =	vadd.f32 v16, v6;
	v16 =	vld.idx.msk [tilespmem:v17+s17+$0x0], $0xffff;
	v17 =	vor.u32 v58, v18  }
0x231: {  	v14 =	vadd.f32 v38, v37;
	v63 =	vpop (erf);
	(erf) = vpow2.f32 v7;
	v7 =	vmul.f32 $1.442695020e+00, v23  }
0x232: {  	v6 =	vadd.f32 v63, v6  }
0x233: {  	v14 =	vadd.f32 v30, v14;
	v30 =	vpop (erf);
	(erf) = vpow2.f32 v7;
	v7 =	vmul.f32 $1.442695020e+00, v31  }
0x234: {  	v2 =	vmul.f32 $1.442695020e+00, v2;
	v1 =	vmul.f32 $1.442695020e+00, v1;
	v6 =	vadd.f32 v30, v6  }
0x235: {  	v15 =	vadd.f32 v15, v22;
	v8 =	vmul.f32 v8, v13;
	v62 =	vld.idx.msk [tilespmem:v17+s17+$0x0], $0xffff;
	v38 =	vpop (erf);
	(erf) = vpow2.f32 v7  }
0x236: {  	v14 =	vadd.f32 v29, v14;
	v6 =	vadd.f32 v38, v6;
	v17 =	vpop (erf);
	(erf) = vpow2.f32 v2;
	v2 =	vld.idx.msk [tilespmem:v24+s17+$0x0], $0xffff  }
0x237: {  	v5 =	vadd.f32 v12, v5;
	v3 =	vadd.f32 v8, v3;
	v16 =	vmul.f32 v16, v13  }
0x238: {  	v14 =	vadd.f32 v28, v14;
	v6 =	vadd.f32 v17, v6;
	v17 =	vpop (erf);
	(erf) = vpow2.f32 v1  }
0x239: {  	v5 =	vmul.f32 $1.442695020e+00, v5;
	v63 =	vor.u32 v56, v18;
	v4 =	vadd.f32 v16, v4  }
0x23a: {  	v37 =	vor.u32 v61, v18;
	v14 =	vadd.f32 v27, v14;
	v7 =	vmul.f32 v62, v13  }
0x23b: {  	v16 =	vor.u32 v60, v18;
	v4 =	vmul.f32 $1.442695020e+00, v4;
	v2 =	vmul.f32 v2, v13  }
0x23c: {  	v3 =	vmul.f32 $1.442695020e+00, v3;
	v23 =	vpop (erf);
	(erf) = vpow2.f32 v5;
	v7 =	vadd.f32 v7, v10  }
0x23d: {  	v22 =	vadd.f32 v26, v14;
	v26 =	vpop (erf);
	(erf) = vpow2.f32 v4;
	v2 =	vadd.f32 v2, v11  }
0x23e: {  	v27 =	vld.idx.msk [tilespmem:v63+s17+$0x0], $0xffff;
	v28 =	vpop (erf);
	(erf) = vpow2.f32 v3;
	v3 =	vmul.f32 $1.442695020e+00, v7  }
0x23f: {  	v1 =	vld.idx.msk [tilespmem:v37+s17+$0x0], $0xffff;
	v2 =	vmul.f32 $1.442695020e+00, v2  }
0x240: {  	v24 =	vld.idx.msk [tilespmem:v16+s17+$0x0], $0xffff;
	v30 =	vpop (erf);
	(erf) = vpow2.f32 v3  }
0x241: {  	v38 =	vpop (erf);
	(erf) = vpow2.f32 v2;
	v2 =	vld [tilespmem:$0x1FB70];
	_ =	sdelay $0x1  }
0x242: {  	v8 =	vadd.f32 v25, v22;
	v6 =	vadd.f32 v17, v6  }
0x243: {  	v1 =	vmul.f32 v1, v13;
	v3 =	vmul.f32 v27, v13  }
0x244: {  	v8 =	vadd.f32 v40, v8;
	v6 =	vadd.f32 v23, v6  }
0x245: {  	v1 =	vadd.f32 v1, v9;
	v5 =	vmul.f32 v24, v13;
	v2 =	vadd.f32 v3, v2;
	v3 =	vld [tilespmem:$0x1FC70]  }
0x246: {  	v29 =	vadd.f32 v41, v8  }
0x247: {  	v41 =	vld [tilespmem:$0x1FC80];
	v6 =	vadd.f32 v26, v6;
	v1 =	vmul.f32 $1.442695020e+00, v1;
	v31 =	vadd.f32 v5, v15  }
0x248: {  	v37 =	vadd.f32 v43, v29  }
0x249: {  	v6 =	vadd.f32 v28, v6;
	v40 =	vpop (erf);
	(erf) = vpow2.f32 v1;
	v1 =	vmul.f32 $1.442695020e+00, v31  }
0x24a: {  	v3 =	vadd.f32 v3, v37  }
0x24b: {  	v6 =	vadd.f32 v30, v6;
	v43 =	vpop (erf);
	(erf) = vpow2.f32 v1;
	v1 =	vmul.f32 $1.442695020e+00, v2;
	v2 =	vld [tilespmem:$0x1FC90]  }
0x24c: {  	v3 =	vadd.f32 v41, v3  }
0x24d: {  	v6 =	vadd.f32 v38, v6;
	_ =	sdelay $0x1  }
0x24e: {  	v5 =	vadd.f32 v40, v6  }
0x24f: {  	v2 =	vadd.f32 v2, v3;
	v3 =	vpop (erf);
	(erf) = vpow2.f32 v1;
	v1 =	vld [tilespmem:$0x1FCA0]  }
0x250: {  	v4 =	vadd.f32 v43, v5;
	_ =	sdelay $0x1  }
0x251: {  	v3 =	vadd.f32 v3, v4;
	_ =	sdelay $0x1  }
0x252: {  	v1 =	vadd.f32 v1, v2;
	v2 =	vpop (erf)  }
0x253: {  	v2 =	vadd.f32 v2, v3  }
0x254: {  	v3 =	vpop (erf);
	v1 =	vadd.f32 v44, v1  }
0x255: {  	v2 =	vadd.f32 v3, v2;
	v3 =	vld [tilespmem:$0x14A00]  }
0x256: {  	v62 =	vpop (erf);
	v1 =	vadd.f32 v42, v1  }
0x257: {  	v2 =	vadd.f32 v62, v2  }
0x258: {  	p0 =	seq.s32 s16, $0xF;
	v63 =	vpop (erf);
	v1 =	vadd.f32 v20, v1  }
.Ltmp4:
0x259: {  	v41 =	vld [tilespmem:$0x1FFD0];
	v2 =	vadd.f32 v63, v2;
	(pc) =	sbr.rel @p0 .LBB2_12-.Ltmp4, $4  }
0x25a: {  	v1 =	vadd.f32 v3, v1;
	v3 =	vpop (erf)  }
0x25b: {  	v2 =	vadd.f32 v3, v2  }
0x25c: {  	s20 =	sand.u32 $0x3FFFFFE0, s19;
	[tilespmem:$0x14A00] =	vst v1  }
0x25d: {  	[tilespmem:s20+$0x14800] =	vst v2  }
0x25e: {  	s19 =	sadd.s32 s19, s9  }
0x25f: {  	s19 =	smul.u32 $0x3, s19;
	_ =	sdelay $0x1  }
0x260: {  	s20 =	sadd.s32 s3, s19  }
0x261: {  	[tilespmem:s2], [sflag:$0x3] =	stream.linear.gather [hbm4b:s20+s2], $0x180, $0x38;
	[tilespmem:$0x14A10] =	vst v63  }
0x262: {  	_ =	swait.ge [sflag:s13], $0x180  }
0x263: {  	[sflag:s13] =	ssyncset.done $0x0  }
0x264: {  	s19 =	sadd.s32 s4, s19;
	[sflag:s13] =	ssyncadd.s32 $0xFFFFFE80  }
0x265: {  	[tilespmem:s14], [sflag:$0x3] =	stream.linear.gather [hbm4b:s19+s2], $0x180, $0x38;
	[tilespmem:$0x14A10] =	vst v63  }
0x266: {  	_ =	swait.ge [sflag:s13], $0x180  }
0x267: {  	v2 =	vld [tilespmem:$0x1FE90];
	_ =	sdelay $0x5  }
0x268: {  	[sflag:s13] =	ssyncset.done $0x0;
	v3 =	vld [tilespmem:$0x1FD70]  }
0x269: {  	[sflag:s13] =	ssyncadd.s32 $0xFFFFFE80  }
0x26a: {  	v1 =	vld.idx.msk [tilespmem:v2+s2+$0x0], $0xffff;
	_ =	sdelay $0x3  }
0x26b: {  	v4 =	vld [tilespmem:$0x1FD80]  }
0x26c: {  	[tilespmem:$0x300] =	vst v1  }
0x26d: {  	v1 =	vld.idx.msk [tilespmem:v3+s2+$0x0], $0xffff;
	_ =	sdelay $0x3  }
0x26e: {  	v5 =	vld [tilespmem:$0x1FD90]  }
0x26f: {  	[tilespmem:$0x310] =	vst v1  }
0x270: {  	v1 =	vld.idx.msk [tilespmem:v4+s2+$0x0], $0xffff;
	_ =	sdelay $0x3  }
0x271: {  	v6 =	vld [tilespmem:$0x1FDA0]  }
0x272: {  	[tilespmem:$0x320] =	vst v1  }
0x273: {  	v1 =	vld.idx.msk [tilespmem:v5+s2+$0x0], $0xffff;
	_ =	sdelay $0x3  }
0x274: {  	v7 =	vld [tilespmem:$0x1FDB0]  }
0x275: {  	[tilespmem:$0x330] =	vst v1  }
0x276: {  	v1 =	vld.idx.msk [tilespmem:v6+s2+$0x0], $0xffff;
	_ =	sdelay $0x3  }
0x277: {  	v8 =	vld [tilespmem:$0x1FDC0]  }
0x278: {  	[tilespmem:$0x340] =	vst v1  }
0x279: {  	v1 =	vld.idx.msk [tilespmem:v7+s2+$0x0], $0xffff;
	_ =	sdelay $0x3  }
0x27a: {  	v9 =	vld [tilespmem:$0x1FDD0]  }
0x27b: {  	[tilespmem:$0x350] =	vst v1  }
0x27c: {  	v1 =	vld.idx.msk [tilespmem:v8+s2+$0x0], $0xffff;
	_ =	sdelay $0x3  }
0x27d: {  	v10 =	vld [tilespmem:$0x1FDE0]  }
0x27e: {  	[tilespmem:$0x360] =	vst v1  }
0x27f: {  	v1 =	vld.idx.msk [tilespmem:v9+s2+$0x0], $0xffff;
	_ =	sdelay $0x3  }
0x280: {  	v11 =	vld [tilespmem:$0x1FDF0]  }
0x281: {  	[tilespmem:$0x370] =	vst v1  }
0x282: {  	v1 =	vld.idx.msk [tilespmem:v10+s2+$0x0], $0xffff;
	_ =	sdelay $0x3  }
0x283: {  	v12 =	vld [tilespmem:$0x1FE00]  }
0x284: {  	[tilespmem:$0x380] =	vst v1  }
0x285: {  	v1 =	vld.idx.msk [tilespmem:v11+s2+$0x0], $0xffff;
	_ =	sdelay $0x3  }
0x286: {  	v13 =	vld [tilespmem:$0x1FE10]  }
0x287: {  	[tilespmem:$0x390] =	vst v1  }
0x288: {  	v1 =	vld.idx.msk [tilespmem:v12+s2+$0x0], $0xffff;
	_ =	sdelay $0x3  }
0x289: {  	v14 =	vld [tilespmem:$0x1FE20]  }
0x28a: {  	[tilespmem:$0x3A0] =	vst v1  }
0x28b: {  	v1 =	vld.idx.msk [tilespmem:v13+s2+$0x0], $0xffff;
	_ =	sdelay $0x3  }
0x28c: {  	v15 =	vld [tilespmem:$0x1FE30]  }
0x28d: {  	[tilespmem:$0x3B0] =	vst v1  }
0x28e: {  	v1 =	vld.idx.msk [tilespmem:v14+s2+$0x0], $0xffff;
	_ =	sdelay $0x3  }
0x28f: {  	v16 =	vld [tilespmem:$0x1FE40]  }
0x290: {  	[tilespmem:$0x3C0] =	vst v1  }
0x291: {  	v1 =	vld.idx.msk [tilespmem:v15+s2+$0x0], $0xffff;
	_ =	sdelay $0x3  }
0x292: {  	v17 =	vld [tilespmem:$0x1FE50]  }
0x293: {  	[tilespmem:$0x3D0] =	vst v1  }
0x294: {  	v1 =	vld.idx.msk [tilespmem:v16+s2+$0x0], $0xffff;
	_ =	sdelay $0x3  }
0x295: {  	v18 =	vld [tilespmem:$0x1FE60]  }
0x296: {  	[tilespmem:$0x3E0] =	vst v1  }
0x297: {  	v1 =	vld.idx.msk [tilespmem:v17+s2+$0x0], $0xffff;
	_ =	sdelay $0x3  }
0x298: {  	v20 =	vld [tilespmem:$0x1FE70]  }
0x299: {  	[tilespmem:$0x3F0] =	vst v1  }
0x29a: {  	v1 =	vld.idx.msk [tilespmem:v18+s2+$0x0], $0xffff;
	_ =	sdelay $0x3  }
0x29b: {  	v21 =	vld [tilespmem:$0x1FE80]  }
0x29c: {  	[tilespmem:$0x400] =	vst v1  }
0x29d: {  	v1 =	vld.idx.msk [tilespmem:v20+s2+$0x0], $0xffff;
	_ =	sdelay $0x3  }
0x29e: {  	v22 =	vld [tilespmem:$0x1FEA0]  }
0x29f: {  	[tilespmem:$0x410] =	vst v1  }
0x2a0: {  	v1 =	vld.idx.msk [tilespmem:v21+s2+$0x0], $0xffff;
	_ =	sdelay $0x4  }
0x2a1: {  	[tilespmem:$0x420] =	vst v1  }
0x2a2: {  	v1 =	vld.idx.msk [tilespmem:v22+s2+$0x0], $0xffff;
	_ =	sdelay $0x4  }
0x2a3: {  	[tilespmem:$0x430] =	vst v1  }
0x2a4: {  	v1 =	vld.idx.msk [tilespmem:v2+s14+$0x0], $0xffff;
	_ =	sdelay $0x4  }
0x2a5: {  	[tilespmem:$0x440] =	vst v1  }
0x2a6: {  	v1 =	vld.idx.msk [tilespmem:v3+s14+$0x0], $0xffff;
	_ =	sdelay $0x4  }
0x2a7: {  	[tilespmem:$0x450] =	vst v1  }
0x2a8: {  	v1 =	vld.idx.msk [tilespmem:v4+s14+$0x0], $0xffff;
	_ =	sdelay $0x4  }
0x2a9: {  	[tilespmem:$0x460] =	vst v1  }
0x2aa: {  	v1 =	vld.idx.msk [tilespmem:v5+s14+$0x0], $0xffff;
	_ =	sdelay $0x4  }
0x2ab: {  	[tilespmem:$0x470] =	vst v1  }
0x2ac: {  	v1 =	vld.idx.msk [tilespmem:v6+s14+$0x0], $0xffff;
	_ =	sdelay $0x4  }
0x2ad: {  	[tilespmem:$0x480] =	vst v1  }
0x2ae: {  	v1 =	vld.idx.msk [tilespmem:v7+s14+$0x0], $0xffff;
	_ =	sdelay $0x4  }
0x2af: {  	[tilespmem:$0x490] =	vst v1  }
0x2b0: {  	v1 =	vld.idx.msk [tilespmem:v8+s14+$0x0], $0xffff;
	_ =	sdelay $0x4  }
0x2b1: {  	[tilespmem:$0x4A0] =	vst v1  }
0x2b2: {  	v1 =	vld.idx.msk [tilespmem:v9+s14+$0x0], $0xffff;
	_ =	sdelay $0x4  }
0x2b3: {  	[tilespmem:$0x4B0] =	vst v1  }
0x2b4: {  	v1 =	vld.idx.msk [tilespmem:v10+s14+$0x0], $0xffff;
	_ =	sdelay $0x4  }
0x2b5: {  	[tilespmem:$0x4C0] =	vst v1  }
0x2b6: {  	v1 =	vld.idx.msk [tilespmem:v11+s14+$0x0], $0xffff;
	_ =	sdelay $0x4  }
0x2b7: {  	[tilespmem:$0x4D0] =	vst v1  }
0x2b8: {  	v1 =	vld.idx.msk [tilespmem:v12+s14+$0x0], $0xffff;
	_ =	sdelay $0x4  }
0x2b9: {  	[tilespmem:$0x4E0] =	vst v1  }
0x2ba: {  	v1 =	vld.idx.msk [tilespmem:v13+s14+$0x0], $0xffff;
	_ =	sdelay $0x4  }
0x2bb: {  	[tilespmem:$0x4F0] =	vst v1  }
0x2bc: {  	v1 =	vld.idx.msk [tilespmem:v14+s14+$0x0], $0xffff;
	_ =	sdelay $0x4  }
0x2bd: {  	[tilespmem:$0x500] =	vst v1  }
0x2be: {  	v1 =	vld.idx.msk [tilespmem:v15+s14+$0x0], $0xffff;
	_ =	sdelay $0x4  }
0x2bf: {  	[tilespmem:$0x510] =	vst v1  }
0x2c0: {  	v1 =	vld.idx.msk [tilespmem:v16+s14+$0x0], $0xffff;
	_ =	sdelay $0x4  }
0x2c1: {  	[tilespmem:$0x520] =	vst v1  }
0x2c2: {  	v1 =	vld.idx.msk [tilespmem:v17+s14+$0x0], $0xffff;
	_ =	sdelay $0x4  }
0x2c3: {  	[tilespmem:$0x530] =	vst v1  }
0x2c4: {  	v1 =	vld.idx.msk [tilespmem:v18+s14+$0x0], $0xffff;
	_ =	sdelay $0x4  }
0x2c5: {  	[tilespmem:$0x540] =	vst v1  }
0x2c6: {  	v1 =	vld.idx.msk [tilespmem:v20+s14+$0x0], $0xffff;
	_ =	sdelay $0x4  }
0x2c7: {  	[tilespmem:$0x550] =	vst v1  }
0x2c8: {  	v1 =	vld.idx.msk [tilespmem:v21+s14+$0x0], $0xffff;
	_ =	sdelay $0x4  }
0x2c9: {  	[tilespmem:$0x560] =	vst v1  }
0x2ca: {  	v1 =	vld.idx.msk [tilespmem:v22+s14+$0x0], $0xffff;
	_ =	sdelay $0x4  }
0x2cb: {  	s22 =	simm.s32 $0x300;
	[tilespmem:$0x570] =	vst v1  }
0x2cc: {  	[tilespmem:s17], [sflag:$0x1] =	stream.indirect.gather [hbm4b:s5+s15], $0x40, s22, s15, $0xb8;
	[tilespmem:$0x14A10] =	vst v63  }
0x2cd: {  	s23 =	simm.s32 $0x380;
	s24 =	simm.s32 $0x2800  }
0x2ce: {  	[tilespmem:s24], [sflag:$0x1] =	stream.indirect.gather [hbm4b:s5+s15], $0x40, s23, s15, $0xb8;
	[tilespmem:$0x14A10] =	vst v63  }
0x2cf: {  	s21 =	simm.s32 $0x4800;
	s20 =	simm.s32 $0x400  }
0x2d0: {  	[tilespmem:s21], [sflag:$0x1] =	stream.indirect.gather [hbm4b:s5+s15], $0x40, s20, s15, $0xb8;
	[tilespmem:$0x14A10] =	vst v63  }
0x2d1: {  	s22 =	simm.s32 $0x480;
	s23 =	simm.s32 $0x6800  }
0x2d2: {  	[tilespmem:s23], [sflag:$0x1] =	stream.indirect.gather [hbm4b:s5+s15], $0x40, s22, s15, $0xb8;
	[tilespmem:$0x14A10] =	vst v63  }
0x2d3: {  	s24 =	simm.s32 $0x500  }
0x2d4: {  	[tilespmem:s25], [sflag:$0x1] =	stream.indirect.gather [hbm4b:s5+s15], $0x40, s24, s15, $0xb8;
	[tilespmem:$0x14A10] =	vst v63  }
.LBB2_12:
0x2d5: {  	_ =	swait.ge [sflag:s12], $0x2000  }
0x2d6: {  	[sflag:s12] =	ssyncset.done $0x0  }
0x2d7: {  	[sflag:s12] =	ssyncadd.s32 $0xFFFFE000  }
0x2d8: {  	_ =	swait.ge [sflag:s12], $0x2000  }
0x2d9: {  	[sflag:s12] =	ssyncset.done $0x0  }
0x2da: {  	[sflag:s12] =	ssyncadd.s32 $0xFFFFE000  }
0x2db: {  	_ =	swait.ge [sflag:s12], $0x2000  }
0x2dc: {  	s21 =	simm.s32 $0x0;
	[sflag:s12] =	ssyncset.done $0x0  }
0x2dd: {  	v1 =	vadd.s32 s21, v0;
	[sflag:s12] =	ssyncadd.s32 $0xFFFFE000  }
0x2de: {  	v1 =	vand.u32 $0x3F, v1;
	_ =	swait.ge [sflag:s12], $0x2000  }
0x2df: {  	v2 =	vor.u32 v19, v1;
	[sflag:s12] =	ssyncset.done $0x0  }
0x2e0: {  	v3 =	vor.u32 v33, v1;
	[sflag:s12] =	ssyncadd.s32 $0xFFFFE000  }
0x2e1: {  	v4 =	vor.u32 v34, v1;
	_ =	swait.ge [sflag:s12], $0x2000  }
0x2e2: {  	v5 =	vor.u32 v36, v1;
	[sflag:s12] =	ssyncset.done $0x0;
	v43 =	vld [tilespmem:$0x1FFF0]  }
0x2e3: {  	s20 =	simm.s32 $0x1;
	v6 =	vor.u32 v32, v1;
	v42 =	vld [tilespmem:$0x1FFE0];
	[sflag:s12] =	ssyncadd.s32 $0xFFFFE000  }
0x2e4: {  	v8 =	vadd.s32 s20, v0;
	v9 =	vor.u32 v35, v1;
	v11 =	vld.idx.msk [tilespmem:v2+s28+$0x0], $0xffff  }
0x2e5: {  	v12 =	vand.u32 $0x3F, v8;
	v10 =	vor.u32 v41, v1;
	v3 =	vld.idx.msk [tilespmem:v3+s28+$0x0], $0xffff  }
0x2e6: {  	v17 =	vor.u32 v33, v12;
	v4 =	vld.idx.msk [tilespmem:v4+s28+$0x0], $0xffff  }
0x2e7: {  	v21 =	vor.u32 v34, v12;
	v5 =	vld.idx.msk [tilespmem:v5+s28+$0x0], $0xffff  }
0x2e8: {  	v16 =	vor.u32 v36, v12;
	v6 =	vld.idx.msk [tilespmem:v6+s28+$0x0], $0xffff  }
0x2e9: {  	v2 =	vor.u32 v39, v1;
	v22 =	vld.idx.msk [tilespmem:v9+s28+$0x0], $0xffff  }
0x2ea: {  	v25 =	vld.idx.msk [tilespmem:v10+s28+$0x0], $0xffff;
	v7 =	vor.u32 v43, v1  }
0x2eb: {  	v9 =	vld.idx.msk [tilespmem:v17+s28+$0x0], $0xffff  }
0x2ec: {  	s19 =	simm.s32 $0x2;
	v63 =	vimm.f32 $0.0e+00;
	v10 =	vld.idx.msk [tilespmem:v21+s28+$0x0], $0xffff;
	v1 =	vor.u32 v42, v1  }
0x2ed: {  	v8 =	vimm.f32 $0.0e+00;
	v13 =	vor.u32 v19, v12;
	v17 =	vadd.s32 s19, v0;
	v21 =	vld.idx.msk [tilespmem:v16+s28+$0x0], $0xffff  }
0x2ee: {  	v20 =	vor.u32 v32, v12;
	v24 =	vor.u32 v35, v12;
	v62 =	vand.u32 $0x3F, v17;
	v15 =	vld.idx.msk [tilespmem:v2+s28+$0x0], $0xffff  }
0x2ef: {  	v17 =	vimm.f32 $0.0e+00;
	v27 =	vor.u32 v19, v62;
	v16 =	vor.u32 v36, v62;
	v18 =	vld.idx.msk [tilespmem:v7+s28+$0x0], $0xffff  }
0x2f0: {  	v26 =	vor.u32 v33, v62;
	v14 =	vor.u32 v42, v12;
	v2 =	vmul.f32 v5, v11  }
0x2f1: {  	v30 =	vor.u32 v43, v12;
	v5 =	vmul.f32 v6, v11;
	v29 =	vmul.f32 v25, v11;
	v28 =	vld.idx.msk [tilespmem:v1+s28+$0x0], $0xffff  }
0x2f2: {  	v7 =	vor.u32 v41, v12;
	v12 =	vor.u32 v39, v12;
	v1 =	vld.idx.msk [tilespmem:v13+s28+$0x0], $0xffff;
	v13 =	vmul.f32 v3, v11  }
0x2f3: {  	v37 =	vmovc v32;
	v3 =	vadd.f32 v5, v8;
	v5 =	vmul.f32 v4, v11;
	v6 =	vmul.f32 v15, v11  }
0x2f4: {  	v23 =	vld.idx.msk [tilespmem:v20+s28+$0x0], $0xffff;
	v25 =	vor.u32 v34, v62;
	v2 =	vadd.f32 v2, v8;
	v15 =	vmul.f32 v18, v11  }
0x2f5: {  	v24 =	vld.idx.msk [tilespmem:v24+s28+$0x0], $0xffff;
	v4 =	vadd.f32 v6, v8;
	v6 =	vadd.f32 v5, v8;
	v18 =	vmul.f32 v22, v11  }
0x2f6: {  	v20 =	vld.idx.msk [tilespmem:v30+s28+$0x0], $0xffff;
	v28 =	vmul.f32 v28, v11;
	v11 =	vor.u32 v35, v62;
	v5 =	vadd.f32 v15, v8  }
0x2f7: {  	s22 =	simm.s32 $0x3;
	v38 =	vmovc v33;
	v40 =	vmovc v35;
	v22 =	vld.idx.msk [tilespmem:v12+s28+$0x0], $0xffff;
	v15 =	vor.u32 v32, v62;
	v12 =	vadd.f32 v18, v8;
	v18 =	vimm.f32 $0.0e+00  }
.LBB2_13:
0x2f8: {  	v30 =	vor.u32 v42, v62;
	v31 =	vld.idx.msk [tilespmem:v7+s28+$0x0], $0xffff;
	v7 =	vor.u32 v41, v62  }
0x2f9: {  	p0 =	sne.s32 s22, $0x3F;
	v63 =	vadd.f32 v29, v63;
	v32 =	vmovc v1;
	s23 =	smov.u32 s22;
	s22 =	sadd.s32 $0x1, s22;
	v33 =	vor.u32 v43, v62;
	v44 =	vmov v34  }
0x2fa: {  	v18 =	vadd.f32 v13, v18;
	v29 =	vor.u32 v39, v62;
	v21 =	vmul.f32 v21, v32;
	v34 =	vld.idx.msk [tilespmem:v14+s28+$0x0], $0xffff  }
0x2fb: {  	v17 =	vadd.f32 v28, v17;
	v13 =	vmul.f32 v9, v32;
	v1 =	vld.idx.msk [tilespmem:v27+s28+$0x0], $0xffff;
	v27 =	vmul.f32 v23, v32  }
0x2fc: {  	v22 =	vmul.f32 v22, v32;
	v23 =	vadd.s32 s23, v0;
	v2 =	vadd.f32 v21, v2;
	v9 =	vld.idx.msk [tilespmem:v26+s28+$0x0], $0xffff  }
0x2fd: {  	v26 =	vmul.f32 v10, v32;
	v20 =	vmul.f32 v20, v32;
	v3 =	vadd.f32 v27, v3;
	v10 =	vld.idx.msk [tilespmem:v25+s28+$0x0], $0xffff  }
.Ltmp5:
0x2fe: {  	v14 =	vmovc v30;
	v62 =	vand.u32 $0x3F, v23;
	v35 =	vmul.f32 v24, v32;
	v4 =	vadd.f32 v22, v4;
	v21 =	vld.idx.msk [tilespmem:v16+s28+$0x0], $0xffff;
	(pc) =	sbr.rel @p0 .LBB2_13-.Ltmp5, $4  }
0x2ff: {  	v27 =	vor.u32 v19, v62;
	v6 =	vadd.f32 v26, v6;
	v5 =	vadd.f32 v20, v5;
	v23 =	vld.idx.msk [tilespmem:v15+s28+$0x0], $0xffff  }
0x300: {  	v16 =	vor.u32 v36, v62;
	v26 =	vor.u32 v38, v62;
	v22 =	vld.idx.msk [tilespmem:v29+s28+$0x0], $0xffff;
	v29 =	vmul.f32 v31, v32  }
0x301: {  	v15 =	vor.u32 v37, v62;
	v28 =	vmul.f32 v34, v32;
	v34 =	vmov v44;
	v20 =	vld.idx.msk [tilespmem:v33+s28+$0x0], $0xffff  }
0x302: {  	v25 =	vor.u32 v44, v62;
	v12 =	vadd.f32 v35, v12;
	v24 =	vld.idx.msk [tilespmem:v11+s28+$0x0], $0xffff;
	v11 =	vor.u32 v40, v62  }
0x303: {  	_ =	sdelay $0x3  }
0x304: {  	v7 =	vld.idx.msk [tilespmem:v7+s28+$0x0], $0xffff  }
0x305: {  	v14 =	vld.idx.msk [tilespmem:v14+s28+$0x0], $0xffff  }
0x306: {  	v27 =	vld.idx.msk [tilespmem:v27+s28+$0x0], $0xffff;
	v32 =	vor.u32 v39, v62  }
0x307: {  	v30 =	vor.u32 v41, v62;
	v31 =	vor.u32 v42, v62;
	v21 =	vmul.f32 v21, v1;
	v16 =	vld.idx.msk [tilespmem:v16+s28+$0x0], $0xffff  }
0x308: {  	v33 =	vor.u32 v43, v62;
	v13 =	vadd.f32 v13, v18;
	v10 =	vmul.f32 v10, v1  }
0x309: {  	v18 =	vld.idx.msk [tilespmem:v26+s28+$0x0], $0xffff;
	v9 =	vmul.f32 v9, v1;
	v23 =	vmul.f32 v23, v1;
	v2 =	vadd.f32 v21, v2  }
0x30a: {  	v15 =	vld.idx.msk [tilespmem:v15+s28+$0x0], $0xffff;
	v21 =	vmul.f32 v22, v1;
	v6 =	vadd.f32 v10, v6;
	v20 =	vmul.f32 v20, v1  }
0x30b: {  	v3 =	vadd.f32 v23, v3;
	v23 =	vmul.f32 v24, v1;
	v10 =	vld.idx.msk [tilespmem:v32+s28+$0x0], $0xffff;
	v7 =	vmul.f32 v7, v1  }
0x30c: {  	v11 =	vld.idx.msk [tilespmem:v11+s28+$0x0], $0xffff;
	v1 =	vmul.f32 v14, v1;
	v14 =	vmul.f32 v16, v27  }
0x30d: {  	v17 =	vadd.f32 v28, v17;
	v22 =	vld.idx.msk [tilespmem:v25+s28+$0x0], $0xffff;
	v9 =	vadd.f32 v9, v13  }
0x30e: {  	v5 =	vadd.f32 v20, v5;
	v20 =	vld.idx.msk [tilespmem:v33+s28+$0x0], $0xffff;
	v2 =	vadd.f32 v14, v2  }
0x30f: {  	v4 =	vadd.f32 v21, v4;
	v13 =	vld.idx.msk [tilespmem:v30+s28+$0x0], $0xffff;
	v16 =	vadd.f32 v1, v17;
	v1 =	vadd.s32 s21, v0  }
0x310: {  	v17 =	vld.idx.msk [tilespmem:v31+s28+$0x0], $0xffff;
	[tilespmem:$0x1FAE0] =	vst v2;
	v2 =	vmul.f32 v18, v27;
	v18 =	vand.u32 $0x3F, v1;
	v1 =	vmul.f32 v10, v27  }
0x311: {  	v15 =	vmul.f32 v15, v27  }
0x312: {  	v37 =	vld [tilespmem:$0x1FF10];
	v10 =	vmul.f32 v22, v27;
	v1 =	vadd.f32 v1, v4  }
0x313: {  	v29 =	vadd.f32 v29, v63;
	v42 =	vld [tilespmem:$0x1FF90];
	v3 =	vadd.f32 v15, v3  }
0x314: {  	v43 =	vld [tilespmem:$0x1FFA0];
	v11 =	vmul.f32 v11, v27;
	v12 =	vadd.f32 v23, v12;
	[tilespmem:$0x1FB00] =	vst v1;
	v1 =	vadd.f32 v10, v6  }
0x315: {  	v7 =	vadd.f32 v7, v29;
	v31 =	vld [tilespmem:$0x1FF80];
	[tilespmem:$0x1FAF0] =	vst v3;
	v14 =	vmul.f32 v20, v27  }
0x316: {  	v34 =	vld [tilespmem:$0x1FEB0];
	v11 =	vadd.f32 v11, v12;
	v3 =	vor.u32 v19, v18;
	[tilespmem:$0x1FB10] =	vst v1;
	v1 =	vmul.f32 v13, v27  }
0x317: {  	v35 =	vld [tilespmem:$0x1FEC0];
	v5 =	vadd.f32 v14, v5  }
0x318: {  	v36 =	vld [tilespmem:$0x1FED0];
	[tilespmem:$0x1FB30] =	vst v11;
	v1 =	vadd.f32 v1, v7  }
0x319: {  	v39 =	vld [tilespmem:$0x1FEE0];
	v15 =	vor.u32 v37, v18;
	v2 =	vadd.f32 v2, v9;
	[tilespmem:$0x1FB20] =	vst v5;
	v5 =	vmul.f32 v17, v27  }
0x31a: {  	v63 =	vld [tilespmem:$0x1FF00];
	v4 =	vor.u32 v31, v18;
	[tilespmem:$0x1FB40] =	vst v1  }
0x31b: {  	v6 =	vor.u32 v42, v18;
	v1 =	vld.idx.msk [tilespmem:v3+s28+$0x0], $0xffff;
	[tilespmem:$0x1FB50] =	vst v2;
	v2 =	vadd.f32 v5, v16  }
0x31c: {  	v62 =	vld [tilespmem:$0x1FEF0];
	v10 =	vor.u32 v43, v18  }
0x31d: {  	v7 =	vor.u32 v34, v18;
	[tilespmem:$0x1FB60] =	vst v2  }
0x31e: {  	v2 =	vor.u32 v35, v18;
	v23 =	vld.idx.msk [tilespmem:v15+s28+$0x0], $0xffff  }
0x31f: {  	v20 =	vor.u32 v36, v18;
	v12 =	vor.u32 v63, v18;
	v11 =	vimm.f32 $0.0e+00;
	v13 =	vld.idx.msk [tilespmem:v4+s28+$0x0], $0xffff  }
0x320: {  	v9 =	vimm.f32 $0.0e+00;
	v3 =	vadd.s32 s20, v0;
	v15 =	vor.u32 v39, v18;
	v16 =	vld.idx.msk [tilespmem:v6+s28+$0x0], $0xffff  }
0x321: {  	v14 =	vor.u32 v62, v18;
	v5 =	vimm.f32 $0.0e+00;
	v18 =	vand.u32 $0x3F, v3;
	v17 =	vld.idx.msk [tilespmem:v10+s28+$0x0], $0xffff  }
0x322: {  	v10 =	vimm.f32 $0.0e+00;
	v21 =	vld.idx.msk [tilespmem:v7+s28+$0x0], $0xffff;
	v6 =	vimm.f32 $0.0e+00;
	v7 =	vimm.f32 $0.0e+00  }
0x323: {  	v40 =	vmovc v41;
	v41 =	vmovc v31;
	v4 =	vimm.f32 $0.0e+00;
	v3 =	vimm.f32 $0.0e+00;
	v22 =	vld.idx.msk [tilespmem:v2+s28+$0x0], $0xffff;
	v2 =	vimm.f32 $0.0e+00  }
.LBB2_15:
0x324: {  	p0 =	sne.s32 s19, $0x3F;
	v24 =	vor.u32 v19, v18;
	v25 =	vor.u32 v41, v18;
	v26 =	vld.idx.msk [tilespmem:v20+s28+$0x0], $0xffff;
	v20 =	vmul.f32 v23, v1  }
0x325: {  	v27 =	vor.u32 v42, v18;
	v28 =	vor.u32 v43, v18;
	v23 =	vor.u32 v37, v18;
	v29 =	vld.idx.msk [tilespmem:v15+s28+$0x0], $0xffff  }
0x326: {  	v30 =	vor.u32 v34, v18;
	v31 =	vor.u32 v35, v18;
	v32 =	vld.idx.msk [tilespmem:v14+s28+$0x0], $0xffff;
	v8 =	vadd.f32 v20, v8  }
0x327: {  	v15 =	vor.u32 v39, v18;
	v20 =	vor.u32 v36, v18;
	v14 =	vor.u32 v62, v18;
	v33 =	vld.idx.msk [tilespmem:v12+s28+$0x0], $0xffff  }
0x328: {  	v13 =	vmul.f32 v13, v1;
	v16 =	vmul.f32 v16, v1;
	v12 =	vor.u32 v63, v18  }
0x329: {  	v17 =	vmul.f32 v17, v1;
	v18 =	vmul.f32 v21, v1;
	v24 =	vld.idx.msk [tilespmem:v24+s28+$0x0], $0xffff  }
0x32a: {  	v11 =	vadd.f32 v13, v11;
	v21 =	vmul.f32 v22, v1;
	v22 =	vmul.f32 v26, v1;
	v23 =	vld.idx.msk [tilespmem:v23+s28+$0x0], $0xffff  }
.Ltmp6:
0x32b: {  	v9 =	vadd.f32 v16, v9;
	v10 =	vadd.f32 v17, v10;
	v13 =	vld.idx.msk [tilespmem:v25+s28+$0x0], $0xffff;
	v25 =	vmul.f32 v29, v1;
	(pc) =	sbr.rel @p0 .LBB2_15-.Ltmp6, $4  }
0x32c: {  	v6 =	vadd.f32 v18, v6;
	v7 =	vadd.f32 v21, v7;
	v18 =	vmul.f32 v32, v1;
	v16 =	vld.idx.msk [tilespmem:v27+s28+$0x0], $0xffff  }
0x32d: {  	v4 =	vadd.f32 v22, v4;
	v17 =	vld.idx.msk [tilespmem:v28+s28+$0x0], $0xffff;
	v5 =	vadd.f32 v25, v5;
	v25 =	vmul.f32 v33, v1  }
0x32e: {  	v22 =	vadd.s32 s19, v0;
	v3 =	vadd.f32 v18, v3;
	v21 =	vld.idx.msk [tilespmem:v30+s28+$0x0], $0xffff  }
0x32f: {  	s19 =	sadd.s32 $0x1, s19;
	v18 =	vand.u32 $0x3F, v22;
	v1 =	vmov v24;
	v22 =	vld.idx.msk [tilespmem:v31+s28+$0x0], $0xffff;
	v2 =	vadd.f32 v25, v2  }
0x330: {  	_ =	sdelay $0x2  }
0x331: {  	v24 =	vor.u32 v19, v18  }
0x332: {  	v20 =	vld.idx.msk [tilespmem:v20+s28+$0x0], $0xffff;
	v25 =	vor.u32 v37, v18  }
0x333: {  	v15 =	vld.idx.msk [tilespmem:v15+s28+$0x0], $0xffff  }
0x334: {  	v27 =	vor.u32 v42, v18;
	v14 =	vld.idx.msk [tilespmem:v14+s28+$0x0], $0xffff  }
0x335: {  	v26 =	vor.u32 v41, v18;
	v23 =	vmul.f32 v23, v1;
	v28 =	vor.u32 v43, v18;
	v12 =	vld.idx.msk [tilespmem:v12+s28+$0x0], $0xffff  }
0x336: {  	v29 =	vor.u32 v34, v18;
	v30 =	vor.u32 v35, v18;
	v13 =	vmul.f32 v13, v1;
	v24 =	vld.idx.msk [tilespmem:v24+s28+$0x0], $0xffff  }
0x337: {  	v31 =	vor.u32 v39, v18;
	v32 =	vor.u32 v62, v18;
	v16 =	vmul.f32 v16, v1;
	v25 =	vld.idx.msk [tilespmem:v25+s28+$0x0], $0xffff  }
0x338: {  	v37 =	vld [tilespmem:$0x1FFB0];
	v8 =	vadd.f32 v23, v8;
	v11 =	vadd.f32 v13, v11;
	v13 =	vmul.f32 v22, v1  }
0x339: {  	v23 =	vor.u32 v36, v18;
	v17 =	vmul.f32 v17, v1;
	v9 =	vadd.f32 v16, v9;
	v16 =	vld.idx.msk [tilespmem:v27+s28+$0x0], $0xffff  }
0x33a: {  	v21 =	vmul.f32 v21, v1;
	v20 =	vmul.f32 v20, v1;
	v7 =	vadd.f32 v13, v7;
	v13 =	vld.idx.msk [tilespmem:v28+s28+$0x0], $0xffff  }
0x33b: {  	v10 =	vadd.f32 v17, v10;
	v17 =	vor.u32 v63, v18;
	v22 =	vld.idx.msk [tilespmem:v26+s28+$0x0], $0xffff;
	v15 =	vmul.f32 v15, v1  }
0x33c: {  	v39 =	vld [tilespmem:$0x1FF20];
	v6 =	vadd.f32 v21, v6;
	v4 =	vadd.f32 v20, v4;
	v20 =	vmul.f32 v25, v24  }
0x33d: {  	s19 =	simm.s32 $0x0;
	v14 =	vmul.f32 v14, v1;
	v1 =	vmul.f32 v12, v1;
	v5 =	vadd.f32 v15, v5;
	v15 =	vld.idx.msk [tilespmem:v29+s28+$0x0], $0xffff  }
0x33e: {  	v12 =	vld.idx.msk [tilespmem:v30+s28+$0x0], $0xffff;
	v21 =	vadd.s32 s19, v0;
	v16 =	vmul.f32 v16, v24;
	v8 =	vadd.f32 v20, v8  }
0x33f: {  	v3 =	vadd.f32 v14, v3;
	v14 =	vld.idx.msk [tilespmem:v23+s28+$0x0], $0xffff;
	v1 =	vadd.f32 v1, v2;
	v13 =	vmul.f32 v13, v24  }
0x340: {  	v23 =	vand.u32 $0x3F, v21;
	v2 =	vld.idx.msk [tilespmem:v31+s28+$0x0], $0xffff;
	v9 =	vadd.f32 v16, v9;
	[tilespmem:$0x1F9F0] =	vst v8;
	v8 =	vmul.f32 v22, v24  }
0x341: {  	v25 =	vor.u32 v19, v23;
	v10 =	vadd.f32 v13, v10;
	v21 =	vld.idx.msk [tilespmem:v32+s28+$0x0], $0xffff  }
0x342: {  	v15 =	vmul.f32 v15, v24;
	v17 =	vld.idx.msk [tilespmem:v17+s28+$0x0], $0xffff;
	[tilespmem:$0x1FA10] =	vst v9;
	v8 =	vadd.f32 v8, v11  }
0x343: {  	[tilespmem:$0x1FA20] =	vst v10  }
0x344: {  	v20 =	vor.u32 v51, v23;
	v6 =	vadd.f32 v15, v6;
	[tilespmem:$0x1FA00] =	vst v8;
	v8 =	vmul.f32 v12, v24  }
0x345: {  	v22 =	vor.u32 v37, v23;
	[tilespmem:$0x1FA30] =	vst v25;
	v12 =	vmul.f32 v14, v24  }
0x346: {  	v2 =	vmul.f32 v2, v24;
	v16 =	vld.idx.msk [tilespmem:v25+s28+$0x0], $0xffff;
	[tilespmem:$0x1FA40] =	vst v6;
	v6 =	vadd.f32 v8, v7  }
0x347: {  	v38 =	vld [tilespmem:$0x1FFC0];
	v11 =	vor.u32 v39, v23;
	v4 =	vadd.f32 v12, v4  }
0x348: {  	v2 =	vadd.f32 v2, v5;
	v9 =	vor.u32 v45, v23;
	v8 =	vmul.f32 v21, v24;
	[tilespmem:$0x1FA50] =	vst v6  }
0x349: {  	v10 =	vor.u32 v47, v23;
	v7 =	vld.idx.msk [tilespmem:v20+s28+$0x0], $0xffff;
	[tilespmem:$0x1FA60] =	vst v4  }
0x34a: {  	v3 =	vadd.f32 v8, v3;
	v12 =	vld.idx.msk [tilespmem:v22+s28+$0x0], $0xffff;
	[tilespmem:$0x1FA70] =	vst v2;
	v2 =	vmul.f32 v17, v24  }
0x34b: {  	v6 =	vor.u32 v46, v23  }
0x34c: {  	v4 =	vor.u32 v38, v23;
	v11 =	vld.idx.msk [tilespmem:v11+s28+$0x0], $0xffff;
	[tilespmem:$0x1FA80] =	vst v3;
	v1 =	vadd.f32 v2, v1  }
0x34d: {  	s23 =	simm.s32 $0x1;
	v5 =	vor.u32 v48, v23;
	v9 =	vld.idx.msk [tilespmem:v9+s28+$0x0], $0xffff;
	[tilespmem:$0x1FAA0] =	vst v23  }
0x34e: {  	v8 =	vor.u32 v49, v23;
	v3 =	vadd.s32 s23, v0;
	[tilespmem:$0x1FA90] =	vst v1  }
0x34f: {  	v62 =	vimm.f32 $0.0e+00;
	v3 =	vand.u32 $0x3F, v3;
	v1 =	vor.u32 v50, v23;
	v2 =	vld.idx.msk [tilespmem:v10+s28+$0x0], $0xffff  }
0x350: {  	v35 =	vor.u32 v19, v3;
	v13 =	vor.u32 v37, v3;
	v24 =	vor.u32 v45, v3;
	v6 =	vld.idx.msk [tilespmem:v6+s28+$0x0], $0xffff  }
0x351: {  	v21 =	vor.u32 v51, v3;
	v26 =	vor.u32 v47, v3;
	v22 =	vor.u32 v46, v3;
	v25 =	vld.idx.msk [tilespmem:v4+s28+$0x0], $0xffff  }
0x352: {  	v20 =	vor.u32 v38, v3;
	v17 =	vor.u32 v48, v3;
	v4 =	vmul.f32 v7, v16;
	v7 =	vld.idx.msk [tilespmem:v5+s28+$0x0], $0xffff  }
0x353: {  	s24 =	simm.s32 $0x2;
	v18 =	vimm.f32 $0.0e+00;
	v14 =	vor.u32 v49, v3;
	v23 =	vor.u32 v39, v3;
	v27 =	vld.idx.msk [tilespmem:v8+s28+$0x0], $0xffff;
	[tilespmem:$0x1FAB0] =	vst v3  }
0x354: {  	v15 =	vor.u32 v50, v3;
	v5 =	vmul.f32 v12, v16;
	v3 =	vadd.s32 s24, v0;
	v36 =	vld.idx.msk [tilespmem:v1+s28+$0x0], $0xffff;
	[tilespmem:$0x1FAC0] =	vst v35  }
0x355: {  	v11 =	vmul.f32 v11, v16;
	v10 =	vadd.f32 v4, v18;
	v1 =	vmul.f32 v9, v16;
	v8 =	vld.idx.msk [tilespmem:v35+s28+$0x0], $0xffff  }
0x356: {  	v4 =	vadd.f32 v5, v18;
	v2 =	vmul.f32 v2, v16;
	v21 =	vld.idx.msk [tilespmem:v21+s28+$0x0], $0xffff;
	v6 =	vmul.f32 v6, v16  }
0x357: {  	v5 =	vadd.f32 v11, v18;
	v9 =	vmul.f32 v25, v16;
	v63 =	vld.idx.msk [tilespmem:v13+s28+$0x0], $0xffff;
	v13 =	vadd.f32 v1, v18  }
0x358: {  	v12 =	vmul.f32 v7, v16;
	v1 =	vld.idx.msk [tilespmem:v23+s28+$0x0], $0xffff;
	v11 =	vadd.f32 v2, v18;
	v7 =	vadd.f32 v6, v18  }
0x359: {  	v25 =	vand.u32 $0x3F, v3;
	v6 =	vadd.f32 v9, v18;
	v9 =	vld.idx.msk [tilespmem:v24+s28+$0x0], $0xffff;
	v2 =	vmul.f32 v27, v16;
	[tilespmem:$0x1FAD0] =	vst v3  }
0x35a: {  	s19 =	simm.s32 $0x3;
	v12 =	vadd.f32 v12, v18;
	v24 =	vld.idx.msk [tilespmem:v26+s28+$0x0], $0xffff;
	v23 =	vmul.f32 v36, v16;
	v16 =	vimm.f32 $0.0e+00  }
.LBB2_17:
0x35b: {  	v26 =	vor.u32 v19, v25  }
0x35c: {  	p0 =	sne.s32 s19, $0x3F;
	v27 =	vor.u32 v37, v25;
	v28 =	vor.u32 v39, v25;
	v29 =	vld.idx.msk [tilespmem:v22+s28+$0x0], $0xffff;
	v30 =	vmov v8  }
0x35d: {  	v31 =	vor.u32 v45, v25;
	v32 =	vor.u32 v51, v25;
	v33 =	vld.idx.msk [tilespmem:v20+s28+$0x0], $0xffff;
	v8 =	vmul.f32 v21, v30  }
0x35e: {  	v34 =	vor.u32 v47, v25;
	v22 =	vor.u32 v46, v25;
	v20 =	vor.u32 v38, v25;
	v35 =	vld.idx.msk [tilespmem:v17+s28+$0x0], $0xffff  }
0x35f: {  	v17 =	vor.u32 v48, v25;
	v3 =	vld.idx.msk [tilespmem:v14+s28+$0x0], $0xffff;
	v14 =	vor.u32 v49, v25;
	v10 =	vadd.f32 v8, v10  }
0x360: {  	v63 =	vmul.f32 v63, v30;
	v1 =	vmul.f32 v1, v30;
	v36 =	vld.idx.msk [tilespmem:v15+s28+$0x0], $0xffff;
	v15 =	vor.u32 v50, v25  }
0x361: {  	v62 =	vadd.f32 v2, v62;
	v9 =	vmul.f32 v9, v30;
	v24 =	vmul.f32 v24, v30;
	v8 =	vld.idx.msk [tilespmem:v26+s28+$0x0], $0xffff  }
.Ltmp7:
0x362: {  	v4 =	vadd.f32 v63, v4;
	v5 =	vadd.f32 v1, v5;
	v2 =	vmul.f32 v29, v30;
	v21 =	vld.idx.msk [tilespmem:v32+s28+$0x0], $0xffff;
	(pc) =	sbr.rel @p0 .LBB2_17-.Ltmp7, $4  }
0x363: {  	v13 =	vadd.f32 v9, v13;
	v11 =	vadd.f32 v24, v11;
	v24 =	vmul.f32 v33, v30;
	v63 =	vld.idx.msk [tilespmem:v27+s28+$0x0], $0xffff  }
0x364: {  	v16 =	vadd.f32 v23, v16;
	v7 =	vadd.f32 v2, v7;
	v26 =	vmul.f32 v35, v30;
	v1 =	vld.idx.msk [tilespmem:v28+s28+$0x0], $0xffff  }
0x365: {  	v23 =	vadd.s32 s19, v0;
	v6 =	vadd.f32 v24, v6;
	v2 =	vmul.f32 v3, v30;
	v9 =	vld.idx.msk [tilespmem:v31+s28+$0x0], $0xffff  }
0x366: {  	s19 =	sadd.s32 $0x1, s19;
	v25 =	vand.u32 $0x3F, v23;
	v12 =	vadd.f32 v26, v12;
	v23 =	vmul.f32 v36, v30;
	v24 =	vld.idx.msk [tilespmem:v34+s28+$0x0], $0xffff  }
0x367: {  	_ = 	snop  }
0x368: {  	v3 =	vor.u32 v19, v25  }
0x369: {  	v26 =	vor.u32 v51, v25;
	_ =	sdelay $0x1  }
0x36a: {  	v22 =	vld.idx.msk [tilespmem:v22+s28+$0x0], $0xffff  }
0x36b: {  	v20 =	vld.idx.msk [tilespmem:v20+s28+$0x0], $0xffff  }
0x36c: {  	v28 =	vor.u32 v39, v25;
	v3 =	vld.idx.msk [tilespmem:v3+s28+$0x0], $0xffff  }
0x36d: {  	v27 =	vor.u32 v37, v25;
	v21 =	vmul.f32 v21, v8;
	v26 =	vld.idx.msk [tilespmem:v26+s28+$0x0], $0xffff  }
0x36e: {  	v17 =	vld.idx.msk [tilespmem:v17+s28+$0x0], $0xffff;
	v29 =	vor.u32 v45, v25;
	v30 =	vor.u32 v47, v25;
	v1 =	vmul.f32 v1, v8  }
0x36f: {  	v14 =	vld.idx.msk [tilespmem:v14+s28+$0x0], $0xffff;
	v31 =	vor.u32 v46, v25;
	v10 =	vadd.f32 v21, v10;
	v21 =	vmul.f32 v63, v8  }
0x370: {  	v15 =	vld.idx.msk [tilespmem:v15+s28+$0x0], $0xffff;
	v32 =	vor.u32 v38, v25;
	v1 =	vadd.f32 v1, v5;
	v5 =	vmul.f32 v22, v8  }
0x371: {  	v33 =	vor.u32 v48, v25;
	v9 =	vmul.f32 v9, v8;
	v4 =	vadd.f32 v21, v4;
	v21 =	vld.idx.msk [tilespmem:v28+s28+$0x0], $0xffff  }
0x372: {  	v27 =	vld.idx.msk [tilespmem:v27+s28+$0x0], $0xffff;
	v5 =	vadd.f32 v5, v7;
	v7 =	vadd.f32 v23, v16;
	v16 =	vmul.f32 v26, v3  }
0x373: {  	v34 =	vor.u32 v49, v25;
	v9 =	vadd.f32 v9, v13;
	v13 =	vld.idx.msk [tilespmem:v29+s28+$0x0], $0xffff;
	v17 =	vmul.f32 v17, v8  }
0x374: {  	v63 =	vor.u32 v50, v25;
	v24 =	vmul.f32 v24, v8;
	v22 =	vld.idx.msk [tilespmem:v30+s28+$0x0], $0xffff;
	v10 =	vadd.f32 v16, v10  }
0x375: {  	v20 =	vmul.f32 v20, v8;
	v14 =	vmul.f32 v14, v8;
	v12 =	vadd.f32 v17, v12;
	v17 =	vld.idx.msk [tilespmem:v31+s28+$0x0], $0xffff  }
0x376: {  	v8 =	vmul.f32 v15, v8;
	v15 =	vld.idx.msk [tilespmem:v32+s28+$0x0], $0xffff;
	v21 =	vmul.f32 v21, v3;
	[tilespmem:$0x1F950] =	vst v10  }
0x377: {  	v16 =	vld.idx.msk [tilespmem:v33+s28+$0x0], $0xffff  }
0x378: {  	v1 =	vadd.f32 v21, v1;
	v33 =	vld.idx.msk [tilespmem:v34+s28+$0x0], $0xffff  }
0x379: {  	v25 =	vld.idx.msk [tilespmem:v63+s28+$0x0], $0xffff  }
0x37a: {  	[tilespmem:$0x1F970] =	vst v1;
	v1 =	vmul.f32 v17, v3;
	v17 =	vld [tilespmem:$0x1FA30]  }
0x37b: {  	v32 =	vld [tilespmem:$0x1FAA0];
	_ =	sdelay $0x1  }
0x37c: {  	v6 =	vadd.f32 v20, v6;
	v20 =	vmul.f32 v27, v3  }
0x37d: {  	v13 =	vmul.f32 v13, v3  }
0x37e: {  	v11 =	vadd.f32 v24, v11;
	v4 =	vadd.f32 v20, v4  }
0x37f: {  	v22 =	vmul.f32 v22, v3;
	v9 =	vadd.f32 v13, v9;
	v10 =	vor.u32 v56, v32  }
0x380: {  	v23 =	vor.u32 v52, v32;
	[tilespmem:$0x1F960] =	vst v4  }
0x381: {  	v34 =	vor.u32 v53, v32;
	v35 =	vld.idx.msk [tilespmem:v17+s28+$0x0], $0xffff;
	[tilespmem:$0x1F980] =	vst v9;
	v9 =	vadd.f32 v22, v11  }
0x382: {  	v2 =	vadd.f32 v2, v62;
	v4 =	vor.u32 v54, v32;
	v1 =	vadd.f32 v1, v5  }
0x383: {  	v11 =	vmul.f32 v15, v3;
	[tilespmem:$0x1F990] =	vst v9  }
0x384: {  	v2 =	vadd.f32 v14, v2;
	v10 =	vld.idx.msk [tilespmem:v10+s28+$0x0], $0xffff;
	[tilespmem:$0x1F9A0] =	vst v1  }
0x385: {  	v14 =	vor.u32 v55, v32;
	v13 =	vmul.f32 v16, v3;
	v6 =	vadd.f32 v11, v6;
	v5 =	vld.idx.msk [tilespmem:v23+s28+$0x0], $0xffff  }
0x386: {  	v15 =	vld.idx.msk [tilespmem:v34+s28+$0x0], $0xffff  }
0x387: {  	v4 =	vld.idx.msk [tilespmem:v4+s28+$0x0], $0xffff;
	[tilespmem:$0x1F9B0] =	vst v6;
	v6 =	vadd.f32 v13, v12  }
0x388: {  	v16 =	vmul.f32 v33, v3  }
0x389: {  	v7 =	vadd.f32 v8, v7;
	[tilespmem:$0x1F9C0] =	vst v6  }
0x38a: {  	v2 =	vadd.f32 v16, v2;
	v3 =	vmul.f32 v25, v3;
	v9 =	vor.u32 v57, v32;
	v13 =	vld.idx.msk [tilespmem:v14+s28+$0x0], $0xffff  }
0x38b: {  	v14 =	vld [tilespmem:$0x1FAB0]  }
0x38c: {  	v1 =	vor.u32 v58, v32;
	[tilespmem:$0x1F9D0] =	vst v2;
	v2 =	vadd.f32 v3, v7  }
0x38d: {  	v8 =	vor.u32 v59, v32  }
0x38e: {  	v6 =	vor.u32 v60, v32;
	v3 =	vmul.f32 v10, v35;
	[tilespmem:$0x1F9E0] =	vst v2  }
0x38f: {  	v17 =	vor.u32 v61, v32;
	v2 =	vld.idx.msk [tilespmem:v9+s28+$0x0], $0xffff  }
0x390: {  	v21 =	vadd.f32 v3, v18;
	v3 =	vld [tilespmem:$0x1FAC0];
	v16 =	vor.u32 v53, v14  }
0x391: {  	v5 =	vmul.f32 v5, v35;
	v1 =	vld.idx.msk [tilespmem:v1+s28+$0x0], $0xffff  }
0x392: {  	v8 =	vld.idx.msk [tilespmem:v8+s28+$0x0], $0xffff;
	v7 =	vor.u32 v56, v14  }
0x393: {  	v39 =	vld.idx.msk [tilespmem:v6+s28+$0x0], $0xffff;
	v6 =	vmul.f32 v15, v35;
	v62 =	vadd.f32 v5, v18  }
0x394: {  	v38 =	vld.idx.msk [tilespmem:v17+s28+$0x0], $0xffff;
	v9 =	vor.u32 v52, v14;
	v23 =	vor.u32 v54, v14;
	v2 =	vmul.f32 v2, v35  }
0x395: {  	v36 =	vor.u32 v55, v14;
	v20 =	vor.u32 v57, v14;
	v12 =	vor.u32 v58, v14;
	v5 =	vld.idx.msk [tilespmem:v16+s28+$0x0], $0xffff  }
0x396: {  	v11 =	vor.u32 v59, v14;
	v10 =	vor.u32 v61, v14;
	v16 =	vadd.f32 v2, v18;
	v2 =	vld [tilespmem:$0x1FAD0]  }
0x397: {  	v63 =	vor.u32 v60, v14;
	v14 =	vmul.f32 v4, v35;
	v13 =	vmul.f32 v13, v35;
	v7 =	vld.idx.msk [tilespmem:v7+s28+$0x0], $0xffff  }
0x398: {  	v22 =	vadd.f32 v6, v18;
	v1 =	vmul.f32 v1, v35;
	v3 =	vld.idx.msk [tilespmem:v3+s28+$0x0], $0xffff  }
0x399: {  	v17 =	vadd.f32 v14, v18;
	v14 =	vadd.f32 v13, v18;
	v4 =	vld.idx.msk [tilespmem:v9+s28+$0x0], $0xffff;
	v9 =	vmul.f32 v8, v35  }
0x39a: {  	v13 =	vimm.f32 $0.0e+00;
	v15 =	vmul.f32 v39, v35;
	v6 =	vld.idx.msk [tilespmem:v23+s28+$0x0], $0xffff;
	v1 =	vadd.f32 v1, v18  }
0x39b: {  	s19 =	simm.s32 $0x3;
	v23 =	vmul.f32 v38, v35;
	v8 =	vld.idx.msk [tilespmem:v36+s28+$0x0], $0xffff;
	v9 =	vadd.f32 v9, v18;
	v2 =	vand.u32 $0x3F, v2  }
.LBB2_19:
0x39c: {  	v24 =	vor.u32 v19, v2  }
0x39d: {  	p0 =	sne.s32 s19, $0x3F;
	v25 =	vor.u32 v52, v2;
	v26 =	vor.u32 v53, v2;
	v27 =	vld.idx.msk [tilespmem:v20+s28+$0x0], $0xffff;
	v28 =	vmov v3  }
0x39e: {  	v29 =	vor.u32 v54, v2;
	v30 =	vor.u32 v56, v2;
	v31 =	vld.idx.msk [tilespmem:v12+s28+$0x0], $0xffff;
	v3 =	vmul.f32 v7, v28  }
0x39f: {  	v32 =	vor.u32 v55, v2;
	v20 =	vor.u32 v57, v2;
	v12 =	vor.u32 v58, v2;
	v33 =	vld.idx.msk [tilespmem:v11+s28+$0x0], $0xffff  }
0x3a0: {  	v11 =	vor.u32 v59, v2;
	v34 =	vld.idx.msk [tilespmem:v10+s28+$0x0], $0xffff;
	v10 =	vor.u32 v61, v2;
	v21 =	vadd.f32 v3, v21  }
0x3a1: {  	v4 =	vmul.f32 v4, v28;
	v5 =	vmul.f32 v5, v28;
	v35 =	vld.idx.msk [tilespmem:v63+s28+$0x0], $0xffff;
	v63 =	vor.u32 v60, v2  }
0x3a2: {  	v18 =	vadd.f32 v23, v18;
	v2 =	vmul.f32 v6, v28;
	v6 =	vmul.f32 v8, v28;
	v3 =	vld.idx.msk [tilespmem:v24+s28+$0x0], $0xffff  }
.Ltmp8:
0x3a3: {  	v62 =	vadd.f32 v4, v62;
	v22 =	vadd.f32 v5, v22;
	v8 =	vmul.f32 v27, v28;
	v7 =	vld.idx.msk [tilespmem:v30+s28+$0x0], $0xffff;
	(pc) =	sbr.rel @p0 .LBB2_19-.Ltmp8, $4  }
0x3a4: {  	v17 =	vadd.f32 v2, v17;
	v14 =	vadd.f32 v6, v14;
	v2 =	vmul.f32 v31, v28;
	v4 =	vld.idx.msk [tilespmem:v25+s28+$0x0], $0xffff  }
0x3a5: {  	v13 =	vadd.f32 v15, v13;
	v16 =	vadd.f32 v8, v16;
	v24 =	vmul.f32 v33, v28;
	v5 =	vld.idx.msk [tilespmem:v26+s28+$0x0], $0xffff  }
0x3a6: {  	v8 =	vadd.s32 s19, v0;
	v1 =	vadd.f32 v2, v1;
	v23 =	vmul.f32 v34, v28;
	v6 =	vld.idx.msk [tilespmem:v29+s28+$0x0], $0xffff  }
0x3a7: {  	s19 =	sadd.s32 $0x1, s19;
	v2 =	vand.u32 $0x3F, v8;
	v9 =	vadd.f32 v24, v9;
	v15 =	vmul.f32 v35, v28;
	v8 =	vld.idx.msk [tilespmem:v32+s28+$0x0], $0xffff  }
0x3a8: {  	v36 =	vld [tilespmem:$0x1FAE0]  }
0x3a9: {  	v39 =	vld [tilespmem:$0x1FAF0]  }
0x3aa: {  	v30 =	vld [tilespmem:$0x1FB50]  }
0x3ab: {  	v35 =	vld [tilespmem:$0x1FB10];
	_ =	sdelay $0x1  }
0x3ac: {  	v24 =	vmul.f32 $1.442695020e+00, v36  }
0x3ad: {  	v25 =	vmul.f32 $1.442695020e+00, v39  }
0x3ae: {  	v33 =	vmul.f32 $1.442695020e+00, v30;
	(erf) = vpow2.f32 v24  }
0x3af: {  	v34 =	vmul.f32 $1.442695020e+00, v35;
	(erf) = vpow2.f32 v25  }
0x3b0: {  	(erf) = vpow2.f32 v33  }
0x3b1: {  	(erf) = vpow2.f32 v34;
	v34 =	vld [tilespmem:$0x1FB30]  }
0x3b2: {  	v33 =	vld [tilespmem:$0x1FB40];
	_ =	sdelay $0x3  }
0x3b3: {  	v38 =	vmul.f32 $1.442695020e+00, v34  }
0x3b4: {  	v32 =	vmul.f32 $1.442695020e+00, v33  }
0x3b5: {  	(erf) = vpow2.f32 v38  }
0x3b6: {  	v25 =	vpop (erf);
	(erf) = vpow2.f32 v32;
	v32 =	vld [tilespmem:$0x1FB60];
	_ =	sdelay $0x4  }
0x3b7: {  	v38 =	vmul.f32 $1.442695020e+00, v32;
	_ =	sdelay $0x1  }
0x3b8: {  	v26 =	vpop (erf)  }
0x3b9: {  	v31 =	vld [tilespmem:$0x1FB20];
	v25 =	vadd.f32 v26, v25  }
0x3ba: {  	(erf) = vpow2.f32 v38;
	v38 =	vpop (erf)  }
0x3bb: {  	v25 =	vadd.f32 v38, v25;
	v38 =	vld [tilespmem:$0x1FB00];
	_ =	sdelay $0x2  }
0x3bc: {  	v24 =	vmul.f32 $1.442695020e+00, v31;
	_ =	sdelay $0x1  }
0x3bd: {  	(erf) = vpow2.f32 v24;
	v24 =	vmul.f32 $1.442695020e+00, v38;
	v38 =	vpop (erf)  }
0x3be: {  	v25 =	vadd.f32 v38, v25;
	v38 =	vld [tilespmem:$0x1FA00];
	_ =	sdelay $0x4  }
0x3bf: {  	(erf) = vpow2.f32 v24;
	v24 =	vmul.f32 $1.442695020e+00, v38;
	v38 =	vpop (erf)  }
0x3c0: {  	v25 =	vadd.f32 v38, v25;
	v38 =	vld [tilespmem:$0x1FA10];
	_ =	sdelay $0x4  }
0x3c1: {  	(erf) = vpow2.f32 v24;
	v24 =	vmul.f32 $1.442695020e+00, v38;
	v38 =	vpop (erf)  }
0x3c2: {  	v25 =	vadd.f32 v38, v25;
	v38 =	vld [tilespmem:$0x1FA20];
	_ =	sdelay $0x4  }
0x3c3: {  	(erf) = vpow2.f32 v24;
	v24 =	vmul.f32 $1.442695020e+00, v38;
	v38 =	vpop (erf)  }
0x3c4: {  	v25 =	vadd.f32 v38, v25;
	v38 =	vld [tilespmem:$0x1FA40];
	_ =	sdelay $0x4  }
0x3c5: {  	(erf) = vpow2.f32 v24;
	v24 =	vmul.f32 $1.442695020e+00, v38;
	v38 =	vpop (erf)  }
0x3c6: {  	v25 =	vadd.f32 v38, v25;
	v38 =	vld [tilespmem:$0x1FA50];
	_ =	sdelay $0x4  }
0x3c7: {  	(erf) = vpow2.f32 v24;
	v24 =	vmul.f32 $1.442695020e+00, v38;
	v38 =	vpop (erf)  }
0x3c8: {  	v25 =	vadd.f32 v38, v25;
	v38 =	vld [tilespmem:$0x1FA60];
	_ =	sdelay $0x4  }
0x3c9: {  	(erf) = vpow2.f32 v24;
	v24 =	vmul.f32 $1.442695020e+00, v38;
	v38 =	vpop (erf)  }
0x3ca: {  	v25 =	vadd.f32 v38, v25;
	v38 =	vld [tilespmem:$0x1FA70];
	_ =	sdelay $0x4  }
0x3cb: {  	(erf) = vpow2.f32 v24;
	v24 =	vmul.f32 $1.442695020e+00, v38;
	v38 =	vpop (erf)  }
0x3cc: {  	v25 =	vadd.f32 v38, v25;
	v38 =	vld [tilespmem:$0x1FA80];
	_ =	sdelay $0x4  }
0x3cd: {  	(erf) = vpow2.f32 v24;
	v24 =	vmul.f32 $1.442695020e+00, v38;
	v38 =	vpop (erf)  }
0x3ce: {  	v25 =	vadd.f32 v38, v25  }
0x3cf: {  	v38 =	vpop (erf)  }
0x3d0: {  	(erf) = vpow2.f32 v24;
	v24 =	vadd.f32 v38, v25;
	v38 =	vld [tilespmem:$0x1FA90];
	_ =	sdelay $0x4  }
0x3d1: {  	v25 =	vmul.f32 $1.442695020e+00, v38  }
0x3d2: {  	v38 =	vpop (erf)  }
0x3d3: {  	v7 =	vmul.f32 v7, v3;
	v24 =	vadd.f32 v38, v24;
	(erf) = vpow2.f32 v25  }
0x3d4: {  	v27 =	vpop (erf)  }
0x3d5: {  	v20 =	vld.idx.msk [tilespmem:v20+s28+$0x0], $0xffff;
	v4 =	vmul.f32 v4, v3;
	v21 =	vadd.f32 v7, v21;
	v7 =	vadd.f32 v27, v24  }
0x3d6: {  	v18 =	vadd.f32 v23, v18;
	v6 =	vmul.f32 v6, v3;
	v23 =	vpop (erf)  }
0x3d7: {  	v4 =	vadd.f32 v4, v62;
	v62 =	vld [tilespmem:$0x1F9F0];
	v7 =	vadd.f32 v23, v7  }
0x3d8: {  	v6 =	vadd.f32 v6, v17;
	v26 =	vld [tilespmem:$0x1F960];
	v17 =	vpop (erf)  }
0x3d9: {  	v5 =	vmul.f32 v5, v3;
	v7 =	vadd.f32 v17, v7;
	v17 =	vld [tilespmem:$0x1F970]  }
0x3da: {  	v8 =	vmul.f32 v8, v3;
	v20 =	vmul.f32 v20, v3  }
0x3db: {  	v5 =	vadd.f32 v5, v22  }
0x3dc: {  	v8 =	vadd.f32 v8, v14;
	v14 =	vadd.f32 v20, v16;
	v38 =	vmul.f32 $1.442695020e+00, v62;
	v16 =	vpop (erf)  }
0x3dd: {  	v22 =	vmul.f32 $1.442695020e+00, v26;
	v7 =	vadd.f32 v16, v7;
	v16 =	vor.u32 v53, v2  }
0x3de: {  	(erf) = vpow2.f32 v38;
	v27 =	vld [tilespmem:$0x1F980];
	v17 =	vmul.f32 $1.442695020e+00, v17  }
0x3df: {  	v10 =	vld.idx.msk [tilespmem:v10+s28+$0x0], $0xffff;
	(erf) = vpow2.f32 v22;
	v22 =	vor.u32 v19, v2  }
0x3e0: {  	v29 =	vld [tilespmem:$0x1F9A0];
	(erf) = vpow2.f32 v17;
	v17 =	vor.u32 v52, v2  }
0x3e1: {  	v38 =	vld [tilespmem:$0x1F990]  }
0x3e2: {  	v25 =	vor.u32 v58, v2;
	v58 =	vld.idx.msk [tilespmem:v16+s28+$0x0], $0xffff  }
0x3e3: {  	v23 =	vmul.f32 $1.442695020e+00, v27;
	v16 =	vld [tilespmem:$0x1F9B0]  }
0x3e4: {  	v22 =	vld.idx.msk [tilespmem:v22+s28+$0x0], $0xffff  }
0x3e5: {  	(erf) = vpow2.f32 v23;
	v17 =	vld.idx.msk [tilespmem:v17+s28+$0x0], $0xffff  }
0x3e6: {  	v24 =	vmul.f32 $1.442695020e+00, v38  }
0x3e7: {  	v29 =	vmul.f32 $1.442695020e+00, v29;
	v10 =	vmul.f32 v10, v3;
	v23 =	vor.u32 v56, v2  }
0x3e8: {  	v56 =	vor.u32 v57, v2;
	v57 =	vpop (erf);
	(erf) = vpow2.f32 v24;
	v16 =	vmul.f32 $1.442695020e+00, v16  }
0x3e9: {  	v26 =	vor.u32 v59, v2;
	v7 =	vadd.f32 v57, v7;
	(erf) = vpow2.f32 v29  }
0x3ea: {  	v12 =	vld.idx.msk [tilespmem:v12+s28+$0x0], $0xffff;
	v59 =	vpop (erf);
	(erf) = vpow2.f32 v16;
	v16 =	vmul.f32 v17, v22;
	v17 =	vadd.f32 v39, v36  }
0x3eb: {  	v7 =	vadd.f32 v59, v7  }
0x3ec: {  	v10 =	vadd.f32 v10, v18;
	v27 =	vor.u32 v61, v2;
	v61 =	vld [tilespmem:$0x1F9C0];
	v18 =	vpop (erf)  }
0x3ed: {  	v7 =	vadd.f32 v18, v7  }
0x3ee: {  	v36 =	vld [tilespmem:$0x1F9D0];
	v4 =	vadd.f32 v16, v4;
	v16 =	vadd.f32 v30, v17;
	v17 =	vpop (erf)  }
0x3ef: {  	v12 =	vmul.f32 v12, v3;
	v20 =	vor.u32 v54, v2;
	v7 =	vadd.f32 v17, v7;
	v17 =	vld [tilespmem:$0x1F9E0]  }
0x3f0: {  	v28 =	vor.u32 v60, v2;
	v2 =	vor.u32 v55, v2  }
0x3f1: {  	v1 =	vadd.f32 v12, v1;
	v12 =	vmul.f32 $1.442695020e+00, v61  }
0x3f2: {  	v11 =	vld.idx.msk [tilespmem:v11+s28+$0x0], $0xffff  }
0x3f3: {  	(erf) = vpow2.f32 v12;
	v12 =	vmul.f32 $1.442695020e+00, v36  }
0x3f4: {  	v60 =	vld.idx.msk [tilespmem:v20+s28+$0x0], $0xffff;
	v17 =	vmul.f32 $1.442695020e+00, v17  }
0x3f5: {  	v2 =	vld.idx.msk [tilespmem:v2+s28+$0x0], $0xffff;
	(erf) = vpow2.f32 v12  }
0x3f6: {  	v39 =	vadd.f32 v35, v16;
	v16 =	vpop (erf);
	(erf) = vpow2.f32 v17;
	v17 =	vld [tilespmem:$0x1F950]  }
0x3f7: {  	v11 =	vmul.f32 v11, v3;
	v38 =	vld.idx.msk [tilespmem:v56+s28+$0x0], $0xffff;
	_ =	sdelay $0x1  }
0x3f8: {  	v9 =	vadd.f32 v11, v9;
	v11 =	vmul.f32 v60, v22  }
0x3f9: {  	v13 =	vadd.f32 v15, v13;
	v15 =	vmul.f32 v58, v22  }
0x3fa: {  	v6 =	vadd.f32 v11, v6;
	v58 =	vld.idx.msk [tilespmem:v25+s28+$0x0], $0xffff;
	v2 =	vmul.f32 v2, v22;
	v17 =	vmul.f32 $1.442695020e+00, v17  }
0x3fb: {  	v5 =	vadd.f32 v15, v5;
	v59 =	vmul.f32 v38, v22;
	v4 =	vmul.f32 $1.442695020e+00, v4  }
0x3fc: {  	v56 =	vadd.f32 v34, v39;
	v7 =	vadd.f32 v16, v7;
	v16 =	vld.idx.msk [tilespmem:v63+s28+$0x0], $0xffff;
	v57 =	vpop (erf);
	(erf) = vpow2.f32 v17  }
0x3fd: {  	v61 =	vld.idx.msk [tilespmem:v26+s28+$0x0], $0xffff;
	v5 =	vmul.f32 $1.442695020e+00, v5;
	v60 =	vpop (erf);
	(erf) = vpow2.f32 v4  }
0x3fe: {  	v24 =	vld.idx.msk [tilespmem:v27+s28+$0x0], $0xffff;
	v6 =	vmul.f32 $1.442695020e+00, v6;
	v2 =	vadd.f32 v2, v8;
	v11 =	vadd.f32 v33, v56  }
0x3ff: {  	v27 =	vld.idx.msk [tilespmem:v28+s28+$0x0], $0xffff;
	v8 =	vadd.f32 v59, v14;
	v25 =	vmul.f32 v58, v22;
	v63 =	vpop (erf);
	(erf) = vpow2.f32 v5  }
0x400: {  	v2 =	vmul.f32 $1.442695020e+00, v2;
	v7 =	vadd.f32 v57, v7;
	v11 =	vadd.f32 v32, v11;
	v32 =	vld [tilespmem:$0x1FB00]  }
0x401: {  	v1 =	vadd.f32 v25, v1;
	v3 =	vmul.f32 v16, v3;
	v26 =	vpop (erf);
	(erf) = vpow2.f32 v6  }
0x402: {  	v8 =	vmul.f32 $1.442695020e+00, v8;
	v34 =	vld [tilespmem:$0x1FA00];
	v7 =	vadd.f32 v60, v7;
	v4 =	vmul.f32 v61, v22  }
0x403: {  	v36 =	vld [tilespmem:$0x1FA10];
	v1 =	vmul.f32 $1.442695020e+00, v1;
	v11 =	vadd.f32 v31, v11;
	v3 =	vadd.f32 v3, v13  }
0x404: {  	v33 =	vpop (erf);
	v5 =	vmul.f32 v24, v22;
	v4 =	vadd.f32 v4, v9;
	(erf) = vpow2.f32 v2;
	v2 =	vld.idx.msk [tilespmem:v23+s28+$0x0], $0xffff  }
0x405: {  	v11 =	vadd.f32 v32, v11;
	v6 =	vmul.f32 v27, v22;
	v35 =	vpop (erf);
	(erf) = vpow2.f32 v8  }
0x406: {  	v39 =	vld [tilespmem:$0x1FA20];
	v5 =	vadd.f32 v5, v10;
	v38 =	vpop (erf);
	(erf) = vpow2.f32 v1;
	v1 =	vmul.f32 $1.442695020e+00, v4  }
0x407: {  	v7 =	vadd.f32 v63, v7;
	v9 =	vadd.f32 v34, v11  }
0x408: {  	v57 =	vld [tilespmem:$0x1FA40];
	v3 =	vadd.f32 v6, v3;
	v56 =	vpop (erf);
	(erf) = vpow2.f32 v1;
	v1 =	vmul.f32 $1.442695020e+00, v5  }
0x409: {  	v7 =	vadd.f32 v26, v7;
	v8 =	vadd.f32 v36, v9;
	v2 =	vmul.f32 v2, v22  }
0x40a: {  	v58 =	vpop (erf);
	(erf) = vpow2.f32 v1;
	v1 =	vmul.f32 $1.442695020e+00, v3;
	v3 =	vld [tilespmem:$0x1FA50]  }
0x40b: {  	v7 =	vadd.f32 v33, v7;
	v4 =	vadd.f32 v39, v8  }
0x40c: {  	v2 =	vadd.f32 v2, v21  }
0x40d: {  	v7 =	vadd.f32 v35, v7;
	v4 =	vadd.f32 v57, v4  }
0x40e: {  	v59 =	vpop (erf);
	(erf) = vpow2.f32 v1;
	v1 =	vmul.f32 $1.442695020e+00, v2;
	v2 =	vld [tilespmem:$0x1FA60]  }
0x40f: {  	v7 =	vadd.f32 v38, v7;
	v3 =	vadd.f32 v3, v4;
	_ =	sdelay $0x1  }
0x410: {  	v6 =	vadd.f32 v56, v7;
	_ =	sdelay $0x1  }
0x411: {  	v5 =	vadd.f32 v58, v6;
	v2 =	vadd.f32 v2, v3;
	v3 =	vpop (erf);
	(erf) = vpow2.f32 v1;
	v1 =	vld [tilespmem:$0x1FA70];
	_ =	sdelay $0x1  }
0x412: {  	v4 =	vadd.f32 v59, v5;
	_ =	sdelay $0x1  }
0x413: {  	v3 =	vadd.f32 v3, v4  }
0x414: {  	v1 =	vadd.f32 v1, v2;
	v2 =	vpop (erf)  }
0x415: {  	v2 =	vadd.f32 v2, v3;
	v3 =	vld [tilespmem:$0x1FA80];
	_ =	sdelay $0x1  }
0x416: {  	v60 =	vld [tilespmem:$0x1FA90];
	_ =	sdelay $0x2  }
0x417: {  	v1 =	vadd.f32 v3, v1;
	v3 =	vpop (erf)  }
0x418: {  	v2 =	vadd.f32 v3, v2;
	v3 =	vld [tilespmem:$0x14A00]  }
0x419: {  	v61 =	vpop (erf);
	v1 =	vadd.f32 v60, v1  }
0x41a: {  	s16 =	sadd.s32 $0x1, s16;
	v30 =	vld [tilespmem:$0x1FFE0];
	v2 =	vadd.f32 v61, v2  }
0x41b: {  	p0 =	sne.s32 s16, $0x10;
	v31 =	vld [tilespmem:$0x1FFF0];
	v63 =	vpop (erf);
	v1 =	vadd.f32 v62, v1  }
.Ltmp9:
0x41c: {  	v32 =	vld [tilespmem:$0x1FF40];
	v2 =	vadd.f32 v63, v2;
	(pc) =	sbr.rel @p0 .LBB2_2-.Ltmp9, $4  }
0x41d: {  	v33 =	vld [tilespmem:$0x1FF50];
	v1 =	vadd.f32 v3, v1;
	v3 =	vpop (erf)  }
0x41e: {  	v39 =	vld [tilespmem:$0x1FF70];
	v2 =	vadd.f32 v3, v2  }
0x41f: {  	v36 =	vld [tilespmem:$0x1FF30];
	[tilespmem:$0x14A00] =	vst v1  }
0x420: {  	v34 =	vmov v44;
	v35 =	vld [tilespmem:$0x1FF60];
	[tilespmem:s18+$0x14800] =	vst v2  }
0x421: {  	s16 =	rddreg [dreg:$0x4];
	s18 =	simm.s32 $0x14800  }
0x422: {  	[hbm4b:s16+s2] =	stream.linear.scatter [tilespmem:s18], [sflag:$0x3], $0x200, $0x38;
	[tilespmem:$0x14A10] =	vst v63  }
0x423: {  	_ =	swait.ge [sflag:s13], $0x200  }
0x424: {  	[sflag:s13] =	ssyncset.done $0x0  }
0x425: {  	s22 =	simm.s32 $0x14A00;
	s21 =	rddreg [dreg:$0x5];
	[sflag:s13] =	ssyncadd.s32 $0xFFFFFE00  }
0x426: {  	[hbm4b:s21+s2] =	stream.linear.scatter [tilespmem:s22], [sflag:$0x3], $0x10, $0x38;
	[tilespmem:$0x14A10] =	vst v63  }
0x427: {  	_ =	swait.ge [sflag:s13], $0x10  }
0x428: {  	s23 =	rddreg [dreg:$0x7]  }
0x429: {  	s24 =	rddreg [dreg:$0x6];
	s18 =	sadd.s32 $0x1, s23  }
0x42a: {  	p0 =	sne.s32 s18, s24  }
.Ltmp10:
0x42b: {  	_ = 	snop;
	(pc) =	sbr.rel @p0 .LBB2_1-.Ltmp10, $3  }
0x42c: {  	_ =	sdelay $0x1  }
0x42d: {  	[sflag:s13] =	ssyncset.done $0x0  }
0x42e: {  	[sflag:s13] =	ssyncadd.s32 $0xFFFFFFF0  }
0x42f: {  	_ =	sfence.sel $0x180000  }
0x430: {  	[bflag:$0x0] =	sbarrier.arrive $0xFFFF  }
0x431: {  	_ =	strace $0x90000047  }
0x432: {  	s0 =	stileid.u32;
	[bflag:$0x2] =	sbarrier.arrive $0xFFFF  }
0x433: {  	p0 =	sne.s32 s0, $0x0;
	s0 =	rddreg [dreg:$0x1]  }
0x434: {  	s0 =	sadd.s32 @!p0 $0x100000, s0  }
0x435: {  	[sflag:s0] =	ssyncadd.tile.s32 @!p0 $0x1;
	_ =	shalt  }
.Lfunc_end2:
_tile_overlayer_lowered:
.L_overlay_start_2:
0x436: {  	(tag) =	ssettag $0x2  }
0x437: {  	s0 =	rddreg [dreg:$0x0];
	s2 =	stileid.u32  }
0x438: {  	s1 =	rddreg [dreg:$0x1];
	p0 =	sne.s32 s2, $0x0  }
0x439: {  	s3 =	rddreg [dreg:$0x2];
	[bflag:$0x3] =	sbarrier.arrive $0xFFFF;
	s2 =	simm.s32 @!p0 $0x1C03  }
0x43a: {  	[timem:s3], [sflag:s2] =	dma.local @!p0 [hbm:s0], s1  }
0x43b: {  	s0 =	simm.s32 @!p0 $0x3  }
0x43c: {  	_ =	swait.ge @!p0 [sflag:s0], s1  }
0x43d: {  	s1 =	ssub.s32 @!p0 $0x0, s1;
	[sflag:s0] =	ssyncset.done @!p0 $0x0  }
0x43e: {  	[sflag:s0] =	ssyncadd.s32 @!p0 s1  }
0x43f: {  	[bflag:$0x3] =	sbarrier.arrive $0xFFFF  }
0x440: {  	_ =	shalt  }

</sc_bundles>
